<compile_context>
chip_gen: v7x
topology: tpu7x:2x2x1
jax: 0.10.2.dev20260603
libtpu: 0.0.44.dev20260713+nightly
codegen_flags: <defaults>
</compile_context>

<pallas_src>
import functools

import jax
import jax.numpy as jnp
from jax import lax
from jax.experimental import pallas as pl
from jax.experimental.pallas import tpu as pltpu
from jax.experimental.pallas import tpu_sc as plsc

N = 100000
E = 1600000
D = 32

NC, NS = 2, 16

TPH = E // 8
H_CH = 4096
H_NF = 48
H_TAIL = TPH - H_NF * H_CH
HR = 6400
HSL = HR // 8

TPE = E // NS
HALF = N // 2
TRASH = 1024
AR = 51200
R = 256
M_NF = TPE // R
M_STEPS = M_NF // 2
M_TAIL = TPE - M_NF * R
ZB_R = 100

_MESH = plsc.VectorSubcoreMesh(core_axis_name="c", subcore_axis_name="s",
                               num_cores=NC, num_subcores=NS)
_SC_PARAMS = pltpu.CompilerParams(needs_layout_passes=False,
                                  use_tc_tiling_on_sc=False)


@functools.partial(
    pl.kernel,
    out_type=jax.ShapeDtypeStruct((4 * HR, 16), jnp.float32),
    mesh=_MESH,
    compiler_params=_SC_PARAMS,
    scratch_types=[
        pltpu.VMEM_SHARED((2 * HR, 16), jnp.float32),
        pltpu.VMEM((HR, 16), jnp.float32),
        pltpu.VMEM((2, H_CH), jnp.int32),
        pltpu.VMEM((HR,), jnp.int32),
        pltpu.SemaphoreType.DMA,
        pltpu.SemaphoreType.DMA,
    ],
)
def _hist_kernel(eall_hbm, rowids_hbm, deg_hbm, acc_sh, part, ibuf, rid, sem0, sem1):
    c = lax.axis_index("c")
    t = lax.axis_index("s")
    which = t // 8
    g = t % 8
    pltpu.sync_copy(rowids_hbm.at[pl.ds(which * HR, HR)], rid)
    z16 = jnp.zeros((16,), jnp.float32)
    ones = jnp.ones((16,), jnp.float32)
    sems = (sem0, sem1)

    @pl.loop(0, HR)
    def _(i):
        part[i, :] = z16

    acc_base = which * HR + g * HSL
    pltpu.sync_copy(part.at[pl.ds(0, HSL), :],
                    acc_sh.at[pl.ds(acc_base, HSL), :])
    plsc.subcore_barrier()

    base = (2 * c + which) * E + g * TPH

    def _count(n_vregs, d):
        @pl.loop(0, n_vregs)
        def _(r):
            v = ibuf[d, pl.ds(r * 16, 16)]
            row = jax.lax.shift_right_logical(v, 4)
            col = jax.lax.bitwise_and(v, 15)
            plsc.addupdate_scatter(part, [row, col], ones)

    for d in range(2):
        pltpu.async_copy(eall_hbm.at[pl.ds(base + d * H_CH, H_CH)],
                         ibuf.at[d], sems[d])

    @pl.loop(0, H_NF // 2)
    def _(m):
        for d in range(2):
            k = 2 * m + d
            pltpu.make_async_copy(
                eall_hbm.at[pl.ds(base + k * H_CH, H_CH)], ibuf.at[d],
                sems[d]).wait()
            _count(H_CH // 16, d)

            @pl.when(m < H_NF // 2 - 1)
            def _():
                nxt = base + (k + 2) * H_CH
                pltpu.async_copy(eall_hbm.at[pl.ds(nxt, H_CH)],
                                 ibuf.at[d], sems[d])

    tail_off = base + H_NF * H_CH
    pltpu.async_copy(eall_hbm.at[pl.ds(tail_off, H_TAIL)],
                     ibuf.at[0, pl.ds(0, H_TAIL)], sem0)
    pltpu.make_async_copy(eall_hbm.at[pl.ds(tail_off, H_TAIL)],
                          ibuf.at[0, pl.ds(0, H_TAIL)], sem0).wait()
    _count(H_TAIL // 16, 0)

    pltpu.sync_copy(part, acc_sh.at[rid], add=True)

    plsc.subcore_barrier()
    out_base = (2 * c + which) * HR + g * HSL
    pltpu.sync_copy(acc_sh.at[pl.ds(acc_base, HSL), :],
                    deg_hbm.at[pl.ds(out_base, HSL), :])


@functools.partial(
    pl.kernel,
    out_type=jax.ShapeDtypeStruct((N, D), jnp.float32),
    mesh=_MESH,
    compiler_params=_SC_PARAMS,
    scratch_types=[
        pltpu.VMEM_SHARED((AR, D), jnp.float32),
        pltpu.VMEM((R,), jnp.int32),
        pltpu.VMEM((R,), jnp.int32),
        pltpu.VMEM((R,), jnp.int32),
        pltpu.VMEM((R,), jnp.int32),
        pltpu.VMEM((R,), jnp.int32),
        pltpu.VMEM((R,), jnp.int32),
        pltpu.VMEM((R, D), jnp.float32),
        pltpu.VMEM((R, D), jnp.float32),
        pltpu.VMEM((M_TAIL,), jnp.int32),
        pltpu.VMEM((M_TAIL,), jnp.int32),
        pltpu.VMEM((M_TAIL,), jnp.int32),
        pltpu.VMEM((M_TAIL, D), jnp.float32),
        pltpu.VMEM((ZB_R, D), jnp.float32),
        pltpu.SemaphoreType.DMA,
        pltpu.SemaphoreType.DMA,
        pltpu.SemaphoreType.DMA,
        pltpu.SemaphoreType.DMA,
        pltpu.SemaphoreType.DMA,
        pltpu.SemaphoreType.DMA,
        pltpu.SemaphoreType.DMA,
    ],
)
def _agg_kernel(z_hbm, e_hbm, acc_hbm, acc_sh, sb0, sb1, tb0, tb1,
                lb0, lb1, rw0, rw1, sbt, tbt, lbt, rwt, zb,
                si0, si1, sg0, sg1, ss0, ss1, sz):
    c = lax.axis_index("c")
    t = lax.axis_index("s")
    base_row = c * HALF
    z16 = jnp.zeros((16,), jnp.float32)

    @pl.loop(0, ZB_R)
    def _(i):
        zb[i, pl.ds(0, 16)] = z16
        zb[i, pl.ds(16, 16)] = z16

    for i in range((AR // NS) // ZB_R):
        pltpu.async_copy(
            zb, acc_sh.at[pl.ds(t * (AR // NS) + i * ZB_R, ZB_R), :], sz)
    for i in range((AR // NS) // ZB_R):
        pltpu.make_async_copy(
            zb, acc_sh.at[pl.ds(t * (AR // NS) + i * ZB_R, ZB_R), :], sz).wait()

    plsc.subcore_barrier()

    tile_base = t * TPE
    sb = (sb0, sb1)
    tb = (tb0, tb1)
    lb = (lb0, lb1)
    rw = (rw0, rw1)
    sem_i = (si0, si1)
    sem_g = (sg0, sg1)
    sem_s = (ss0, ss1)

    def _remap(tref, lref, n_vregs):
        @pl.loop(0, n_vregs)
        def _(i):
            v = tref[pl.ds(i * 16, 16)]
            tl = v - base_row
            ok = jnp.logical_and(tl >= 0, tl < HALF)
            trash = HALF + jax.lax.bitwise_and(v, TRASH - 1)
            lref[pl.ds(i * 16, 16)] = jnp.where(ok, tl, trash)

    for d in range(2):
        pltpu.async_copy(e_hbm.at[0, pl.ds(tile_base + d * R, R)], sb[d], sem_i[d])
        pltpu.async_copy(e_hbm.at[1, pl.ds(tile_base + d * R, R)], tb[d], sem_i[d])

    @pl.loop(0, M_STEPS)
    def _(m):
        for d in range(2):
            k = 2 * m + d
            off = tile_base + k * R
            pltpu.make_async_copy(e_hbm.at[0, pl.ds(off, R)], sb[d],
                                  sem_i[d]).wait()
            pltpu.make_async_copy(e_hbm.at[1, pl.ds(off, R)], tb[d],
                                  sem_i[d]).wait()

            @pl.when(m > 0)
            def _():
                pltpu.make_async_copy(rw[d], acc_sh.at[lb[d]],
                                      sem_s[d]).wait()

            pltpu.async_copy(z_hbm.at[sb[d]], rw[d], sem_g[d])
            _remap(tb[d], lb[d], R // 16)
            pltpu.make_async_copy(z_hbm.at[sb[d]], rw[d], sem_g[d]).wait()
            pltpu.async_copy(rw[d], acc_sh.at[lb[d]], sem_s[d], add=True)

            @pl.when(m < M_STEPS - 1)
            def _():
                nxt = tile_base + (k + 2) * R
                pltpu.async_copy(e_hbm.at[0, pl.ds(nxt, R)], sb[d], sem_i[d])
                pltpu.async_copy(e_hbm.at[1, pl.ds(nxt, R)], tb[d], sem_i[d])

    for d in range(2):
        pltpu.make_async_copy(rw[d], acc_sh.at[lb[d]], sem_s[d]).wait()

    toff = tile_base + M_NF * R
    pltpu.async_copy(e_hbm.at[0, pl.ds(toff, M_TAIL)], sbt, si0)
    pltpu.async_copy(e_hbm.at[1, pl.ds(toff, M_TAIL)], tbt, si0)
    pltpu.make_async_copy(e_hbm.at[0, pl.ds(toff, M_TAIL)], sbt, si0).wait()
    pltpu.make_async_copy(e_hbm.at[1, pl.ds(toff, M_TAIL)], tbt, si0).wait()
    pltpu.async_copy(z_hbm.at[sbt], rwt, sg0)
    _remap(tbt, lbt, M_TAIL // 16)
    pltpu.make_async_copy(z_hbm.at[sbt], rwt, sg0).wait()
    pltpu.async_copy(rwt, acc_sh.at[lbt], ss0, add=True)
    pltpu.make_async_copy(rwt, acc_sh.at[lbt], ss0).wait()

    plsc.subcore_barrier()
    rows_per_tile = HALF // NS
    pltpu.sync_copy(
        acc_sh.at[pl.ds(t * rows_per_tile, rows_per_tile), :],
        acc_hbm.at[pl.ds(base_row + t * rows_per_tile, rows_per_tile), :])


_TCB = 5000


def _scale_matmul(h, deg, w):
    def body(h_ref, d_ref, w_ref, z_ref):
        sc = jax.lax.rsqrt(jnp.maximum(d_ref[...], 1.0))
        z_ref[...] = jnp.dot(h_ref[...] * sc, w_ref[...],
                             preferred_element_type=jnp.float32,
                             precision=jax.lax.Precision.HIGHEST)

    return pl.pallas_call(
        body,
        out_shape=jax.ShapeDtypeStruct((N, D), jnp.float32),
        grid=(N // _TCB,),
        in_specs=[pl.BlockSpec((_TCB, D), lambda i: (i, 0)),
                  pl.BlockSpec((_TCB, 1), lambda i: (i, 0)),
                  pl.BlockSpec((D, D), lambda i: (0, 0))],
        out_specs=pl.BlockSpec((_TCB, D), lambda i: (i, 0)),
    )(h, deg, w)


def _finalize(acc, deg, b):
    def body(a_ref, d_ref, b_ref, o_ref):
        sc = jax.lax.rsqrt(jnp.maximum(d_ref[...], 1.0))
        y = a_ref[...] * sc + b_ref[...]
        o_ref[...] = jnp.where(y > 0, y, jnp.exp(jnp.minimum(y, 0.0)) - 1.0)

    return pl.pallas_call(
        body,
        out_shape=jax.ShapeDtypeStruct((N, D), jnp.float32),
        grid=(N // _TCB,),
        in_specs=[pl.BlockSpec((_TCB, D), lambda i: (i, 0)),
                  pl.BlockSpec((_TCB, 1), lambda i: (i, 0)),
                  pl.BlockSpec((1, D), lambda i: (0, 0))],
        out_specs=pl.BlockSpec((_TCB, D), lambda i: (i, 0)),
    )(acc, deg, b)


def kernel(h_user, h_item, edge_index_user_to_item, edge_index_item_to_user, W, b):
    rowids = jnp.arange(2 * HR, dtype=jnp.int32)
    eall = jnp.concatenate([edge_index_user_to_item.reshape(-1),
                            edge_index_item_to_user.reshape(-1)])

    deg = _hist_kernel(eall, rowids)
    degf = deg.reshape(4, HR * 16)[:, :N]
    dout1, din1, dout2, din2 = (degf[i].reshape(N, 1) for i in range(4))

    z1 = _scale_matmul(h_user, dout1, W)
    z2 = _scale_matmul(h_item, dout2, W)

    acc1 = _agg_kernel(z1, edge_index_user_to_item)
    acc2 = _agg_kernel(z2, edge_index_item_to_user)

    out_item = _finalize(acc1, din1, b.reshape(1, D))
    out_user = _finalize(acc2, din2, b.reshape(1, D))
    return (out_user, out_item)

# --- scband reference (transcript-rebuilt; emitter-appended) ---
"""Pipeline reference for scband-hetero-gnn-85624468013339 (READ-ONLY COPY).

The authoritative reference and input builder live on the scoring server;
editing this copy changes nothing except your own understanding.
"""

import jax, jax.numpy as jnp
import numpy as np

N_USER = 100000
N_ITEM = 100000
E = 1600000
D_IN = 32
D_OUT = 32


def setup_inputs(seed: int = 0) -> dict:
    key = jax.random.key(seed)
    k1, k2, k3, k4, k5 = jax.random.split(key, 5)
    h_user = jax.random.normal(k1, (N_USER, D_IN), dtype=jnp.float32)
    h_item = jax.random.normal(k2, (N_ITEM, D_IN), dtype=jnp.float32)
    edge_index_user_to_item = jax.random.randint(k3, (2, E), 0, N_USER, dtype=jnp.int32)
    edge_index_item_to_user = jax.random.randint(k4, (2, E), 0, N_ITEM, dtype=jnp.int32)
    # Single shared GraphConv module across both relations (same weight/bias),
    # matching edge_modules = {rel: msg_module for rel in rel_names}.
    limit = np.sqrt(6.0 / (D_IN + D_OUT))
    W = jax.random.uniform(k5, (D_IN, D_OUT), minval=-limit, maxval=limit, dtype=jnp.float32)
    b = jnp.zeros((D_OUT,), dtype=jnp.float32)
    return {
        "h_user": h_user,
        "h_item": h_item,
        "edge_index_user_to_item": edge_index_user_to_item,
        "edge_index_item_to_user": edge_index_item_to_user,
        "W": W,
        "b": b,
    }


def _graph_conv(x_src, src, dst, W, b, n_src, n_dst):
    # DGL GraphConv, norm='both', in_feats == out_feats -> aggregate then matmul
    deg_out = jnp.clip(jnp.zeros((n_src,), dtype=jnp.float32).at[src].add(1.0), 1.0, None)
    feat = x_src * (deg_out ** -0.5)[:, None]
    msg = feat[src]  # gather along edges
    agg = jax.ops.segment_sum(msg, dst, num_segments=n_dst)  # scatter-add to dst
    deg_in = jnp.clip(jnp.zeros((n_dst,), dtype=jnp.float32).at[dst].add(1.0), 1.0, None)
    rst = agg * (deg_in ** -0.5)[:, None]
    rst = rst @ W + b
    return jax.nn.elu(rst)


def reference(h_user, h_item, edge_index_user_to_item, edge_index_item_to_user, W, b):
    # relation user_to_item: src=user, dst=item
    out_item = _graph_conv(h_user, edge_index_user_to_item[0], edge_index_user_to_item[1], W, b, N_USER, N_ITEM)
    # relation item_to_user: src=item, dst=user
    out_user = _graph_conv(h_item, edge_index_item_to_user[0], edge_index_item_to_user[1], W, b, N_ITEM, N_USER)
    # HeteroGraphConv aggregate='sum': each dst ntype receives from exactly one relation here
    return (out_user, out_item)

if __name__ == "__main__":
    import jax
    _d = setup_inputs()
    print(jax.jit(kernel)(*tuple(_d.values())))

</pallas_src>

<mosaic_0001>
#map = affine_map<(d0, d1) -> (0, 0)>
module attributes {stable_mosaic.version = 14 : i64} {
  func.func @_agg_kernel(%arg0: i32, %arg1: i32, %arg2: memref<100000x32xf32, #tpu.memory_space<hbm>>, %arg3: memref<2x1600000xi32, #tpu.memory_space<hbm>>, %arg4: memref<100000x32xf32, #tpu.memory_space<hbm>>, %arg5: memref<51200x32xf32, #tpu.memory_space<vmem_shared>>, %arg6: memref<256xi32, #tpu.memory_space<vmem>>, %arg7: memref<256xi32, #tpu.memory_space<vmem>>, %arg8: memref<256xi32, #tpu.memory_space<vmem>>, %arg9: memref<256xi32, #tpu.memory_space<vmem>>, %arg10: memref<256xi32, #tpu.memory_space<vmem>>, %arg11: memref<256xi32, #tpu.memory_space<vmem>>, %arg12: memref<256x32xf32, #tpu.memory_space<vmem>>, %arg13: memref<256x32xf32, #tpu.memory_space<vmem>>, %arg14: memref<160xi32, #tpu.memory_space<vmem>>, %arg15: memref<160xi32, #tpu.memory_space<vmem>>, %arg16: memref<160xi32, #tpu.memory_space<vmem>>, %arg17: memref<160x32xf32, #tpu.memory_space<vmem>>, %arg18: memref<100x32xf32, #tpu.memory_space<vmem>>, %arg19: memref<!tpu.dma_semaphore, #tpu.memory_space<semaphore_mem>>, %arg20: memref<!tpu.dma_semaphore, #tpu.memory_space<semaphore_mem>>, %arg21: memref<!tpu.dma_semaphore, #tpu.memory_space<semaphore_mem>>, %arg22: memref<!tpu.dma_semaphore, #tpu.memory_space<semaphore_mem>>, %arg23: memref<!tpu.dma_semaphore, #tpu.memory_space<semaphore_mem>>, %arg24: memref<!tpu.dma_semaphore, #tpu.memory_space<semaphore_mem>>, %arg25: memref<!tpu.dma_semaphore, #tpu.memory_space<semaphore_mem>>) attributes {dimension_semantics = [#tpu.dimension_semantics<core_parallel>, #tpu.dimension_semantics<subcore_parallel>], iteration_bounds = array<i64: 2, 16>, scalar_prefetch = 0 : i64, scratch_operands = 21 : i64, tpu.core_type = #tpu.core_type<sc_vector_subcore>, window_params = [{transform_indices = #map}, {transform_indices = #map}, {transform_indices = #map}]} {
    %mul3A = arith.constant 50000 : i32
    %mul3A_0 = arith.muli %arg0, %mul3A : i32
    %broadcast_in_dim3A = arith.constant 0.000000e+00 : f32
    %broadcast_in_dim3A_1 = vector.broadcast %broadcast_in_dim3A : f32 to vector<16xf32>
    %scan3A = arith.constant 0 : i32
    %scan3A_2 = arith.constant 100 : i32
    %scan3A_3 = arith.addi %scan3A, %scan3A_2 : i32
    %scan3A_4 = arith.constant 1 : i32
    scf.for %scan3A_601 = %scan3A to %scan3A_3 step %scan3A_4  : i32 {
      %mul3A_602 = arith.constant 1 : i32
      %mul3A_603 = arith.muli %scan3A_601, %mul3A_602 : i32
      %add3A_604 = arith.constant 0 : i32
      %add3A_605 = arith.addi %add3A_604, %mul3A_603 : i32
      %swap3A = arith.index_cast %add3A_605 : i32 to index
      %swap3A_606 = arith.constant 0 : index
      %swap3A_607 = tpu.vector_load %arg18[%swap3A, %swap3A_606] {strides = array<i32>} : memref<100x32xf32, #tpu.memory_space<vmem>>, vector<16xf32>,
      tpu.vector_store %arg18[%swap3A, %swap3A_606], %broadcast_in_dim3A_1 {strides = array<i32>} : memref<100x32xf32, #tpu.memory_space<vmem>>, vector<16xf32>,
      %swap3A_608 = arith.index_cast %add3A_605 : i32 to index
      %swap3A_609 = arith.constant 16 : index
      %swap3A_610 = tpu.vector_load %arg18[%swap3A_608, %swap3A_609] {strides = array<i32>} : memref<100x32xf32, #tpu.memory_space<vmem>>, vector<16xf32>,
      tpu.vector_store %arg18[%swap3A_608, %swap3A_609], %broadcast_in_dim3A_1 {strides = array<i32>} : memref<100x32xf32, #tpu.memory_space<vmem>>, vector<16xf32>,
    }
    %scan3A_5 = arith.constant 100 : i32
    %mul3A_6 = arith.constant 3200 : i32
    %mul3A_7 = arith.muli %arg1, %mul3A_6 : i32
    %add3A = arith.constant 0 : i32
    %add3A_8 = arith.addi %mul3A_7, %add3A : i32
    %dma_start3A = arith.constant 0 : i32
    %dma_start3A_9 = tpu.memref_slice %arg5[%add3A_8, %dma_start3A] : memref<51200x32xf32, #tpu.memory_space<vmem_shared>> -> memref<100x32xf32, #tpu.memory_space<vmem_shared>>
    %dma_start3A_10 = arith.constant 0 : i32
    %dma_start3A_11 = tpu.memref_slice %arg5[%add3A_8, %dma_start3A_10] : memref<51200x32xf32, #tpu.memory_space<vmem_shared>> -> memref<100x32xf32, #tpu.memory_space<vmem_shared>>
    tpu.enqueue_dma source(%arg18 : memref<100x32xf32, #tpu.memory_space<vmem>>) target(%dma_start3A_11 : memref<100x32xf32, #tpu.memory_space<vmem_shared>>) target_semaphore(%arg25 : memref<!tpu.dma_semaphore, #tpu.memory_space<semaphore_mem>>)
    %mul3A_12 = arith.constant 3200 : i32
    %mul3A_13 = arith.muli %arg1, %mul3A_12 : i32
    %add3A_14 = arith.constant 100 : i32
    %add3A_15 = arith.addi %mul3A_13, %add3A_14 : i32
    %dma_start3A_16 = arith.constant 0 : i32
    %dma_start3A_17 = tpu.memref_slice %arg5[%add3A_15, %dma_start3A_16] : memref<51200x32xf32, #tpu.memory_space<vmem_shared>> -> memref<100x32xf32, #tpu.memory_space<vmem_shared>>
    %dma_start3A_18 = arith.constant 0 : i32
    %dma_start3A_19 = tpu.memref_slice %arg5[%add3A_15, %dma_start3A_18] : memref<51200x32xf32, #tpu.memory_space<vmem_shared>> -> memref<100x32xf32, #tpu.memory_space<vmem_shared>>
    tpu.enqueue_dma source(%arg18 : memref<100x32xf32, #tpu.memory_space<vmem>>) target(%dma_start3A_19 : memref<100x32xf32, #tpu.memory_space<vmem_shared>>) target_semaphore(%arg25 : memref<!tpu.dma_semaphore, #tpu.memory_space<semaphore_mem>>)
    %mul3A_20 = arith.constant 3200 : i32
    %mul3A_21 = arith.muli %arg1, %mul3A_20 : i32
    %add3A_22 = arith.constant 200 : i32
    %add3A_23 = arith.addi %mul3A_21, %add3A_22 : i32
    %dma_start3A_24 = arith.constant 0 : i32
    %dma_start3A_25 = tpu.memref_slice %arg5[%add3A_23, %dma_start3A_24] : memref<51200x32xf32, #tpu.memory_space<vmem_shared>> -> memref<100x32xf32, #tpu.memory_space<vmem_shared>>
    %dma_start3A_26 = arith.constant 0 : i32
    %dma_start3A_27 = tpu.memref_slice %arg5[%add3A_23, %dma_start3A_26] : memref<51200x32xf32, #tpu.memory_space<vmem_shared>> -> memref<100x32xf32, #tpu.memory_space<vmem_shared>>
    tpu.enqueue_dma source(%arg18 : memref<100x32xf32, #tpu.memory_space<vmem>>) target(%dma_start3A_27 : memref<100x32xf32, #tpu.memory_space<vmem_shared>>) target_semaphore(%arg25 : memref<!tpu.dma_semaphore, #tpu.memory_space<semaphore_mem>>)
    %mul3A_28 = arith.constant 3200 : i32
    %mul3A_29 = arith.muli %arg1, %mul3A_28 : i32
    %add3A_30 = arith.constant 300 : i32
    %add3A_31 = arith.addi %mul3A_29, %add3A_30 : i32
    %dma_start3A_32 = arith.constant 0 : i32
    %dma_start3A_33 = tpu.memref_slice %arg5[%add3A_31, %dma_start3A_32] : memref<51200x32xf32, #tpu.memory_space<vmem_shared>> -> memref<100x32xf32, #tpu.memory_space<vmem_shared>>
    %dma_start3A_34 = arith.constant 0 : i32
    %dma_start3A_35 = tpu.memref_slice %arg5[%add3A_31, %dma_start3A_34] : memref<51200x32xf32, #tpu.memory_space<vmem_shared>> -> memref<100x32xf32, #tpu.memory_space<vmem_shared>>
    tpu.enqueue_dma source(%arg18 : memref<100x32xf32, #tpu.memory_space<vmem>>) target(%dma_start3A_35 : memref<100x32xf32, #tpu.memory_space<vmem_shared>>) target_semaphore(%arg25 : memref<!tpu.dma_semaphore, #tpu.memory_space<semaphore_mem>>)
    %mul3A_36 = arith.constant 3200 : i32
    %mul3A_37 = arith.muli %arg1, %mul3A_36 : i32
    %add3A_38 = arith.constant 400 : i32
    %add3A_39 = arith.addi %mul3A_37, %add3A_38 : i32
    %dma_start3A_40 = arith.constant 0 : i32
    %dma_start3A_41 = tpu.memref_slice %arg5[%add3A_39, %dma_start3A_40] : memref<51200x32xf32, #tpu.memory_space<vmem_shared>> -> memref<100x32xf32, #tpu.memory_space<vmem_shared>>
    %dma_start3A_42 = arith.constant 0 : i32
    %dma_start3A_43 = tpu.memref_slice %arg5[%add3A_39, %dma_start3A_42] : memref<51200x32xf32, #tpu.memory_space<vmem_shared>> -> memref<100x32xf32, #tpu.memory_space<vmem_shared>>
    tpu.enqueue_dma source(%arg18 : memref<100x32xf32, #tpu.memory_space<vmem>>) target(%dma_start3A_43 : memref<100x32xf32, #tpu.memory_space<vmem_shared>>) target_semaphore(%arg25 : memref<!tpu.dma_semaphore, #tpu.memory_space<semaphore_mem>>)
    %mul3A_44 = arith.constant 3200 : i32
    %mul3A_45 = arith.muli %arg1, %mul3A_44 : i32
    %add3A_46 = arith.constant 500 : i32
    %add3A_47 = arith.addi %mul3A_45, %add3A_46 : i32
    %dma_start3A_48 = arith.constant 0 : i32
    %dma_start3A_49 = tpu.memref_slice %arg5[%add3A_47, %dma_start3A_48] : memref<51200x32xf32, #tpu.memory_space<vmem_shared>> -> memref<100x32xf32, #tpu.memory_space<vmem_shared>>
    %dma_start3A_50 = arith.constant 0 : i32
    %dma_start3A_51 = tpu.memref_slice %arg5[%add3A_47, %dma_start3A_50] : memref<51200x32xf32, #tpu.memory_space<vmem_shared>> -> memref<100x32xf32, #tpu.memory_space<vmem_shared>>
    tpu.enqueue_dma source(%arg18 : memref<100x32xf32, #tpu.memory_space<vmem>>) target(%dma_start3A_51 : memref<100x32xf32, #tpu.memory_space<vmem_shared>>) target_semaphore(%arg25 : memref<!tpu.dma_semaphore, #tpu.memory_space<semaphore_mem>>)
    %mul3A_52 = arith.constant 3200 : i32
    %mul3A_53 = arith.muli %arg1, %mul3A_52 : i32
    %add3A_54 = arith.constant 600 : i32
    %add3A_55 = arith.addi %mul3A_53, %add3A_54 : i32
    %dma_start3A_56 = arith.constant 0 : i32
    %dma_start3A_57 = tpu.memref_slice %arg5[%add3A_55, %dma_start3A_56] : memref<51200x32xf32, #tpu.memory_space<vmem_shared>> -> memref<100x32xf32, #tpu.memory_space<vmem_shared>>
    %dma_start3A_58 = arith.constant 0 : i32
    %dma_start3A_59 = tpu.memref_slice %arg5[%add3A_55, %dma_start3A_58] : memref<51200x32xf32, #tpu.memory_space<vmem_shared>> -> memref<100x32xf32, #tpu.memory_space<vmem_shared>>
    tpu.enqueue_dma source(%arg18 : memref<100x32xf32, #tpu.memory_space<vmem>>) target(%dma_start3A_59 : memref<100x32xf32, #tpu.memory_space<vmem_shared>>) target_semaphore(%arg25 : memref<!tpu.dma_semaphore, #tpu.memory_space<semaphore_mem>>)
    %mul3A_60 = arith.constant 3200 : i32
    %mul3A_61 = arith.muli %arg1, %mul3A_60 : i32
    %add3A_62 = arith.constant 700 : i32
    %add3A_63 = arith.addi %mul3A_61, %add3A_62 : i32
    %dma_start3A_64 = arith.constant 0 : i32
    %dma_start3A_65 = tpu.memref_slice %arg5[%add3A_63, %dma_start3A_64] : memref<51200x32xf32, #tpu.memory_space<vmem_shared>> -> memref<100x32xf32, #tpu.memory_space<vmem_shared>>
    %dma_start3A_66 = arith.constant 0 : i32
    %dma_start3A_67 = tpu.memref_slice %arg5[%add3A_63, %dma_start3A_66] : memref<51200x32xf32, #tpu.memory_space<vmem_shared>> -> memref<100x32xf32, #tpu.memory_space<vmem_shared>>
    tpu.enqueue_dma source(%arg18 : memref<100x32xf32, #tpu.memory_space<vmem>>) target(%dma_start3A_67 : memref<100x32xf32, #tpu.memory_space<vmem_shared>>) target_semaphore(%arg25 : memref<!tpu.dma_semaphore, #tpu.memory_space<semaphore_mem>>)
    %mul3A_68 = arith.constant 3200 : i32
    %mul3A_69 = arith.muli %arg1, %mul3A_68 : i32
    %add3A_70 = arith.constant 800 : i32
    %add3A_71 = arith.addi %mul3A_69, %add3A_70 : i32
    %dma_start3A_72 = arith.constant 0 : i32
    %dma_start3A_73 = tpu.memref_slice %arg5[%add3A_71, %dma_start3A_72] : memref<51200x32xf32, #tpu.memory_space<vmem_shared>> -> memref<100x32xf32, #tpu.memory_space<vmem_shared>>
    %dma_start3A_74 = arith.constant 0 : i32
    %dma_start3A_75 = tpu.memref_slice %arg5[%add3A_71, %dma_start3A_74] : memref<51200x32xf32, #tpu.memory_space<vmem_shared>> -> memref<100x32xf32, #tpu.memory_space<vmem_shared>>
    tpu.enqueue_dma source(%arg18 : memref<100x32xf32, #tpu.memory_space<vmem>>) target(%dma_start3A_75 : memref<100x32xf32, #tpu.memory_space<vmem_shared>>) target_semaphore(%arg25 : memref<!tpu.dma_semaphore, #tpu.memory_space<semaphore_mem>>)
    %mul3A_76 = arith.constant 3200 : i32
    %mul3A_77 = arith.muli %arg1, %mul3A_76 : i32
    %add3A_78 = arith.constant 900 : i32
    %add3A_79 = arith.addi %mul3A_77, %add3A_78 : i32
    %dma_start3A_80 = arith.constant 0 : i32
    %dma_start3A_81 = tpu.memref_slice %arg5[%add3A_79, %dma_start3A_80] : memref<51200x32xf32, #tpu.memory_space<vmem_shared>> -> memref<100x32xf32, #tpu.memory_space<vmem_shared>>
    %dma_start3A_82 = arith.constant 0 : i32
    %dma_start3A_83 = tpu.memref_slice %arg5[%add3A_79, %dma_start3A_82] : memref<51200x32xf32, #tpu.memory_space<vmem_shared>> -> memref<100x32xf32, #tpu.memory_space<vmem_shared>>
    tpu.enqueue_dma source(%arg18 : memref<100x32xf32, #tpu.memory_space<vmem>>) target(%dma_start3A_83 : memref<100x32xf32, #tpu.memory_space<vmem_shared>>) target_semaphore(%arg25 : memref<!tpu.dma_semaphore, #tpu.memory_space<semaphore_mem>>)
    %mul3A_84 = arith.constant 3200 : i32
    %mul3A_85 = arith.muli %arg1, %mul3A_84 : i32
    %add3A_86 = arith.constant 1000 : i32
    %add3A_87 = arith.addi %mul3A_85, %add3A_86 : i32
    %dma_start3A_88 = arith.constant 0 : i32
    %dma_start3A_89 = tpu.memref_slice %arg5[%add3A_87, %dma_start3A_88] : memref<51200x32xf32, #tpu.memory_space<vmem_shared>> -> memref<100x32xf32, #tpu.memory_space<vmem_shared>>
    %dma_start3A_90 = arith.constant 0 : i32
    %dma_start3A_91 = tpu.memref_slice %arg5[%add3A_87, %dma_start3A_90] : memref<51200x32xf32, #tpu.memory_space<vmem_shared>> -> memref<100x32xf32, #tpu.memory_space<vmem_shared>>
    tpu.enqueue_dma source(%arg18 : memref<100x32xf32, #tpu.memory_space<vmem>>) target(%dma_start3A_91 : memref<100x32xf32, #tpu.memory_space<vmem_shared>>) target_semaphore(%arg25 : memref<!tpu.dma_semaphore, #tpu.memory_space<semaphore_mem>>)
    %mul3A_92 = arith.constant 3200 : i32
    %mul3A_93 = arith.muli %arg1, %mul3A_92 : i32
    %add3A_94 = arith.constant 1100 : i32
    %add3A_95 = arith.addi %mul3A_93, %add3A_94 : i32
    %dma_start3A_96 = arith.constant 0 : i32
    %dma_start3A_97 = tpu.memref_slice %arg5[%add3A_95, %dma_start3A_96] : memref<51200x32xf32, #tpu.memory_space<vmem_shared>> -> memref<100x32xf32, #tpu.memory_space<vmem_shared>>
    %dma_start3A_98 = arith.constant 0 : i32
    %dma_start3A_99 = tpu.memref_slice %arg5[%add3A_95, %dma_start3A_98] : memref<51200x32xf32, #tpu.memory_space<vmem_shared>> -> memref<100x32xf32, #tpu.memory_space<vmem_shared>>
    tpu.enqueue_dma source(%arg18 : memref<100x32xf32, #tpu.memory_space<vmem>>) target(%dma_start3A_99 : memref<100x32xf32, #tpu.memory_space<vmem_shared>>) target_semaphore(%arg25 : memref<!tpu.dma_semaphore, #tpu.memory_space<semaphore_mem>>)
    %mul3A_100 = arith.constant 3200 : i32
    %mul3A_101 = arith.muli %arg1, %mul3A_100 : i32
    %add3A_102 = arith.constant 1200 : i32
    %add3A_103 = arith.addi %mul3A_101, %add3A_102 : i32
    %dma_start3A_104 = arith.constant 0 : i32
    %dma_start3A_105 = tpu.memref_slice %arg5[%add3A_103, %dma_start3A_104] : memref<51200x32xf32, #tpu.memory_space<vmem_shared>> -> memref<100x32xf32, #tpu.memory_space<vmem_shared>>
    %dma_start3A_106 = arith.constant 0 : i32
    %dma_start3A_107 = tpu.memref_slice %arg5[%add3A_103, %dma_start3A_106] : memref<51200x32xf32, #tpu.memory_space<vmem_shared>> -> memref<100x32xf32, #tpu.memory_space<vmem_shared>>
    tpu.enqueue_dma source(%arg18 : memref<100x32xf32, #tpu.memory_space<vmem>>) target(%dma_start3A_107 : memref<100x32xf32, #tpu.memory_space<vmem_shared>>) target_semaphore(%arg25 : memref<!tpu.dma_semaphore, #tpu.memory_space<semaphore_mem>>)
    %mul3A_108 = arith.constant 3200 : i32
    %mul3A_109 = arith.muli %arg1, %mul3A_108 : i32
    %add3A_110 = arith.constant 1300 : i32
    %add3A_111 = arith.addi %mul3A_109, %add3A_110 : i32
    %dma_start3A_112 = arith.constant 0 : i32
    %dma_start3A_113 = tpu.memref_slice %arg5[%add3A_111, %dma_start3A_112] : memref<51200x32xf32, #tpu.memory_space<vmem_shared>> -> memref<100x32xf32, #tpu.memory_space<vmem_shared>>
    %dma_start3A_114 = arith.constant 0 : i32
    %dma_start3A_115 = tpu.memref_slice %arg5[%add3A_111, %dma_start3A_114] : memref<51200x32xf32, #tpu.memory_space<vmem_shared>> -> memref<100x32xf32, #tpu.memory_space<vmem_shared>>
    tpu.enqueue_dma source(%arg18 : memref<100x32xf32, #tpu.memory_space<vmem>>) target(%dma_start3A_115 : memref<100x32xf32, #tpu.memory_space<vmem_shared>>) target_semaphore(%arg25 : memref<!tpu.dma_semaphore, #tpu.memory_space<semaphore_mem>>)
    %mul3A_116 = arith.constant 3200 : i32
    %mul3A_117 = arith.muli %arg1, %mul3A_116 : i32
    %add3A_118 = arith.constant 1400 : i32
    %add3A_119 = arith.addi %mul3A_117, %add3A_118 : i32
    %dma_start3A_120 = arith.constant 0 : i32
    %dma_start3A_121 = tpu.memref_slice %arg5[%add3A_119, %dma_start3A_120] : memref<51200x32xf32, #tpu.memory_space<vmem_shared>> -> memref<100x32xf32, #tpu.memory_space<vmem_shared>>
    %dma_start3A_122 = arith.constant 0 : i32
    %dma_start3A_123 = tpu.memref_slice %arg5[%add3A_119, %dma_start3A_122] : memref<51200x32xf32, #tpu.memory_space<vmem_shared>> -> memref<100x32xf32, #tpu.memory_space<vmem_shared>>
    tpu.enqueue_dma source(%arg18 : memref<100x32xf32, #tpu.memory_space<vmem>>) target(%dma_start3A_123 : memref<100x32xf32, #tpu.memory_space<vmem_shared>>) target_semaphore(%arg25 : memref<!tpu.dma_semaphore, #tpu.memory_space<semaphore_mem>>)
    %mul3A_124 = arith.constant 3200 : i32
    %mul3A_125 = arith.muli %arg1, %mul3A_124 : i32
    %add3A_126 = arith.constant 1500 : i32
    %add3A_127 = arith.addi %mul3A_125, %add3A_126 : i32
    %dma_start3A_128 = arith.constant 0 : i32
    %dma_start3A_129 = tpu.memref_slice %arg5[%add3A_127, %dma_start3A_128] : memref<51200x32xf32, #tpu.memory_space<vmem_shared>> -> memref<100x32xf32, #tpu.memory_space<vmem_shared>>
    %dma_start3A_130 = arith.constant 0 : i32
    %dma_start3A_131 = tpu.memref_slice %arg5[%add3A_127, %dma_start3A_130] : memref<51200x32xf32, #tpu.memory_space<vmem_shared>> -> memref<100x32xf32, #tpu.memory_space<vmem_shared>>
    tpu.enqueue_dma source(%arg18 : memref<100x32xf32, #tpu.memory_space<vmem>>) target(%dma_start3A_131 : memref<100x32xf32, #tpu.memory_space<vmem_shared>>) target_semaphore(%arg25 : memref<!tpu.dma_semaphore, #tpu.memory_space<semaphore_mem>>)
    %mul3A_132 = arith.constant 3200 : i32
    %mul3A_133 = arith.muli %arg1, %mul3A_132 : i32
    %add3A_134 = arith.constant 1600 : i32
    %add3A_135 = arith.addi %mul3A_133, %add3A_134 : i32
    %dma_start3A_136 = arith.constant 0 : i32
    %dma_start3A_137 = tpu.memref_slice %arg5[%add3A_135, %dma_start3A_136] : memref<51200x32xf32, #tpu.memory_space<vmem_shared>> -> memref<100x32xf32, #tpu.memory_space<vmem_shared>>
    %dma_start3A_138 = arith.constant 0 : i32
    %dma_start3A_139 = tpu.memref_slice %arg5[%add3A_135, %dma_start3A_138] : memref<51200x32xf32, #tpu.memory_space<vmem_shared>> -> memref<100x32xf32, #tpu.memory_space<vmem_shared>>
    tpu.enqueue_dma source(%arg18 : memref<100x32xf32, #tpu.memory_space<vmem>>) target(%dma_start3A_139 : memref<100x32xf32, #tpu.memory_space<vmem_shared>>) target_semaphore(%arg25 : memref<!tpu.dma_semaphore, #tpu.memory_space<semaphore_mem>>)
    %mul3A_140 = arith.constant 3200 : i32
    %mul3A_141 = arith.muli %arg1, %mul3A_140 : i32
    %add3A_142 = arith.constant 1700 : i32
    %add3A_143 = arith.addi %mul3A_141, %add3A_142 : i32
    %dma_start3A_144 = arith.constant 0 : i32
    %dma_start3A_145 = tpu.memref_slice %arg5[%add3A_143, %dma_start3A_144] : memref<51200x32xf32, #tpu.memory_space<vmem_shared>> -> memref<100x32xf32, #tpu.memory_space<vmem_shared>>
    %dma_start3A_146 = arith.constant 0 : i32
    %dma_start3A_147 = tpu.memref_slice %arg5[%add3A_143, %dma_start3A_146] : memref<51200x32xf32, #tpu.memory_space<vmem_shared>> -> memref<100x32xf32, #tpu.memory_space<vmem_shared>>
    tpu.enqueue_dma source(%arg18 : memref<100x32xf32, #tpu.memory_space<vmem>>) target(%dma_start3A_147 : memref<100x32xf32, #tpu.memory_space<vmem_shared>>) target_semaphore(%arg25 : memref<!tpu.dma_semaphore, #tpu.memory_space<semaphore_mem>>)
    %mul3A_148 = arith.constant 3200 : i32
    %mul3A_149 = arith.muli %arg1, %mul3A_148 : i32
    %add3A_150 = arith.constant 1800 : i32
    %add3A_151 = arith.addi %mul3A_149, %add3A_150 : i32
    %dma_start3A_152 = arith.constant 0 : i32
    %dma_start3A_153 = tpu.memref_slice %arg5[%add3A_151, %dma_start3A_152] : memref<51200x32xf32, #tpu.memory_space<vmem_shared>> -> memref<100x32xf32, #tpu.memory_space<vmem_shared>>
    %dma_start3A_154 = arith.constant 0 : i32
    %dma_start3A_155 = tpu.memref_slice %arg5[%add3A_151, %dma_start3A_154] : memref<51200x32xf32, #tpu.memory_space<vmem_shared>> -> memref<100x32xf32, #tpu.memory_space<vmem_shared>>
    tpu.enqueue_dma source(%arg18 : memref<100x32xf32, #tpu.memory_space<vmem>>) target(%dma_start3A_155 : memref<100x32xf32, #tpu.memory_space<vmem_shared>>) target_semaphore(%arg25 : memref<!tpu.dma_semaphore, #tpu.memory_space<semaphore_mem>>)
    %mul3A_156 = arith.constant 3200 : i32
    %mul3A_157 = arith.muli %arg1, %mul3A_156 : i32
    %add3A_158 = arith.constant 1900 : i32
    %add3A_159 = arith.addi %mul3A_157, %add3A_158 : i32
    %dma_start3A_160 = arith.constant 0 : i32
    %dma_start3A_161 = tpu.memref_slice %arg5[%add3A_159, %dma_start3A_160] : memref<51200x32xf32, #tpu.memory_space<vmem_shared>> -> memref<100x32xf32, #tpu.memory_space<vmem_shared>>
    %dma_start3A_162 = arith.constant 0 : i32
    %dma_start3A_163 = tpu.memref_slice %arg5[%add3A_159, %dma_start3A_162] : memref<51200x32xf32, #tpu.memory_space<vmem_shared>> -> memref<100x32xf32, #tpu.memory_space<vmem_shared>>
    tpu.enqueue_dma source(%arg18 : memref<100x32xf32, #tpu.memory_space<vmem>>) target(%dma_start3A_163 : memref<100x32xf32, #tpu.memory_space<vmem_shared>>) target_semaphore(%arg25 : memref<!tpu.dma_semaphore, #tpu.memory_space<semaphore_mem>>)
    %mul3A_164 = arith.constant 3200 : i32
    %mul3A_165 = arith.muli %arg1, %mul3A_164 : i32
    %add3A_166 = arith.constant 2000 : i32
    %add3A_167 = arith.addi %mul3A_165, %add3A_166 : i32
    %dma_start3A_168 = arith.constant 0 : i32
    %dma_start3A_169 = tpu.memref_slice %arg5[%add3A_167, %dma_start3A_168] : memref<51200x32xf32, #tpu.memory_space<vmem_shared>> -> memref<100x32xf32, #tpu.memory_space<vmem_shared>>
    %dma_start3A_170 = arith.constant 0 : i32
    %dma_start3A_171 = tpu.memref_slice %arg5[%add3A_167, %dma_start3A_170] : memref<51200x32xf32, #tpu.memory_space<vmem_shared>> -> memref<100x32xf32, #tpu.memory_space<vmem_shared>>
    tpu.enqueue_dma source(%arg18 : memref<100x32xf32, #tpu.memory_space<vmem>>) target(%dma_start3A_171 : memref<100x32xf32, #tpu.memory_space<vmem_shared>>) target_semaphore(%arg25 : memref<!tpu.dma_semaphore, #tpu.memory_space<semaphore_mem>>)
    %mul3A_172 = arith.constant 3200 : i32
    %mul3A_173 = arith.muli %arg1, %mul3A_172 : i32
    %add3A_174 = arith.constant 2100 : i32
    %add3A_175 = arith.addi %mul3A_173, %add3A_174 : i32
    %dma_start3A_176 = arith.constant 0 : i32
    %dma_start3A_177 = tpu.memref_slice %arg5[%add3A_175, %dma_start3A_176] : memref<51200x32xf32, #tpu.memory_space<vmem_shared>> -> memref<100x32xf32, #tpu.memory_space<vmem_shared>>
    %dma_start3A_178 = arith.constant 0 : i32
    %dma_start3A_179 = tpu.memref_slice %arg5[%add3A_175, %dma_start3A_178] : memref<51200x32xf32, #tpu.memory_space<vmem_shared>> -> memref<100x32xf32, #tpu.memory_space<vmem_shared>>
    tpu.enqueue_dma source(%arg18 : memref<100x32xf32, #tpu.memory_space<vmem>>) target(%dma_start3A_179 : memref<100x32xf32, #tpu.memory_space<vmem_shared>>) target_semaphore(%arg25 : memref<!tpu.dma_semaphore, #tpu.memory_space<semaphore_mem>>)
    %mul3A_180 = arith.constant 3200 : i32
    %mul3A_181 = arith.muli %arg1, %mul3A_180 : i32
    %add3A_182 = arith.constant 2200 : i32
    %add3A_183 = arith.addi %mul3A_181, %add3A_182 : i32
    %dma_start3A_184 = arith.constant 0 : i32
    %dma_start3A_185 = tpu.memref_slice %arg5[%add3A_183, %dma_start3A_184] : memref<51200x32xf32, #tpu.memory_space<vmem_shared>> -> memref<100x32xf32, #tpu.memory_space<vmem_shared>>
    %dma_start3A_186 = arith.constant 0 : i32
    %dma_start3A_187 = tpu.memref_slice %arg5[%add3A_183, %dma_start3A_186] : memref<51200x32xf32, #tpu.memory_space<vmem_shared>> -> memref<100x32xf32, #tpu.memory_space<vmem_shared>>
    tpu.enqueue_dma source(%arg18 : memref<100x32xf32, #tpu.memory_space<vmem>>) target(%dma_start3A_187 : memref<100x32xf32, #tpu.memory_space<vmem_shared>>) target_semaphore(%arg25 : memref<!tpu.dma_semaphore, #tpu.memory_space<semaphore_mem>>)
    %mul3A_188 = arith.constant 3200 : i32
    %mul3A_189 = arith.muli %arg1, %mul3A_188 : i32
    %add3A_190 = arith.constant 2300 : i32
    %add3A_191 = arith.addi %mul3A_189, %add3A_190 : i32
    %dma_start3A_192 = arith.constant 0 : i32
    %dma_start3A_193 = tpu.memref_slice %arg5[%add3A_191, %dma_start3A_192] : memref<51200x32xf32, #tpu.memory_space<vmem_shared>> -> memref<100x32xf32, #tpu.memory_space<vmem_shared>>
    %dma_start3A_194 = arith.constant 0 : i32
    %dma_start3A_195 = tpu.memref_slice %arg5[%add3A_191, %dma_start3A_194] : memref<51200x32xf32, #tpu.memory_space<vmem_shared>> -> memref<100x32xf32, #tpu.memory_space<vmem_shared>>
    tpu.enqueue_dma source(%arg18 : memref<100x32xf32, #tpu.memory_space<vmem>>) target(%dma_start3A_195 : memref<100x32xf32, #tpu.memory_space<vmem_shared>>) target_semaphore(%arg25 : memref<!tpu.dma_semaphore, #tpu.memory_space<semaphore_mem>>)
    %mul3A_196 = arith.constant 3200 : i32
    %mul3A_197 = arith.muli %arg1, %mul3A_196 : i32
    %add3A_198 = arith.constant 2400 : i32
    %add3A_199 = arith.addi %mul3A_197, %add3A_198 : i32
    %dma_start3A_200 = arith.constant 0 : i32
    %dma_start3A_201 = tpu.memref_slice %arg5[%add3A_199, %dma_start3A_200] : memref<51200x32xf32, #tpu.memory_space<vmem_shared>> -> memref<100x32xf32, #tpu.memory_space<vmem_shared>>
    %dma_start3A_202 = arith.constant 0 : i32
    %dma_start3A_203 = tpu.memref_slice %arg5[%add3A_199, %dma_start3A_202] : memref<51200x32xf32, #tpu.memory_space<vmem_shared>> -> memref<100x32xf32, #tpu.memory_space<vmem_shared>>
    tpu.enqueue_dma source(%arg18 : memref<100x32xf32, #tpu.memory_space<vmem>>) target(%dma_start3A_203 : memref<100x32xf32, #tpu.memory_space<vmem_shared>>) target_semaphore(%arg25 : memref<!tpu.dma_semaphore, #tpu.memory_space<semaphore_mem>>)
    %mul3A_204 = arith.constant 3200 : i32
    %mul3A_205 = arith.muli %arg1, %mul3A_204 : i32
    %add3A_206 = arith.constant 2500 : i32
    %add3A_207 = arith.addi %mul3A_205, %add3A_206 : i32
    %dma_start3A_208 = arith.constant 0 : i32
    %dma_start3A_209 = tpu.memref_slice %arg5[%add3A_207, %dma_start3A_208] : memref<51200x32xf32, #tpu.memory_space<vmem_shared>> -> memref<100x32xf32, #tpu.memory_space<vmem_shared>>
    %dma_start3A_210 = arith.constant 0 : i32
    %dma_start3A_211 = tpu.memref_slice %arg5[%add3A_207, %dma_start3A_210] : memref<51200x32xf32, #tpu.memory_space<vmem_shared>> -> memref<100x32xf32, #tpu.memory_space<vmem_shared>>
    tpu.enqueue_dma source(%arg18 : memref<100x32xf32, #tpu.memory_space<vmem>>) target(%dma_start3A_211 : memref<100x32xf32, #tpu.memory_space<vmem_shared>>) target_semaphore(%arg25 : memref<!tpu.dma_semaphore, #tpu.memory_space<semaphore_mem>>)
    %mul3A_212 = arith.constant 3200 : i32
    %mul3A_213 = arith.muli %arg1, %mul3A_212 : i32
    %add3A_214 = arith.constant 2600 : i32
    %add3A_215 = arith.addi %mul3A_213, %add3A_214 : i32
    %dma_start3A_216 = arith.constant 0 : i32
    %dma_start3A_217 = tpu.memref_slice %arg5[%add3A_215, %dma_start3A_216] : memref<51200x32xf32, #tpu.memory_space<vmem_shared>> -> memref<100x32xf32, #tpu.memory_space<vmem_shared>>
    %dma_start3A_218 = arith.constant 0 : i32
    %dma_start3A_219 = tpu.memref_slice %arg5[%add3A_215, %dma_start3A_218] : memref<51200x32xf32, #tpu.memory_space<vmem_shared>> -> memref<100x32xf32, #tpu.memory_space<vmem_shared>>
    tpu.enqueue_dma source(%arg18 : memref<100x32xf32, #tpu.memory_space<vmem>>) target(%dma_start3A_219 : memref<100x32xf32, #tpu.memory_space<vmem_shared>>) target_semaphore(%arg25 : memref<!tpu.dma_semaphore, #tpu.memory_space<semaphore_mem>>)
    %mul3A_220 = arith.constant 3200 : i32
    %mul3A_221 = arith.muli %arg1, %mul3A_220 : i32
    %add3A_222 = arith.constant 2700 : i32
    %add3A_223 = arith.addi %mul3A_221, %add3A_222 : i32
    %dma_start3A_224 = arith.constant 0 : i32
    %dma_start3A_225 = tpu.memref_slice %arg5[%add3A_223, %dma_start3A_224] : memref<51200x32xf32, #tpu.memory_space<vmem_shared>> -> memref<100x32xf32, #tpu.memory_space<vmem_shared>>
    %dma_start3A_226 = arith.constant 0 : i32
    %dma_start3A_227 = tpu.memref_slice %arg5[%add3A_223, %dma_start3A_226] : memref<51200x32xf32, #tpu.memory_space<vmem_shared>> -> memref<100x32xf32, #tpu.memory_space<vmem_shared>>
    tpu.enqueue_dma source(%arg18 : memref<100x32xf32, #tpu.memory_space<vmem>>) target(%dma_start3A_227 : memref<100x32xf32, #tpu.memory_space<vmem_shared>>) target_semaphore(%arg25 : memref<!tpu.dma_semaphore, #tpu.memory_space<semaphore_mem>>)
    %mul3A_228 = arith.constant 3200 : i32
    %mul3A_229 = arith.muli %arg1, %mul3A_228 : i32
    %add3A_230 = arith.constant 2800 : i32
    %add3A_231 = arith.addi %mul3A_229, %add3A_230 : i32
    %dma_start3A_232 = arith.constant 0 : i32
    %dma_start3A_233 = tpu.memref_slice %arg5[%add3A_231, %dma_start3A_232] : memref<51200x32xf32, #tpu.memory_space<vmem_shared>> -> memref<100x32xf32, #tpu.memory_space<vmem_shared>>
    %dma_start3A_234 = arith.constant 0 : i32
    %dma_start3A_235 = tpu.memref_slice %arg5[%add3A_231, %dma_start3A_234] : memref<51200x32xf32, #tpu.memory_space<vmem_shared>> -> memref<100x32xf32, #tpu.memory_space<vmem_shared>>
    tpu.enqueue_dma source(%arg18 : memref<100x32xf32, #tpu.memory_space<vmem>>) target(%dma_start3A_235 : memref<100x32xf32, #tpu.memory_space<vmem_shared>>) target_semaphore(%arg25 : memref<!tpu.dma_semaphore, #tpu.memory_space<semaphore_mem>>)
    %mul3A_236 = arith.constant 3200 : i32
    %mul3A_237 = arith.muli %arg1, %mul3A_236 : i32
    %add3A_238 = arith.constant 2900 : i32
    %add3A_239 = arith.addi %mul3A_237, %add3A_238 : i32
    %dma_start3A_240 = arith.constant 0 : i32
    %dma_start3A_241 = tpu.memref_slice %arg5[%add3A_239, %dma_start3A_240] : memref<51200x32xf32, #tpu.memory_space<vmem_shared>> -> memref<100x32xf32, #tpu.memory_space<vmem_shared>>
    %dma_start3A_242 = arith.constant 0 : i32
    %dma_start3A_243 = tpu.memref_slice %arg5[%add3A_239, %dma_start3A_242] : memref<51200x32xf32, #tpu.memory_space<vmem_shared>> -> memref<100x32xf32, #tpu.memory_space<vmem_shared>>
    tpu.enqueue_dma source(%arg18 : memref<100x32xf32, #tpu.memory_space<vmem>>) target(%dma_start3A_243 : memref<100x32xf32, #tpu.memory_space<vmem_shared>>) target_semaphore(%arg25 : memref<!tpu.dma_semaphore, #tpu.memory_space<semaphore_mem>>)
    %mul3A_244 = arith.constant 3200 : i32
    %mul3A_245 = arith.muli %arg1, %mul3A_244 : i32
    %add3A_246 = arith.constant 3000 : i32
    %add3A_247 = arith.addi %mul3A_245, %add3A_246 : i32
    %dma_start3A_248 = arith.constant 0 : i32
    %dma_start3A_249 = tpu.memref_slice %arg5[%add3A_247, %dma_start3A_248] : memref<51200x32xf32, #tpu.memory_space<vmem_shared>> -> memref<100x32xf32, #tpu.memory_space<vmem_shared>>
    %dma_start3A_250 = arith.constant 0 : i32
    %dma_start3A_251 = tpu.memref_slice %arg5[%add3A_247, %dma_start3A_250] : memref<51200x32xf32, #tpu.memory_space<vmem_shared>> -> memref<100x32xf32, #tpu.memory_space<vmem_shared>>
    tpu.enqueue_dma source(%arg18 : memref<100x32xf32, #tpu.memory_space<vmem>>) target(%dma_start3A_251 : memref<100x32xf32, #tpu.memory_space<vmem_shared>>) target_semaphore(%arg25 : memref<!tpu.dma_semaphore, #tpu.memory_space<semaphore_mem>>)
    %mul3A_252 = arith.constant 3200 : i32
    %mul3A_253 = arith.muli %arg1, %mul3A_252 : i32
    %add3A_254 = arith.constant 3100 : i32
    %add3A_255 = arith.addi %mul3A_253, %add3A_254 : i32
    %dma_start3A_256 = arith.constant 0 : i32
    %dma_start3A_257 = tpu.memref_slice %arg5[%add3A_255, %dma_start3A_256] : memref<51200x32xf32, #tpu.memory_space<vmem_shared>> -> memref<100x32xf32, #tpu.memory_space<vmem_shared>>
    %dma_start3A_258 = arith.constant 0 : i32
    %dma_start3A_259 = tpu.memref_slice %arg5[%add3A_255, %dma_start3A_258] : memref<51200x32xf32, #tpu.memory_space<vmem_shared>> -> memref<100x32xf32, #tpu.memory_space<vmem_shared>>
    tpu.enqueue_dma source(%arg18 : memref<100x32xf32, #tpu.memory_space<vmem>>) target(%dma_start3A_259 : memref<100x32xf32, #tpu.memory_space<vmem_shared>>) target_semaphore(%arg25 : memref<!tpu.dma_semaphore, #tpu.memory_space<semaphore_mem>>)
    %mul3A_260 = arith.constant 3200 : i32
    %mul3A_261 = arith.muli %arg1, %mul3A_260 : i32
    %add3A_262 = arith.constant 0 : i32
    %add3A_263 = arith.addi %mul3A_261, %add3A_262 : i32
    %dma_wait3A = arith.constant 0 : i32
    %dma_wait3A_264 = tpu.memref_slice %arg5[%add3A_263, %dma_wait3A] : memref<51200x32xf32, #tpu.memory_space<vmem_shared>> -> memref<100x32xf32, #tpu.memory_space<vmem_shared>>
    %dma_wait3A_265 = arith.constant 0 : i32
    %dma_wait3A_266 = tpu.memref_slice %arg5[%add3A_263, %dma_wait3A_265] : memref<51200x32xf32, #tpu.memory_space<vmem_shared>> -> memref<100x32xf32, #tpu.memory_space<vmem_shared>>
    tpu.wait_dma2 semaphore(%arg25 : memref<!tpu.dma_semaphore, #tpu.memory_space<semaphore_mem>>) src(%arg18 : memref<100x32xf32, #tpu.memory_space<vmem>>) dst(%dma_wait3A_266 : memref<100x32xf32, #tpu.memory_space<vmem_shared>>)
    %mul3A_267 = arith.constant 3200 : i32
    %mul3A_268 = arith.muli %arg1, %mul3A_267 : i32
    %add3A_269 = arith.constant 100 : i32
    %add3A_270 = arith.addi %mul3A_268, %add3A_269 : i32
    %dma_wait3A_271 = arith.constant 0 : i32
    %dma_wait3A_272 = tpu.memref_slice %arg5[%add3A_270, %dma_wait3A_271] : memref<51200x32xf32, #tpu.memory_space<vmem_shared>> -> memref<100x32xf32, #tpu.memory_space<vmem_shared>>
    %dma_wait3A_273 = arith.constant 0 : i32
    %dma_wait3A_274 = tpu.memref_slice %arg5[%add3A_270, %dma_wait3A_273] : memref<51200x32xf32, #tpu.memory_space<vmem_shared>> -> memref<100x32xf32, #tpu.memory_space<vmem_shared>>
    tpu.wait_dma2 semaphore(%arg25 : memref<!tpu.dma_semaphore, #tpu.memory_space<semaphore_mem>>) src(%arg18 : memref<100x32xf32, #tpu.memory_space<vmem>>) dst(%dma_wait3A_274 : memref<100x32xf32, #tpu.memory_space<vmem_shared>>)
    %mul3A_275 = arith.constant 3200 : i32
    %mul3A_276 = arith.muli %arg1, %mul3A_275 : i32
    %add3A_277 = arith.constant 200 : i32
    %add3A_278 = arith.addi %mul3A_276, %add3A_277 : i32
    %dma_wait3A_279 = arith.constant 0 : i32
    %dma_wait3A_280 = tpu.memref_slice %arg5[%add3A_278, %dma_wait3A_279] : memref<51200x32xf32, #tpu.memory_space<vmem_shared>> -> memref<100x32xf32, #tpu.memory_space<vmem_shared>>
    %dma_wait3A_281 = arith.constant 0 : i32
    %dma_wait3A_282 = tpu.memref_slice %arg5[%add3A_278, %dma_wait3A_281] : memref<51200x32xf32, #tpu.memory_space<vmem_shared>> -> memref<100x32xf32, #tpu.memory_space<vmem_shared>>
    tpu.wait_dma2 semaphore(%arg25 : memref<!tpu.dma_semaphore, #tpu.memory_space<semaphore_mem>>) src(%arg18 : memref<100x32xf32, #tpu.memory_space<vmem>>) dst(%dma_wait3A_282 : memref<100x32xf32, #tpu.memory_space<vmem_shared>>)
    %mul3A_283 = arith.constant 3200 : i32
    %mul3A_284 = arith.muli %arg1, %mul3A_283 : i32
    %add3A_285 = arith.constant 300 : i32
    %add3A_286 = arith.addi %mul3A_284, %add3A_285 : i32
    %dma_wait3A_287 = arith.constant 0 : i32
    %dma_wait3A_288 = tpu.memref_slice %arg5[%add3A_286, %dma_wait3A_287] : memref<51200x32xf32, #tpu.memory_space<vmem_shared>> -> memref<100x32xf32, #tpu.memory_space<vmem_shared>>
    %dma_wait3A_289 = arith.constant 0 : i32
    %dma_wait3A_290 = tpu.memref_slice %arg5[%add3A_286, %dma_wait3A_289] : memref<51200x32xf32, #tpu.memory_space<vmem_shared>> -> memref<100x32xf32, #tpu.memory_space<vmem_shared>>
    tpu.wait_dma2 semaphore(%arg25 : memref<!tpu.dma_semaphore, #tpu.memory_space<semaphore_mem>>) src(%arg18 : memref<100x32xf32, #tpu.memory_space<vmem>>) dst(%dma_wait3A_290 : memref<100x32xf32, #tpu.memory_space<vmem_shared>>)
    %mul3A_291 = arith.constant 3200 : i32
    %mul3A_292 = arith.muli %arg1, %mul3A_291 : i32
    %add3A_293 = arith.constant 400 : i32
    %add3A_294 = arith.addi %mul3A_292, %add3A_293 : i32
    %dma_wait3A_295 = arith.constant 0 : i32
    %dma_wait3A_296 = tpu.memref_slice %arg5[%add3A_294, %dma_wait3A_295] : memref<51200x32xf32, #tpu.memory_space<vmem_shared>> -> memref<100x32xf32, #tpu.memory_space<vmem_shared>>
    %dma_wait3A_297 = arith.constant 0 : i32
    %dma_wait3A_298 = tpu.memref_slice %arg5[%add3A_294, %dma_wait3A_297] : memref<51200x32xf32, #tpu.memory_space<vmem_shared>> -> memref<100x32xf32, #tpu.memory_space<vmem_shared>>
    tpu.wait_dma2 semaphore(%arg25 : memref<!tpu.dma_semaphore, #tpu.memory_space<semaphore_mem>>) src(%arg18 : memref<100x32xf32, #tpu.memory_space<vmem>>) dst(%dma_wait3A_298 : memref<100x32xf32, #tpu.memory_space<vmem_shared>>)
    %mul3A_299 = arith.constant 3200 : i32
    %mul3A_300 = arith.muli %arg1, %mul3A_299 : i32
    %add3A_301 = arith.constant 500 : i32
    %add3A_302 = arith.addi %mul3A_300, %add3A_301 : i32
    %dma_wait3A_303 = arith.constant 0 : i32
    %dma_wait3A_304 = tpu.memref_slice %arg5[%add3A_302, %dma_wait3A_303] : memref<51200x32xf32, #tpu.memory_space<vmem_shared>> -> memref<100x32xf32, #tpu.memory_space<vmem_shared>>
    %dma_wait3A_305 = arith.constant 0 : i32
    %dma_wait3A_306 = tpu.memref_slice %arg5[%add3A_302, %dma_wait3A_305] : memref<51200x32xf32, #tpu.memory_space<vmem_shared>> -> memref<100x32xf32, #tpu.memory_space<vmem_shared>>
    tpu.wait_dma2 semaphore(%arg25 : memref<!tpu.dma_semaphore, #tpu.memory_space<semaphore_mem>>) src(%arg18 : memref<100x32xf32, #tpu.memory_space<vmem>>) dst(%dma_wait3A_306 : memref<100x32xf32, #tpu.memory_space<vmem_shared>>)
    %mul3A_307 = arith.constant 3200 : i32
    %mul3A_308 = arith.muli %arg1, %mul3A_307 : i32
    %add3A_309 = arith.constant 600 : i32
    %add3A_310 = arith.addi %mul3A_308, %add3A_309 : i32
    %dma_wait3A_311 = arith.constant 0 : i32
    %dma_wait3A_312 = tpu.memref_slice %arg5[%add3A_310, %dma_wait3A_311] : memref<51200x32xf32, #tpu.memory_space<vmem_shared>> -> memref<100x32xf32, #tpu.memory_space<vmem_shared>>
    %dma_wait3A_313 = arith.constant 0 : i32
    %dma_wait3A_314 = tpu.memref_slice %arg5[%add3A_310, %dma_wait3A_313] : memref<51200x32xf32, #tpu.memory_space<vmem_shared>> -> memref<100x32xf32, #tpu.memory_space<vmem_shared>>
    tpu.wait_dma2 semaphore(%arg25 : memref<!tpu.dma_semaphore, #tpu.memory_space<semaphore_mem>>) src(%arg18 : memref<100x32xf32, #tpu.memory_space<vmem>>) dst(%dma_wait3A_314 : memref<100x32xf32, #tpu.memory_space<vmem_shared>>)
    %mul3A_315 = arith.constant 3200 : i32
    %mul3A_316 = arith.muli %arg1, %mul3A_315 : i32
    %add3A_317 = arith.constant 700 : i32
    %add3A_318 = arith.addi %mul3A_316, %add3A_317 : i32
    %dma_wait3A_319 = arith.constant 0 : i32
    %dma_wait3A_320 = tpu.memref_slice %arg5[%add3A_318, %dma_wait3A_319] : memref<51200x32xf32, #tpu.memory_space<vmem_shared>> -> memref<100x32xf32, #tpu.memory_space<vmem_shared>>
    %dma_wait3A_321 = arith.constant 0 : i32
    %dma_wait3A_322 = tpu.memref_slice %arg5[%add3A_318, %dma_wait3A_321] : memref<51200x32xf32, #tpu.memory_space<vmem_shared>> -> memref<100x32xf32, #tpu.memory_space<vmem_shared>>
    tpu.wait_dma2 semaphore(%arg25 : memref<!tpu.dma_semaphore, #tpu.memory_space<semaphore_mem>>) src(%arg18 : memref<100x32xf32, #tpu.memory_space<vmem>>) dst(%dma_wait3A_322 : memref<100x32xf32, #tpu.memory_space<vmem_shared>>)
    %mul3A_323 = arith.constant 3200 : i32
    %mul3A_324 = arith.muli %arg1, %mul3A_323 : i32
    %add3A_325 = arith.constant 800 : i32
    %add3A_326 = arith.addi %mul3A_324, %add3A_325 : i32
    %dma_wait3A_327 = arith.constant 0 : i32
    %dma_wait3A_328 = tpu.memref_slice %arg5[%add3A_326, %dma_wait3A_327] : memref<51200x32xf32, #tpu.memory_space<vmem_shared>> -> memref<100x32xf32, #tpu.memory_space<vmem_shared>>
    %dma_wait3A_329 = arith.constant 0 : i32
    %dma_wait3A_330 = tpu.memref_slice %arg5[%add3A_326, %dma_wait3A_329] : memref<51200x32xf32, #tpu.memory_space<vmem_shared>> -> memref<100x32xf32, #tpu.memory_space<vmem_shared>>
    tpu.wait_dma2 semaphore(%arg25 : memref<!tpu.dma_semaphore, #tpu.memory_space<semaphore_mem>>) src(%arg18 : memref<100x32xf32, #tpu.memory_space<vmem>>) dst(%dma_wait3A_330 : memref<100x32xf32, #tpu.memory_space<vmem_shared>>)
    %mul3A_331 = arith.constant 3200 : i32
    %mul3A_332 = arith.muli %arg1, %mul3A_331 : i32
    %add3A_333 = arith.constant 900 : i32
    %add3A_334 = arith.addi %mul3A_332, %add3A_333 : i32
    %dma_wait3A_335 = arith.constant 0 : i32
    %dma_wait3A_336 = tpu.memref_slice %arg5[%add3A_334, %dma_wait3A_335] : memref<51200x32xf32, #tpu.memory_space<vmem_shared>> -> memref<100x32xf32, #tpu.memory_space<vmem_shared>>
    %dma_wait3A_337 = arith.constant 0 : i32
    %dma_wait3A_338 = tpu.memref_slice %arg5[%add3A_334, %dma_wait3A_337] : memref<51200x32xf32, #tpu.memory_space<vmem_shared>> -> memref<100x32xf32, #tpu.memory_space<vmem_shared>>
    tpu.wait_dma2 semaphore(%arg25 : memref<!tpu.dma_semaphore, #tpu.memory_space<semaphore_mem>>) src(%arg18 : memref<100x32xf32, #tpu.memory_space<vmem>>) dst(%dma_wait3A_338 : memref<100x32xf32, #tpu.memory_space<vmem_shared>>)
    %mul3A_339 = arith.constant 3200 : i32
    %mul3A_340 = arith.muli %arg1, %mul3A_339 : i32
    %add3A_341 = arith.constant 1000 : i32
    %add3A_342 = arith.addi %mul3A_340, %add3A_341 : i32
    %dma_wait3A_343 = arith.constant 0 : i32
    %dma_wait3A_344 = tpu.memref_slice %arg5[%add3A_342, %dma_wait3A_343] : memref<51200x32xf32, #tpu.memory_space<vmem_shared>> -> memref<100x32xf32, #tpu.memory_space<vmem_shared>>
    %dma_wait3A_345 = arith.constant 0 : i32
    %dma_wait3A_346 = tpu.memref_slice %arg5[%add3A_342, %dma_wait3A_345] : memref<51200x32xf32, #tpu.memory_space<vmem_shared>> -> memref<100x32xf32, #tpu.memory_space<vmem_shared>>
    tpu.wait_dma2 semaphore(%arg25 : memref<!tpu.dma_semaphore, #tpu.memory_space<semaphore_mem>>) src(%arg18 : memref<100x32xf32, #tpu.memory_space<vmem>>) dst(%dma_wait3A_346 : memref<100x32xf32, #tpu.memory_space<vmem_shared>>)
    %mul3A_347 = arith.constant 3200 : i32
    %mul3A_348 = arith.muli %arg1, %mul3A_347 : i32
    %add3A_349 = arith.constant 1100 : i32
    %add3A_350 = arith.addi %mul3A_348, %add3A_349 : i32
    %dma_wait3A_351 = arith.constant 0 : i32
    %dma_wait3A_352 = tpu.memref_slice %arg5[%add3A_350, %dma_wait3A_351] : memref<51200x32xf32, #tpu.memory_space<vmem_shared>> -> memref<100x32xf32, #tpu.memory_space<vmem_shared>>
    %dma_wait3A_353 = arith.constant 0 : i32
    %dma_wait3A_354 = tpu.memref_slice %arg5[%add3A_350, %dma_wait3A_353] : memref<51200x32xf32, #tpu.memory_space<vmem_shared>> -> memref<100x32xf32, #tpu.memory_space<vmem_shared>>
    tpu.wait_dma2 semaphore(%arg25 : memref<!tpu.dma_semaphore, #tpu.memory_space<semaphore_mem>>) src(%arg18 : memref<100x32xf32, #tpu.memory_space<vmem>>) dst(%dma_wait3A_354 : memref<100x32xf32, #tpu.memory_space<vmem_shared>>)
    %mul3A_355 = arith.constant 3200 : i32
    %mul3A_356 = arith.muli %arg1, %mul3A_355 : i32
    %add3A_357 = arith.constant 1200 : i32
    %add3A_358 = arith.addi %mul3A_356, %add3A_357 : i32
    %dma_wait3A_359 = arith.constant 0 : i32
    %dma_wait3A_360 = tpu.memref_slice %arg5[%add3A_358, %dma_wait3A_359] : memref<51200x32xf32, #tpu.memory_space<vmem_shared>> -> memref<100x32xf32, #tpu.memory_space<vmem_shared>>
    %dma_wait3A_361 = arith.constant 0 : i32
    %dma_wait3A_362 = tpu.memref_slice %arg5[%add3A_358, %dma_wait3A_361] : memref<51200x32xf32, #tpu.memory_space<vmem_shared>> -> memref<100x32xf32, #tpu.memory_space<vmem_shared>>
    tpu.wait_dma2 semaphore(%arg25 : memref<!tpu.dma_semaphore, #tpu.memory_space<semaphore_mem>>) src(%arg18 : memref<100x32xf32, #tpu.memory_space<vmem>>) dst(%dma_wait3A_362 : memref<100x32xf32, #tpu.memory_space<vmem_shared>>)
    %mul3A_363 = arith.constant 3200 : i32
    %mul3A_364 = arith.muli %arg1, %mul3A_363 : i32
    %add3A_365 = arith.constant 1300 : i32
    %add3A_366 = arith.addi %mul3A_364, %add3A_365 : i32
    %dma_wait3A_367 = arith.constant 0 : i32
    %dma_wait3A_368 = tpu.memref_slice %arg5[%add3A_366, %dma_wait3A_367] : memref<51200x32xf32, #tpu.memory_space<vmem_shared>> -> memref<100x32xf32, #tpu.memory_space<vmem_shared>>
    %dma_wait3A_369 = arith.constant 0 : i32
    %dma_wait3A_370 = tpu.memref_slice %arg5[%add3A_366, %dma_wait3A_369] : memref<51200x32xf32, #tpu.memory_space<vmem_shared>> -> memref<100x32xf32, #tpu.memory_space<vmem_shared>>
    tpu.wait_dma2 semaphore(%arg25 : memref<!tpu.dma_semaphore, #tpu.memory_space<semaphore_mem>>) src(%arg18 : memref<100x32xf32, #tpu.memory_space<vmem>>) dst(%dma_wait3A_370 : memref<100x32xf32, #tpu.memory_space<vmem_shared>>)
    %mul3A_371 = arith.constant 3200 : i32
    %mul3A_372 = arith.muli %arg1, %mul3A_371 : i32
    %add3A_373 = arith.constant 1400 : i32
    %add3A_374 = arith.addi %mul3A_372, %add3A_373 : i32
    %dma_wait3A_375 = arith.constant 0 : i32
    %dma_wait3A_376 = tpu.memref_slice %arg5[%add3A_374, %dma_wait3A_375] : memref<51200x32xf32, #tpu.memory_space<vmem_shared>> -> memref<100x32xf32, #tpu.memory_space<vmem_shared>>
    %dma_wait3A_377 = arith.constant 0 : i32
    %dma_wait3A_378 = tpu.memref_slice %arg5[%add3A_374, %dma_wait3A_377] : memref<51200x32xf32, #tpu.memory_space<vmem_shared>> -> memref<100x32xf32, #tpu.memory_space<vmem_shared>>
    tpu.wait_dma2 semaphore(%arg25 : memref<!tpu.dma_semaphore, #tpu.memory_space<semaphore_mem>>) src(%arg18 : memref<100x32xf32, #tpu.memory_space<vmem>>) dst(%dma_wait3A_378 : memref<100x32xf32, #tpu.memory_space<vmem_shared>>)
    %mul3A_379 = arith.constant 3200 : i32
    %mul3A_380 = arith.muli %arg1, %mul3A_379 : i32
    %add3A_381 = arith.constant 1500 : i32
    %add3A_382 = arith.addi %mul3A_380, %add3A_381 : i32
    %dma_wait3A_383 = arith.constant 0 : i32
    %dma_wait3A_384 = tpu.memref_slice %arg5[%add3A_382, %dma_wait3A_383] : memref<51200x32xf32, #tpu.memory_space<vmem_shared>> -> memref<100x32xf32, #tpu.memory_space<vmem_shared>>
    %dma_wait3A_385 = arith.constant 0 : i32
    %dma_wait3A_386 = tpu.memref_slice %arg5[%add3A_382, %dma_wait3A_385] : memref<51200x32xf32, #tpu.memory_space<vmem_shared>> -> memref<100x32xf32, #tpu.memory_space<vmem_shared>>
    tpu.wait_dma2 semaphore(%arg25 : memref<!tpu.dma_semaphore, #tpu.memory_space<semaphore_mem>>) src(%arg18 : memref<100x32xf32, #tpu.memory_space<vmem>>) dst(%dma_wait3A_386 : memref<100x32xf32, #tpu.memory_space<vmem_shared>>)
    %mul3A_387 = arith.constant 3200 : i32
    %mul3A_388 = arith.muli %arg1, %mul3A_387 : i32
    %add3A_389 = arith.constant 1600 : i32
    %add3A_390 = arith.addi %mul3A_388, %add3A_389 : i32
    %dma_wait3A_391 = arith.constant 0 : i32
    %dma_wait3A_392 = tpu.memref_slice %arg5[%add3A_390, %dma_wait3A_391] : memref<51200x32xf32, #tpu.memory_space<vmem_shared>> -> memref<100x32xf32, #tpu.memory_space<vmem_shared>>
    %dma_wait3A_393 = arith.constant 0 : i32
    %dma_wait3A_394 = tpu.memref_slice %arg5[%add3A_390, %dma_wait3A_393] : memref<51200x32xf32, #tpu.memory_space<vmem_shared>> -> memref<100x32xf32, #tpu.memory_space<vmem_shared>>
    tpu.wait_dma2 semaphore(%arg25 : memref<!tpu.dma_semaphore, #tpu.memory_space<semaphore_mem>>) src(%arg18 : memref<100x32xf32, #tpu.memory_space<vmem>>) dst(%dma_wait3A_394 : memref<100x32xf32, #tpu.memory_space<vmem_shared>>)
    %mul3A_395 = arith.constant 3200 : i32
    %mul3A_396 = arith.muli %arg1, %mul3A_395 : i32
    %add3A_397 = arith.constant 1700 : i32
    %add3A_398 = arith.addi %mul3A_396, %add3A_397 : i32
    %dma_wait3A_399 = arith.constant 0 : i32
    %dma_wait3A_400 = tpu.memref_slice %arg5[%add3A_398, %dma_wait3A_399] : memref<51200x32xf32, #tpu.memory_space<vmem_shared>> -> memref<100x32xf32, #tpu.memory_space<vmem_shared>>
    %dma_wait3A_401 = arith.constant 0 : i32
    %dma_wait3A_402 = tpu.memref_slice %arg5[%add3A_398, %dma_wait3A_401] : memref<51200x32xf32, #tpu.memory_space<vmem_shared>> -> memref<100x32xf32, #tpu.memory_space<vmem_shared>>
    tpu.wait_dma2 semaphore(%arg25 : memref<!tpu.dma_semaphore, #tpu.memory_space<semaphore_mem>>) src(%arg18 : memref<100x32xf32, #tpu.memory_space<vmem>>) dst(%dma_wait3A_402 : memref<100x32xf32, #tpu.memory_space<vmem_shared>>)
    %mul3A_403 = arith.constant 3200 : i32
    %mul3A_404 = arith.muli %arg1, %mul3A_403 : i32
    %add3A_405 = arith.constant 1800 : i32
    %add3A_406 = arith.addi %mul3A_404, %add3A_405 : i32
    %dma_wait3A_407 = arith.constant 0 : i32
    %dma_wait3A_408 = tpu.memref_slice %arg5[%add3A_406, %dma_wait3A_407] : memref<51200x32xf32, #tpu.memory_space<vmem_shared>> -> memref<100x32xf32, #tpu.memory_space<vmem_shared>>
    %dma_wait3A_409 = arith.constant 0 : i32
    %dma_wait3A_410 = tpu.memref_slice %arg5[%add3A_406, %dma_wait3A_409] : memref<51200x32xf32, #tpu.memory_space<vmem_shared>> -> memref<100x32xf32, #tpu.memory_space<vmem_shared>>
    tpu.wait_dma2 semaphore(%arg25 : memref<!tpu.dma_semaphore, #tpu.memory_space<semaphore_mem>>) src(%arg18 : memref<100x32xf32, #tpu.memory_space<vmem>>) dst(%dma_wait3A_410 : memref<100x32xf32, #tpu.memory_space<vmem_shared>>)
    %mul3A_411 = arith.constant 3200 : i32
    %mul3A_412 = arith.muli %arg1, %mul3A_411 : i32
    %add3A_413 = arith.constant 1900 : i32
    %add3A_414 = arith.addi %mul3A_412, %add3A_413 : i32
    %dma_wait3A_415 = arith.constant 0 : i32
    %dma_wait3A_416 = tpu.memref_slice %arg5[%add3A_414, %dma_wait3A_415] : memref<51200x32xf32, #tpu.memory_space<vmem_shared>> -> memref<100x32xf32, #tpu.memory_space<vmem_shared>>
    %dma_wait3A_417 = arith.constant 0 : i32
    %dma_wait3A_418 = tpu.memref_slice %arg5[%add3A_414, %dma_wait3A_417] : memref<51200x32xf32, #tpu.memory_space<vmem_shared>> -> memref<100x32xf32, #tpu.memory_space<vmem_shared>>
    tpu.wait_dma2 semaphore(%arg25 : memref<!tpu.dma_semaphore, #tpu.memory_space<semaphore_mem>>) src(%arg18 : memref<100x32xf32, #tpu.memory_space<vmem>>) dst(%dma_wait3A_418 : memref<100x32xf32, #tpu.memory_space<vmem_shared>>)
    %mul3A_419 = arith.constant 3200 : i32
    %mul3A_420 = arith.muli %arg1, %mul3A_419 : i32
    %add3A_421 = arith.constant 2000 : i32
    %add3A_422 = arith.addi %mul3A_420, %add3A_421 : i32
    %dma_wait3A_423 = arith.constant 0 : i32
    %dma_wait3A_424 = tpu.memref_slice %arg5[%add3A_422, %dma_wait3A_423] : memref<51200x32xf32, #tpu.memory_space<vmem_shared>> -> memref<100x32xf32, #tpu.memory_space<vmem_shared>>
    %dma_wait3A_425 = arith.constant 0 : i32
    %dma_wait3A_426 = tpu.memref_slice %arg5[%add3A_422, %dma_wait3A_425] : memref<51200x32xf32, #tpu.memory_space<vmem_shared>> -> memref<100x32xf32, #tpu.memory_space<vmem_shared>>
    tpu.wait_dma2 semaphore(%arg25 : memref<!tpu.dma_semaphore, #tpu.memory_space<semaphore_mem>>) src(%arg18 : memref<100x32xf32, #tpu.memory_space<vmem>>) dst(%dma_wait3A_426 : memref<100x32xf32, #tpu.memory_space<vmem_shared>>)
    %mul3A_427 = arith.constant 3200 : i32
    %mul3A_428 = arith.muli %arg1, %mul3A_427 : i32
    %add3A_429 = arith.constant 2100 : i32
    %add3A_430 = arith.addi %mul3A_428, %add3A_429 : i32
    %dma_wait3A_431 = arith.constant 0 : i32
    %dma_wait3A_432 = tpu.memref_slice %arg5[%add3A_430, %dma_wait3A_431] : memref<51200x32xf32, #tpu.memory_space<vmem_shared>> -> memref<100x32xf32, #tpu.memory_space<vmem_shared>>
    %dma_wait3A_433 = arith.constant 0 : i32
    %dma_wait3A_434 = tpu.memref_slice %arg5[%add3A_430, %dma_wait3A_433] : memref<51200x32xf32, #tpu.memory_space<vmem_shared>> -> memref<100x32xf32, #tpu.memory_space<vmem_shared>>
    tpu.wait_dma2 semaphore(%arg25 : memref<!tpu.dma_semaphore, #tpu.memory_space<semaphore_mem>>) src(%arg18 : memref<100x32xf32, #tpu.memory_space<vmem>>) dst(%dma_wait3A_434 : memref<100x32xf32, #tpu.memory_space<vmem_shared>>)
    %mul3A_435 = arith.constant 3200 : i32
    %mul3A_436 = arith.muli %arg1, %mul3A_435 : i32
    %add3A_437 = arith.constant 2200 : i32
    %add3A_438 = arith.addi %mul3A_436, %add3A_437 : i32
    %dma_wait3A_439 = arith.constant 0 : i32
    %dma_wait3A_440 = tpu.memref_slice %arg5[%add3A_438, %dma_wait3A_439] : memref<51200x32xf32, #tpu.memory_space<vmem_shared>> -> memref<100x32xf32, #tpu.memory_space<vmem_shared>>
    %dma_wait3A_441 = arith.constant 0 : i32
    %dma_wait3A_442 = tpu.memref_slice %arg5[%add3A_438, %dma_wait3A_441] : memref<51200x32xf32, #tpu.memory_space<vmem_shared>> -> memref<100x32xf32, #tpu.memory_space<vmem_shared>>
    tpu.wait_dma2 semaphore(%arg25 : memref<!tpu.dma_semaphore, #tpu.memory_space<semaphore_mem>>) src(%arg18 : memref<100x32xf32, #tpu.memory_space<vmem>>) dst(%dma_wait3A_442 : memref<100x32xf32, #tpu.memory_space<vmem_shared>>)
    %mul3A_443 = arith.constant 3200 : i32
    %mul3A_444 = arith.muli %arg1, %mul3A_443 : i32
    %add3A_445 = arith.constant 2300 : i32
    %add3A_446 = arith.addi %mul3A_444, %add3A_445 : i32
    %dma_wait3A_447 = arith.constant 0 : i32
    %dma_wait3A_448 = tpu.memref_slice %arg5[%add3A_446, %dma_wait3A_447] : memref<51200x32xf32, #tpu.memory_space<vmem_shared>> -> memref<100x32xf32, #tpu.memory_space<vmem_shared>>
    %dma_wait3A_449 = arith.constant 0 : i32
    %dma_wait3A_450 = tpu.memref_slice %arg5[%add3A_446, %dma_wait3A_449] : memref<51200x32xf32, #tpu.memory_space<vmem_shared>> -> memref<100x32xf32, #tpu.memory_space<vmem_shared>>
    tpu.wait_dma2 semaphore(%arg25 : memref<!tpu.dma_semaphore, #tpu.memory_space<semaphore_mem>>) src(%arg18 : memref<100x32xf32, #tpu.memory_space<vmem>>) dst(%dma_wait3A_450 : memref<100x32xf32, #tpu.memory_space<vmem_shared>>)
    %mul3A_451 = arith.constant 3200 : i32
    %mul3A_452 = arith.muli %arg1, %mul3A_451 : i32
    %add3A_453 = arith.constant 2400 : i32
    %add3A_454 = arith.addi %mul3A_452, %add3A_453 : i32
    %dma_wait3A_455 = arith.constant 0 : i32
    %dma_wait3A_456 = tpu.memref_slice %arg5[%add3A_454, %dma_wait3A_455] : memref<51200x32xf32, #tpu.memory_space<vmem_shared>> -> memref<100x32xf32, #tpu.memory_space<vmem_shared>>
    %dma_wait3A_457 = arith.constant 0 : i32
    %dma_wait3A_458 = tpu.memref_slice %arg5[%add3A_454, %dma_wait3A_457] : memref<51200x32xf32, #tpu.memory_space<vmem_shared>> -> memref<100x32xf32, #tpu.memory_space<vmem_shared>>
    tpu.wait_dma2 semaphore(%arg25 : memref<!tpu.dma_semaphore, #tpu.memory_space<semaphore_mem>>) src(%arg18 : memref<100x32xf32, #tpu.memory_space<vmem>>) dst(%dma_wait3A_458 : memref<100x32xf32, #tpu.memory_space<vmem_shared>>)
    %mul3A_459 = arith.constant 3200 : i32
    %mul3A_460 = arith.muli %arg1, %mul3A_459 : i32
    %add3A_461 = arith.constant 2500 : i32
    %add3A_462 = arith.addi %mul3A_460, %add3A_461 : i32
    %dma_wait3A_463 = arith.constant 0 : i32
    %dma_wait3A_464 = tpu.memref_slice %arg5[%add3A_462, %dma_wait3A_463] : memref<51200x32xf32, #tpu.memory_space<vmem_shared>> -> memref<100x32xf32, #tpu.memory_space<vmem_shared>>
    %dma_wait3A_465 = arith.constant 0 : i32
    %dma_wait3A_466 = tpu.memref_slice %arg5[%add3A_462, %dma_wait3A_465] : memref<51200x32xf32, #tpu.memory_space<vmem_shared>> -> memref<100x32xf32, #tpu.memory_space<vmem_shared>>
    tpu.wait_dma2 semaphore(%arg25 : memref<!tpu.dma_semaphore, #tpu.memory_space<semaphore_mem>>) src(%arg18 : memref<100x32xf32, #tpu.memory_space<vmem>>) dst(%dma_wait3A_466 : memref<100x32xf32, #tpu.memory_space<vmem_shared>>)
    %mul3A_467 = arith.constant 3200 : i32
    %mul3A_468 = arith.muli %arg1, %mul3A_467 : i32
    %add3A_469 = arith.constant 2600 : i32
    %add3A_470 = arith.addi %mul3A_468, %add3A_469 : i32
    %dma_wait3A_471 = arith.constant 0 : i32
    %dma_wait3A_472 = tpu.memref_slice %arg5[%add3A_470, %dma_wait3A_471] : memref<51200x32xf32, #tpu.memory_space<vmem_shared>> -> memref<100x32xf32, #tpu.memory_space<vmem_shared>>
    %dma_wait3A_473 = arith.constant 0 : i32
    %dma_wait3A_474 = tpu.memref_slice %arg5[%add3A_470, %dma_wait3A_473] : memref<51200x32xf32, #tpu.memory_space<vmem_shared>> -> memref<100x32xf32, #tpu.memory_space<vmem_shared>>
    tpu.wait_dma2 semaphore(%arg25 : memref<!tpu.dma_semaphore, #tpu.memory_space<semaphore_mem>>) src(%arg18 : memref<100x32xf32, #tpu.memory_space<vmem>>) dst(%dma_wait3A_474 : memref<100x32xf32, #tpu.memory_space<vmem_shared>>)
    %mul3A_475 = arith.constant 3200 : i32
    %mul3A_476 = arith.muli %arg1, %mul3A_475 : i32
    %add3A_477 = arith.constant 2700 : i32
    %add3A_478 = arith.addi %mul3A_476, %add3A_477 : i32
    %dma_wait3A_479 = arith.constant 0 : i32
    %dma_wait3A_480 = tpu.memref_slice %arg5[%add3A_478, %dma_wait3A_479] : memref<51200x32xf32, #tpu.memory_space<vmem_shared>> -> memref<100x32xf32, #tpu.memory_space<vmem_shared>>
    %dma_wait3A_481 = arith.constant 0 : i32
    %dma_wait3A_482 = tpu.memref_slice %arg5[%add3A_478, %dma_wait3A_481] : memref<51200x32xf32, #tpu.memory_space<vmem_shared>> -> memref<100x32xf32, #tpu.memory_space<vmem_shared>>
    tpu.wait_dma2 semaphore(%arg25 : memref<!tpu.dma_semaphore, #tpu.memory_space<semaphore_mem>>) src(%arg18 : memref<100x32xf32, #tpu.memory_space<vmem>>) dst(%dma_wait3A_482 : memref<100x32xf32, #tpu.memory_space<vmem_shared>>)
    %mul3A_483 = arith.constant 3200 : i32
    %mul3A_484 = arith.muli %arg1, %mul3A_483 : i32
    %add3A_485 = arith.constant 2800 : i32
    %add3A_486 = arith.addi %mul3A_484, %add3A_485 : i32
    %dma_wait3A_487 = arith.constant 0 : i32
    %dma_wait3A_488 = tpu.memref_slice %arg5[%add3A_486, %dma_wait3A_487] : memref<51200x32xf32, #tpu.memory_space<vmem_shared>> -> memref<100x32xf32, #tpu.memory_space<vmem_shared>>
    %dma_wait3A_489 = arith.constant 0 : i32
    %dma_wait3A_490 = tpu.memref_slice %arg5[%add3A_486, %dma_wait3A_489] : memref<51200x32xf32, #tpu.memory_space<vmem_shared>> -> memref<100x32xf32, #tpu.memory_space<vmem_shared>>
    tpu.wait_dma2 semaphore(%arg25 : memref<!tpu.dma_semaphore, #tpu.memory_space<semaphore_mem>>) src(%arg18 : memref<100x32xf32, #tpu.memory_space<vmem>>) dst(%dma_wait3A_490 : memref<100x32xf32, #tpu.memory_space<vmem_shared>>)
    %mul3A_491 = arith.constant 3200 : i32
    %mul3A_492 = arith.muli %arg1, %mul3A_491 : i32
    %add3A_493 = arith.constant 2900 : i32
    %add3A_494 = arith.addi %mul3A_492, %add3A_493 : i32
    %dma_wait3A_495 = arith.constant 0 : i32
    %dma_wait3A_496 = tpu.memref_slice %arg5[%add3A_494, %dma_wait3A_495] : memref<51200x32xf32, #tpu.memory_space<vmem_shared>> -> memref<100x32xf32, #tpu.memory_space<vmem_shared>>
    %dma_wait3A_497 = arith.constant 0 : i32
    %dma_wait3A_498 = tpu.memref_slice %arg5[%add3A_494, %dma_wait3A_497] : memref<51200x32xf32, #tpu.memory_space<vmem_shared>> -> memref<100x32xf32, #tpu.memory_space<vmem_shared>>
    tpu.wait_dma2 semaphore(%arg25 : memref<!tpu.dma_semaphore, #tpu.memory_space<semaphore_mem>>) src(%arg18 : memref<100x32xf32, #tpu.memory_space<vmem>>) dst(%dma_wait3A_498 : memref<100x32xf32, #tpu.memory_space<vmem_shared>>)
    %mul3A_499 = arith.constant 3200 : i32
    %mul3A_500 = arith.muli %arg1, %mul3A_499 : i32
    %add3A_501 = arith.constant 3000 : i32
    %add3A_502 = arith.addi %mul3A_500, %add3A_501 : i32
    %dma_wait3A_503 = arith.constant 0 : i32
    %dma_wait3A_504 = tpu.memref_slice %arg5[%add3A_502, %dma_wait3A_503] : memref<51200x32xf32, #tpu.memory_space<vmem_shared>> -> memref<100x32xf32, #tpu.memory_space<vmem_shared>>
    %dma_wait3A_505 = arith.constant 0 : i32
    %dma_wait3A_506 = tpu.memref_slice %arg5[%add3A_502, %dma_wait3A_505] : memref<51200x32xf32, #tpu.memory_space<vmem_shared>> -> memref<100x32xf32, #tpu.memory_space<vmem_shared>>
    tpu.wait_dma2 semaphore(%arg25 : memref<!tpu.dma_semaphore, #tpu.memory_space<semaphore_mem>>) src(%arg18 : memref<100x32xf32, #tpu.memory_space<vmem>>) dst(%dma_wait3A_506 : memref<100x32xf32, #tpu.memory_space<vmem_shared>>)
    %mul3A_507 = arith.constant 3200 : i32
    %mul3A_508 = arith.muli %arg1, %mul3A_507 : i32
    %add3A_509 = arith.constant 3100 : i32
    %add3A_510 = arith.addi %mul3A_508, %add3A_509 : i32
    %dma_wait3A_511 = arith.constant 0 : i32
    %dma_wait3A_512 = tpu.memref_slice %arg5[%add3A_510, %dma_wait3A_511] : memref<51200x32xf32, #tpu.memory_space<vmem_shared>> -> memref<100x32xf32, #tpu.memory_space<vmem_shared>>
    %dma_wait3A_513 = arith.constant 0 : i32
    %dma_wait3A_514 = tpu.memref_slice %arg5[%add3A_510, %dma_wait3A_513] : memref<51200x32xf32, #tpu.memory_space<vmem_shared>> -> memref<100x32xf32, #tpu.memory_space<vmem_shared>>
    tpu.wait_dma2 semaphore(%arg25 : memref<!tpu.dma_semaphore, #tpu.memory_space<semaphore_mem>>) src(%arg18 : memref<100x32xf32, #tpu.memory_space<vmem>>) dst(%dma_wait3A_514 : memref<100x32xf32, #tpu.memory_space<vmem_shared>>)
    %barrier3A = arith.constant 0 : index
    tpu.barrier barrier_id(%barrier3A)
    %mul3A_515 = arith.constant 100000 : i32
    %mul3A_516 = arith.muli %arg1, %mul3A_515 : i32
    %add3A_517 = arith.constant 0 : i32
    %add3A_518 = arith.addi %mul3A_516, %add3A_517 : i32
    %dma_start3A_519 = arith.constant 0 : i32
    %dma_start3A_520 = tpu.memref_slice %arg3[%dma_start3A_519, %add3A_518] : memref<2x1600000xi32, #tpu.memory_space<hbm>> -> memref<1x256xi32, #tpu.memory_space<hbm>>
    %dma_start3A_521 = tpu.memref_squeeze %dma_start3A_520 : memref<1x256xi32, #tpu.memory_space<hbm>> -> memref<256xi32, #tpu.memory_space<hbm>>
    %dma_start3A_522 = tpu.memref_slice %arg3[%dma_start3A_519, %add3A_518] : memref<2x1600000xi32, #tpu.memory_space<hbm>> -> memref<1x256xi32, #tpu.memory_space<hbm>>
    %dma_start3A_523 = tpu.memref_squeeze %dma_start3A_522 : memref<1x256xi32, #tpu.memory_space<hbm>> -> memref<256xi32, #tpu.memory_space<hbm>>
    tpu.enqueue_dma source(%dma_start3A_523 : memref<256xi32, #tpu.memory_space<hbm>>) target(%arg6 : memref<256xi32, #tpu.memory_space<vmem>>) target_semaphore(%arg19 : memref<!tpu.dma_semaphore, #tpu.memory_space<semaphore_mem>>)
    %add3A_524 = arith.constant 0 : i32
    %add3A_525 = arith.addi %mul3A_516, %add3A_524 : i32
    %dma_start3A_526 = arith.constant 1 : i32
    %dma_start3A_527 = tpu.memref_slice %arg3[%dma_start3A_526, %add3A_525] : memref<2x1600000xi32, #tpu.memory_space<hbm>> -> memref<1x256xi32, #tpu.memory_space<hbm>>
    %dma_start3A_528 = tpu.memref_squeeze %dma_start3A_527 : memref<1x256xi32, #tpu.memory_space<hbm>> -> memref<256xi32, #tpu.memory_space<hbm>>
    %dma_start3A_529 = tpu.memref_slice %arg3[%dma_start3A_526, %add3A_525] : memref<2x1600000xi32, #tpu.memory_space<hbm>> -> memref<1x256xi32, #tpu.memory_space<hbm>>
    %dma_start3A_530 = tpu.memref_squeeze %dma_start3A_529 : memref<1x256xi32, #tpu.memory_space<hbm>> -> memref<256xi32, #tpu.memory_space<hbm>>
    tpu.enqueue_dma source(%dma_start3A_530 : memref<256xi32, #tpu.memory_space<hbm>>) target(%arg8 : memref<256xi32, #tpu.memory_space<vmem>>) target_semaphore(%arg19 : memref<!tpu.dma_semaphore, #tpu.memory_space<semaphore_mem>>)
    %add3A_531 = arith.constant 256 : i32
    %add3A_532 = arith.addi %mul3A_516, %add3A_531 : i32
    %dma_start3A_533 = arith.constant 0 : i32
    %dma_start3A_534 = tpu.memref_slice %arg3[%dma_start3A_533, %add3A_532] : memref<2x1600000xi32, #tpu.memory_space<hbm>> -> memref<1x256xi32, #tpu.memory_space<hbm>>
    %dma_start3A_535 = tpu.memref_squeeze %dma_start3A_534 : memref<1x256xi32, #tpu.memory_space<hbm>> -> memref<256xi32, #tpu.memory_space<hbm>>
    %dma_start3A_536 = tpu.memref_slice %arg3[%dma_start3A_533, %add3A_532] : memref<2x1600000xi32, #tpu.memory_space<hbm>> -> memref<1x256xi32, #tpu.memory_space<hbm>>
    %dma_start3A_537 = tpu.memref_squeeze %dma_start3A_536 : memref<1x256xi32, #tpu.memory_space<hbm>> -> memref<256xi32, #tpu.memory_space<hbm>>
    tpu.enqueue_dma source(%dma_start3A_537 : memref<256xi32, #tpu.memory_space<hbm>>) target(%arg7 : memref<256xi32, #tpu.memory_space<vmem>>) target_semaphore(%arg20 : memref<!tpu.dma_semaphore, #tpu.memory_space<semaphore_mem>>)
    %add3A_538 = arith.constant 256 : i32
    %add3A_539 = arith.addi %mul3A_516, %add3A_538 : i32
    %dma_start3A_540 = arith.constant 1 : i32
    %dma_start3A_541 = tpu.memref_slice %arg3[%dma_start3A_540, %add3A_539] : memref<2x1600000xi32, #tpu.memory_space<hbm>> -> memref<1x256xi32, #tpu.memory_space<hbm>>
    %dma_start3A_542 = tpu.memref_squeeze %dma_start3A_541 : memref<1x256xi32, #tpu.memory_space<hbm>> -> memref<256xi32, #tpu.memory_space<hbm>>
    %dma_start3A_543 = tpu.memref_slice %arg3[%dma_start3A_540, %add3A_539] : memref<2x1600000xi32, #tpu.memory_space<hbm>> -> memref<1x256xi32, #tpu.memory_space<hbm>>
    %dma_start3A_544 = tpu.memref_squeeze %dma_start3A_543 : memref<1x256xi32, #tpu.memory_space<hbm>> -> memref<256xi32, #tpu.memory_space<hbm>>
    tpu.enqueue_dma source(%dma_start3A_544 : memref<256xi32, #tpu.memory_space<hbm>>) target(%arg9 : memref<256xi32, #tpu.memory_space<vmem>>) target_semaphore(%arg20 : memref<!tpu.dma_semaphore, #tpu.memory_space<semaphore_mem>>)
    %scan3A_545 = arith.constant 0 : i32
    %scan3A_546 = arith.constant 195 : i32
    %scan3A_547 = arith.addi %scan3A_545, %scan3A_546 : i32
    %scan3A_548 = arith.constant 1 : i32
    scf.for %scan3A_601 = %scan3A_545 to %scan3A_547 step %scan3A_548  : i32 {
      %mul3A_602 = arith.constant 1 : i32
      %mul3A_603 = arith.muli %scan3A_601, %mul3A_602 : i32
      %add3A_604 = arith.constant 0 : i32
      %add3A_605 = arith.addi %add3A_604, %mul3A_603 : i32
      %mul3A_606 = arith.constant 2 : i32
      %mul3A_607 = arith.muli %mul3A_606, %add3A_605 : i32
      %add3A_608 = arith.constant 0 : i32
      %add3A_609 = arith.addi %mul3A_607, %add3A_608 : i32
      %mul3A_610 = arith.constant 256 : i32
      %mul3A_611 = arith.muli %add3A_609, %mul3A_610 : i32
      %add3A_612 = arith.addi %mul3A_516, %mul3A_611 : i32
      %dma_wait3A_613 = arith.constant 0 : i32
      %dma_wait3A_614 = tpu.memref_slice %arg3[%dma_wait3A_613, %add3A_612] : memref<2x1600000xi32, #tpu.memory_space<hbm>> -> memref<1x256xi32, #tpu.memory_space<hbm>>
      %dma_wait3A_615 = tpu.memref_squeeze %dma_wait3A_614 : memref<1x256xi32, #tpu.memory_space<hbm>> -> memref<256xi32, #tpu.memory_space<hbm>>
      %dma_wait3A_616 = tpu.memref_slice %arg3[%dma_wait3A_613, %add3A_612] : memref<2x1600000xi32, #tpu.memory_space<hbm>> -> memref<1x256xi32, #tpu.memory_space<hbm>>
      %dma_wait3A_617 = tpu.memref_squeeze %dma_wait3A_616 : memref<1x256xi32, #tpu.memory_space<hbm>> -> memref<256xi32, #tpu.memory_space<hbm>>
      tpu.wait_dma2 semaphore(%arg19 : memref<!tpu.dma_semaphore, #tpu.memory_space<semaphore_mem>>) src(%dma_wait3A_617 : memref<256xi32, #tpu.memory_space<hbm>>) dst(%arg6 : memref<256xi32, #tpu.memory_space<vmem>>)
      %dma_wait3A_618 = arith.constant 1 : i32
      %dma_wait3A_619 = tpu.memref_slice %arg3[%dma_wait3A_618, %add3A_612] : memref<2x1600000xi32, #tpu.memory_space<hbm>> -> memref<1x256xi32, #tpu.memory_space<hbm>>
      %dma_wait3A_620 = tpu.memref_squeeze %dma_wait3A_619 : memref<1x256xi32, #tpu.memory_space<hbm>> -> memref<256xi32, #tpu.memory_space<hbm>>
      %dma_wait3A_621 = tpu.memref_slice %arg3[%dma_wait3A_618, %add3A_612] : memref<2x1600000xi32, #tpu.memory_space<hbm>> -> memref<1x256xi32, #tpu.memory_space<hbm>>
      %dma_wait3A_622 = tpu.memref_squeeze %dma_wait3A_621 : memref<1x256xi32, #tpu.memory_space<hbm>> -> memref<256xi32, #tpu.memory_space<hbm>>
      tpu.wait_dma2 semaphore(%arg19 : memref<!tpu.dma_semaphore, #tpu.memory_space<semaphore_mem>>) src(%dma_wait3A_622 : memref<256xi32, #tpu.memory_space<hbm>>) dst(%arg8 : memref<256xi32, #tpu.memory_space<vmem>>)
      %gt3A = arith.constant 0 : i32
      %gt3A_623 = arith.cmpi sgt, %add3A_605, %gt3A : i32
      %convert_element_type3A = arith.extui %gt3A_623 : i1 to i32
      %cond3A = arith.constant 0 : i32
      %cond3A_624 = arith.cmpi ne, %convert_element_type3A, %cond3A : i32
      scf.if %cond3A_624 {
        %dma_wait3A_684 = arith.constant 0 : i32
        %dma_wait3A_685 = arith.constant 0 : i32
        %dma_wait3A_686 = tpu.memref_slice %arg5[%dma_wait3A_684, %dma_wait3A_685] : memref<51200x32xf32, #tpu.memory_space<vmem_shared>> -> memref<51200x32xf32, #tpu.memory_space<vmem_shared>>
        tpu.wait_indirect_dma semaphore(%arg23 : memref<!tpu.dma_semaphore, #tpu.memory_space<semaphore_mem>>) src(%arg12 : memref<256x32xf32, #tpu.memory_space<vmem>>) dst(%dma_wait3A_686 : memref<51200x32xf32, #tpu.memory_space<vmem_shared>>)
      } else {
      }
      %dma_start3A_625 = arith.constant 0 : i32
      %dma_start3A_626 = arith.constant 0 : i32
      %dma_start3A_627 = tpu.memref_slice %arg2[%dma_start3A_625, %dma_start3A_626] : memref<100000x32xf32, #tpu.memory_space<hbm>> -> memref<100000x32xf32, #tpu.memory_space<hbm>>
      tpu.enqueue_indirect_dma source(%dma_start3A_627 : memref<100000x32xf32, #tpu.memory_space<hbm>>) target(%arg12 : memref<256x32xf32, #tpu.memory_space<vmem>>) offsets(%arg6 : memref<256xi32, #tpu.memory_space<vmem>>) semaphore(%arg21 : memref<!tpu.dma_semaphore, #tpu.memory_space<semaphore_mem>>)
      %scan3A_628 = arith.constant 0 : i32
      %scan3A_629 = arith.constant 16 : i32
      %scan3A_630 = arith.addi %scan3A_628, %scan3A_629 : i32
      %scan3A_631 = arith.constant 1 : i32
      scf.for %scan3A_684 = %scan3A_628 to %scan3A_630 step %scan3A_631  : i32 {
        %mul3A_685 = arith.constant 1 : i32
        %mul3A_686 = arith.muli %scan3A_684, %mul3A_685 : i32
        %add3A_687 = arith.constant 0 : i32
        %add3A_688 = arith.addi %add3A_687, %mul3A_686 : i32
        %mul3A_689 = arith.constant 16 : i32
        %mul3A_690 = arith.muli %add3A_688, %mul3A_689 : i32
        %get3A = arith.index_cast %mul3A_690 : i32 to index
        %get3A_691 = tpu.vector_load %arg8[%get3A] {strides = array<i32>} : memref<256xi32, #tpu.memory_space<vmem>>, vector<16xi32>,
        %sub3A = vector.broadcast %mul3A_0 : i32 to vector<16xi32>
        %sub3A_692 = arith.subi %get3A_691, %sub3A : vector<16xi32>
        %ge3A = arith.constant 0 : i32
        %ge3A_693 = vector.broadcast %ge3A : i32 to vector<16xi32>
        %ge3A_694 = arith.cmpi sge, %sub3A_692, %ge3A_693 : vector<16xi32>
        %lt3A_695 = arith.constant 50000 : i32
        %lt3A_696 = vector.broadcast %lt3A_695 : i32 to vector<16xi32>
        %lt3A_697 = arith.cmpi slt, %sub3A_692, %lt3A_696 : vector<16xi32>
        %and3A = arith.andi %ge3A_694, %lt3A_697 : vector<16xi1>
        %and3A_698 = arith.constant 1023 : i32
        %and3A_699 = vector.broadcast %and3A_698 : i32 to vector<16xi32>
        %and3A_700 = arith.andi %get3A_691, %and3A_699 : vector<16xi32>
        %add3A_701 = arith.constant 50000 : i32
        %add3A_702 = vector.broadcast %add3A_701 : i32 to vector<16xi32>
        %add3A_703 = arith.addi %add3A_702, %and3A_700 : vector<16xi32>
        %select_n3A = arith.select %and3A, %sub3A_692, %add3A_703 : vector<16xi1>, vector<16xi32>
        %mul3A_704 = arith.constant 16 : i32
        %mul3A_705 = arith.muli %add3A_688, %mul3A_704 : i32
        %swap3A = arith.index_cast %mul3A_705 : i32 to index
        %swap3A_706 = tpu.vector_load %arg10[%swap3A] {strides = array<i32>} : memref<256xi32, #tpu.memory_space<vmem>>, vector<16xi32>,
        tpu.vector_store %arg10[%swap3A], %select_n3A {strides = array<i32>} : memref<256xi32, #tpu.memory_space<vmem>>, vector<16xi32>,
      }
      %scan3A_632 = arith.constant 16 : i32
      %dma_wait3A_633 = arith.constant 0 : i32
      %dma_wait3A_634 = arith.constant 0 : i32
      %dma_wait3A_635 = tpu.memref_slice %arg2[%dma_wait3A_633, %dma_wait3A_634] : memref<100000x32xf32, #tpu.memory_space<hbm>> -> memref<100000x32xf32, #tpu.memory_space<hbm>>
      tpu.wait_indirect_dma semaphore(%arg21 : memref<!tpu.dma_semaphore, #tpu.memory_space<semaphore_mem>>) src(%dma_wait3A_635 : memref<100000x32xf32, #tpu.memory_space<hbm>>) dst(%arg12 : memref<256x32xf32, #tpu.memory_space<vmem>>)
      %dma_start3A_636 = arith.constant 0 : i32
      %dma_start3A_637 = arith.constant 0 : i32
      %dma_start3A_638 = tpu.memref_slice %arg5[%dma_start3A_636, %dma_start3A_637] : memref<51200x32xf32, #tpu.memory_space<vmem_shared>> -> memref<51200x32xf32, #tpu.memory_space<vmem_shared>>
      tpu.enqueue_indirect_dma source(%arg12 : memref<256x32xf32, #tpu.memory_space<vmem>>) target(%dma_start3A_638 : memref<51200x32xf32, #tpu.memory_space<vmem_shared>>) offsets(%arg10 : memref<256xi32, #tpu.memory_space<vmem>>) semaphore(%arg23 : memref<!tpu.dma_semaphore, #tpu.memory_space<semaphore_mem>>) {add = true}
      %lt3A = arith.constant 194 : i32
      %lt3A_639 = arith.cmpi slt, %add3A_605, %lt3A : i32
      %convert_element_type3A_640 = arith.extui %lt3A_639 : i1 to i32
      %cond3A_641 = arith.constant 0 : i32
      %cond3A_642 = arith.cmpi ne, %convert_element_type3A_640, %cond3A_641 : i32
      scf.if %cond3A_642 {
        %add3A_684 = arith.constant 2 : i32
        %add3A_685 = arith.addi %add3A_609, %add3A_684 : i32
        %mul3A_686 = arith.constant 256 : i32
        %mul3A_687 = arith.muli %add3A_685, %mul3A_686 : i32
        %add3A_688 = arith.addi %mul3A_516, %mul3A_687 : i32
        %dma_start3A_689 = arith.constant 0 : i32
        %dma_start3A_690 = tpu.memref_slice %arg3[%dma_start3A_689, %add3A_688] : memref<2x1600000xi32, #tpu.memory_space<hbm>> -> memref<1x256xi32, #tpu.memory_space<hbm>>
        %dma_start3A_691 = tpu.memref_squeeze %dma_start3A_690 : memref<1x256xi32, #tpu.memory_space<hbm>> -> memref<256xi32, #tpu.memory_space<hbm>>
        %dma_start3A_692 = tpu.memref_slice %arg3[%dma_start3A_689, %add3A_688] : memref<2x1600000xi32, #tpu.memory_space<hbm>> -> memref<1x256xi32, #tpu.memory_space<hbm>>
        %dma_start3A_693 = tpu.memref_squeeze %dma_start3A_692 : memref<1x256xi32, #tpu.memory_space<hbm>> -> memref<256xi32, #tpu.memory_space<hbm>>
        tpu.enqueue_dma source(%dma_start3A_693 : memref<256xi32, #tpu.memory_space<hbm>>) target(%arg6 : memref<256xi32, #tpu.memory_space<vmem>>) target_semaphore(%arg19 : memref<!tpu.dma_semaphore, #tpu.memory_space<semaphore_mem>>)
        %dma_start3A_694 = arith.constant 1 : i32
        %dma_start3A_695 = tpu.memref_slice %arg3[%dma_start3A_694, %add3A_688] : memref<2x1600000xi32, #tpu.memory_space<hbm>> -> memref<1x256xi32, #tpu.memory_space<hbm>>
        %dma_start3A_696 = tpu.memref_squeeze %dma_start3A_695 : memref<1x256xi32, #tpu.memory_space<hbm>> -> memref<256xi32, #tpu.memory_space<hbm>>
        %dma_start3A_697 = tpu.memref_slice %arg3[%dma_start3A_694, %add3A_688] : memref<2x1600000xi32, #tpu.memory_space<hbm>> -> memref<1x256xi32, #tpu.memory_space<hbm>>
        %dma_start3A_698 = tpu.memref_squeeze %dma_start3A_697 : memref<1x256xi32, #tpu.memory_space<hbm>> -> memref<256xi32, #tpu.memory_space<hbm>>
        tpu.enqueue_dma source(%dma_start3A_698 : memref<256xi32, #tpu.memory_space<hbm>>) target(%arg8 : memref<256xi32, #tpu.memory_space<vmem>>) target_semaphore(%arg19 : memref<!tpu.dma_semaphore, #tpu.memory_space<semaphore_mem>>)
      } else {
      }
      %mul3A_643 = arith.constant 2 : i32
      %mul3A_644 = arith.muli %mul3A_643, %add3A_605 : i32
      %add3A_645 = arith.constant 1 : i32
      %add3A_646 = arith.addi %mul3A_644, %add3A_645 : i32
      %mul3A_647 = arith.constant 256 : i32
      %mul3A_648 = arith.muli %add3A_646, %mul3A_647 : i32
      %add3A_649 = arith.addi %mul3A_516, %mul3A_648 : i32
      %dma_wait3A_650 = arith.constant 0 : i32
      %dma_wait3A_651 = tpu.memref_slice %arg3[%dma_wait3A_650, %add3A_649] : memref<2x1600000xi32, #tpu.memory_space<hbm>> -> memref<1x256xi32, #tpu.memory_space<hbm>>
      %dma_wait3A_652 = tpu.memref_squeeze %dma_wait3A_651 : memref<1x256xi32, #tpu.memory_space<hbm>> -> memref<256xi32, #tpu.memory_space<hbm>>
      %dma_wait3A_653 = tpu.memref_slice %arg3[%dma_wait3A_650, %add3A_649] : memref<2x1600000xi32, #tpu.memory_space<hbm>> -> memref<1x256xi32, #tpu.memory_space<hbm>>
      %dma_wait3A_654 = tpu.memref_squeeze %dma_wait3A_653 : memref<1x256xi32, #tpu.memory_space<hbm>> -> memref<256xi32, #tpu.memory_space<hbm>>
      tpu.wait_dma2 semaphore(%arg20 : memref<!tpu.dma_semaphore, #tpu.memory_space<semaphore_mem>>) src(%dma_wait3A_654 : memref<256xi32, #tpu.memory_space<hbm>>) dst(%arg7 : memref<256xi32, #tpu.memory_space<vmem>>)
      %dma_wait3A_655 = arith.constant 1 : i32
      %dma_wait3A_656 = tpu.memref_slice %arg3[%dma_wait3A_655, %add3A_649] : memref<2x1600000xi32, #tpu.memory_space<hbm>> -> memref<1x256xi32, #tpu.memory_space<hbm>>
      %dma_wait3A_657 = tpu.memref_squeeze %dma_wait3A_656 : memref<1x256xi32, #tpu.memory_space<hbm>> -> memref<256xi32, #tpu.memory_space<hbm>>
      %dma_wait3A_658 = tpu.memref_slice %arg3[%dma_wait3A_655, %add3A_649] : memref<2x1600000xi32, #tpu.memory_space<hbm>> -> memref<1x256xi32, #tpu.memory_space<hbm>>
      %dma_wait3A_659 = tpu.memref_squeeze %dma_wait3A_658 : memref<1x256xi32, #tpu.memory_space<hbm>> -> memref<256xi32, #tpu.memory_space<hbm>>
      tpu.wait_dma2 semaphore(%arg20 : memref<!tpu.dma_semaphore, #tpu.memory_space<semaphore_mem>>) src(%dma_wait3A_659 : memref<256xi32, #tpu.memory_space<hbm>>) dst(%arg9 : memref<256xi32, #tpu.memory_space<vmem>>)
      %gt3A_660 = arith.constant 0 : i32
      %gt3A_661 = arith.cmpi sgt, %add3A_605, %gt3A_660 : i32
      %convert_element_type3A_662 = arith.extui %gt3A_661 : i1 to i32
      %cond3A_663 = arith.constant 0 : i32
      %cond3A_664 = arith.cmpi ne, %convert_element_type3A_662, %cond3A_663 : i32
      scf.if %cond3A_664 {
        %dma_wait3A_684 = arith.constant 0 : i32
        %dma_wait3A_685 = arith.constant 0 : i32
        %dma_wait3A_686 = tpu.memref_slice %arg5[%dma_wait3A_684, %dma_wait3A_685] : memref<51200x32xf32, #tpu.memory_space<vmem_shared>> -> memref<51200x32xf32, #tpu.memory_space<vmem_shared>>
        tpu.wait_indirect_dma semaphore(%arg24 : memref<!tpu.dma_semaphore, #tpu.memory_space<semaphore_mem>>) src(%arg13 : memref<256x32xf32, #tpu.memory_space<vmem>>) dst(%dma_wait3A_686 : memref<51200x32xf32, #tpu.memory_space<vmem_shared>>)
      } else {
      }
      %dma_start3A_665 = arith.constant 0 : i32
      %dma_start3A_666 = arith.constant 0 : i32
      %dma_start3A_667 = tpu.memref_slice %arg2[%dma_start3A_665, %dma_start3A_666] : memref<100000x32xf32, #tpu.memory_space<hbm>> -> memref<100000x32xf32, #tpu.memory_space<hbm>>
      tpu.enqueue_indirect_dma source(%dma_start3A_667 : memref<100000x32xf32, #tpu.memory_space<hbm>>) target(%arg13 : memref<256x32xf32, #tpu.memory_space<vmem>>) offsets(%arg7 : memref<256xi32, #tpu.memory_space<vmem>>) semaphore(%arg22 : memref<!tpu.dma_semaphore, #tpu.memory_space<semaphore_mem>>)
      %scan3A_668 = arith.constant 0 : i32
      %scan3A_669 = arith.constant 16 : i32
      %scan3A_670 = arith.addi %scan3A_668, %scan3A_669 : i32
      %scan3A_671 = arith.constant 1 : i32
      scf.for %scan3A_684 = %scan3A_668 to %scan3A_670 step %scan3A_671  : i32 {
        %mul3A_685 = arith.constant 1 : i32
        %mul3A_686 = arith.muli %scan3A_684, %mul3A_685 : i32
        %add3A_687 = arith.constant 0 : i32
        %add3A_688 = arith.addi %add3A_687, %mul3A_686 : i32
        %mul3A_689 = arith.constant 16 : i32
        %mul3A_690 = arith.muli %add3A_688, %mul3A_689 : i32
        %get3A = arith.index_cast %mul3A_690 : i32 to index
        %get3A_691 = tpu.vector_load %arg9[%get3A] {strides = array<i32>} : memref<256xi32, #tpu.memory_space<vmem>>, vector<16xi32>,
        %sub3A = vector.broadcast %mul3A_0 : i32 to vector<16xi32>
        %sub3A_692 = arith.subi %get3A_691, %sub3A : vector<16xi32>
        %ge3A = arith.constant 0 : i32
        %ge3A_693 = vector.broadcast %ge3A : i32 to vector<16xi32>
        %ge3A_694 = arith.cmpi sge, %sub3A_692, %ge3A_693 : vector<16xi32>
        %lt3A_695 = arith.constant 50000 : i32
        %lt3A_696 = vector.broadcast %lt3A_695 : i32 to vector<16xi32>
        %lt3A_697 = arith.cmpi slt, %sub3A_692, %lt3A_696 : vector<16xi32>
        %and3A = arith.andi %ge3A_694, %lt3A_697 : vector<16xi1>
        %and3A_698 = arith.constant 1023 : i32
        %and3A_699 = vector.broadcast %and3A_698 : i32 to vector<16xi32>
        %and3A_700 = arith.andi %get3A_691, %and3A_699 : vector<16xi32>
        %add3A_701 = arith.constant 50000 : i32
        %add3A_702 = vector.broadcast %add3A_701 : i32 to vector<16xi32>
        %add3A_703 = arith.addi %add3A_702, %and3A_700 : vector<16xi32>
        %select_n3A = arith.select %and3A, %sub3A_692, %add3A_703 : vector<16xi1>, vector<16xi32>
        %mul3A_704 = arith.constant 16 : i32
        %mul3A_705 = arith.muli %add3A_688, %mul3A_704 : i32
        %swap3A = arith.index_cast %mul3A_705 : i32 to index
        %swap3A_706 = tpu.vector_load %arg11[%swap3A] {strides = array<i32>} : memref<256xi32, #tpu.memory_space<vmem>>, vector<16xi32>,
        tpu.vector_store %arg11[%swap3A], %select_n3A {strides = array<i32>} : memref<256xi32, #tpu.memory_space<vmem>>, vector<16xi32>,
      }
      %scan3A_672 = arith.constant 16 : i32
      %dma_wait3A_673 = arith.constant 0 : i32
      %dma_wait3A_674 = arith.constant 0 : i32
      %dma_wait3A_675 = tpu.memref_slice %arg2[%dma_wait3A_673, %dma_wait3A_674] : memref<100000x32xf32, #tpu.memory_space<hbm>> -> memref<100000x32xf32, #tpu.memory_space<hbm>>
      tpu.wait_indirect_dma semaphore(%arg22 : memref<!tpu.dma_semaphore, #tpu.memory_space<semaphore_mem>>) src(%dma_wait3A_675 : memref<100000x32xf32, #tpu.memory_space<hbm>>) dst(%arg13 : memref<256x32xf32, #tpu.memory_space<vmem>>)
      %dma_start3A_676 = arith.constant 0 : i32
      %dma_start3A_677 = arith.constant 0 : i32
      %dma_start3A_678 = tpu.memref_slice %arg5[%dma_start3A_676, %dma_start3A_677] : memref<51200x32xf32, #tpu.memory_space<vmem_shared>> -> memref<51200x32xf32, #tpu.memory_space<vmem_shared>>
      tpu.enqueue_indirect_dma source(%arg13 : memref<256x32xf32, #tpu.memory_space<vmem>>) target(%dma_start3A_678 : memref<51200x32xf32, #tpu.memory_space<vmem_shared>>) offsets(%arg11 : memref<256xi32, #tpu.memory_space<vmem>>) semaphore(%arg24 : memref<!tpu.dma_semaphore, #tpu.memory_space<semaphore_mem>>) {add = true}
      %lt3A_679 = arith.constant 194 : i32
      %lt3A_680 = arith.cmpi slt, %add3A_605, %lt3A_679 : i32
      %convert_element_type3A_681 = arith.extui %lt3A_680 : i1 to i32
      %cond3A_682 = arith.constant 0 : i32
      %cond3A_683 = arith.cmpi ne, %convert_element_type3A_681, %cond3A_682 : i32
      scf.if %cond3A_683 {
        %add3A_684 = arith.constant 2 : i32
        %add3A_685 = arith.addi %add3A_646, %add3A_684 : i32
        %mul3A_686 = arith.constant 256 : i32
        %mul3A_687 = arith.muli %add3A_685, %mul3A_686 : i32
        %add3A_688 = arith.addi %mul3A_516, %mul3A_687 : i32
        %dma_start3A_689 = arith.constant 0 : i32
        %dma_start3A_690 = tpu.memref_slice %arg3[%dma_start3A_689, %add3A_688] : memref<2x1600000xi32, #tpu.memory_space<hbm>> -> memref<1x256xi32, #tpu.memory_space<hbm>>
        %dma_start3A_691 = tpu.memref_squeeze %dma_start3A_690 : memref<1x256xi32, #tpu.memory_space<hbm>> -> memref<256xi32, #tpu.memory_space<hbm>>
        %dma_start3A_692 = tpu.memref_slice %arg3[%dma_start3A_689, %add3A_688] : memref<2x1600000xi32, #tpu.memory_space<hbm>> -> memref<1x256xi32, #tpu.memory_space<hbm>>
        %dma_start3A_693 = tpu.memref_squeeze %dma_start3A_692 : memref<1x256xi32, #tpu.memory_space<hbm>> -> memref<256xi32, #tpu.memory_space<hbm>>
        tpu.enqueue_dma source(%dma_start3A_693 : memref<256xi32, #tpu.memory_space<hbm>>) target(%arg7 : memref<256xi32, #tpu.memory_space<vmem>>) target_semaphore(%arg20 : memref<!tpu.dma_semaphore, #tpu.memory_space<semaphore_mem>>)
        %dma_start3A_694 = arith.constant 1 : i32
        %dma_start3A_695 = tpu.memref_slice %arg3[%dma_start3A_694, %add3A_688] : memref<2x1600000xi32, #tpu.memory_space<hbm>> -> memref<1x256xi32, #tpu.memory_space<hbm>>
        %dma_start3A_696 = tpu.memref_squeeze %dma_start3A_695 : memref<1x256xi32, #tpu.memory_space<hbm>> -> memref<256xi32, #tpu.memory_space<hbm>>
        %dma_start3A_697 = tpu.memref_slice %arg3[%dma_start3A_694, %add3A_688] : memref<2x1600000xi32, #tpu.memory_space<hbm>> -> memref<1x256xi32, #tpu.memory_space<hbm>>
        %dma_start3A_698 = tpu.memref_squeeze %dma_start3A_697 : memref<1x256xi32, #tpu.memory_space<hbm>> -> memref<256xi32, #tpu.memory_space<hbm>>
        tpu.enqueue_dma source(%dma_start3A_698 : memref<256xi32, #tpu.memory_space<hbm>>) target(%arg9 : memref<256xi32, #tpu.memory_space<vmem>>) target_semaphore(%arg20 : memref<!tpu.dma_semaphore, #tpu.memory_space<semaphore_mem>>)
      } else {
      }
    }
    %scan3A_549 = arith.constant 195 : i32
    %dma_wait3A_550 = arith.constant 0 : i32
    %dma_wait3A_551 = arith.constant 0 : i32
    %dma_wait3A_552 = tpu.memref_slice %arg5[%dma_wait3A_550, %dma_wait3A_551] : memref<51200x32xf32, #tpu.memory_space<vmem_shared>> -> memref<51200x32xf32, #tpu.memory_space<vmem_shared>>
    tpu.wait_indirect_dma semaphore(%arg23 : memref<!tpu.dma_semaphore, #tpu.memory_space<semaphore_mem>>) src(%arg12 : memref<256x32xf32, #tpu.memory_space<vmem>>) dst(%dma_wait3A_552 : memref<51200x32xf32, #tpu.memory_space<vmem_shared>>)
    %dma_wait3A_553 = arith.constant 0 : i32
    %dma_wait3A_554 = arith.constant 0 : i32
    %dma_wait3A_555 = tpu.memref_slice %arg5[%dma_wait3A_553, %dma_wait3A_554] : memref<51200x32xf32, #tpu.memory_space<vmem_shared>> -> memref<51200x32xf32, #tpu.memory_space<vmem_shared>>
    tpu.wait_indirect_dma semaphore(%arg24 : memref<!tpu.dma_semaphore, #tpu.memory_space<semaphore_mem>>) src(%arg13 : memref<256x32xf32, #tpu.memory_space<vmem>>) dst(%dma_wait3A_555 : memref<51200x32xf32, #tpu.memory_space<vmem_shared>>)
    %add3A_556 = arith.constant 99840 : i32
    %add3A_557 = arith.addi %mul3A_516, %add3A_556 : i32
    %dma_start3A_558 = arith.constant 0 : i32
    %dma_start3A_559 = tpu.memref_slice %arg3[%dma_start3A_558, %add3A_557] : memref<2x1600000xi32, #tpu.memory_space<hbm>> -> memref<1x160xi32, #tpu.memory_space<hbm>>
    %dma_start3A_560 = tpu.memref_squeeze %dma_start3A_559 : memref<1x160xi32, #tpu.memory_space<hbm>> -> memref<160xi32, #tpu.memory_space<hbm>>
    %dma_start3A_561 = tpu.memref_slice %arg3[%dma_start3A_558, %add3A_557] : memref<2x1600000xi32, #tpu.memory_space<hbm>> -> memref<1x160xi32, #tpu.memory_space<hbm>>
    %dma_start3A_562 = tpu.memref_squeeze %dma_start3A_561 : memref<1x160xi32, #tpu.memory_space<hbm>> -> memref<160xi32, #tpu.memory_space<hbm>>
    tpu.enqueue_dma source(%dma_start3A_562 : memref<160xi32, #tpu.memory_space<hbm>>) target(%arg14 : memref<160xi32, #tpu.memory_space<vmem>>) target_semaphore(%arg19 : memref<!tpu.dma_semaphore, #tpu.memory_space<semaphore_mem>>)
    %dma_start3A_563 = arith.constant 1 : i32
    %dma_start3A_564 = tpu.memref_slice %arg3[%dma_start3A_563, %add3A_557] : memref<2x1600000xi32, #tpu.memory_space<hbm>> -> memref<1x160xi32, #tpu.memory_space<hbm>>
    %dma_start3A_565 = tpu.memref_squeeze %dma_start3A_564 : memref<1x160xi32, #tpu.memory_space<hbm>> -> memref<160xi32, #tpu.memory_space<hbm>>
    %dma_start3A_566 = tpu.memref_slice %arg3[%dma_start3A_563, %add3A_557] : memref<2x1600000xi32, #tpu.memory_space<hbm>> -> memref<1x160xi32, #tpu.memory_space<hbm>>
    %dma_start3A_567 = tpu.memref_squeeze %dma_start3A_566 : memref<1x160xi32, #tpu.memory_space<hbm>> -> memref<160xi32, #tpu.memory_space<hbm>>
    tpu.enqueue_dma source(%dma_start3A_567 : memref<160xi32, #tpu.memory_space<hbm>>) target(%arg15 : memref<160xi32, #tpu.memory_space<vmem>>) target_semaphore(%arg19 : memref<!tpu.dma_semaphore, #tpu.memory_space<semaphore_mem>>)
    %dma_wait3A_568 = arith.constant 0 : i32
    %dma_wait3A_569 = tpu.memref_slice %arg3[%dma_wait3A_568, %add3A_557] : memref<2x1600000xi32, #tpu.memory_space<hbm>> -> memref<1x160xi32, #tpu.memory_space<hbm>>
    %dma_wait3A_570 = tpu.memref_squeeze %dma_wait3A_569 : memref<1x160xi32, #tpu.memory_space<hbm>> -> memref<160xi32, #tpu.memory_space<hbm>>
    %dma_wait3A_571 = tpu.memref_slice %arg3[%dma_wait3A_568, %add3A_557] : memref<2x1600000xi32, #tpu.memory_space<hbm>> -> memref<1x160xi32, #tpu.memory_space<hbm>>
    %dma_wait3A_572 = tpu.memref_squeeze %dma_wait3A_571 : memref<1x160xi32, #tpu.memory_space<hbm>> -> memref<160xi32, #tpu.memory_space<hbm>>
    tpu.wait_dma2 semaphore(%arg19 : memref<!tpu.dma_semaphore, #tpu.memory_space<semaphore_mem>>) src(%dma_wait3A_572 : memref<160xi32, #tpu.memory_space<hbm>>) dst(%arg14 : memref<160xi32, #tpu.memory_space<vmem>>)
    %dma_wait3A_573 = arith.constant 1 : i32
    %dma_wait3A_574 = tpu.memref_slice %arg3[%dma_wait3A_573, %add3A_557] : memref<2x1600000xi32, #tpu.memory_space<hbm>> -> memref<1x160xi32, #tpu.memory_space<hbm>>
    %dma_wait3A_575 = tpu.memref_squeeze %dma_wait3A_574 : memref<1x160xi32, #tpu.memory_space<hbm>> -> memref<160xi32, #tpu.memory_space<hbm>>
    %dma_wait3A_576 = tpu.memref_slice %arg3[%dma_wait3A_573, %add3A_557] : memref<2x1600000xi32, #tpu.memory_space<hbm>> -> memref<1x160xi32, #tpu.memory_space<hbm>>
    %dma_wait3A_577 = tpu.memref_squeeze %dma_wait3A_576 : memref<1x160xi32, #tpu.memory_space<hbm>> -> memref<160xi32, #tpu.memory_space<hbm>>
    tpu.wait_dma2 semaphore(%arg19 : memref<!tpu.dma_semaphore, #tpu.memory_space<semaphore_mem>>) src(%dma_wait3A_577 : memref<160xi32, #tpu.memory_space<hbm>>) dst(%arg15 : memref<160xi32, #tpu.memory_space<vmem>>)
    %dma_start3A_578 = arith.constant 0 : i32
    %dma_start3A_579 = arith.constant 0 : i32
    %dma_start3A_580 = tpu.memref_slice %arg2[%dma_start3A_578, %dma_start3A_579] : memref<100000x32xf32, #tpu.memory_space<hbm>> -> memref<100000x32xf32, #tpu.memory_space<hbm>>
    tpu.enqueue_indirect_dma source(%dma_start3A_580 : memref<100000x32xf32, #tpu.memory_space<hbm>>) target(%arg17 : memref<160x32xf32, #tpu.memory_space<vmem>>) offsets(%arg14 : memref<160xi32, #tpu.memory_space<vmem>>) semaphore(%arg21 : memref<!tpu.dma_semaphore, #tpu.memory_space<semaphore_mem>>)
    %scan3A_581 = arith.constant 0 : i32
    %scan3A_582 = arith.constant 10 : i32
    %scan3A_583 = arith.addi %scan3A_581, %scan3A_582 : i32
    %scan3A_584 = arith.constant 1 : i32
    scf.for %scan3A_601 = %scan3A_581 to %scan3A_583 step %scan3A_584  : i32 {
      %mul3A_602 = arith.constant 1 : i32
      %mul3A_603 = arith.muli %scan3A_601, %mul3A_602 : i32
      %add3A_604 = arith.constant 0 : i32
      %add3A_605 = arith.addi %add3A_604, %mul3A_603 : i32
      %mul3A_606 = arith.constant 16 : i32
      %mul3A_607 = arith.muli %add3A_605, %mul3A_606 : i32
      %get3A = arith.index_cast %mul3A_607 : i32 to index
      %get3A_608 = tpu.vector_load %arg15[%get3A] {strides = array<i32>} : memref<160xi32, #tpu.memory_space<vmem>>, vector<16xi32>,
      %sub3A = vector.broadcast %mul3A_0 : i32 to vector<16xi32>
      %sub3A_609 = arith.subi %get3A_608, %sub3A : vector<16xi32>
      %ge3A = arith.constant 0 : i32
      %ge3A_610 = vector.broadcast %ge3A : i32 to vector<16xi32>
      %ge3A_611 = arith.cmpi sge, %sub3A_609, %ge3A_610 : vector<16xi32>
      %lt3A = arith.constant 50000 : i32
      %lt3A_612 = vector.broadcast %lt3A : i32 to vector<16xi32>
      %lt3A_613 = arith.cmpi slt, %sub3A_609, %lt3A_612 : vector<16xi32>
      %and3A = arith.andi %ge3A_611, %lt3A_613 : vector<16xi1>
      %and3A_614 = arith.constant 1023 : i32
      %and3A_615 = vector.broadcast %and3A_614 : i32 to vector<16xi32>
      %and3A_616 = arith.andi %get3A_608, %and3A_615 : vector<16xi32>
      %add3A_617 = arith.constant 50000 : i32
      %add3A_618 = vector.broadcast %add3A_617 : i32 to vector<16xi32>
      %add3A_619 = arith.addi %add3A_618, %and3A_616 : vector<16xi32>
      %select_n3A = arith.select %and3A, %sub3A_609, %add3A_619 : vector<16xi1>, vector<16xi32>
      %mul3A_620 = arith.constant 16 : i32
      %mul3A_621 = arith.muli %add3A_605, %mul3A_620 : i32
      %swap3A = arith.index_cast %mul3A_621 : i32 to index
      %swap3A_622 = tpu.vector_load %arg16[%swap3A] {strides = array<i32>} : memref<160xi32, #tpu.memory_space<vmem>>, vector<16xi32>,
      tpu.vector_store %arg16[%swap3A], %select_n3A {strides = array<i32>} : memref<160xi32, #tpu.memory_space<vmem>>, vector<16xi32>,
    }
    %scan3A_585 = arith.constant 10 : i32
    %dma_wait3A_586 = arith.constant 0 : i32
    %dma_wait3A_587 = arith.constant 0 : i32
    %dma_wait3A_588 = tpu.memref_slice %arg2[%dma_wait3A_586, %dma_wait3A_587] : memref<100000x32xf32, #tpu.memory_space<hbm>> -> memref<100000x32xf32, #tpu.memory_space<hbm>>
    tpu.wait_indirect_dma semaphore(%arg21 : memref<!tpu.dma_semaphore, #tpu.memory_space<semaphore_mem>>) src(%dma_wait3A_588 : memref<100000x32xf32, #tpu.memory_space<hbm>>) dst(%arg17 : memref<160x32xf32, #tpu.memory_space<vmem>>)
    %dma_start3A_589 = arith.constant 0 : i32
    %dma_start3A_590 = arith.constant 0 : i32
    %dma_start3A_591 = tpu.memref_slice %arg5[%dma_start3A_589, %dma_start3A_590] : memref<51200x32xf32, #tpu.memory_space<vmem_shared>> -> memref<51200x32xf32, #tpu.memory_space<vmem_shared>>
    tpu.enqueue_indirect_dma source(%arg17 : memref<160x32xf32, #tpu.memory_space<vmem>>) target(%dma_start3A_591 : memref<51200x32xf32, #tpu.memory_space<vmem_shared>>) offsets(%arg16 : memref<160xi32, #tpu.memory_space<vmem>>) semaphore(%arg23 : memref<!tpu.dma_semaphore, #tpu.memory_space<semaphore_mem>>) {add = true}
    %dma_wait3A_592 = arith.constant 0 : i32
    %dma_wait3A_593 = arith.constant 0 : i32
    %dma_wait3A_594 = tpu.memref_slice %arg5[%dma_wait3A_592, %dma_wait3A_593] : memref<51200x32xf32, #tpu.memory_space<vmem_shared>> -> memref<51200x32xf32, #tpu.memory_space<vmem_shared>>
    tpu.wait_indirect_dma semaphore(%arg23 : memref<!tpu.dma_semaphore, #tpu.memory_space<semaphore_mem>>) src(%arg17 : memref<160x32xf32, #tpu.memory_space<vmem>>) dst(%dma_wait3A_594 : memref<51200x32xf32, #tpu.memory_space<vmem_shared>>)
    %barrier3A_595 = arith.constant 0 : index
    tpu.barrier barrier_id(%barrier3A_595)
    %mul3A_596 = arith.constant 3125 : i32
    %mul3A_597 = arith.muli %arg1, %mul3A_596 : i32
    %mul3A_598 = arith.constant 3125 : i32
    %mul3A_599 = arith.muli %arg1, %mul3A_598 : i32
    %add3A_600 = arith.addi %mul3A_0, %mul3A_599 : i32
    "tpu.region"() ({
      %run_scoped3A = tpu.sem_alloc : memref<!tpu.dma_semaphore, #tpu.memory_space<semaphore_mem>>
      %dma_start3A_601 = arith.constant 0 : i32
      %dma_start3A_602 = tpu.memref_slice %arg4[%add3A_600, %dma_start3A_601] : memref<100000x32xf32, #tpu.memory_space<hbm>> -> memref<3125x32xf32, #tpu.memory_space<hbm>>
      %dma_start3A_603 = arith.constant 0 : i32
      %dma_start3A_604 = tpu.memref_slice %arg5[%mul3A_597, %dma_start3A_603] : memref<51200x32xf32, #tpu.memory_space<vmem_shared>> -> memref<3125x32xf32, #tpu.memory_space<vmem_shared>>
      tpu.enqueue_dma source(%dma_start3A_604 : memref<3125x32xf32, #tpu.memory_space<vmem_shared>>) target(%dma_start3A_602 : memref<3125x32xf32, #tpu.memory_space<hbm>>) target_semaphore(%run_scoped3A : memref<!tpu.dma_semaphore, #tpu.memory_space<semaphore_mem>>)
      %dma_wait3A_605 = arith.constant 0 : i32
      %dma_wait3A_606 = tpu.memref_slice %arg4[%add3A_600, %dma_wait3A_605] : memref<100000x32xf32, #tpu.memory_space<hbm>> -> memref<3125x32xf32, #tpu.memory_space<hbm>>
      %dma_wait3A_607 = arith.constant 0 : i32
      %dma_wait3A_608 = tpu.memref_slice %arg5[%mul3A_597, %dma_wait3A_607] : memref<51200x32xf32, #tpu.memory_space<vmem_shared>> -> memref<3125x32xf32, #tpu.memory_space<vmem_shared>>
      tpu.wait_dma2 semaphore(%run_scoped3A : memref<!tpu.dma_semaphore, #tpu.memory_space<semaphore_mem>>) src(%dma_wait3A_608 : memref<3125x32xf32, #tpu.memory_space<vmem_shared>>) dst(%dma_wait3A_606 : memref<3125x32xf32, #tpu.memory_space<hbm>>)
      tpu.yield
    }) : () -> ()
    return
  }
}

#map = affine_map<(d0, d1) -> (0)>
#map1 = affine_map<(d0, d1) -> (0, 0)>
module attributes {stable_mosaic.version = 14 : i64} {
  func.func @_hist_kernel(%arg0: i32, %arg1: i32, %arg2: memref<6400000xi32, #tpu.memory_space<hbm>>, %arg3: memref<12800xi32, #tpu.memory_space<hbm>>, %arg4: memref<25600x16xf32, #tpu.memory_space<hbm>>, %arg5: memref<12800x16xf32, #tpu.memory_space<vmem_shared>>, %arg6: memref<6400x16xf32, #tpu.memory_space<vmem>>, %arg7: memref<2x4096xi32, #tpu.memory_space<vmem>>, %arg8: memref<6400xi32, #tpu.memory_space<vmem>>, %arg9: memref<!tpu.dma_semaphore, #tpu.memory_space<semaphore_mem>>, %arg10: memref<!tpu.dma_semaphore, #tpu.memory_space<semaphore_mem>>) attributes {dimension_semantics = [#tpu.dimension_semantics<core_parallel>, #tpu.dimension_semantics<subcore_parallel>], iteration_bounds = array<i64: 2, 16>, scalar_prefetch = 0 : i64, scratch_operands = 6 : i64, tpu.core_type = #tpu.core_type<sc_vector_subcore>, window_params = [{transform_indices = #map}, {transform_indices = #map}, {transform_indices = #map1}]} {
    %jit3A = arith.constant 8 : i32
    %div3A = arith.divsi %arg1, %jit3A : i32
    %sign3A = arith.constant 0 : i32
    %sign3A_0 = arith.cmpi sgt, %arg1, %sign3A : i32
    %sign3A_1 = arith.extui %sign3A_0 : i1 to i32
    %sign3A_2 = arith.constant 0 : i32
    %sign3A_3 = arith.cmpi slt, %arg1, %sign3A_2 : i32
    %sign3A_4 = arith.extui %sign3A_3 : i1 to i32
    %sign3A_5 = arith.subi %sign3A_1, %sign3A_4 : i32
    %sign3A_6 = arith.constant 0 : i32
    %sign3A_7 = arith.cmpi sgt, %jit3A, %sign3A_6 : i32
    %sign3A_8 = arith.extui %sign3A_7 : i1 to i32
    %sign3A_9 = arith.constant 0 : i32
    %sign3A_10 = arith.cmpi slt, %jit3A, %sign3A_9 : i32
    %sign3A_11 = arith.extui %sign3A_10 : i1 to i32
    %sign3A_12 = arith.subi %sign3A_8, %sign3A_11 : i32
    %ne3A = arith.cmpi ne, %sign3A_5, %sign3A_12 : i32
    %rem3A = arith.remsi %arg1, %jit3A : i32
    %ne3A_13 = arith.constant 0 : i32
    %ne3A_14 = arith.cmpi ne, %rem3A, %ne3A_13 : i32
    %and3A = arith.andi %ne3A, %ne3A_14 : i1
    %sub3A = arith.constant 1 : i32
    %sub3A_15 = arith.subi %div3A, %sub3A : i32
    %select_n3A = arith.select %and3A, %sub3A_15, %div3A : i32
    %jit3A_16 = arith.constant 8 : i32
    %eq3A = arith.constant 0 : i32
    %eq3A_17 = arith.cmpi eq, %jit3A_16, %eq3A : i32
    %jit3A_18 = arith.constant 1 : i32
    %select_n3A_19 = arith.select %eq3A_17, %jit3A_18, %jit3A_16 : i32
    %rem3A_20 = arith.remsi %arg1, %select_n3A_19 : i32
    %ne3A_21 = arith.constant 0 : i32
    %ne3A_22 = arith.cmpi ne, %rem3A_20, %ne3A_21 : i32
    %lt3A = arith.constant 0 : i32
    %lt3A_23 = arith.cmpi slt, %rem3A_20, %lt3A : i32
    %lt3A_24 = arith.constant 0 : i32
    %lt3A_25 = arith.cmpi slt, %select_n3A_19, %lt3A_24 : i32
    %ne3A_26 = arith.xori %lt3A_23, %lt3A_25 : i1
    %and3A_27 = arith.andi %ne3A_26, %ne3A_22 : i1
    %add3A = arith.addi %rem3A_20, %select_n3A_19 : i32
    %select_n3A_28 = arith.select %and3A_27, %add3A, %rem3A_20 : i32
    %mul3A = arith.constant 6400 : i32
    %mul3A_29 = arith.muli %select_n3A, %mul3A : i32
    "tpu.region"() ({
      %run_scoped3A = tpu.sem_alloc : memref<!tpu.dma_semaphore, #tpu.memory_space<semaphore_mem>>
      %dma_start3A_109 = tpu.memref_slice %arg3[%mul3A_29] : memref<12800xi32, #tpu.memory_space<hbm>> -> memref<6400xi32, #tpu.memory_space<hbm>>
      %dma_start3A_110 = tpu.memref_slice %arg3[%mul3A_29] : memref<12800xi32, #tpu.memory_space<hbm>> -> memref<6400xi32, #tpu.memory_space<hbm>>
      tpu.enqueue_dma source(%dma_start3A_110 : memref<6400xi32, #tpu.memory_space<hbm>>) target(%arg8 : memref<6400xi32, #tpu.memory_space<vmem>>) target_semaphore(%run_scoped3A : memref<!tpu.dma_semaphore, #tpu.memory_space<semaphore_mem>>)
      %dma_wait3A_111 = tpu.memref_slice %arg3[%mul3A_29] : memref<12800xi32, #tpu.memory_space<hbm>> -> memref<6400xi32, #tpu.memory_space<hbm>>
      %dma_wait3A_112 = tpu.memref_slice %arg3[%mul3A_29] : memref<12800xi32, #tpu.memory_space<hbm>> -> memref<6400xi32, #tpu.memory_space<hbm>>
      tpu.wait_dma2 semaphore(%run_scoped3A : memref<!tpu.dma_semaphore, #tpu.memory_space<semaphore_mem>>) src(%dma_wait3A_112 : memref<6400xi32, #tpu.memory_space<hbm>>) dst(%arg8 : memref<6400xi32, #tpu.memory_space<vmem>>)
      tpu.yield
    }) : () -> ()
    %broadcast_in_dim3A = arith.constant 0.000000e+00 : f32
    %broadcast_in_dim3A_30 = vector.broadcast %broadcast_in_dim3A : f32 to vector<16xf32>
    %broadcast_in_dim3A_31 = arith.constant 1.000000e+00 : f32
    %broadcast_in_dim3A_32 = vector.broadcast %broadcast_in_dim3A_31 : f32 to vector<16xf32>
    %scan3A = arith.constant 0 : i32
    %scan3A_33 = arith.constant 6400 : i32
    %scan3A_34 = arith.addi %scan3A, %scan3A_33 : i32
    %scan3A_35 = arith.constant 1 : i32
    scf.for %scan3A_109 = %scan3A to %scan3A_34 step %scan3A_35  : i32 {
      %mul3A_110 = arith.constant 1 : i32
      %mul3A_111 = arith.muli %scan3A_109, %mul3A_110 : i32
      %add3A_112 = arith.constant 0 : i32
      %add3A_113 = arith.addi %add3A_112, %mul3A_111 : i32
      %swap3A = arith.index_cast %add3A_113 : i32 to index
      %swap3A_114 = arith.constant 0 : index
      %swap3A_115 = tpu.vector_load %arg6[%swap3A, %swap3A_114] {strides = array<i32>} : memref<6400x16xf32, #tpu.memory_space<vmem>>, vector<16xf32>,
      tpu.vector_store %arg6[%swap3A, %swap3A_114], %broadcast_in_dim3A_30 {strides = array<i32>} : memref<6400x16xf32, #tpu.memory_space<vmem>>, vector<16xf32>,
    }
    %scan3A_36 = arith.constant 6400 : i32
    %mul3A_37 = arith.constant 6400 : i32
    %mul3A_38 = arith.muli %select_n3A, %mul3A_37 : i32
    %mul3A_39 = arith.constant 800 : i32
    %mul3A_40 = arith.muli %select_n3A_28, %mul3A_39 : i32
    %add3A_41 = arith.addi %mul3A_38, %mul3A_40 : i32
    "tpu.region"() ({
      %run_scoped3A = tpu.sem_alloc : memref<!tpu.dma_semaphore, #tpu.memory_space<semaphore_mem>>
      %dma_start3A_109 = arith.constant 0 : i32
      %dma_start3A_110 = arith.constant 0 : i32
      %dma_start3A_111 = tpu.memref_slice %arg6[%dma_start3A_109, %dma_start3A_110] : memref<6400x16xf32, #tpu.memory_space<vmem>> -> memref<800x16xf32, #tpu.memory_space<vmem>>
      %dma_start3A_112 = arith.constant 0 : i32
      %dma_start3A_113 = tpu.memref_slice %arg5[%add3A_41, %dma_start3A_112] : memref<12800x16xf32, #tpu.memory_space<vmem_shared>> -> memref<800x16xf32, #tpu.memory_space<vmem_shared>>
      %dma_start3A_114 = arith.constant 0 : i32
      %dma_start3A_115 = tpu.memref_slice %arg5[%add3A_41, %dma_start3A_114] : memref<12800x16xf32, #tpu.memory_space<vmem_shared>> -> memref<800x16xf32, #tpu.memory_space<vmem_shared>>
      %dma_start3A_116 = arith.constant 0 : i32
      %dma_start3A_117 = arith.constant 0 : i32
      %dma_start3A_118 = tpu.memref_slice %arg6[%dma_start3A_116, %dma_start3A_117] : memref<6400x16xf32, #tpu.memory_space<vmem>> -> memref<800x16xf32, #tpu.memory_space<vmem>>
      tpu.enqueue_dma source(%dma_start3A_118 : memref<800x16xf32, #tpu.memory_space<vmem>>) target(%dma_start3A_115 : memref<800x16xf32, #tpu.memory_space<vmem_shared>>) target_semaphore(%run_scoped3A : memref<!tpu.dma_semaphore, #tpu.memory_space<semaphore_mem>>)
      %dma_wait3A_119 = arith.constant 0 : i32
      %dma_wait3A_120 = arith.constant 0 : i32
      %dma_wait3A_121 = tpu.memref_slice %arg6[%dma_wait3A_119, %dma_wait3A_120] : memref<6400x16xf32, #tpu.memory_space<vmem>> -> memref<800x16xf32, #tpu.memory_space<vmem>>
      %dma_wait3A_122 = arith.constant 0 : i32
      %dma_wait3A_123 = tpu.memref_slice %arg5[%add3A_41, %dma_wait3A_122] : memref<12800x16xf32, #tpu.memory_space<vmem_shared>> -> memref<800x16xf32, #tpu.memory_space<vmem_shared>>
      %dma_wait3A_124 = arith.constant 0 : i32
      %dma_wait3A_125 = tpu.memref_slice %arg5[%add3A_41, %dma_wait3A_124] : memref<12800x16xf32, #tpu.memory_space<vmem_shared>> -> memref<800x16xf32, #tpu.memory_space<vmem_shared>>
      %dma_wait3A_126 = arith.constant 0 : i32
      %dma_wait3A_127 = arith.constant 0 : i32
      %dma_wait3A_128 = tpu.memref_slice %arg6[%dma_wait3A_126, %dma_wait3A_127] : memref<6400x16xf32, #tpu.memory_space<vmem>> -> memref<800x16xf32, #tpu.memory_space<vmem>>
      tpu.wait_dma2 semaphore(%run_scoped3A : memref<!tpu.dma_semaphore, #tpu.memory_space<semaphore_mem>>) src(%dma_wait3A_128 : memref<800x16xf32, #tpu.memory_space<vmem>>) dst(%dma_wait3A_125 : memref<800x16xf32, #tpu.memory_space<vmem_shared>>)
      tpu.yield
    }) : () -> ()
    %barrier3A = arith.constant 0 : index
    tpu.barrier barrier_id(%barrier3A)
    %mul3A_42 = arith.constant 2 : i32
    %mul3A_43 = arith.muli %mul3A_42, %arg0 : i32
    %add3A_44 = arith.addi %mul3A_43, %select_n3A : i32
    %mul3A_45 = arith.constant 1600000 : i32
    %mul3A_46 = arith.muli %add3A_44, %mul3A_45 : i32
    %mul3A_47 = arith.constant 200000 : i32
    %mul3A_48 = arith.muli %select_n3A_28, %mul3A_47 : i32
    %add3A_49 = arith.addi %mul3A_46, %mul3A_48 : i32
    %add3A_50 = arith.constant 0 : i32
    %add3A_51 = arith.addi %add3A_49, %add3A_50 : i32
    %dma_start3A = arith.constant 0 : i32
    %dma_start3A_52 = arith.constant 0 : i32
    %dma_start3A_53 = tpu.memref_slice %arg7[%dma_start3A, %dma_start3A_52] : memref<2x4096xi32, #tpu.memory_space<vmem>> -> memref<1x4096xi32, #tpu.memory_space<vmem>>
    %dma_start3A_54 = tpu.memref_squeeze %dma_start3A_53 : memref<1x4096xi32, #tpu.memory_space<vmem>> -> memref<4096xi32, #tpu.memory_space<vmem>>
    %dma_start3A_55 = tpu.memref_slice %arg2[%add3A_51] : memref<6400000xi32, #tpu.memory_space<hbm>> -> memref<4096xi32, #tpu.memory_space<hbm>>
    %dma_start3A_56 = arith.constant 0 : i32
    %dma_start3A_57 = tpu.memref_slice %arg7[%dma_start3A, %dma_start3A_56] : memref<2x4096xi32, #tpu.memory_space<vmem>> -> memref<1x4096xi32, #tpu.memory_space<vmem>>
    %dma_start3A_58 = tpu.memref_squeeze %dma_start3A_57 : memref<1x4096xi32, #tpu.memory_space<vmem>> -> memref<4096xi32, #tpu.memory_space<vmem>>
    %dma_start3A_59 = tpu.memref_slice %arg2[%add3A_51] : memref<6400000xi32, #tpu.memory_space<hbm>> -> memref<4096xi32, #tpu.memory_space<hbm>>
    tpu.enqueue_dma source(%dma_start3A_59 : memref<4096xi32, #tpu.memory_space<hbm>>) target(%dma_start3A_58 : memref<4096xi32, #tpu.memory_space<vmem>>) target_semaphore(%arg9 : memref<!tpu.dma_semaphore, #tpu.memory_space<semaphore_mem>>)
    %add3A_60 = arith.constant 4096 : i32
    %add3A_61 = arith.addi %add3A_49, %add3A_60 : i32
    %dma_start3A_62 = arith.constant 1 : i32
    %dma_start3A_63 = arith.constant 0 : i32
    %dma_start3A_64 = tpu.memref_slice %arg7[%dma_start3A_62, %dma_start3A_63] : memref<2x4096xi32, #tpu.memory_space<vmem>> -> memref<1x4096xi32, #tpu.memory_space<vmem>>
    %dma_start3A_65 = tpu.memref_squeeze %dma_start3A_64 : memref<1x4096xi32, #tpu.memory_space<vmem>> -> memref<4096xi32, #tpu.memory_space<vmem>>
    %dma_start3A_66 = tpu.memref_slice %arg2[%add3A_61] : memref<6400000xi32, #tpu.memory_space<hbm>> -> memref<4096xi32, #tpu.memory_space<hbm>>
    %dma_start3A_67 = arith.constant 0 : i32
    %dma_start3A_68 = tpu.memref_slice %arg7[%dma_start3A_62, %dma_start3A_67] : memref<2x4096xi32, #tpu.memory_space<vmem>> -> memref<1x4096xi32, #tpu.memory_space<vmem>>
    %dma_start3A_69 = tpu.memref_squeeze %dma_start3A_68 : memref<1x4096xi32, #tpu.memory_space<vmem>> -> memref<4096xi32, #tpu.memory_space<vmem>>
    %dma_start3A_70 = tpu.memref_slice %arg2[%add3A_61] : memref<6400000xi32, #tpu.memory_space<hbm>> -> memref<4096xi32, #tpu.memory_space<hbm>>
    tpu.enqueue_dma source(%dma_start3A_70 : memref<4096xi32, #tpu.memory_space<hbm>>) target(%dma_start3A_69 : memref<4096xi32, #tpu.memory_space<vmem>>) target_semaphore(%arg10 : memref<!tpu.dma_semaphore, #tpu.memory_space<semaphore_mem>>)
    %scan3A_71 = arith.constant 0 : i32
    %scan3A_72 = arith.constant 24 : i32
    %scan3A_73 = arith.addi %scan3A_71, %scan3A_72 : i32
    %scan3A_74 = arith.constant 1 : i32
    scf.for %scan3A_109 = %scan3A_71 to %scan3A_73 step %scan3A_74  : i32 {
      %mul3A_110 = arith.constant 1 : i32
      %mul3A_111 = arith.muli %scan3A_109, %mul3A_110 : i32
      %add3A_112 = arith.constant 0 : i32
      %add3A_113 = arith.addi %add3A_112, %mul3A_111 : i32
      %mul3A_114 = arith.constant 2 : i32
      %mul3A_115 = arith.muli %mul3A_114, %add3A_113 : i32
      %add3A_116 = arith.constant 0 : i32
      %add3A_117 = arith.addi %mul3A_115, %add3A_116 : i32
      %mul3A_118 = arith.constant 4096 : i32
      %mul3A_119 = arith.muli %add3A_117, %mul3A_118 : i32
      %add3A_120 = arith.addi %add3A_49, %mul3A_119 : i32
      %dma_wait3A_121 = arith.constant 0 : i32
      %dma_wait3A_122 = arith.constant 0 : i32
      %dma_wait3A_123 = tpu.memref_slice %arg7[%dma_wait3A_121, %dma_wait3A_122] : memref<2x4096xi32, #tpu.memory_space<vmem>> -> memref<1x4096xi32, #tpu.memory_space<vmem>>
      %dma_wait3A_124 = tpu.memref_squeeze %dma_wait3A_123 : memref<1x4096xi32, #tpu.memory_space<vmem>> -> memref<4096xi32, #tpu.memory_space<vmem>>
      %dma_wait3A_125 = tpu.memref_slice %arg2[%add3A_120] : memref<6400000xi32, #tpu.memory_space<hbm>> -> memref<4096xi32, #tpu.memory_space<hbm>>
      %dma_wait3A_126 = arith.constant 0 : i32
      %dma_wait3A_127 = tpu.memref_slice %arg7[%dma_wait3A_121, %dma_wait3A_126] : memref<2x4096xi32, #tpu.memory_space<vmem>> -> memref<1x4096xi32, #tpu.memory_space<vmem>>
      %dma_wait3A_128 = tpu.memref_squeeze %dma_wait3A_127 : memref<1x4096xi32, #tpu.memory_space<vmem>> -> memref<4096xi32, #tpu.memory_space<vmem>>
      %dma_wait3A_129 = tpu.memref_slice %arg2[%add3A_120] : memref<6400000xi32, #tpu.memory_space<hbm>> -> memref<4096xi32, #tpu.memory_space<hbm>>
      tpu.wait_dma2 semaphore(%arg9 : memref<!tpu.dma_semaphore, #tpu.memory_space<semaphore_mem>>) src(%dma_wait3A_129 : memref<4096xi32, #tpu.memory_space<hbm>>) dst(%dma_wait3A_128 : memref<4096xi32, #tpu.memory_space<vmem>>)
      %scan3A_130 = arith.constant 0 : i32
      %scan3A_131 = arith.constant 256 : i32
      %scan3A_132 = arith.addi %scan3A_130, %scan3A_131 : i32
      %scan3A_133 = arith.constant 1 : i32
      scf.for %scan3A_164 = %scan3A_130 to %scan3A_132 step %scan3A_133  : i32 {
        %mul3A_165 = arith.constant 1 : i32
        %mul3A_166 = arith.muli %scan3A_164, %mul3A_165 : i32
        %add3A_167 = arith.constant 0 : i32
        %add3A_168 = arith.addi %add3A_167, %mul3A_166 : i32
        %mul3A_169 = arith.constant 16 : i32
        %mul3A_170 = arith.muli %add3A_168, %mul3A_169 : i32
        %get3A = arith.constant 0 : i32
        %get3A_171 = arith.index_cast %get3A : i32 to index
        %get3A_172 = arith.index_cast %mul3A_170 : i32 to index
        %get3A_173 = tpu.vector_load %arg7[%get3A_171, %get3A_172] {strides = array<i32>} : memref<2x4096xi32, #tpu.memory_space<vmem>>, vector<16xi32>,
        %shift_right_logical3A = arith.constant 4 : i32
        %shift_right_logical3A_174 = vector.broadcast %shift_right_logical3A : i32 to vector<16xi32>
        %shift_right_logical3A_175 = arith.shrui %get3A_173, %shift_right_logical3A_174 : vector<16xi32>
        %and3A_176 = arith.constant 15 : i32
        %and3A_177 = vector.broadcast %and3A_176 : i32 to vector<16xi32>
        %and3A_178 = arith.andi %get3A_173, %and3A_177 : vector<16xi32>
        tpu.vector_store_idx %arg6[%shift_right_logical3A_175, %and3A_178], %broadcast_in_dim3A_32 {add = true} : memref<6400x16xf32, #tpu.memory_space<vmem>>[vector<16xi32>, vector<16xi32>], vector<16xf32>,
      }
      %scan3A_134 = arith.constant 256 : i32
      %lt3A_135 = arith.constant 23 : i32
      %lt3A_136 = arith.cmpi slt, %add3A_113, %lt3A_135 : i32
      %convert_element_type3A = arith.extui %lt3A_136 : i1 to i32
      %cond3A = arith.constant 0 : i32
      %cond3A_137 = arith.cmpi ne, %convert_element_type3A, %cond3A : i32
      scf.if %cond3A_137 {
        %add3A_164 = arith.constant 2 : i32
        %add3A_165 = arith.addi %add3A_117, %add3A_164 : i32
        %mul3A_166 = arith.constant 4096 : i32
        %mul3A_167 = arith.muli %add3A_165, %mul3A_166 : i32
        %add3A_168 = arith.addi %add3A_49, %mul3A_167 : i32
        %dma_start3A_169 = arith.constant 0 : i32
        %dma_start3A_170 = arith.constant 0 : i32
        %dma_start3A_171 = tpu.memref_slice %arg7[%dma_start3A_169, %dma_start3A_170] : memref<2x4096xi32, #tpu.memory_space<vmem>> -> memref<1x4096xi32, #tpu.memory_space<vmem>>
        %dma_start3A_172 = tpu.memref_squeeze %dma_start3A_171 : memref<1x4096xi32, #tpu.memory_space<vmem>> -> memref<4096xi32, #tpu.memory_space<vmem>>
        %dma_start3A_173 = tpu.memref_slice %arg2[%add3A_168] : memref<6400000xi32, #tpu.memory_space<hbm>> -> memref<4096xi32, #tpu.memory_space<hbm>>
        %dma_start3A_174 = arith.constant 0 : i32
        %dma_start3A_175 = tpu.memref_slice %arg7[%dma_start3A_169, %dma_start3A_174] : memref<2x4096xi32, #tpu.memory_space<vmem>> -> memref<1x4096xi32, #tpu.memory_space<vmem>>
        %dma_start3A_176 = tpu.memref_squeeze %dma_start3A_175 : memref<1x4096xi32, #tpu.memory_space<vmem>> -> memref<4096xi32, #tpu.memory_space<vmem>>
        %dma_start3A_177 = tpu.memref_slice %arg2[%add3A_168] : memref<6400000xi32, #tpu.memory_space<hbm>> -> memref<4096xi32, #tpu.memory_space<hbm>>
        tpu.enqueue_dma source(%dma_start3A_177 : memref<4096xi32, #tpu.memory_space<hbm>>) target(%dma_start3A_176 : memref<4096xi32, #tpu.memory_space<vmem>>) target_semaphore(%arg9 : memref<!tpu.dma_semaphore, #tpu.memory_space<semaphore_mem>>)
      } else {
      }
      %mul3A_138 = arith.constant 2 : i32
      %mul3A_139 = arith.muli %mul3A_138, %add3A_113 : i32
      %add3A_140 = arith.constant 1 : i32
      %add3A_141 = arith.addi %mul3A_139, %add3A_140 : i32
      %mul3A_142 = arith.constant 4096 : i32
      %mul3A_143 = arith.muli %add3A_141, %mul3A_142 : i32
      %add3A_144 = arith.addi %add3A_49, %mul3A_143 : i32
      %dma_wait3A_145 = arith.constant 1 : i32
      %dma_wait3A_146 = arith.constant 0 : i32
      %dma_wait3A_147 = tpu.memref_slice %arg7[%dma_wait3A_145, %dma_wait3A_146] : memref<2x4096xi32, #tpu.memory_space<vmem>> -> memref<1x4096xi32, #tpu.memory_space<vmem>>
      %dma_wait3A_148 = tpu.memref_squeeze %dma_wait3A_147 : memref<1x4096xi32, #tpu.memory_space<vmem>> -> memref<4096xi32, #tpu.memory_space<vmem>>
      %dma_wait3A_149 = tpu.memref_slice %arg2[%add3A_144] : memref<6400000xi32, #tpu.memory_space<hbm>> -> memref<4096xi32, #tpu.memory_space<hbm>>
      %dma_wait3A_150 = arith.constant 0 : i32
      %dma_wait3A_151 = tpu.memref_slice %arg7[%dma_wait3A_145, %dma_wait3A_150] : memref<2x4096xi32, #tpu.memory_space<vmem>> -> memref<1x4096xi32, #tpu.memory_space<vmem>>
      %dma_wait3A_152 = tpu.memref_squeeze %dma_wait3A_151 : memref<1x4096xi32, #tpu.memory_space<vmem>> -> memref<4096xi32, #tpu.memory_space<vmem>>
      %dma_wait3A_153 = tpu.memref_slice %arg2[%add3A_144] : memref<6400000xi32, #tpu.memory_space<hbm>> -> memref<4096xi32, #tpu.memory_space<hbm>>
      tpu.wait_dma2 semaphore(%arg10 : memref<!tpu.dma_semaphore, #tpu.memory_space<semaphore_mem>>) src(%dma_wait3A_153 : memref<4096xi32, #tpu.memory_space<hbm>>) dst(%dma_wait3A_152 : memref<4096xi32, #tpu.memory_space<vmem>>)
      %scan3A_154 = arith.constant 0 : i32
      %scan3A_155 = arith.constant 256 : i32
      %scan3A_156 = arith.addi %scan3A_154, %scan3A_155 : i32
      %scan3A_157 = arith.constant 1 : i32
      scf.for %scan3A_164 = %scan3A_154 to %scan3A_156 step %scan3A_157  : i32 {
        %mul3A_165 = arith.constant 1 : i32
        %mul3A_166 = arith.muli %scan3A_164, %mul3A_165 : i32
        %add3A_167 = arith.constant 0 : i32
        %add3A_168 = arith.addi %add3A_167, %mul3A_166 : i32
        %mul3A_169 = arith.constant 16 : i32
        %mul3A_170 = arith.muli %add3A_168, %mul3A_169 : i32
        %get3A = arith.constant 1 : i32
        %get3A_171 = arith.index_cast %get3A : i32 to index
        %get3A_172 = arith.index_cast %mul3A_170 : i32 to index
        %get3A_173 = tpu.vector_load %arg7[%get3A_171, %get3A_172] {strides = array<i32>} : memref<2x4096xi32, #tpu.memory_space<vmem>>, vector<16xi32>,
        %shift_right_logical3A = arith.constant 4 : i32
        %shift_right_logical3A_174 = vector.broadcast %shift_right_logical3A : i32 to vector<16xi32>
        %shift_right_logical3A_175 = arith.shrui %get3A_173, %shift_right_logical3A_174 : vector<16xi32>
        %and3A_176 = arith.constant 15 : i32
        %and3A_177 = vector.broadcast %and3A_176 : i32 to vector<16xi32>
        %and3A_178 = arith.andi %get3A_173, %and3A_177 : vector<16xi32>
        tpu.vector_store_idx %arg6[%shift_right_logical3A_175, %and3A_178], %broadcast_in_dim3A_32 {add = true} : memref<6400x16xf32, #tpu.memory_space<vmem>>[vector<16xi32>, vector<16xi32>], vector<16xf32>,
      }
      %scan3A_158 = arith.constant 256 : i32
      %lt3A_159 = arith.constant 23 : i32
      %lt3A_160 = arith.cmpi slt, %add3A_113, %lt3A_159 : i32
      %convert_element_type3A_161 = arith.extui %lt3A_160 : i1 to i32
      %cond3A_162 = arith.constant 0 : i32
      %cond3A_163 = arith.cmpi ne, %convert_element_type3A_161, %cond3A_162 : i32
      scf.if %cond3A_163 {
        %add3A_164 = arith.constant 2 : i32
        %add3A_165 = arith.addi %add3A_141, %add3A_164 : i32
        %mul3A_166 = arith.constant 4096 : i32
        %mul3A_167 = arith.muli %add3A_165, %mul3A_166 : i32
        %add3A_168 = arith.addi %add3A_49, %mul3A_167 : i32
        %dma_start3A_169 = arith.constant 1 : i32
        %dma_start3A_170 = arith.constant 0 : i32
        %dma_start3A_171 = tpu.memref_slice %arg7[%dma_start3A_169, %dma_start3A_170] : memref<2x4096xi32, #tpu.memory_space<vmem>> -> memref<1x4096xi32, #tpu.memory_space<vmem>>
        %dma_start3A_172 = tpu.memref_squeeze %dma_start3A_171 : memref<1x4096xi32, #tpu.memory_space<vmem>> -> memref<4096xi32, #tpu.memory_space<vmem>>
        %dma_start3A_173 = tpu.memref_slice %arg2[%add3A_168] : memref<6400000xi32, #tpu.memory_space<hbm>> -> memref<4096xi32, #tpu.memory_space<hbm>>
        %dma_start3A_174 = arith.constant 0 : i32
        %dma_start3A_175 = tpu.memref_slice %arg7[%dma_start3A_169, %dma_start3A_174] : memref<2x4096xi32, #tpu.memory_space<vmem>> -> memref<1x4096xi32, #tpu.memory_space<vmem>>
        %dma_start3A_176 = tpu.memref_squeeze %dma_start3A_175 : memref<1x4096xi32, #tpu.memory_space<vmem>> -> memref<4096xi32, #tpu.memory_space<vmem>>
        %dma_start3A_177 = tpu.memref_slice %arg2[%add3A_168] : memref<6400000xi32, #tpu.memory_space<hbm>> -> memref<4096xi32, #tpu.memory_space<hbm>>
        tpu.enqueue_dma source(%dma_start3A_177 : memref<4096xi32, #tpu.memory_space<hbm>>) target(%dma_start3A_176 : memref<4096xi32, #tpu.memory_space<vmem>>) target_semaphore(%arg10 : memref<!tpu.dma_semaphore, #tpu.memory_space<semaphore_mem>>)
      } else {
      }
    }
    %scan3A_75 = arith.constant 24 : i32
    %add3A_76 = arith.constant 196608 : i32
    %add3A_77 = arith.addi %add3A_49, %add3A_76 : i32
    %dma_start3A_78 = arith.constant 0 : i32
    %dma_start3A_79 = arith.constant 0 : i32
    %dma_start3A_80 = tpu.memref_slice %arg7[%dma_start3A_78, %dma_start3A_79] : memref<2x4096xi32, #tpu.memory_space<vmem>> -> memref<1x3392xi32, #tpu.memory_space<vmem>>
    %dma_start3A_81 = tpu.memref_squeeze %dma_start3A_80 : memref<1x3392xi32, #tpu.memory_space<vmem>> -> memref<3392xi32, #tpu.memory_space<vmem>>
    %dma_start3A_82 = tpu.memref_slice %arg2[%add3A_77] : memref<6400000xi32, #tpu.memory_space<hbm>> -> memref<3392xi32, #tpu.memory_space<hbm>>
    %dma_start3A_83 = arith.constant 0 : i32
    %dma_start3A_84 = tpu.memref_slice %arg7[%dma_start3A_78, %dma_start3A_83] : memref<2x4096xi32, #tpu.memory_space<vmem>> -> memref<1x3392xi32, #tpu.memory_space<vmem>>
    %dma_start3A_85 = tpu.memref_squeeze %dma_start3A_84 : memref<1x3392xi32, #tpu.memory_space<vmem>> -> memref<3392xi32, #tpu.memory_space<vmem>>
    %dma_start3A_86 = tpu.memref_slice %arg2[%add3A_77] : memref<6400000xi32, #tpu.memory_space<hbm>> -> memref<3392xi32, #tpu.memory_space<hbm>>
    tpu.enqueue_dma source(%dma_start3A_86 : memref<3392xi32, #tpu.memory_space<hbm>>) target(%dma_start3A_85 : memref<3392xi32, #tpu.memory_space<vmem>>) target_semaphore(%arg9 : memref<!tpu.dma_semaphore, #tpu.memory_space<semaphore_mem>>)
    %dma_wait3A = arith.constant 0 : i32
    %dma_wait3A_87 = arith.constant 0 : i32
    %dma_wait3A_88 = tpu.memref_slice %arg7[%dma_wait3A, %dma_wait3A_87] : memref<2x4096xi32, #tpu.memory_space<vmem>> -> memref<1x3392xi32, #tpu.memory_space<vmem>>
    %dma_wait3A_89 = tpu.memref_squeeze %dma_wait3A_88 : memref<1x3392xi32, #tpu.memory_space<vmem>> -> memref<3392xi32, #tpu.memory_space<vmem>>
    %dma_wait3A_90 = tpu.memref_slice %arg2[%add3A_77] : memref<6400000xi32, #tpu.memory_space<hbm>> -> memref<3392xi32, #tpu.memory_space<hbm>>
    %dma_wait3A_91 = arith.constant 0 : i32
    %dma_wait3A_92 = tpu.memref_slice %arg7[%dma_wait3A, %dma_wait3A_91] : memref<2x4096xi32, #tpu.memory_space<vmem>> -> memref<1x3392xi32, #tpu.memory_space<vmem>>
    %dma_wait3A_93 = tpu.memref_squeeze %dma_wait3A_92 : memref<1x3392xi32, #tpu.memory_space<vmem>> -> memref<3392xi32, #tpu.memory_space<vmem>>
    %dma_wait3A_94 = tpu.memref_slice %arg2[%add3A_77] : memref<6400000xi32, #tpu.memory_space<hbm>> -> memref<3392xi32, #tpu.memory_space<hbm>>
    tpu.wait_dma2 semaphore(%arg9 : memref<!tpu.dma_semaphore, #tpu.memory_space<semaphore_mem>>) src(%dma_wait3A_94 : memref<3392xi32, #tpu.memory_space<hbm>>) dst(%dma_wait3A_93 : memref<3392xi32, #tpu.memory_space<vmem>>)
    %scan3A_95 = arith.constant 0 : i32
    %scan3A_96 = arith.constant 212 : i32
    %scan3A_97 = arith.addi %scan3A_95, %scan3A_96 : i32
    %scan3A_98 = arith.constant 1 : i32
    scf.for %scan3A_109 = %scan3A_95 to %scan3A_97 step %scan3A_98  : i32 {
      %mul3A_110 = arith.constant 1 : i32
      %mul3A_111 = arith.muli %scan3A_109, %mul3A_110 : i32
      %add3A_112 = arith.constant 0 : i32
      %add3A_113 = arith.addi %add3A_112, %mul3A_111 : i32
      %mul3A_114 = arith.constant 16 : i32
      %mul3A_115 = arith.muli %add3A_113, %mul3A_114 : i32
      %get3A = arith.constant 0 : i32
      %get3A_116 = arith.index_cast %get3A : i32 to index
      %get3A_117 = arith.index_cast %mul3A_115 : i32 to index
      %get3A_118 = tpu.vector_load %arg7[%get3A_116, %get3A_117] {strides = array<i32>} : memref<2x4096xi32, #tpu.memory_space<vmem>>, vector<16xi32>,
      %shift_right_logical3A = arith.constant 4 : i32
      %shift_right_logical3A_119 = vector.broadcast %shift_right_logical3A : i32 to vector<16xi32>
      %shift_right_logical3A_120 = arith.shrui %get3A_118, %shift_right_logical3A_119 : vector<16xi32>
      %and3A_121 = arith.constant 15 : i32
      %and3A_122 = vector.broadcast %and3A_121 : i32 to vector<16xi32>
      %and3A_123 = arith.andi %get3A_118, %and3A_122 : vector<16xi32>
      tpu.vector_store_idx %arg6[%shift_right_logical3A_120, %and3A_123], %broadcast_in_dim3A_32 {add = true} : memref<6400x16xf32, #tpu.memory_space<vmem>>[vector<16xi32>, vector<16xi32>], vector<16xf32>,
    }
    %scan3A_99 = arith.constant 212 : i32
    "tpu.region"() ({
      %run_scoped3A = tpu.sem_alloc : memref<!tpu.dma_semaphore, #tpu.memory_space<semaphore_mem>>
      %dma_start3A_109 = arith.constant 0 : i32
      %dma_start3A_110 = arith.constant 0 : i32
      %dma_start3A_111 = tpu.memref_slice %arg5[%dma_start3A_109, %dma_start3A_110] : memref<12800x16xf32, #tpu.memory_space<vmem_shared>> -> memref<12800x16xf32, #tpu.memory_space<vmem_shared>>
      tpu.enqueue_indirect_dma source(%arg6 : memref<6400x16xf32, #tpu.memory_space<vmem>>) target(%dma_start3A_111 : memref<12800x16xf32, #tpu.memory_space<vmem_shared>>) offsets(%arg8 : memref<6400xi32, #tpu.memory_space<vmem>>) semaphore(%run_scoped3A : memref<!tpu.dma_semaphore, #tpu.memory_space<semaphore_mem>>) {add = true}
      %dma_wait3A_112 = arith.constant 0 : i32
      %dma_wait3A_113 = arith.constant 0 : i32
      %dma_wait3A_114 = tpu.memref_slice %arg5[%dma_wait3A_112, %dma_wait3A_113] : memref<12800x16xf32, #tpu.memory_space<vmem_shared>> -> memref<12800x16xf32, #tpu.memory_space<vmem_shared>>
      tpu.wait_indirect_dma semaphore(%run_scoped3A : memref<!tpu.dma_semaphore, #tpu.memory_space<semaphore_mem>>) src(%arg6 : memref<6400x16xf32, #tpu.memory_space<vmem>>) dst(%dma_wait3A_114 : memref<12800x16xf32, #tpu.memory_space<vmem_shared>>)
      tpu.yield
    }) : () -> ()
    %barrier3A_100 = arith.constant 0 : index
    tpu.barrier barrier_id(%barrier3A_100)
    %mul3A_101 = arith.constant 2 : i32
    %mul3A_102 = arith.muli %mul3A_101, %arg0 : i32
    %add3A_103 = arith.addi %mul3A_102, %select_n3A : i32
    %mul3A_104 = arith.constant 6400 : i32
    %mul3A_105 = arith.muli %add3A_103, %mul3A_104 : i32
    %mul3A_106 = arith.constant 800 : i32
    %mul3A_107 = arith.muli %select_n3A_28, %mul3A_106 : i32
    %add3A_108 = arith.addi %mul3A_105, %mul3A_107 : i32
    "tpu.region"() ({
      %run_scoped3A = tpu.sem_alloc : memref<!tpu.dma_semaphore, #tpu.memory_space<semaphore_mem>>
      %dma_start3A_109 = arith.constant 0 : i32
      %dma_start3A_110 = tpu.memref_slice %arg4[%add3A_108, %dma_start3A_109] : memref<25600x16xf32, #tpu.memory_space<hbm>> -> memref<800x16xf32, #tpu.memory_space<hbm>>
      %dma_start3A_111 = arith.constant 0 : i32
      %dma_start3A_112 = tpu.memref_slice %arg5[%add3A_41, %dma_start3A_111] : memref<12800x16xf32, #tpu.memory_space<vmem_shared>> -> memref<800x16xf32, #tpu.memory_space<vmem_shared>>
      tpu.enqueue_dma source(%dma_start3A_112 : memref<800x16xf32, #tpu.memory_space<vmem_shared>>) target(%dma_start3A_110 : memref<800x16xf32, #tpu.memory_space<hbm>>) target_semaphore(%run_scoped3A : memref<!tpu.dma_semaphore, #tpu.memory_space<semaphore_mem>>)
      %dma_wait3A_113 = arith.constant 0 : i32
      %dma_wait3A_114 = tpu.memref_slice %arg4[%add3A_108, %dma_wait3A_113] : memref<25600x16xf32, #tpu.memory_space<hbm>> -> memref<800x16xf32, #tpu.memory_space<hbm>>
      %dma_wait3A_115 = arith.constant 0 : i32
      %dma_wait3A_116 = tpu.memref_slice %arg5[%add3A_41, %dma_wait3A_115] : memref<12800x16xf32, #tpu.memory_space<vmem_shared>> -> memref<800x16xf32, #tpu.memory_space<vmem_shared>>
      tpu.wait_dma2 semaphore(%run_scoped3A : memref<!tpu.dma_semaphore, #tpu.memory_space<semaphore_mem>>) src(%dma_wait3A_116 : memref<800x16xf32, #tpu.memory_space<vmem_shared>>) dst(%dma_wait3A_114 : memref<800x16xf32, #tpu.memory_space<hbm>>)
      tpu.yield
    }) : () -> ()
    return
  }
}

#map = affine_map<(d0, d1) -> (0, 0)>
module attributes {stable_mosaic.version = 14 : i64} {
  func.func @_agg_kernel(%arg0: i32, %arg1: i32, %arg2: memref<100000x32xf32, #tpu.memory_space<hbm>>, %arg3: memref<2x1600000xi32, #tpu.memory_space<hbm>>, %arg4: memref<100000x32xf32, #tpu.memory_space<hbm>>, %arg5: memref<51200x32xf32, #tpu.memory_space<vmem_shared>>, %arg6: memref<256xi32, #tpu.memory_space<vmem>>, %arg7: memref<256xi32, #tpu.memory_space<vmem>>, %arg8: memref<256xi32, #tpu.memory_space<vmem>>, %arg9: memref<256xi32, #tpu.memory_space<vmem>>, %arg10: memref<256xi32, #tpu.memory_space<vmem>>, %arg11: memref<256xi32, #tpu.memory_space<vmem>>, %arg12: memref<256x32xf32, #tpu.memory_space<vmem>>, %arg13: memref<256x32xf32, #tpu.memory_space<vmem>>, %arg14: memref<160xi32, #tpu.memory_space<vmem>>, %arg15: memref<160xi32, #tpu.memory_space<vmem>>, %arg16: memref<160xi32, #tpu.memory_space<vmem>>, %arg17: memref<160x32xf32, #tpu.memory_space<vmem>>, %arg18: memref<100x32xf32, #tpu.memory_space<vmem>>, %arg19: memref<!tpu.dma_semaphore, #tpu.memory_space<semaphore_mem>>, %arg20: memref<!tpu.dma_semaphore, #tpu.memory_space<semaphore_mem>>, %arg21: memref<!tpu.dma_semaphore, #tpu.memory_space<semaphore_mem>>, %arg22: memref<!tpu.dma_semaphore, #tpu.memory_space<semaphore_mem>>, %arg23: memref<!tpu.dma_semaphore, #tpu.memory_space<semaphore_mem>>, %arg24: memref<!tpu.dma_semaphore, #tpu.memory_space<semaphore_mem>>, %arg25: memref<!tpu.dma_semaphore, #tpu.memory_space<semaphore_mem>>) attributes {dimension_semantics = [#tpu.dimension_semantics<core_parallel>, #tpu.dimension_semantics<subcore_parallel>], iteration_bounds = array<i64: 2, 16>, scalar_prefetch = 0 : i64, scratch_operands = 21 : i64, tpu.core_type = #tpu.core_type<sc_vector_subcore>, window_params = [{transform_indices = #map}, {transform_indices = #map}, {transform_indices = #map}]} {
    %mul3A = arith.constant 50000 : i32
    %mul3A_0 = arith.muli %arg0, %mul3A : i32
    %broadcast_in_dim3A = arith.constant 0.000000e+00 : f32
    %broadcast_in_dim3A_1 = vector.broadcast %broadcast_in_dim3A : f32 to vector<16xf32>
    %scan3A = arith.constant 0 : i32
    %scan3A_2 = arith.constant 100 : i32
    %scan3A_3 = arith.addi %scan3A, %scan3A_2 : i32
    %scan3A_4 = arith.constant 1 : i32
    scf.for %scan3A_601 = %scan3A to %scan3A_3 step %scan3A_4  : i32 {
      %mul3A_602 = arith.constant 1 : i32
      %mul3A_603 = arith.muli %scan3A_601, %mul3A_602 : i32
      %add3A_604 = arith.constant 0 : i32
      %add3A_605 = arith.addi %add3A_604, %mul3A_603 : i32
      %swap3A = arith.index_cast %add3A_605 : i32 to index
      %swap3A_606 = arith.constant 0 : index
      %swap3A_607 = tpu.vector_load %arg18[%swap3A, %swap3A_606] {strides = array<i32>} : memref<100x32xf32, #tpu.memory_space<vmem>>, vector<16xf32>,
      tpu.vector_store %arg18[%swap3A, %swap3A_606], %broadcast_in_dim3A_1 {strides = array<i32>} : memref<100x32xf32, #tpu.memory_space<vmem>>, vector<16xf32>,
      %swap3A_608 = arith.index_cast %add3A_605 : i32 to index
      %swap3A_609 = arith.constant 16 : index
      %swap3A_610 = tpu.vector_load %arg18[%swap3A_608, %swap3A_609] {strides = array<i32>} : memref<100x32xf32, #tpu.memory_space<vmem>>, vector<16xf32>,
      tpu.vector_store %arg18[%swap3A_608, %swap3A_609], %broadcast_in_dim3A_1 {strides = array<i32>} : memref<100x32xf32, #tpu.memory_space<vmem>>, vector<16xf32>,
    }
    %scan3A_5 = arith.constant 100 : i32
    %mul3A_6 = arith.constant 3200 : i32
    %mul3A_7 = arith.muli %arg1, %mul3A_6 : i32
    %add3A = arith.constant 0 : i32
    %add3A_8 = arith.addi %mul3A_7, %add3A : i32
    %dma_start3A = arith.constant 0 : i32
    %dma_start3A_9 = tpu.memref_slice %arg5[%add3A_8, %dma_start3A] : memref<51200x32xf32, #tpu.memory_space<vmem_shared>> -> memref<100x32xf32, #tpu.memory_space<vmem_shared>>
    %dma_start3A_10 = arith.constant 0 : i32
    %dma_start3A_11 = tpu.memref_slice %arg5[%add3A_8, %dma_start3A_10] : memref<51200x32xf32, #tpu.memory_space<vmem_shared>> -> memref<100x32xf32, #tpu.memory_space<vmem_shared>>
    tpu.enqueue_dma source(%arg18 : memref<100x32xf32, #tpu.memory_space<vmem>>) target(%dma_start3A_11 : memref<100x32xf32, #tpu.memory_space<vmem_shared>>) target_semaphore(%arg25 : memref<!tpu.dma_semaphore, #tpu.memory_space<semaphore_mem>>)
    %mul3A_12 = arith.constant 3200 : i32
    %mul3A_13 = arith.muli %arg1, %mul3A_12 : i32
    %add3A_14 = arith.constant 100 : i32
    %add3A_15 = arith.addi %mul3A_13, %add3A_14 : i32
    %dma_start3A_16 = arith.constant 0 : i32
    %dma_start3A_17 = tpu.memref_slice %arg5[%add3A_15, %dma_start3A_16] : memref<51200x32xf32, #tpu.memory_space<vmem_shared>> -> memref<100x32xf32, #tpu.memory_space<vmem_shared>>
    %dma_start3A_18 = arith.constant 0 : i32
    %dma_start3A_19 = tpu.memref_slice %arg5[%add3A_15, %dma_start3A_18] : memref<51200x32xf32, #tpu.memory_space<vmem_shared>> -> memref<100x32xf32, #tpu.memory_space<vmem_shared>>
    tpu.enqueue_dma source(%arg18 : memref<100x32xf32, #tpu.memory_space<vmem>>) target(%dma_start3A_19 : memref<100x32xf32, #tpu.memory_space<vmem_shared>>) target_semaphore(%arg25 : memref<!tpu.dma_semaphore, #tpu.memory_space<semaphore_mem>>)
    %mul3A_20 = arith.constant 3200 : i32
    %mul3A_21 = arith.muli %arg1, %mul3A_20 : i32
    %add3A_22 = arith.constant 200 : i32
    %add3A_23 = arith.addi %mul3A_21, %add3A_22 : i32
    %dma_start3A_24 = arith.constant 0 : i32
    %dma_start3A_25 = tpu.memref_slice %arg5[%add3A_23, %dma_start3A_24] : memref<51200x32xf32, #tpu.memory_space<vmem_shared>> -> memref<100x32xf32, #tpu.memory_space<vmem_shared>>
    %dma_start3A_26 = arith.constant 0 : i32
    %dma_start3A_27 = tpu.memref_slice %arg5[%add3A_23, %dma_start3A_26] : memref<51200x32xf32, #tpu.memory_space<vmem_shared>> -> memref<100x32xf32, #tpu.memory_space<vmem_shared>>
    tpu.enqueue_dma source(%arg18 : memref<100x32xf32, #tpu.memory_space<vmem>>) target(%dma_start3A_27 : memref<100x32xf32, #tpu.memory_space<vmem_shared>>) target_semaphore(%arg25 : memref<!tpu.dma_semaphore, #tpu.memory_space<semaphore_mem>>)
    %mul3A_28 = arith.constant 3200 : i32
    %mul3A_29 = arith.muli %arg1, %mul3A_28 : i32
    %add3A_30 = arith.constant 300 : i32
    %add3A_31 = arith.addi %mul3A_29, %add3A_30 : i32
    %dma_start3A_32 = arith.constant 0 : i32
    %dma_start3A_33 = tpu.memref_slice %arg5[%add3A_31, %dma_start3A_32] : memref<51200x32xf32, #tpu.memory_space<vmem_shared>> -> memref<100x32xf32, #tpu.memory_space<vmem_shared>>
    %dma_start3A_34 = arith.constant 0 : i32
    %dma_start3A_35 = tpu.memref_slice %arg5[%add3A_31, %dma_start3A_34] : memref<51200x32xf32, #tpu.memory_space<vmem_shared>> -> memref<100x32xf32, #tpu.memory_space<vmem_shared>>
    tpu.enqueue_dma source(%arg18 : memref<100x32xf32, #tpu.memory_space<vmem>>) target(%dma_start3A_35 : memref<100x32xf32, #tpu.memory_space<vmem_shared>>) target_semaphore(%arg25 : memref<!tpu.dma_semaphore, #tpu.memory_space<semaphore_mem>>)
    %mul3A_36 = arith.constant 3200 : i32
    %mul3A_37 = arith.muli %arg1, %mul3A_36 : i32
    %add3A_38 = arith.constant 400 : i32
    %add3A_39 = arith.addi %mul3A_37, %add3A_38 : i32
    %dma_start3A_40 = arith.constant 0 : i32
    %dma_start3A_41 = tpu.memref_slice %arg5[%add3A_39, %dma_start3A_40] : memref<51200x32xf32, #tpu.memory_space<vmem_shared>> -> memref<100x32xf32, #tpu.memory_space<vmem_shared>>
    %dma_start3A_42 = arith.constant 0 : i32
    %dma_start3A_43 = tpu.memref_slice %arg5[%add3A_39, %dma_start3A_42] : memref<51200x32xf32, #tpu.memory_space<vmem_shared>> -> memref<100x32xf32, #tpu.memory_space<vmem_shared>>
    tpu.enqueue_dma source(%arg18 : memref<100x32xf32, #tpu.memory_space<vmem>>) target(%dma_start3A_43 : memref<100x32xf32, #tpu.memory_space<vmem_shared>>) target_semaphore(%arg25 : memref<!tpu.dma_semaphore, #tpu.memory_space<semaphore_mem>>)
    %mul3A_44 = arith.constant 3200 : i32
    %mul3A_45 = arith.muli %arg1, %mul3A_44 : i32
    %add3A_46 = arith.constant 500 : i32
    %add3A_47 = arith.addi %mul3A_45, %add3A_46 : i32
    %dma_start3A_48 = arith.constant 0 : i32
    %dma_start3A_49 = tpu.memref_slice %arg5[%add3A_47, %dma_start3A_48] : memref<51200x32xf32, #tpu.memory_space<vmem_shared>> -> memref<100x32xf32, #tpu.memory_space<vmem_shared>>
    %dma_start3A_50 = arith.constant 0 : i32
    %dma_start3A_51 = tpu.memref_slice %arg5[%add3A_47, %dma_start3A_50] : memref<51200x32xf32, #tpu.memory_space<vmem_shared>> -> memref<100x32xf32, #tpu.memory_space<vmem_shared>>
    tpu.enqueue_dma source(%arg18 : memref<100x32xf32, #tpu.memory_space<vmem>>) target(%dma_start3A_51 : memref<100x32xf32, #tpu.memory_space<vmem_shared>>) target_semaphore(%arg25 : memref<!tpu.dma_semaphore, #tpu.memory_space<semaphore_mem>>)
    %mul3A_52 = arith.constant 3200 : i32
    %mul3A_53 = arith.muli %arg1, %mul3A_52 : i32
    %add3A_54 = arith.constant 600 : i32
    %add3A_55 = arith.addi %mul3A_53, %add3A_54 : i32
    %dma_start3A_56 = arith.constant 0 : i32
    %dma_start3A_57 = tpu.memref_slice %arg5[%add3A_55, %dma_start3A_56] : memref<51200x32xf32, #tpu.memory_space<vmem_shared>> -> memref<100x32xf32, #tpu.memory_space<vmem_shared>>
    %dma_start3A_58 = arith.constant 0 : i32
    %dma_start3A_59 = tpu.memref_slice %arg5[%add3A_55, %dma_start3A_58] : memref<51200x32xf32, #tpu.memory_space<vmem_shared>> -> memref<100x32xf32, #tpu.memory_space<vmem_shared>>
    tpu.enqueue_dma source(%arg18 : memref<100x32xf32, #tpu.memory_space<vmem>>) target(%dma_start3A_59 : memref<100x32xf32, #tpu.memory_space<vmem_shared>>) target_semaphore(%arg25 : memref<!tpu.dma_semaphore, #tpu.memory_space<semaphore_mem>>)
    %mul3A_60 = arith.constant 3200 : i32
    %mul3A_61 = arith.muli %arg1, %mul3A_60 : i32
    %add3A_62 = arith.constant 700 : i32
    %add3A_63 = arith.addi %mul3A_61, %add3A_62 : i32
    %dma_start3A_64 = arith.constant 0 : i32
    %dma_start3A_65 = tpu.memref_slice %arg5[%add3A_63, %dma_start3A_64] : memref<51200x32xf32, #tpu.memory_space<vmem_shared>> -> memref<100x32xf32, #tpu.memory_space<vmem_shared>>
    %dma_start3A_66 = arith.constant 0 : i32
    %dma_start3A_67 = tpu.memref_slice %arg5[%add3A_63, %dma_start3A_66] : memref<51200x32xf32, #tpu.memory_space<vmem_shared>> -> memref<100x32xf32, #tpu.memory_space<vmem_shared>>
    tpu.enqueue_dma source(%arg18 : memref<100x32xf32, #tpu.memory_space<vmem>>) target(%dma_start3A_67 : memref<100x32xf32, #tpu.memory_space<vmem_shared>>) target_semaphore(%arg25 : memref<!tpu.dma_semaphore, #tpu.memory_space<semaphore_mem>>)
    %mul3A_68 = arith.constant 3200 : i32
    %mul3A_69 = arith.muli %arg1, %mul3A_68 : i32
    %add3A_70 = arith.constant 800 : i32
    %add3A_71 = arith.addi %mul3A_69, %add3A_70 : i32
    %dma_start3A_72 = arith.constant 0 : i32
    %dma_start3A_73 = tpu.memref_slice %arg5[%add3A_71, %dma_start3A_72] : memref<51200x32xf32, #tpu.memory_space<vmem_shared>> -> memref<100x32xf32, #tpu.memory_space<vmem_shared>>
    %dma_start3A_74 = arith.constant 0 : i32
    %dma_start3A_75 = tpu.memref_slice %arg5[%add3A_71, %dma_start3A_74] : memref<51200x32xf32, #tpu.memory_space<vmem_shared>> -> memref<100x32xf32, #tpu.memory_space<vmem_shared>>
    tpu.enqueue_dma source(%arg18 : memref<100x32xf32, #tpu.memory_space<vmem>>) target(%dma_start3A_75 : memref<100x32xf32, #tpu.memory_space<vmem_shared>>) target_semaphore(%arg25 : memref<!tpu.dma_semaphore, #tpu.memory_space<semaphore_mem>>)
    %mul3A_76 = arith.constant 3200 : i32
    %mul3A_77 = arith.muli %arg1, %mul3A_76 : i32
    %add3A_78 = arith.constant 900 : i32
    %add3A_79 = arith.addi %mul3A_77, %add3A_78 : i32
    %dma_start3A_80 = arith.constant 0 : i32
    %dma_start3A_81 = tpu.memref_slice %arg5[%add3A_79, %dma_start3A_80] : memref<51200x32xf32, #tpu.memory_space<vmem_shared>> -> memref<100x32xf32, #tpu.memory_space<vmem_shared>>
    %dma_start3A_82 = arith.constant 0 : i32
    %dma_start3A_83 = tpu.memref_slice %arg5[%add3A_79, %dma_start3A_82] : memref<51200x32xf32, #tpu.memory_space<vmem_shared>> -> memref<100x32xf32, #tpu.memory_space<vmem_shared>>
    tpu.enqueue_dma source(%arg18 : memref<100x32xf32, #tpu.memory_space<vmem>>) target(%dma_start3A_83 : memref<100x32xf32, #tpu.memory_space<vmem_shared>>) target_semaphore(%arg25 : memref<!tpu.dma_semaphore, #tpu.memory_space<semaphore_mem>>)
    %mul3A_84 = arith.constant 3200 : i32
    %mul3A_85 = arith.muli %arg1, %mul3A_84 : i32
    %add3A_86 = arith.constant 1000 : i32
    %add3A_87 = arith.addi %mul3A_85, %add3A_86 : i32
    %dma_start3A_88 = arith.constant 0 : i32
    %dma_start3A_89 = tpu.memref_slice %arg5[%add3A_87, %dma_start3A_88] : memref<51200x32xf32, #tpu.memory_space<vmem_shared>> -> memref<100x32xf32, #tpu.memory_space<vmem_shared>>
    %dma_start3A_90 = arith.constant 0 : i32
    %dma_start3A_91 = tpu.memref_slice %arg5[%add3A_87, %dma_start3A_90] : memref<51200x32xf32, #tpu.memory_space<vmem_shared>> -> memref<100x32xf32, #tpu.memory_space<vmem_shared>>
    tpu.enqueue_dma source(%arg18 : memref<100x32xf32, #tpu.memory_space<vmem>>) target(%dma_start3A_91 : memref<100x32xf32, #tpu.memory_space<vmem_shared>>) target_semaphore(%arg25 : memref<!tpu.dma_semaphore, #tpu.memory_space<semaphore_mem>>)
    %mul3A_92 = arith.constant 3200 : i32
    %mul3A_93 = arith.muli %arg1, %mul3A_92 : i32
    %add3A_94 = arith.constant 1100 : i32
    %add3A_95 = arith.addi %mul3A_93, %add3A_94 : i32
    %dma_start3A_96 = arith.constant 0 : i32
    %dma_start3A_97 = tpu.memref_slice %arg5[%add3A_95, %dma_start3A_96] : memref<51200x32xf32, #tpu.memory_space<vmem_shared>> -> memref<100x32xf32, #tpu.memory_space<vmem_shared>>
    %dma_start3A_98 = arith.constant 0 : i32
    %dma_start3A_99 = tpu.memref_slice %arg5[%add3A_95, %dma_start3A_98] : memref<51200x32xf32, #tpu.memory_space<vmem_shared>> -> memref<100x32xf32, #tpu.memory_space<vmem_shared>>
    tpu.enqueue_dma source(%arg18 : memref<100x32xf32, #tpu.memory_space<vmem>>) target(%dma_start3A_99 : memref<100x32xf32, #tpu.memory_space<vmem_shared>>) target_semaphore(%arg25 : memref<!tpu.dma_semaphore, #tpu.memory_space<semaphore_mem>>)
    %mul3A_100 = arith.constant 3200 : i32
    %mul3A_101 = arith.muli %arg1, %mul3A_100 : i32
    %add3A_102 = arith.constant 1200 : i32
    %add3A_103 = arith.addi %mul3A_101, %add3A_102 : i32
    %dma_start3A_104 = arith.constant 0 : i32
    %dma_start3A_105 = tpu.memref_slice %arg5[%add3A_103, %dma_start3A_104] : memref<51200x32xf32, #tpu.memory_space<vmem_shared>> -> memref<100x32xf32, #tpu.memory_space<vmem_shared>>
    %dma_start3A_106 = arith.constant 0 : i32
    %dma_start3A_107 = tpu.memref_slice %arg5[%add3A_103, %dma_start3A_106] : memref<51200x32xf32, #tpu.memory_space<vmem_shared>> -> memref<100x32xf32, #tpu.memory_space<vmem_shared>>
    tpu.enqueue_dma source(%arg18 : memref<100x32xf32, #tpu.memory_space<vmem>>) target(%dma_start3A_107 : memref<100x32xf32, #tpu.memory_space<vmem_shared>>) target_semaphore(%arg25 : memref<!tpu.dma_semaphore, #tpu.memory_space<semaphore_mem>>)
    %mul3A_108 = arith.constant 3200 : i32
    %mul3A_109 = arith.muli %arg1, %mul3A_108 : i32
    %add3A_110 = arith.constant 1300 : i32
    %add3A_111 = arith.addi %mul3A_109, %add3A_110 : i32
    %dma_start3A_112 = arith.constant 0 : i32
    %dma_start3A_113 = tpu.memref_slice %arg5[%add3A_111, %dma_start3A_112] : memref<51200x32xf32, #tpu.memory_space<vmem_shared>> -> memref<100x32xf32, #tpu.memory_space<vmem_shared>>
    %dma_start3A_114 = arith.constant 0 : i32
    %dma_start3A_115 = tpu.memref_slice %arg5[%add3A_111, %dma_start3A_114] : memref<51200x32xf32, #tpu.memory_space<vmem_shared>> -> memref<100x32xf32, #tpu.memory_space<vmem_shared>>
    tpu.enqueue_dma source(%arg18 : memref<100x32xf32, #tpu.memory_space<vmem>>) target(%dma_start3A_115 : memref<100x32xf32, #tpu.memory_space<vmem_shared>>) target_semaphore(%arg25 : memref<!tpu.dma_semaphore, #tpu.memory_space<semaphore_mem>>)
    %mul3A_116 = arith.constant 3200 : i32
    %mul3A_117 = arith.muli %arg1, %mul3A_116 : i32
    %add3A_118 = arith.constant 1400 : i32
    %add3A_119 = arith.addi %mul3A_117, %add3A_118 : i32
    %dma_start3A_120 = arith.constant 0 : i32
    %dma_start3A_121 = tpu.memref_slice %arg5[%add3A_119, %dma_start3A_120] : memref<51200x32xf32, #tpu.memory_space<vmem_shared>> -> memref<100x32xf32, #tpu.memory_space<vmem_shared>>
    %dma_start3A_122 = arith.constant 0 : i32
    %dma_start3A_123 = tpu.memref_slice %arg5[%add3A_119, %dma_start3A_122] : memref<51200x32xf32, #tpu.memory_space<vmem_shared>> -> memref<100x32xf32, #tpu.memory_space<vmem_shared>>
    tpu.enqueue_dma source(%arg18 : memref<100x32xf32, #tpu.memory_space<vmem>>) target(%dma_start3A_123 : memref<100x32xf32, #tpu.memory_space<vmem_shared>>) target_semaphore(%arg25 : memref<!tpu.dma_semaphore, #tpu.memory_space<semaphore_mem>>)
    %mul3A_124 = arith.constant 3200 : i32
    %mul3A_125 = arith.muli %arg1, %mul3A_124 : i32
    %add3A_126 = arith.constant 1500 : i32
    %add3A_127 = arith.addi %mul3A_125, %add3A_126 : i32
    %dma_start3A_128 = arith.constant 0 : i32
    %dma_start3A_129 = tpu.memref_slice %arg5[%add3A_127, %dma_start3A_128] : memref<51200x32xf32, #tpu.memory_space<vmem_shared>> -> memref<100x32xf32, #tpu.memory_space<vmem_shared>>
    %dma_start3A_130 = arith.constant 0 : i32
    %dma_start3A_131 = tpu.memref_slice %arg5[%add3A_127, %dma_start3A_130] : memref<51200x32xf32, #tpu.memory_space<vmem_shared>> -> memref<100x32xf32, #tpu.memory_space<vmem_shared>>
    tpu.enqueue_dma source(%arg18 : memref<100x32xf32, #tpu.memory_space<vmem>>) target(%dma_start3A_131 : memref<100x32xf32, #tpu.memory_space<vmem_shared>>) target_semaphore(%arg25 : memref<!tpu.dma_semaphore, #tpu.memory_space<semaphore_mem>>)
    %mul3A_132 = arith.constant 3200 : i32
    %mul3A_133 = arith.muli %arg1, %mul3A_132 : i32
    %add3A_134 = arith.constant 1600 : i32
    %add3A_135 = arith.addi %mul3A_133, %add3A_134 : i32
    %dma_start3A_136 = arith.constant 0 : i32
    %dma_start3A_137 = tpu.memref_slice %arg5[%add3A_135, %dma_start3A_136] : memref<51200x32xf32, #tpu.memory_space<vmem_shared>> -> memref<100x32xf32, #tpu.memory_space<vmem_shared>>
    %dma_start3A_138 = arith.constant 0 : i32
    %dma_start3A_139 = tpu.memref_slice %arg5[%add3A_135, %dma_start3A_138] : memref<51200x32xf32, #tpu.memory_space<vmem_shared>> -> memref<100x32xf32, #tpu.memory_space<vmem_shared>>
    tpu.enqueue_dma source(%arg18 : memref<100x32xf32, #tpu.memory_space<vmem>>) target(%dma_start3A_139 : memref<100x32xf32, #tpu.memory_space<vmem_shared>>) target_semaphore(%arg25 : memref<!tpu.dma_semaphore, #tpu.memory_space<semaphore_mem>>)
    %mul3A_140 = arith.constant 3200 : i32
    %mul3A_141 = arith.muli %arg1, %mul3A_140 : i32
    %add3A_142 = arith.constant 1700 : i32
    %add3A_143 = arith.addi %mul3A_141, %add3A_142 : i32
    %dma_start3A_144 = arith.constant 0 : i32
    %dma_start3A_145 = tpu.memref_slice %arg5[%add3A_143, %dma_start3A_144] : memref<51200x32xf32, #tpu.memory_space<vmem_shared>> -> memref<100x32xf32, #tpu.memory_space<vmem_shared>>
    %dma_start3A_146 = arith.constant 0 : i32
    %dma_start3A_147 = tpu.memref_slice %arg5[%add3A_143, %dma_start3A_146] : memref<51200x32xf32, #tpu.memory_space<vmem_shared>> -> memref<100x32xf32, #tpu.memory_space<vmem_shared>>
    tpu.enqueue_dma source(%arg18 : memref<100x32xf32, #tpu.memory_space<vmem>>) target(%dma_start3A_147 : memref<100x32xf32, #tpu.memory_space<vmem_shared>>) target_semaphore(%arg25 : memref<!tpu.dma_semaphore, #tpu.memory_space<semaphore_mem>>)
    %mul3A_148 = arith.constant 3200 : i32
    %mul3A_149 = arith.muli %arg1, %mul3A_148 : i32
    %add3A_150 = arith.constant 1800 : i32
    %add3A_151 = arith.addi %mul3A_149, %add3A_150 : i32
    %dma_start3A_152 = arith.constant 0 : i32
    %dma_start3A_153 = tpu.memref_slice %arg5[%add3A_151, %dma_start3A_152] : memref<51200x32xf32, #tpu.memory_space<vmem_shared>> -> memref<100x32xf32, #tpu.memory_space<vmem_shared>>
    %dma_start3A_154 = arith.constant 0 : i32
    %dma_start3A_155 = tpu.memref_slice %arg5[%add3A_151, %dma_start3A_154] : memref<51200x32xf32, #tpu.memory_space<vmem_shared>> -> memref<100x32xf32, #tpu.memory_space<vmem_shared>>
    tpu.enqueue_dma source(%arg18 : memref<100x32xf32, #tpu.memory_space<vmem>>) target(%dma_start3A_155 : memref<100x32xf32, #tpu.memory_space<vmem_shared>>) target_semaphore(%arg25 : memref<!tpu.dma_semaphore, #tpu.memory_space<semaphore_mem>>)
    %mul3A_156 = arith.constant 3200 : i32
    %mul3A_157 = arith.muli %arg1, %mul3A_156 : i32
    %add3A_158 = arith.constant 1900 : i32
    %add3A_159 = arith.addi %mul3A_157, %add3A_158 : i32
    %dma_start3A_160 = arith.constant 0 : i32
    %dma_start3A_161 = tpu.memref_slice %arg5[%add3A_159, %dma_start3A_160] : memref<51200x32xf32, #tpu.memory_space<vmem_shared>> -> memref<100x32xf32, #tpu.memory_space<vmem_shared>>
    %dma_start3A_162 = arith.constant 0 : i32
    %dma_start3A_163 = tpu.memref_slice %arg5[%add3A_159, %dma_start3A_162] : memref<51200x32xf32, #tpu.memory_space<vmem_shared>> -> memref<100x32xf32, #tpu.memory_space<vmem_shared>>
    tpu.enqueue_dma source(%arg18 : memref<100x32xf32, #tpu.memory_space<vmem>>) target(%dma_start3A_163 : memref<100x32xf32, #tpu.memory_space<vmem_shared>>) target_semaphore(%arg25 : memref<!tpu.dma_semaphore, #tpu.memory_space<semaphore_mem>>)
    %mul3A_164 = arith.constant 3200 : i32
    %mul3A_165 = arith.muli %arg1, %mul3A_164 : i32
    %add3A_166 = arith.constant 2000 : i32
    %add3A_167 = arith.addi %mul3A_165, %add3A_166 : i32
    %dma_start3A_168 = arith.constant 0 : i32
    %dma_start3A_169 = tpu.memref_slice %arg5[%add3A_167, %dma_start3A_168] : memref<51200x32xf32, #tpu.memory_space<vmem_shared>> -> memref<100x32xf32, #tpu.memory_space<vmem_shared>>
    %dma_start3A_170 = arith.constant 0 : i32
    %dma_start3A_171 = tpu.memref_slice %arg5[%add3A_167, %dma_start3A_170] : memref<51200x32xf32, #tpu.memory_space<vmem_shared>> -> memref<100x32xf32, #tpu.memory_space<vmem_shared>>
    tpu.enqueue_dma source(%arg18 : memref<100x32xf32, #tpu.memory_space<vmem>>) target(%dma_start3A_171 : memref<100x32xf32, #tpu.memory_space<vmem_shared>>) target_semaphore(%arg25 : memref<!tpu.dma_semaphore, #tpu.memory_space<semaphore_mem>>)
    %mul3A_172 = arith.constant 3200 : i32
    %mul3A_173 = arith.muli %arg1, %mul3A_172 : i32
    %add3A_174 = arith.constant 2100 : i32
    %add3A_175 = arith.addi %mul3A_173, %add3A_174 : i32
    %dma_start3A_176 = arith.constant 0 : i32
    %dma_start3A_177 = tpu.memref_slice %arg5[%add3A_175, %dma_start3A_176] : memref<51200x32xf32, #tpu.memory_space<vmem_shared>> -> memref<100x32xf32, #tpu.memory_space<vmem_shared>>
    %dma_start3A_178 = arith.constant 0 : i32
    %dma_start3A_179 = tpu.memref_slice %arg5[%add3A_175, %dma_start3A_178] : memref<51200x32xf32, #tpu.memory_space<vmem_shared>> -> memref<100x32xf32, #tpu.memory_space<vmem_shared>>
    tpu.enqueue_dma source(%arg18 : memref<100x32xf32, #tpu.memory_space<vmem>>) target(%dma_start3A_179 : memref<100x32xf32, #tpu.memory_space<vmem_shared>>) target_semaphore(%arg25 : memref<!tpu.dma_semaphore, #tpu.memory_space<semaphore_mem>>)
    %mul3A_180 = arith.constant 3200 : i32
    %mul3A_181 = arith.muli %arg1, %mul3A_180 : i32
    %add3A_182 = arith.constant 2200 : i32
    %add3A_183 = arith.addi %mul3A_181, %add3A_182 : i32
    %dma_start3A_184 = arith.constant 0 : i32
    %dma_start3A_185 = tpu.memref_slice %arg5[%add3A_183, %dma_start3A_184] : memref<51200x32xf32, #tpu.memory_space<vmem_shared>> -> memref<100x32xf32, #tpu.memory_space<vmem_shared>>
    %dma_start3A_186 = arith.constant 0 : i32
    %dma_start3A_187 = tpu.memref_slice %arg5[%add3A_183, %dma_start3A_186] : memref<51200x32xf32, #tpu.memory_space<vmem_shared>> -> memref<100x32xf32, #tpu.memory_space<vmem_shared>>
    tpu.enqueue_dma source(%arg18 : memref<100x32xf32, #tpu.memory_space<vmem>>) target(%dma_start3A_187 : memref<100x32xf32, #tpu.memory_space<vmem_shared>>) target_semaphore(%arg25 : memref<!tpu.dma_semaphore, #tpu.memory_space<semaphore_mem>>)
    %mul3A_188 = arith.constant 3200 : i32
    %mul3A_189 = arith.muli %arg1, %mul3A_188 : i32
    %add3A_190 = arith.constant 2300 : i32
    %add3A_191 = arith.addi %mul3A_189, %add3A_190 : i32
    %dma_start3A_192 = arith.constant 0 : i32
    %dma_start3A_193 = tpu.memref_slice %arg5[%add3A_191, %dma_start3A_192] : memref<51200x32xf32, #tpu.memory_space<vmem_shared>> -> memref<100x32xf32, #tpu.memory_space<vmem_shared>>
    %dma_start3A_194 = arith.constant 0 : i32
    %dma_start3A_195 = tpu.memref_slice %arg5[%add3A_191, %dma_start3A_194] : memref<51200x32xf32, #tpu.memory_space<vmem_shared>> -> memref<100x32xf32, #tpu.memory_space<vmem_shared>>
    tpu.enqueue_dma source(%arg18 : memref<100x32xf32, #tpu.memory_space<vmem>>) target(%dma_start3A_195 : memref<100x32xf32, #tpu.memory_space<vmem_shared>>) target_semaphore(%arg25 : memref<!tpu.dma_semaphore, #tpu.memory_space<semaphore_mem>>)
    %mul3A_196 = arith.constant 3200 : i32
    %mul3A_197 = arith.muli %arg1, %mul3A_196 : i32
    %add3A_198 = arith.constant 2400 : i32
    %add3A_199 = arith.addi %mul3A_197, %add3A_198 : i32
    %dma_start3A_200 = arith.constant 0 : i32
    %dma_start3A_201 = tpu.memref_slice %arg5[%add3A_199, %dma_start3A_200] : memref<51200x32xf32, #tpu.memory_space<vmem_shared>> -> memref<100x32xf32, #tpu.memory_space<vmem_shared>>
    %dma_start3A_202 = arith.constant 0 : i32
    %dma_start3A_203 = tpu.memref_slice %arg5[%add3A_199, %dma_start3A_202] : memref<51200x32xf32, #tpu.memory_space<vmem_shared>> -> memref<100x32xf32, #tpu.memory_space<vmem_shared>>
    tpu.enqueue_dma source(%arg18 : memref<100x32xf32, #tpu.memory_space<vmem>>) target(%dma_start3A_203 : memref<100x32xf32, #tpu.memory_space<vmem_shared>>) target_semaphore(%arg25 : memref<!tpu.dma_semaphore, #tpu.memory_space<semaphore_mem>>)
    %mul3A_204 = arith.constant 3200 : i32
    %mul3A_205 = arith.muli %arg1, %mul3A_204 : i32
    %add3A_206 = arith.constant 2500 : i32
    %add3A_207 = arith.addi %mul3A_205, %add3A_206 : i32
    %dma_start3A_208 = arith.constant 0 : i32
    %dma_start3A_209 = tpu.memref_slice %arg5[%add3A_207, %dma_start3A_208] : memref<51200x32xf32, #tpu.memory_space<vmem_shared>> -> memref<100x32xf32, #tpu.memory_space<vmem_shared>>
    %dma_start3A_210 = arith.constant 0 : i32
    %dma_start3A_211 = tpu.memref_slice %arg5[%add3A_207, %dma_start3A_210] : memref<51200x32xf32, #tpu.memory_space<vmem_shared>> -> memref<100x32xf32, #tpu.memory_space<vmem_shared>>
    tpu.enqueue_dma source(%arg18 : memref<100x32xf32, #tpu.memory_space<vmem>>) target(%dma_start3A_211 : memref<100x32xf32, #tpu.memory_space<vmem_shared>>) target_semaphore(%arg25 : memref<!tpu.dma_semaphore, #tpu.memory_space<semaphore_mem>>)
    %mul3A_212 = arith.constant 3200 : i32
    %mul3A_213 = arith.muli %arg1, %mul3A_212 : i32
    %add3A_214 = arith.constant 2600 : i32
    %add3A_215 = arith.addi %mul3A_213, %add3A_214 : i32
    %dma_start3A_216 = arith.constant 0 : i32
    %dma_start3A_217 = tpu.memref_slice %arg5[%add3A_215, %dma_start3A_216] : memref<51200x32xf32, #tpu.memory_space<vmem_shared>> -> memref<100x32xf32, #tpu.memory_space<vmem_shared>>
    %dma_start3A_218 = arith.constant 0 : i32
    %dma_start3A_219 = tpu.memref_slice %arg5[%add3A_215, %dma_start3A_218] : memref<51200x32xf32, #tpu.memory_space<vmem_shared>> -> memref<100x32xf32, #tpu.memory_space<vmem_shared>>
    tpu.enqueue_dma source(%arg18 : memref<100x32xf32, #tpu.memory_space<vmem>>) target(%dma_start3A_219 : memref<100x32xf32, #tpu.memory_space<vmem_shared>>) target_semaphore(%arg25 : memref<!tpu.dma_semaphore, #tpu.memory_space<semaphore_mem>>)
    %mul3A_220 = arith.constant 3200 : i32
    %mul3A_221 = arith.muli %arg1, %mul3A_220 : i32
    %add3A_222 = arith.constant 2700 : i32
    %add3A_223 = arith.addi %mul3A_221, %add3A_222 : i32
    %dma_start3A_224 = arith.constant 0 : i32
    %dma_start3A_225 = tpu.memref_slice %arg5[%add3A_223, %dma_start3A_224] : memref<51200x32xf32, #tpu.memory_space<vmem_shared>> -> memref<100x32xf32, #tpu.memory_space<vmem_shared>>
    %dma_start3A_226 = arith.constant 0 : i32
    %dma_start3A_227 = tpu.memref_slice %arg5[%add3A_223, %dma_start3A_226] : memref<51200x32xf32, #tpu.memory_space<vmem_shared>> -> memref<100x32xf32, #tpu.memory_space<vmem_shared>>
    tpu.enqueue_dma source(%arg18 : memref<100x32xf32, #tpu.memory_space<vmem>>) target(%dma_start3A_227 : memref<100x32xf32, #tpu.memory_space<vmem_shared>>) target_semaphore(%arg25 : memref<!tpu.dma_semaphore, #tpu.memory_space<semaphore_mem>>)
    %mul3A_228 = arith.constant 3200 : i32
    %mul3A_229 = arith.muli %arg1, %mul3A_228 : i32
    %add3A_230 = arith.constant 2800 : i32
    %add3A_231 = arith.addi %mul3A_229, %add3A_230 : i32
    %dma_start3A_232 = arith.constant 0 : i32
    %dma_start3A_233 = tpu.memref_slice %arg5[%add3A_231, %dma_start3A_232] : memref<51200x32xf32, #tpu.memory_space<vmem_shared>> -> memref<100x32xf32, #tpu.memory_space<vmem_shared>>
    %dma_start3A_234 = arith.constant 0 : i32
    %dma_start3A_235 = tpu.memref_slice %arg5[%add3A_231, %dma_start3A_234] : memref<51200x32xf32, #tpu.memory_space<vmem_shared>> -> memref<100x32xf32, #tpu.memory_space<vmem_shared>>
    tpu.enqueue_dma source(%arg18 : memref<100x32xf32, #tpu.memory_space<vmem>>) target(%dma_start3A_235 : memref<100x32xf32, #tpu.memory_space<vmem_shared>>) target_semaphore(%arg25 : memref<!tpu.dma_semaphore, #tpu.memory_space<semaphore_mem>>)
    %mul3A_236 = arith.constant 3200 : i32
    %mul3A_237 = arith.muli %arg1, %mul3A_236 : i32
    %add3A_238 = arith.constant 2900 : i32
    %add3A_239 = arith.addi %mul3A_237, %add3A_238 : i32
    %dma_start3A_240 = arith.constant 0 : i32
    %dma_start3A_241 = tpu.memref_slice %arg5[%add3A_239, %dma_start3A_240] : memref<51200x32xf32, #tpu.memory_space<vmem_shared>> -> memref<100x32xf32, #tpu.memory_space<vmem_shared>>
    %dma_start3A_242 = arith.constant 0 : i32
    %dma_start3A_243 = tpu.memref_slice %arg5[%add3A_239, %dma_start3A_242] : memref<51200x32xf32, #tpu.memory_space<vmem_shared>> -> memref<100x32xf32, #tpu.memory_space<vmem_shared>>
    tpu.enqueue_dma source(%arg18 : memref<100x32xf32, #tpu.memory_space<vmem>>) target(%dma_start3A_243 : memref<100x32xf32, #tpu.memory_space<vmem_shared>>) target_semaphore(%arg25 : memref<!tpu.dma_semaphore, #tpu.memory_space<semaphore_mem>>)
    %mul3A_244 = arith.constant 3200 : i32
    %mul3A_245 = arith.muli %arg1, %mul3A_244 : i32
    %add3A_246 = arith.constant 3000 : i32
    %add3A_247 = arith.addi %mul3A_245, %add3A_246 : i32
    %dma_start3A_248 = arith.constant 0 : i32
    %dma_start3A_249 = tpu.memref_slice %arg5[%add3A_247, %dma_start3A_248] : memref<51200x32xf32, #tpu.memory_space<vmem_shared>> -> memref<100x32xf32, #tpu.memory_space<vmem_shared>>
    %dma_start3A_250 = arith.constant 0 : i32
    %dma_start3A_251 = tpu.memref_slice %arg5[%add3A_247, %dma_start3A_250] : memref<51200x32xf32, #tpu.memory_space<vmem_shared>> -> memref<100x32xf32, #tpu.memory_space<vmem_shared>>
    tpu.enqueue_dma source(%arg18 : memref<100x32xf32, #tpu.memory_space<vmem>>) target(%dma_start3A_251 : memref<100x32xf32, #tpu.memory_space<vmem_shared>>) target_semaphore(%arg25 : memref<!tpu.dma_semaphore, #tpu.memory_space<semaphore_mem>>)
    %mul3A_252 = arith.constant 3200 : i32
    %mul3A_253 = arith.muli %arg1, %mul3A_252 : i32
    %add3A_254 = arith.constant 3100 : i32
    %add3A_255 = arith.addi %mul3A_253, %add3A_254 : i32
    %dma_start3A_256 = arith.constant 0 : i32
    %dma_start3A_257 = tpu.memref_slice %arg5[%add3A_255, %dma_start3A_256] : memref<51200x32xf32, #tpu.memory_space<vmem_shared>> -> memref<100x32xf32, #tpu.memory_space<vmem_shared>>
    %dma_start3A_258 = arith.constant 0 : i32
    %dma_start3A_259 = tpu.memref_slice %arg5[%add3A_255, %dma_start3A_258] : memref<51200x32xf32, #tpu.memory_space<vmem_shared>> -> memref<100x32xf32, #tpu.memory_space<vmem_shared>>
    tpu.enqueue_dma source(%arg18 : memref<100x32xf32, #tpu.memory_space<vmem>>) target(%dma_start3A_259 : memref<100x32xf32, #tpu.memory_space<vmem_shared>>) target_semaphore(%arg25 : memref<!tpu.dma_semaphore, #tpu.memory_space<semaphore_mem>>)
    %mul3A_260 = arith.constant 3200 : i32
    %mul3A_261 = arith.muli %arg1, %mul3A_260 : i32
    %add3A_262 = arith.constant 0 : i32
    %add3A_263 = arith.addi %mul3A_261, %add3A_262 : i32
    %dma_wait3A = arith.constant 0 : i32
    %dma_wait3A_264 = tpu.memref_slice %arg5[%add3A_263, %dma_wait3A] : memref<51200x32xf32, #tpu.memory_space<vmem_shared>> -> memref<100x32xf32, #tpu.memory_space<vmem_shared>>
    %dma_wait3A_265 = arith.constant 0 : i32
    %dma_wait3A_266 = tpu.memref_slice %arg5[%add3A_263, %dma_wait3A_265] : memref<51200x32xf32, #tpu.memory_space<vmem_shared>> -> memref<100x32xf32, #tpu.memory_space<vmem_shared>>
    tpu.wait_dma2 semaphore(%arg25 : memref<!tpu.dma_semaphore, #tpu.memory_space<semaphore_mem>>) src(%arg18 : memref<100x32xf32, #tpu.memory_space<vmem>>) dst(%dma_wait3A_266 : memref<100x32xf32, #tpu.memory_space<vmem_shared>>)
    %mul3A_267 = arith.constant 3200 : i32
    %mul3A_268 = arith.muli %arg1, %mul3A_267 : i32
    %add3A_269 = arith.constant 100 : i32
    %add3A_270 = arith.addi %mul3A_268, %add3A_269 : i32
    %dma_wait3A_271 = arith.constant 0 : i32
    %dma_wait3A_272 = tpu.memref_slice %arg5[%add3A_270, %dma_wait3A_271] : memref<51200x32xf32, #tpu.memory_space<vmem_shared>> -> memref<100x32xf32, #tpu.memory_space<vmem_shared>>
    %dma_wait3A_273 = arith.constant 0 : i32
    %dma_wait3A_274 = tpu.memref_slice %arg5[%add3A_270, %dma_wait3A_273] : memref<51200x32xf32, #tpu.memory_space<vmem_shared>> -> memref<100x32xf32, #tpu.memory_space<vmem_shared>>
    tpu.wait_dma2 semaphore(%arg25 : memref<!tpu.dma_semaphore, #tpu.memory_space<semaphore_mem>>) src(%arg18 : memref<100x32xf32, #tpu.memory_space<vmem>>) dst(%dma_wait3A_274 : memref<100x32xf32, #tpu.memory_space<vmem_shared>>)
    %mul3A_275 = arith.constant 3200 : i32
    %mul3A_276 = arith.muli %arg1, %mul3A_275 : i32
    %add3A_277 = arith.constant 200 : i32
    %add3A_278 = arith.addi %mul3A_276, %add3A_277 : i32
    %dma_wait3A_279 = arith.constant 0 : i32
    %dma_wait3A_280 = tpu.memref_slice %arg5[%add3A_278, %dma_wait3A_279] : memref<51200x32xf32, #tpu.memory_space<vmem_shared>> -> memref<100x32xf32, #tpu.memory_space<vmem_shared>>
    %dma_wait3A_281 = arith.constant 0 : i32
    %dma_wait3A_282 = tpu.memref_slice %arg5[%add3A_278, %dma_wait3A_281] : memref<51200x32xf32, #tpu.memory_space<vmem_shared>> -> memref<100x32xf32, #tpu.memory_space<vmem_shared>>
    tpu.wait_dma2 semaphore(%arg25 : memref<!tpu.dma_semaphore, #tpu.memory_space<semaphore_mem>>) src(%arg18 : memref<100x32xf32, #tpu.memory_space<vmem>>) dst(%dma_wait3A_282 : memref<100x32xf32, #tpu.memory_space<vmem_shared>>)
    %mul3A_283 = arith.constant 3200 : i32
    %mul3A_284 = arith.muli %arg1, %mul3A_283 : i32
    %add3A_285 = arith.constant 300 : i32
    %add3A_286 = arith.addi %mul3A_284, %add3A_285 : i32
    %dma_wait3A_287 = arith.constant 0 : i32
    %dma_wait3A_288 = tpu.memref_slice %arg5[%add3A_286, %dma_wait3A_287] : memref<51200x32xf32, #tpu.memory_space<vmem_shared>> -> memref<100x32xf32, #tpu.memory_space<vmem_shared>>
    %dma_wait3A_289 = arith.constant 0 : i32
    %dma_wait3A_290 = tpu.memref_slice %arg5[%add3A_286, %dma_wait3A_289] : memref<51200x32xf32, #tpu.memory_space<vmem_shared>> -> memref<100x32xf32, #tpu.memory_space<vmem_shared>>
    tpu.wait_dma2 semaphore(%arg25 : memref<!tpu.dma_semaphore, #tpu.memory_space<semaphore_mem>>) src(%arg18 : memref<100x32xf32, #tpu.memory_space<vmem>>) dst(%dma_wait3A_290 : memref<100x32xf32, #tpu.memory_space<vmem_shared>>)
    %mul3A_291 = arith.constant 3200 : i32
    %mul3A_292 = arith.muli %arg1, %mul3A_291 : i32
    %add3A_293 = arith.constant 400 : i32
    %add3A_294 = arith.addi %mul3A_292, %add3A_293 : i32
    %dma_wait3A_295 = arith.constant 0 : i32
    %dma_wait3A_296 = tpu.memref_slice %arg5[%add3A_294, %dma_wait3A_295] : memref<51200x32xf32, #tpu.memory_space<vmem_shared>> -> memref<100x32xf32, #tpu.memory_space<vmem_shared>>
    %dma_wait3A_297 = arith.constant 0 : i32
    %dma_wait3A_298 = tpu.memref_slice %arg5[%add3A_294, %dma_wait3A_297] : memref<51200x32xf32, #tpu.memory_space<vmem_shared>> -> memref<100x32xf32, #tpu.memory_space<vmem_shared>>
    tpu.wait_dma2 semaphore(%arg25 : memref<!tpu.dma_semaphore, #tpu.memory_space<semaphore_mem>>) src(%arg18 : memref<100x32xf32, #tpu.memory_space<vmem>>) dst(%dma_wait3A_298 : memref<100x32xf32, #tpu.memory_space<vmem_shared>>)
    %mul3A_299 = arith.constant 3200 : i32
    %mul3A_300 = arith.muli %arg1, %mul3A_299 : i32
    %add3A_301 = arith.constant 500 : i32
    %add3A_302 = arith.addi %mul3A_300, %add3A_301 : i32
    %dma_wait3A_303 = arith.constant 0 : i32
    %dma_wait3A_304 = tpu.memref_slice %arg5[%add3A_302, %dma_wait3A_303] : memref<51200x32xf32, #tpu.memory_space<vmem_shared>> -> memref<100x32xf32, #tpu.memory_space<vmem_shared>>
    %dma_wait3A_305 = arith.constant 0 : i32
    %dma_wait3A_306 = tpu.memref_slice %arg5[%add3A_302, %dma_wait3A_305] : memref<51200x32xf32, #tpu.memory_space<vmem_shared>> -> memref<100x32xf32, #tpu.memory_space<vmem_shared>>
    tpu.wait_dma2 semaphore(%arg25 : memref<!tpu.dma_semaphore, #tpu.memory_space<semaphore_mem>>) src(%arg18 : memref<100x32xf32, #tpu.memory_space<vmem>>) dst(%dma_wait3A_306 : memref<100x32xf32, #tpu.memory_space<vmem_shared>>)
    %mul3A_307 = arith.constant 3200 : i32
    %mul3A_308 = arith.muli %arg1, %mul3A_307 : i32
    %add3A_309 = arith.constant 600 : i32
    %add3A_310 = arith.addi %mul3A_308, %add3A_309 : i32
    %dma_wait3A_311 = arith.constant 0 : i32
    %dma_wait3A_312 = tpu.memref_slice %arg5[%add3A_310, %dma_wait3A_311] : memref<51200x32xf32, #tpu.memory_space<vmem_shared>> -> memref<100x32xf32, #tpu.memory_space<vmem_shared>>
    %dma_wait3A_313 = arith.constant 0 : i32
    %dma_wait3A_314 = tpu.memref_slice %arg5[%add3A_310, %dma_wait3A_313] : memref<51200x32xf32, #tpu.memory_space<vmem_shared>> -> memref<100x32xf32, #tpu.memory_space<vmem_shared>>
    tpu.wait_dma2 semaphore(%arg25 : memref<!tpu.dma_semaphore, #tpu.memory_space<semaphore_mem>>) src(%arg18 : memref<100x32xf32, #tpu.memory_space<vmem>>) dst(%dma_wait3A_314 : memref<100x32xf32, #tpu.memory_space<vmem_shared>>)
    %mul3A_315 = arith.constant 3200 : i32
    %mul3A_316 = arith.muli %arg1, %mul3A_315 : i32
    %add3A_317 = arith.constant 700 : i32
    %add3A_318 = arith.addi %mul3A_316, %add3A_317 : i32
    %dma_wait3A_319 = arith.constant 0 : i32
    %dma_wait3A_320 = tpu.memref_slice %arg5[%add3A_318, %dma_wait3A_319] : memref<51200x32xf32, #tpu.memory_space<vmem_shared>> -> memref<100x32xf32, #tpu.memory_space<vmem_shared>>
    %dma_wait3A_321 = arith.constant 0 : i32
    %dma_wait3A_322 = tpu.memref_slice %arg5[%add3A_318, %dma_wait3A_321] : memref<51200x32xf32, #tpu.memory_space<vmem_shared>> -> memref<100x32xf32, #tpu.memory_space<vmem_shared>>
    tpu.wait_dma2 semaphore(%arg25 : memref<!tpu.dma_semaphore, #tpu.memory_space<semaphore_mem>>) src(%arg18 : memref<100x32xf32, #tpu.memory_space<vmem>>) dst(%dma_wait3A_322 : memref<100x32xf32, #tpu.memory_space<vmem_shared>>)
    %mul3A_323 = arith.constant 3200 : i32
    %mul3A_324 = arith.muli %arg1, %mul3A_323 : i32
    %add3A_325 = arith.constant 800 : i32
    %add3A_326 = arith.addi %mul3A_324, %add3A_325 : i32
    %dma_wait3A_327 = arith.constant 0 : i32
    %dma_wait3A_328 = tpu.memref_slice %arg5[%add3A_326, %dma_wait3A_327] : memref<51200x32xf32, #tpu.memory_space<vmem_shared>> -> memref<100x32xf32, #tpu.memory_space<vmem_shared>>
    %dma_wait3A_329 = arith.constant 0 : i32
    %dma_wait3A_330 = tpu.memref_slice %arg5[%add3A_326, %dma_wait3A_329] : memref<51200x32xf32, #tpu.memory_space<vmem_shared>> -> memref<100x32xf32, #tpu.memory_space<vmem_shared>>
    tpu.wait_dma2 semaphore(%arg25 : memref<!tpu.dma_semaphore, #tpu.memory_space<semaphore_mem>>) src(%arg18 : memref<100x32xf32, #tpu.memory_space<vmem>>) dst(%dma_wait3A_330 : memref<100x32xf32, #tpu.memory_space<vmem_shared>>)
    %mul3A_331 = arith.constant 3200 : i32
    %mul3A_332 = arith.muli %arg1, %mul3A_331 : i32
    %add3A_333 = arith.constant 900 : i32
    %add3A_334 = arith.addi %mul3A_332, %add3A_333 : i32
    %dma_wait3A_335 = arith.constant 0 : i32
    %dma_wait3A_336 = tpu.memref_slice %arg5[%add3A_334, %dma_wait3A_335] : memref<51200x32xf32, #tpu.memory_space<vmem_shared>> -> memref<100x32xf32, #tpu.memory_space<vmem_shared>>
    %dma_wait3A_337 = arith.constant 0 : i32
    %dma_wait3A_338 = tpu.memref_slice %arg5[%add3A_334, %dma_wait3A_337] : memref<51200x32xf32, #tpu.memory_space<vmem_shared>> -> memref<100x32xf32, #tpu.memory_space<vmem_shared>>
    tpu.wait_dma2 semaphore(%arg25 : memref<!tpu.dma_semaphore, #tpu.memory_space<semaphore_mem>>) src(%arg18 : memref<100x32xf32, #tpu.memory_space<vmem>>) dst(%dma_wait3A_338 : memref<100x32xf32, #tpu.memory_space<vmem_shared>>)
    %mul3A_339 = arith.constant 3200 : i32
    %mul3A_340 = arith.muli %arg1, %mul3A_339 : i32
    %add3A_341 = arith.constant 1000 : i32
    %add3A_342 = arith.addi %mul3A_340, %add3A_341 : i32
    %dma_wait3A_343 = arith.constant 0 : i32
    %dma_wait3A_344 = tpu.memref_slice %arg5[%add3A_342, %dma_wait3A_343] : memref<51200x32xf32, #tpu.memory_space<vmem_shared>> -> memref<100x32xf32, #tpu.memory_space<vmem_shared>>
    %dma_wait3A_345 = arith.constant 0 : i32
    %dma_wait3A_346 = tpu.memref_slice %arg5[%add3A_342, %dma_wait3A_345] : memref<51200x32xf32, #tpu.memory_space<vmem_shared>> -> memref<100x32xf32, #tpu.memory_space<vmem_shared>>
    tpu.wait_dma2 semaphore(%arg25 : memref<!tpu.dma_semaphore, #tpu.memory_space<semaphore_mem>>) src(%arg18 : memref<100x32xf32, #tpu.memory_space<vmem>>) dst(%dma_wait3A_346 : memref<100x32xf32, #tpu.memory_space<vmem_shared>>)
    %mul3A_347 = arith.constant 3200 : i32
    %mul3A_348 = arith.muli %arg1, %mul3A_347 : i32
    %add3A_349 = arith.constant 1100 : i32
    %add3A_350 = arith.addi %mul3A_348, %add3A_349 : i32
    %dma_wait3A_351 = arith.constant 0 : i32
    %dma_wait3A_352 = tpu.memref_slice %arg5[%add3A_350, %dma_wait3A_351] : memref<51200x32xf32, #tpu.memory_space<vmem_shared>> -> memref<100x32xf32, #tpu.memory_space<vmem_shared>>
    %dma_wait3A_353 = arith.constant 0 : i32
    %dma_wait3A_354 = tpu.memref_slice %arg5[%add3A_350, %dma_wait3A_353] : memref<51200x32xf32, #tpu.memory_space<vmem_shared>> -> memref<100x32xf32, #tpu.memory_space<vmem_shared>>
    tpu.wait_dma2 semaphore(%arg25 : memref<!tpu.dma_semaphore, #tpu.memory_space<semaphore_mem>>) src(%arg18 : memref<100x32xf32, #tpu.memory_space<vmem>>) dst(%dma_wait3A_354 : memref<100x32xf32, #tpu.memory_space<vmem_shared>>)
    %mul3A_355 = arith.constant 3200 : i32
    %mul3A_356 = arith.muli %arg1, %mul3A_355 : i32
    %add3A_357 = arith.constant 1200 : i32
    %add3A_358 = arith.addi %mul3A_356, %add3A_357 : i32
    %dma_wait3A_359 = arith.constant 0 : i32
    %dma_wait3A_360 = tpu.memref_slice %arg5[%add3A_358, %dma_wait3A_359] : memref<51200x32xf32, #tpu.memory_space<vmem_shared>> -> memref<100x32xf32, #tpu.memory_space<vmem_shared>>
    %dma_wait3A_361 = arith.constant 0 : i32
    %dma_wait3A_362 = tpu.memref_slice %arg5[%add3A_358, %dma_wait3A_361] : memref<51200x32xf32, #tpu.memory_space<vmem_shared>> -> memref<100x32xf32, #tpu.memory_space<vmem_shared>>
    tpu.wait_dma2 semaphore(%arg25 : memref<!tpu.dma_semaphore, #tpu.memory_space<semaphore_mem>>) src(%arg18 : memref<100x32xf32, #tpu.memory_space<vmem>>) dst(%dma_wait3A_362 : memref<100x32xf32, #tpu.memory_space<vmem_shared>>)
    %mul3A_363 = arith.constant 3200 : i32
    %mul3A_364 = arith.muli %arg1, %mul3A_363 : i32
    %add3A_365 = arith.constant 1300 : i32
    %add3A_366 = arith.addi %mul3A_364, %add3A_365 : i32
    %dma_wait3A_367 = arith.constant 0 : i32
    %dma_wait3A_368 = tpu.memref_slice %arg5[%add3A_366, %dma_wait3A_367] : memref<51200x32xf32, #tpu.memory_space<vmem_shared>> -> memref<100x32xf32, #tpu.memory_space<vmem_shared>>
    %dma_wait3A_369 = arith.constant 0 : i32
    %dma_wait3A_370 = tpu.memref_slice %arg5[%add3A_366, %dma_wait3A_369] : memref<51200x32xf32, #tpu.memory_space<vmem_shared>> -> memref<100x32xf32, #tpu.memory_space<vmem_shared>>
    tpu.wait_dma2 semaphore(%arg25 : memref<!tpu.dma_semaphore, #tpu.memory_space<semaphore_mem>>) src(%arg18 : memref<100x32xf32, #tpu.memory_space<vmem>>) dst(%dma_wait3A_370 : memref<100x32xf32, #tpu.memory_space<vmem_shared>>)
    %mul3A_371 = arith.constant 3200 : i32
    %mul3A_372 = arith.muli %arg1, %mul3A_371 : i32
    %add3A_373 = arith.constant 1400 : i32
    %add3A_374 = arith.addi %mul3A_372, %add3A_373 : i32
    %dma_wait3A_375 = arith.constant 0 : i32
    %dma_wait3A_376 = tpu.memref_slice %arg5[%add3A_374, %dma_wait3A_375] : memref<51200x32xf32, #tpu.memory_space<vmem_shared>> -> memref<100x32xf32, #tpu.memory_space<vmem_shared>>
    %dma_wait3A_377 = arith.constant 0 : i32
    %dma_wait3A_378 = tpu.memref_slice %arg5[%add3A_374, %dma_wait3A_377] : memref<51200x32xf32, #tpu.memory_space<vmem_shared>> -> memref<100x32xf32, #tpu.memory_space<vmem_shared>>
    tpu.wait_dma2 semaphore(%arg25 : memref<!tpu.dma_semaphore, #tpu.memory_space<semaphore_mem>>) src(%arg18 : memref<100x32xf32, #tpu.memory_space<vmem>>) dst(%dma_wait3A_378 : memref<100x32xf32, #tpu.memory_space<vmem_shared>>)
    %mul3A_379 = arith.constant 3200 : i32
    %mul3A_380 = arith.muli %arg1, %mul3A_379 : i32
    %add3A_381 = arith.constant 1500 : i32
    %add3A_382 = arith.addi %mul3A_380, %add3A_381 : i32
    %dma_wait3A_383 = arith.constant 0 : i32
    %dma_wait3A_384 = tpu.memref_slice %arg5[%add3A_382, %dma_wait3A_383] : memref<51200x32xf32, #tpu.memory_space<vmem_shared>> -> memref<100x32xf32, #tpu.memory_space<vmem_shared>>
    %dma_wait3A_385 = arith.constant 0 : i32
    %dma_wait3A_386 = tpu.memref_slice %arg5[%add3A_382, %dma_wait3A_385] : memref<51200x32xf32, #tpu.memory_space<vmem_shared>> -> memref<100x32xf32, #tpu.memory_space<vmem_shared>>
    tpu.wait_dma2 semaphore(%arg25 : memref<!tpu.dma_semaphore, #tpu.memory_space<semaphore_mem>>) src(%arg18 : memref<100x32xf32, #tpu.memory_space<vmem>>) dst(%dma_wait3A_386 : memref<100x32xf32, #tpu.memory_space<vmem_shared>>)
    %mul3A_387 = arith.constant 3200 : i32
    %mul3A_388 = arith.muli %arg1, %mul3A_387 : i32
    %add3A_389 = arith.constant 1600 : i32
    %add3A_390 = arith.addi %mul3A_388, %add3A_389 : i32
    %dma_wait3A_391 = arith.constant 0 : i32
    %dma_wait3A_392 = tpu.memref_slice %arg5[%add3A_390, %dma_wait3A_391] : memref<51200x32xf32, #tpu.memory_space<vmem_shared>> -> memref<100x32xf32, #tpu.memory_space<vmem_shared>>
    %dma_wait3A_393 = arith.constant 0 : i32
    %dma_wait3A_394 = tpu.memref_slice %arg5[%add3A_390, %dma_wait3A_393] : memref<51200x32xf32, #tpu.memory_space<vmem_shared>> -> memref<100x32xf32, #tpu.memory_space<vmem_shared>>
    tpu.wait_dma2 semaphore(%arg25 : memref<!tpu.dma_semaphore, #tpu.memory_space<semaphore_mem>>) src(%arg18 : memref<100x32xf32, #tpu.memory_space<vmem>>) dst(%dma_wait3A_394 : memref<100x32xf32, #tpu.memory_space<vmem_shared>>)
    %mul3A_395 = arith.constant 3200 : i32
    %mul3A_396 = arith.muli %arg1, %mul3A_395 : i32
    %add3A_397 = arith.constant 1700 : i32
    %add3A_398 = arith.addi %mul3A_396, %add3A_397 : i32
    %dma_wait3A_399 = arith.constant 0 : i32
    %dma_wait3A_400 = tpu.memref_slice %arg5[%add3A_398, %dma_wait3A_399] : memref<51200x32xf32, #tpu.memory_space<vmem_shared>> -> memref<100x32xf32, #tpu.memory_space<vmem_shared>>
    %dma_wait3A_401 = arith.constant 0 : i32
    %dma_wait3A_402 = tpu.memref_slice %arg5[%add3A_398, %dma_wait3A_401] : memref<51200x32xf32, #tpu.memory_space<vmem_shared>> -> memref<100x32xf32, #tpu.memory_space<vmem_shared>>
    tpu.wait_dma2 semaphore(%arg25 : memref<!tpu.dma_semaphore, #tpu.memory_space<semaphore_mem>>) src(%arg18 : memref<100x32xf32, #tpu.memory_space<vmem>>) dst(%dma_wait3A_402 : memref<100x32xf32, #tpu.memory_space<vmem_shared>>)
    %mul3A_403 = arith.constant 3200 : i32
    %mul3A_404 = arith.muli %arg1, %mul3A_403 : i32
    %add3A_405 = arith.constant 1800 : i32
    %add3A_406 = arith.addi %mul3A_404, %add3A_405 : i32
    %dma_wait3A_407 = arith.constant 0 : i32
    %dma_wait3A_408 = tpu.memref_slice %arg5[%add3A_406, %dma_wait3A_407] : memref<51200x32xf32, #tpu.memory_space<vmem_shared>> -> memref<100x32xf32, #tpu.memory_space<vmem_shared>>
    %dma_wait3A_409 = arith.constant 0 : i32
    %dma_wait3A_410 = tpu.memref_slice %arg5[%add3A_406, %dma_wait3A_409] : memref<51200x32xf32, #tpu.memory_space<vmem_shared>> -> memref<100x32xf32, #tpu.memory_space<vmem_shared>>
    tpu.wait_dma2 semaphore(%arg25 : memref<!tpu.dma_semaphore, #tpu.memory_space<semaphore_mem>>) src(%arg18 : memref<100x32xf32, #tpu.memory_space<vmem>>) dst(%dma_wait3A_410 : memref<100x32xf32, #tpu.memory_space<vmem_shared>>)
    %mul3A_411 = arith.constant 3200 : i32
    %mul3A_412 = arith.muli %arg1, %mul3A_411 : i32
    %add3A_413 = arith.constant 1900 : i32
    %add3A_414 = arith.addi %mul3A_412, %add3A_413 : i32
    %dma_wait3A_415 = arith.constant 0 : i32
    %dma_wait3A_416 = tpu.memref_slice %arg5[%add3A_414, %dma_wait3A_415] : memref<51200x32xf32, #tpu.memory_space<vmem_shared>> -> memref<100x32xf32, #tpu.memory_space<vmem_shared>>
    %dma_wait3A_417 = arith.constant 0 : i32
    %dma_wait3A_418 = tpu.memref_slice %arg5[%add3A_414, %dma_wait3A_417] : memref<51200x32xf32, #tpu.memory_space<vmem_shared>> -> memref<100x32xf32, #tpu.memory_space<vmem_shared>>
    tpu.wait_dma2 semaphore(%arg25 : memref<!tpu.dma_semaphore, #tpu.memory_space<semaphore_mem>>) src(%arg18 : memref<100x32xf32, #tpu.memory_space<vmem>>) dst(%dma_wait3A_418 : memref<100x32xf32, #tpu.memory_space<vmem_shared>>)
    %mul3A_419 = arith.constant 3200 : i32
    %mul3A_420 = arith.muli %arg1, %mul3A_419 : i32
    %add3A_421 = arith.constant 2000 : i32
    %add3A_422 = arith.addi %mul3A_420, %add3A_421 : i32
    %dma_wait3A_423 = arith.constant 0 : i32
    %dma_wait3A_424 = tpu.memref_slice %arg5[%add3A_422, %dma_wait3A_423] : memref<51200x32xf32, #tpu.memory_space<vmem_shared>> -> memref<100x32xf32, #tpu.memory_space<vmem_shared>>
    %dma_wait3A_425 = arith.constant 0 : i32
    %dma_wait3A_426 = tpu.memref_slice %arg5[%add3A_422, %dma_wait3A_425] : memref<51200x32xf32, #tpu.memory_space<vmem_shared>> -> memref<100x32xf32, #tpu.memory_space<vmem_shared>>
    tpu.wait_dma2 semaphore(%arg25 : memref<!tpu.dma_semaphore, #tpu.memory_space<semaphore_mem>>) src(%arg18 : memref<100x32xf32, #tpu.memory_space<vmem>>) dst(%dma_wait3A_426 : memref<100x32xf32, #tpu.memory_space<vmem_shared>>)
    %mul3A_427 = arith.constant 3200 : i32
    %mul3A_428 = arith.muli %arg1, %mul3A_427 : i32
    %add3A_429 = arith.constant 2100 : i32
    %add3A_430 = arith.addi %mul3A_428, %add3A_429 : i32
    %dma_wait3A_431 = arith.constant 0 : i32
    %dma_wait3A_432 = tpu.memref_slice %arg5[%add3A_430, %dma_wait3A_431] : memref<51200x32xf32, #tpu.memory_space<vmem_shared>> -> memref<100x32xf32, #tpu.memory_space<vmem_shared>>
    %dma_wait3A_433 = arith.constant 0 : i32
    %dma_wait3A_434 = tpu.memref_slice %arg5[%add3A_430, %dma_wait3A_433] : memref<51200x32xf32, #tpu.memory_space<vmem_shared>> -> memref<100x32xf32, #tpu.memory_space<vmem_shared>>
    tpu.wait_dma2 semaphore(%arg25 : memref<!tpu.dma_semaphore, #tpu.memory_space<semaphore_mem>>) src(%arg18 : memref<100x32xf32, #tpu.memory_space<vmem>>) dst(%dma_wait3A_434 : memref<100x32xf32, #tpu.memory_space<vmem_shared>>)
    %mul3A_435 = arith.constant 3200 : i32
    %mul3A_436 = arith.muli %arg1, %mul3A_435 : i32
    %add3A_437 = arith.constant 2200 : i32
    %add3A_438 = arith.addi %mul3A_436, %add3A_437 : i32
    %dma_wait3A_439 = arith.constant 0 : i32
    %dma_wait3A_440 = tpu.memref_slice %arg5[%add3A_438, %dma_wait3A_439] : memref<51200x32xf32, #tpu.memory_space<vmem_shared>> -> memref<100x32xf32, #tpu.memory_space<vmem_shared>>
    %dma_wait3A_441 = arith.constant 0 : i32
    %dma_wait3A_442 = tpu.memref_slice %arg5[%add3A_438, %dma_wait3A_441] : memref<51200x32xf32, #tpu.memory_space<vmem_shared>> -> memref<100x32xf32, #tpu.memory_space<vmem_shared>>
    tpu.wait_dma2 semaphore(%arg25 : memref<!tpu.dma_semaphore, #tpu.memory_space<semaphore_mem>>) src(%arg18 : memref<100x32xf32, #tpu.memory_space<vmem>>) dst(%dma_wait3A_442 : memref<100x32xf32, #tpu.memory_space<vmem_shared>>)
    %mul3A_443 = arith.constant 3200 : i32
    %mul3A_444 = arith.muli %arg1, %mul3A_443 : i32
    %add3A_445 = arith.constant 2300 : i32
    %add3A_446 = arith.addi %mul3A_444, %add3A_445 : i32
    %dma_wait3A_447 = arith.constant 0 : i32
    %dma_wait3A_448 = tpu.memref_slice %arg5[%add3A_446, %dma_wait3A_447] : memref<51200x32xf32, #tpu.memory_space<vmem_shared>> -> memref<100x32xf32, #tpu.memory_space<vmem_shared>>
    %dma_wait3A_449 = arith.constant 0 : i32
    %dma_wait3A_450 = tpu.memref_slice %arg5[%add3A_446, %dma_wait3A_449] : memref<51200x32xf32, #tpu.memory_space<vmem_shared>> -> memref<100x32xf32, #tpu.memory_space<vmem_shared>>
    tpu.wait_dma2 semaphore(%arg25 : memref<!tpu.dma_semaphore, #tpu.memory_space<semaphore_mem>>) src(%arg18 : memref<100x32xf32, #tpu.memory_space<vmem>>) dst(%dma_wait3A_450 : memref<100x32xf32, #tpu.memory_space<vmem_shared>>)
    %mul3A_451 = arith.constant 3200 : i32
    %mul3A_452 = arith.muli %arg1, %mul3A_451 : i32
    %add3A_453 = arith.constant 2400 : i32
    %add3A_454 = arith.addi %mul3A_452, %add3A_453 : i32
    %dma_wait3A_455 = arith.constant 0 : i32
    %dma_wait3A_456 = tpu.memref_slice %arg5[%add3A_454, %dma_wait3A_455] : memref<51200x32xf32, #tpu.memory_space<vmem_shared>> -> memref<100x32xf32, #tpu.memory_space<vmem_shared>>
    %dma_wait3A_457 = arith.constant 0 : i32
    %dma_wait3A_458 = tpu.memref_slice %arg5[%add3A_454, %dma_wait3A_457] : memref<51200x32xf32, #tpu.memory_space<vmem_shared>> -> memref<100x32xf32, #tpu.memory_space<vmem_shared>>
    tpu.wait_dma2 semaphore(%arg25 : memref<!tpu.dma_semaphore, #tpu.memory_space<semaphore_mem>>) src(%arg18 : memref<100x32xf32, #tpu.memory_space<vmem>>) dst(%dma_wait3A_458 : memref<100x32xf32, #tpu.memory_space<vmem_shared>>)
    %mul3A_459 = arith.constant 3200 : i32
    %mul3A_460 = arith.muli %arg1, %mul3A_459 : i32
    %add3A_461 = arith.constant 2500 : i32
    %add3A_462 = arith.addi %mul3A_460, %add3A_461 : i32
    %dma_wait3A_463 = arith.constant 0 : i32
    %dma_wait3A_464 = tpu.memref_slice %arg5[%add3A_462, %dma_wait3A_463] : memref<51200x32xf32, #tpu.memory_space<vmem_shared>> -> memref<100x32xf32, #tpu.memory_space<vmem_shared>>
    %dma_wait3A_465 = arith.constant 0 : i32
    %dma_wait3A_466 = tpu.memref_slice %arg5[%add3A_462, %dma_wait3A_465] : memref<51200x32xf32, #tpu.memory_space<vmem_shared>> -> memref<100x32xf32, #tpu.memory_space<vmem_shared>>
    tpu.wait_dma2 semaphore(%arg25 : memref<!tpu.dma_semaphore, #tpu.memory_space<semaphore_mem>>) src(%arg18 : memref<100x32xf32, #tpu.memory_space<vmem>>) dst(%dma_wait3A_466 : memref<100x32xf32, #tpu.memory_space<vmem_shared>>)
    %mul3A_467 = arith.constant 3200 : i32
    %mul3A_468 = arith.muli %arg1, %mul3A_467 : i32
    %add3A_469 = arith.constant 2600 : i32
    %add3A_470 = arith.addi %mul3A_468, %add3A_469 : i32
    %dma_wait3A_471 = arith.constant 0 : i32
    %dma_wait3A_472 = tpu.memref_slice %arg5[%add3A_470, %dma_wait3A_471] : memref<51200x32xf32, #tpu.memory_space<vmem_shared>> -> memref<100x32xf32, #tpu.memory_space<vmem_shared>>
    %dma_wait3A_473 = arith.constant 0 : i32
    %dma_wait3A_474 = tpu.memref_slice %arg5[%add3A_470, %dma_wait3A_473] : memref<51200x32xf32, #tpu.memory_space<vmem_shared>> -> memref<100x32xf32, #tpu.memory_space<vmem_shared>>
    tpu.wait_dma2 semaphore(%arg25 : memref<!tpu.dma_semaphore, #tpu.memory_space<semaphore_mem>>) src(%arg18 : memref<100x32xf32, #tpu.memory_space<vmem>>) dst(%dma_wait3A_474 : memref<100x32xf32, #tpu.memory_space<vmem_shared>>)
    %mul3A_475 = arith.constant 3200 : i32
    %mul3A_476 = arith.muli %arg1, %mul3A_475 : i32
    %add3A_477 = arith.constant 2700 : i32
    %add3A_478 = arith.addi %mul3A_476, %add3A_477 : i32
    %dma_wait3A_479 = arith.constant 0 : i32
    %dma_wait3A_480 = tpu.memref_slice %arg5[%add3A_478, %dma_wait3A_479] : memref<51200x32xf32, #tpu.memory_space<vmem_shared>> -> memref<100x32xf32, #tpu.memory_space<vmem_shared>>
    %dma_wait3A_481 = arith.constant 0 : i32
    %dma_wait3A_482 = tpu.memref_slice %arg5[%add3A_478, %dma_wait3A_481] : memref<51200x32xf32, #tpu.memory_space<vmem_shared>> -> memref<100x32xf32, #tpu.memory_space<vmem_shared>>
    tpu.wait_dma2 semaphore(%arg25 : memref<!tpu.dma_semaphore, #tpu.memory_space<semaphore_mem>>) src(%arg18 : memref<100x32xf32, #tpu.memory_space<vmem>>) dst(%dma_wait3A_482 : memref<100x32xf32, #tpu.memory_space<vmem_shared>>)
    %mul3A_483 = arith.constant 3200 : i32
    %mul3A_484 = arith.muli %arg1, %mul3A_483 : i32
    %add3A_485 = arith.constant 2800 : i32
    %add3A_486 = arith.addi %mul3A_484, %add3A_485 : i32
    %dma_wait3A_487 = arith.constant 0 : i32
    %dma_wait3A_488 = tpu.memref_slice %arg5[%add3A_486, %dma_wait3A_487] : memref<51200x32xf32, #tpu.memory_space<vmem_shared>> -> memref<100x32xf32, #tpu.memory_space<vmem_shared>>
    %dma_wait3A_489 = arith.constant 0 : i32
    %dma_wait3A_490 = tpu.memref_slice %arg5[%add3A_486, %dma_wait3A_489] : memref<51200x32xf32, #tpu.memory_space<vmem_shared>> -> memref<100x32xf32, #tpu.memory_space<vmem_shared>>
    tpu.wait_dma2 semaphore(%arg25 : memref<!tpu.dma_semaphore, #tpu.memory_space<semaphore_mem>>) src(%arg18 : memref<100x32xf32, #tpu.memory_space<vmem>>) dst(%dma_wait3A_490 : memref<100x32xf32, #tpu.memory_space<vmem_shared>>)
    %mul3A_491 = arith.constant 3200 : i32
    %mul3A_492 = arith.muli %arg1, %mul3A_491 : i32
    %add3A_493 = arith.constant 2900 : i32
    %add3A_494 = arith.addi %mul3A_492, %add3A_493 : i32
    %dma_wait3A_495 = arith.constant 0 : i32
    %dma_wait3A_496 = tpu.memref_slice %arg5[%add3A_494, %dma_wait3A_495] : memref<51200x32xf32, #tpu.memory_space<vmem_shared>> -> memref<100x32xf32, #tpu.memory_space<vmem_shared>>
    %dma_wait3A_497 = arith.constant 0 : i32
    %dma_wait3A_498 = tpu.memref_slice %arg5[%add3A_494, %dma_wait3A_497] : memref<51200x32xf32, #tpu.memory_space<vmem_shared>> -> memref<100x32xf32, #tpu.memory_space<vmem_shared>>
    tpu.wait_dma2 semaphore(%arg25 : memref<!tpu.dma_semaphore, #tpu.memory_space<semaphore_mem>>) src(%arg18 : memref<100x32xf32, #tpu.memory_space<vmem>>) dst(%dma_wait3A_498 : memref<100x32xf32, #tpu.memory_space<vmem_shared>>)
    %mul3A_499 = arith.constant 3200 : i32
    %mul3A_500 = arith.muli %arg1, %mul3A_499 : i32
    %add3A_501 = arith.constant 3000 : i32
    %add3A_502 = arith.addi %mul3A_500, %add3A_501 : i32
    %dma_wait3A_503 = arith.constant 0 : i32
    %dma_wait3A_504 = tpu.memref_slice %arg5[%add3A_502, %dma_wait3A_503] : memref<51200x32xf32, #tpu.memory_space<vmem_shared>> -> memref<100x32xf32, #tpu.memory_space<vmem_shared>>
    %dma_wait3A_505 = arith.constant 0 : i32
    %dma_wait3A_506 = tpu.memref_slice %arg5[%add3A_502, %dma_wait3A_505] : memref<51200x32xf32, #tpu.memory_space<vmem_shared>> -> memref<100x32xf32, #tpu.memory_space<vmem_shared>>
    tpu.wait_dma2 semaphore(%arg25 : memref<!tpu.dma_semaphore, #tpu.memory_space<semaphore_mem>>) src(%arg18 : memref<100x32xf32, #tpu.memory_space<vmem>>) dst(%dma_wait3A_506 : memref<100x32xf32, #tpu.memory_space<vmem_shared>>)
    %mul3A_507 = arith.constant 3200 : i32
    %mul3A_508 = arith.muli %arg1, %mul3A_507 : i32
    %add3A_509 = arith.constant 3100 : i32
    %add3A_510 = arith.addi %mul3A_508, %add3A_509 : i32
    %dma_wait3A_511 = arith.constant 0 : i32
    %dma_wait3A_512 = tpu.memref_slice %arg5[%add3A_510, %dma_wait3A_511] : memref<51200x32xf32, #tpu.memory_space<vmem_shared>> -> memref<100x32xf32, #tpu.memory_space<vmem_shared>>
    %dma_wait3A_513 = arith.constant 0 : i32
    %dma_wait3A_514 = tpu.memref_slice %arg5[%add3A_510, %dma_wait3A_513] : memref<51200x32xf32, #tpu.memory_space<vmem_shared>> -> memref<100x32xf32, #tpu.memory_space<vmem_shared>>
    tpu.wait_dma2 semaphore(%arg25 : memref<!tpu.dma_semaphore, #tpu.memory_space<semaphore_mem>>) src(%arg18 : memref<100x32xf32, #tpu.memory_space<vmem>>) dst(%dma_wait3A_514 : memref<100x32xf32, #tpu.memory_space<vmem_shared>>)
    %barrier3A = arith.constant 0 : index
    tpu.barrier barrier_id(%barrier3A)
    %mul3A_515 = arith.constant 100000 : i32
    %mul3A_516 = arith.muli %arg1, %mul3A_515 : i32
    %add3A_517 = arith.constant 0 : i32
    %add3A_518 = arith.addi %mul3A_516, %add3A_517 : i32
    %dma_start3A_519 = arith.constant 0 : i32
    %dma_start3A_520 = tpu.memref_slice %arg3[%dma_start3A_519, %add3A_518] : memref<2x1600000xi32, #tpu.memory_space<hbm>> -> memref<1x256xi32, #tpu.memory_space<hbm>>
    %dma_start3A_521 = tpu.memref_squeeze %dma_start3A_520 : memref<1x256xi32, #tpu.memory_space<hbm>> -> memref<256xi32, #tpu.memory_space<hbm>>
    %dma_start3A_522 = tpu.memref_slice %arg3[%dma_start3A_519, %add3A_518] : memref<2x1600000xi32, #tpu.memory_space<hbm>> -> memref<1x256xi32, #tpu.memory_space<hbm>>
    %dma_start3A_523 = tpu.memref_squeeze %dma_start3A_522 : memref<1x256xi32, #tpu.memory_space<hbm>> -> memref<256xi32, #tpu.memory_space<hbm>>
    tpu.enqueue_dma source(%dma_start3A_523 : memref<256xi32, #tpu.memory_space<hbm>>) target(%arg6 : memref<256xi32, #tpu.memory_space<vmem>>) target_semaphore(%arg19 : memref<!tpu.dma_semaphore, #tpu.memory_space<semaphore_mem>>)
    %add3A_524 = arith.constant 0 : i32
    %add3A_525 = arith.addi %mul3A_516, %add3A_524 : i32
    %dma_start3A_526 = arith.constant 1 : i32
    %dma_start3A_527 = tpu.memref_slice %arg3[%dma_start3A_526, %add3A_525] : memref<2x1600000xi32, #tpu.memory_space<hbm>> -> memref<1x256xi32, #tpu.memory_space<hbm>>
    %dma_start3A_528 = tpu.memref_squeeze %dma_start3A_527 : memref<1x256xi32, #tpu.memory_space<hbm>> -> memref<256xi32, #tpu.memory_space<hbm>>
    %dma_start3A_529 = tpu.memref_slice %arg3[%dma_start3A_526, %add3A_525] : memref<2x1600000xi32, #tpu.memory_space<hbm>> -> memref<1x256xi32, #tpu.memory_space<hbm>>
    %dma_start3A_530 = tpu.memref_squeeze %dma_start3A_529 : memref<1x256xi32, #tpu.memory_space<hbm>> -> memref<256xi32, #tpu.memory_space<hbm>>
    tpu.enqueue_dma source(%dma_start3A_530 : memref<256xi32, #tpu.memory_space<hbm>>) target(%arg8 : memref<256xi32, #tpu.memory_space<vmem>>) target_semaphore(%arg19 : memref<!tpu.dma_semaphore, #tpu.memory_space<semaphore_mem>>)
    %add3A_531 = arith.constant 256 : i32
    %add3A_532 = arith.addi %mul3A_516, %add3A_531 : i32
    %dma_start3A_533 = arith.constant 0 : i32
    %dma_start3A_534 = tpu.memref_slice %arg3[%dma_start3A_533, %add3A_532] : memref<2x1600000xi32, #tpu.memory_space<hbm>> -> memref<1x256xi32, #tpu.memory_space<hbm>>
    %dma_start3A_535 = tpu.memref_squeeze %dma_start3A_534 : memref<1x256xi32, #tpu.memory_space<hbm>> -> memref<256xi32, #tpu.memory_space<hbm>>
    %dma_start3A_536 = tpu.memref_slice %arg3[%dma_start3A_533, %add3A_532] : memref<2x1600000xi32, #tpu.memory_space<hbm>> -> memref<1x256xi32, #tpu.memory_space<hbm>>
    %dma_start3A_537 = tpu.memref_squeeze %dma_start3A_536 : memref<1x256xi32, #tpu.memory_space<hbm>> -> memref<256xi32, #tpu.memory_space<hbm>>
    tpu.enqueue_dma source(%dma_start3A_537 : memref<256xi32, #tpu.memory_space<hbm>>) target(%arg7 : memref<256xi32, #tpu.memory_space<vmem>>) target_semaphore(%arg20 : memref<!tpu.dma_semaphore, #tpu.memory_space<semaphore_mem>>)
    %add3A_538 = arith.constant 256 : i32
    %add3A_539 = arith.addi %mul3A_516, %add3A_538 : i32
    %dma_start3A_540 = arith.constant 1 : i32
    %dma_start3A_541 = tpu.memref_slice %arg3[%dma_start3A_540, %add3A_539] : memref<2x1600000xi32, #tpu.memory_space<hbm>> -> memref<1x256xi32, #tpu.memory_space<hbm>>
    %dma_start3A_542 = tpu.memref_squeeze %dma_start3A_541 : memref<1x256xi32, #tpu.memory_space<hbm>> -> memref<256xi32, #tpu.memory_space<hbm>>
    %dma_start3A_543 = tpu.memref_slice %arg3[%dma_start3A_540, %add3A_539] : memref<2x1600000xi32, #tpu.memory_space<hbm>> -> memref<1x256xi32, #tpu.memory_space<hbm>>
    %dma_start3A_544 = tpu.memref_squeeze %dma_start3A_543 : memref<1x256xi32, #tpu.memory_space<hbm>> -> memref<256xi32, #tpu.memory_space<hbm>>
    tpu.enqueue_dma source(%dma_start3A_544 : memref<256xi32, #tpu.memory_space<hbm>>) target(%arg9 : memref<256xi32, #tpu.memory_space<vmem>>) target_semaphore(%arg20 : memref<!tpu.dma_semaphore, #tpu.memory_space<semaphore_mem>>)
    %scan3A_545 = arith.constant 0 : i32
    %scan3A_546 = arith.constant 195 : i32
    %scan3A_547 = arith.addi %scan3A_545, %scan3A_546 : i32
    %scan3A_548 = arith.constant 1 : i32
    scf.for %scan3A_601 = %scan3A_545 to %scan3A_547 step %scan3A_548  : i32 {
      %mul3A_602 = arith.constant 1 : i32
      %mul3A_603 = arith.muli %scan3A_601, %mul3A_602 : i32
      %add3A_604 = arith.constant 0 : i32
      %add3A_605 = arith.addi %add3A_604, %mul3A_603 : i32
      %mul3A_606 = arith.constant 2 : i32
      %mul3A_607 = arith.muli %mul3A_606, %add3A_605 : i32
      %add3A_608 = arith.constant 0 : i32
      %add3A_609 = arith.addi %mul3A_607, %add3A_608 : i32
      %mul3A_610 = arith.constant 256 : i32
      %mul3A_611 = arith.muli %add3A_609, %mul3A_610 : i32
      %add3A_612 = arith.addi %mul3A_516, %mul3A_611 : i32
      %dma_wait3A_613 = arith.constant 0 : i32
      %dma_wait3A_614 = tpu.memref_slice %arg3[%dma_wait3A_613, %add3A_612] : memref<2x1600000xi32, #tpu.memory_space<hbm>> -> memref<1x256xi32, #tpu.memory_space<hbm>>
      %dma_wait3A_615 = tpu.memref_squeeze %dma_wait3A_614 : memref<1x256xi32, #tpu.memory_space<hbm>> -> memref<256xi32, #tpu.memory_space<hbm>>
      %dma_wait3A_616 = tpu.memref_slice %arg3[%dma_wait3A_613, %add3A_612] : memref<2x1600000xi32, #tpu.memory_space<hbm>> -> memref<1x256xi32, #tpu.memory_space<hbm>>
      %dma_wait3A_617 = tpu.memref_squeeze %dma_wait3A_616 : memref<1x256xi32, #tpu.memory_space<hbm>> -> memref<256xi32, #tpu.memory_space<hbm>>
      tpu.wait_dma2 semaphore(%arg19 : memref<!tpu.dma_semaphore, #tpu.memory_space<semaphore_mem>>) src(%dma_wait3A_617 : memref<256xi32, #tpu.memory_space<hbm>>) dst(%arg6 : memref<256xi32, #tpu.memory_space<vmem>>)
      %dma_wait3A_618 = arith.constant 1 : i32
      %dma_wait3A_619 = tpu.memref_slice %arg3[%dma_wait3A_618, %add3A_612] : memref<2x1600000xi32, #tpu.memory_space<hbm>> -> memref<1x256xi32, #tpu.memory_space<hbm>>
      %dma_wait3A_620 = tpu.memref_squeeze %dma_wait3A_619 : memref<1x256xi32, #tpu.memory_space<hbm>> -> memref<256xi32, #tpu.memory_space<hbm>>
      %dma_wait3A_621 = tpu.memref_slice %arg3[%dma_wait3A_618, %add3A_612] : memref<2x1600000xi32, #tpu.memory_space<hbm>> -> memref<1x256xi32, #tpu.memory_space<hbm>>
      %dma_wait3A_622 = tpu.memref_squeeze %dma_wait3A_621 : memref<1x256xi32, #tpu.memory_space<hbm>> -> memref<256xi32, #tpu.memory_space<hbm>>
      tpu.wait_dma2 semaphore(%arg19 : memref<!tpu.dma_semaphore, #tpu.memory_space<semaphore_mem>>) src(%dma_wait3A_622 : memref<256xi32, #tpu.memory_space<hbm>>) dst(%arg8 : memref<256xi32, #tpu.memory_space<vmem>>)
      %gt3A = arith.constant 0 : i32
      %gt3A_623 = arith.cmpi sgt, %add3A_605, %gt3A : i32
      %convert_element_type3A = arith.extui %gt3A_623 : i1 to i32
      %cond3A = arith.constant 0 : i32
      %cond3A_624 = arith.cmpi ne, %convert_element_type3A, %cond3A : i32
      scf.if %cond3A_624 {
        %dma_wait3A_684 = arith.constant 0 : i32
        %dma_wait3A_685 = arith.constant 0 : i32
        %dma_wait3A_686 = tpu.memref_slice %arg5[%dma_wait3A_684, %dma_wait3A_685] : memref<51200x32xf32, #tpu.memory_space<vmem_shared>> -> memref<51200x32xf32, #tpu.memory_space<vmem_shared>>
        tpu.wait_indirect_dma semaphore(%arg23 : memref<!tpu.dma_semaphore, #tpu.memory_space<semaphore_mem>>) src(%arg12 : memref<256x32xf32, #tpu.memory_space<vmem>>) dst(%dma_wait3A_686 : memref<51200x32xf32, #tpu.memory_space<vmem_shared>>)
      } else {
      }
      %dma_start3A_625 = arith.constant 0 : i32
      %dma_start3A_626 = arith.constant 0 : i32
      %dma_start3A_627 = tpu.memref_slice %arg2[%dma_start3A_625, %dma_start3A_626] : memref<100000x32xf32, #tpu.memory_space<hbm>> -> memref<100000x32xf32, #tpu.memory_space<hbm>>
      tpu.enqueue_indirect_dma source(%dma_start3A_627 : memref<100000x32xf32, #tpu.memory_space<hbm>>) target(%arg12 : memref<256x32xf32, #tpu.memory_space<vmem>>) offsets(%arg6 : memref<256xi32, #tpu.memory_space<vmem>>) semaphore(%arg21 : memref<!tpu.dma_semaphore, #tpu.memory_space<semaphore_mem>>)
      %scan3A_628 = arith.constant 0 : i32
      %scan3A_629 = arith.constant 16 : i32
      %scan3A_630 = arith.addi %scan3A_628, %scan3A_629 : i32
      %scan3A_631 = arith.constant 1 : i32
      scf.for %scan3A_684 = %scan3A_628 to %scan3A_630 step %scan3A_631  : i32 {
        %mul3A_685 = arith.constant 1 : i32
        %mul3A_686 = arith.muli %scan3A_684, %mul3A_685 : i32
        %add3A_687 = arith.constant 0 : i32
        %add3A_688 = arith.addi %add3A_687, %mul3A_686 : i32
        %mul3A_689 = arith.constant 16 : i32
        %mul3A_690 = arith.muli %add3A_688, %mul3A_689 : i32
        %get3A = arith.index_cast %mul3A_690 : i32 to index
        %get3A_691 = tpu.vector_load %arg8[%get3A] {strides = array<i32>} : memref<256xi32, #tpu.memory_space<vmem>>, vector<16xi32>,
        %sub3A = vector.broadcast %mul3A_0 : i32 to vector<16xi32>
        %sub3A_692 = arith.subi %get3A_691, %sub3A : vector<16xi32>
        %ge3A = arith.constant 0 : i32
        %ge3A_693 = vector.broadcast %ge3A : i32 to vector<16xi32>
        %ge3A_694 = arith.cmpi sge, %sub3A_692, %ge3A_693 : vector<16xi32>
        %lt3A_695 = arith.constant 50000 : i32
        %lt3A_696 = vector.broadcast %lt3A_695 : i32 to vector<16xi32>
        %lt3A_697 = arith.cmpi slt, %sub3A_692, %lt3A_696 : vector<16xi32>
        %and3A = arith.andi %ge3A_694, %lt3A_697 : vector<16xi1>
        %and3A_698 = arith.constant 1023 : i32
        %and3A_699 = vector.broadcast %and3A_698 : i32 to vector<16xi32>
        %and3A_700 = arith.andi %get3A_691, %and3A_699 : vector<16xi32>
        %add3A_701 = arith.constant 50000 : i32
        %add3A_702 = vector.broadcast %add3A_701 : i32 to vector<16xi32>
        %add3A_703 = arith.addi %add3A_702, %and3A_700 : vector<16xi32>
        %select_n3A = arith.select %and3A, %sub3A_692, %add3A_703 : vector<16xi1>, vector<16xi32>
        %mul3A_704 = arith.constant 16 : i32
        %mul3A_705 = arith.muli %add3A_688, %mul3A_704 : i32
        %swap3A = arith.index_cast %mul3A_705 : i32 to index
        %swap3A_706 = tpu.vector_load %arg10[%swap3A] {strides = array<i32>} : memref<256xi32, #tpu.memory_space<vmem>>, vector<16xi32>,
        tpu.vector_store %arg10[%swap3A], %select_n3A {strides = array<i32>} : memref<256xi32, #tpu.memory_space<vmem>>, vector<16xi32>,
      }
      %scan3A_632 = arith.constant 16 : i32
      %dma_wait3A_633 = arith.constant 0 : i32
      %dma_wait3A_634 = arith.constant 0 : i32
      %dma_wait3A_635 = tpu.memref_slice %arg2[%dma_wait3A_633, %dma_wait3A_634] : memref<100000x32xf32, #tpu.memory_space<hbm>> -> memref<100000x32xf32, #tpu.memory_space<hbm>>
      tpu.wait_indirect_dma semaphore(%arg21 : memref<!tpu.dma_semaphore, #tpu.memory_space<semaphore_mem>>) src(%dma_wait3A_635 : memref<100000x32xf32, #tpu.memory_space<hbm>>) dst(%arg12 : memref<256x32xf32, #tpu.memory_space<vmem>>)
      %dma_start3A_636 = arith.constant 0 : i32
      %dma_start3A_637 = arith.constant 0 : i32
      %dma_start3A_638 = tpu.memref_slice %arg5[%dma_start3A_636, %dma_start3A_637] : memref<51200x32xf32, #tpu.memory_space<vmem_shared>> -> memref<51200x32xf32, #tpu.memory_space<vmem_shared>>
      tpu.enqueue_indirect_dma source(%arg12 : memref<256x32xf32, #tpu.memory_space<vmem>>) target(%dma_start3A_638 : memref<51200x32xf32, #tpu.memory_space<vmem_shared>>) offsets(%arg10 : memref<256xi32, #tpu.memory_space<vmem>>) semaphore(%arg23 : memref<!tpu.dma_semaphore, #tpu.memory_space<semaphore_mem>>) {add = true}
      %lt3A = arith.constant 194 : i32
      %lt3A_639 = arith.cmpi slt, %add3A_605, %lt3A : i32
      %convert_element_type3A_640 = arith.extui %lt3A_639 : i1 to i32
      %cond3A_641 = arith.constant 0 : i32
      %cond3A_642 = arith.cmpi ne, %convert_element_type3A_640, %cond3A_641 : i32
      scf.if %cond3A_642 {
        %add3A_684 = arith.constant 2 : i32
        %add3A_685 = arith.addi %add3A_609, %add3A_684 : i32
        %mul3A_686 = arith.constant 256 : i32
        %mul3A_687 = arith.muli %add3A_685, %mul3A_686 : i32
        %add3A_688 = arith.addi %mul3A_516, %mul3A_687 : i32
        %dma_start3A_689 = arith.constant 0 : i32
        %dma_start3A_690 = tpu.memref_slice %arg3[%dma_start3A_689, %add3A_688] : memref<2x1600000xi32, #tpu.memory_space<hbm>> -> memref<1x256xi32, #tpu.memory_space<hbm>>
        %dma_start3A_691 = tpu.memref_squeeze %dma_start3A_690 : memref<1x256xi32, #tpu.memory_space<hbm>> -> memref<256xi32, #tpu.memory_space<hbm>>
        %dma_start3A_692 = tpu.memref_slice %arg3[%dma_start3A_689, %add3A_688] : memref<2x1600000xi32, #tpu.memory_space<hbm>> -> memref<1x256xi32, #tpu.memory_space<hbm>>
        %dma_start3A_693 = tpu.memref_squeeze %dma_start3A_692 : memref<1x256xi32, #tpu.memory_space<hbm>> -> memref<256xi32, #tpu.memory_space<hbm>>
        tpu.enqueue_dma source(%dma_start3A_693 : memref<256xi32, #tpu.memory_space<hbm>>) target(%arg6 : memref<256xi32, #tpu.memory_space<vmem>>) target_semaphore(%arg19 : memref<!tpu.dma_semaphore, #tpu.memory_space<semaphore_mem>>)
        %dma_start3A_694 = arith.constant 1 : i32
        %dma_start3A_695 = tpu.memref_slice %arg3[%dma_start3A_694, %add3A_688] : memref<2x1600000xi32, #tpu.memory_space<hbm>> -> memref<1x256xi32, #tpu.memory_space<hbm>>
        %dma_start3A_696 = tpu.memref_squeeze %dma_start3A_695 : memref<1x256xi32, #tpu.memory_space<hbm>> -> memref<256xi32, #tpu.memory_space<hbm>>
        %dma_start3A_697 = tpu.memref_slice %arg3[%dma_start3A_694, %add3A_688] : memref<2x1600000xi32, #tpu.memory_space<hbm>> -> memref<1x256xi32, #tpu.memory_space<hbm>>
        %dma_start3A_698 = tpu.memref_squeeze %dma_start3A_697 : memref<1x256xi32, #tpu.memory_space<hbm>> -> memref<256xi32, #tpu.memory_space<hbm>>
        tpu.enqueue_dma source(%dma_start3A_698 : memref<256xi32, #tpu.memory_space<hbm>>) target(%arg8 : memref<256xi32, #tpu.memory_space<vmem>>) target_semaphore(%arg19 : memref<!tpu.dma_semaphore, #tpu.memory_space<semaphore_mem>>)
      } else {
      }
      %mul3A_643 = arith.constant 2 : i32
      %mul3A_644 = arith.muli %mul3A_643, %add3A_605 : i32
      %add3A_645 = arith.constant 1 : i32
      %add3A_646 = arith.addi %mul3A_644, %add3A_645 : i32
      %mul3A_647 = arith.constant 256 : i32
      %mul3A_648 = arith.muli %add3A_646, %mul3A_647 : i32
      %add3A_649 = arith.addi %mul3A_516, %mul3A_648 : i32
      %dma_wait3A_650 = arith.constant 0 : i32
      %dma_wait3A_651 = tpu.memref_slice %arg3[%dma_wait3A_650, %add3A_649] : memref<2x1600000xi32, #tpu.memory_space<hbm>> -> memref<1x256xi32, #tpu.memory_space<hbm>>
      %dma_wait3A_652 = tpu.memref_squeeze %dma_wait3A_651 : memref<1x256xi32, #tpu.memory_space<hbm>> -> memref<256xi32, #tpu.memory_space<hbm>>
      %dma_wait3A_653 = tpu.memref_slice %arg3[%dma_wait3A_650, %add3A_649] : memref<2x1600000xi32, #tpu.memory_space<hbm>> -> memref<1x256xi32, #tpu.memory_space<hbm>>
      %dma_wait3A_654 = tpu.memref_squeeze %dma_wait3A_653 : memref<1x256xi32, #tpu.memory_space<hbm>> -> memref<256xi32, #tpu.memory_space<hbm>>
      tpu.wait_dma2 semaphore(%arg20 : memref<!tpu.dma_semaphore, #tpu.memory_space<semaphore_mem>>) src(%dma_wait3A_654 : memref<256xi32, #tpu.memory_space<hbm>>) dst(%arg7 : memref<256xi32, #tpu.memory_space<vmem>>)
      %dma_wait3A_655 = arith.constant 1 : i32
      %dma_wait3A_656 = tpu.memref_slice %arg3[%dma_wait3A_655, %add3A_649] : memref<2x1600000xi32, #tpu.memory_space<hbm>> -> memref<1x256xi32, #tpu.memory_space<hbm>>
      %dma_wait3A_657 = tpu.memref_squeeze %dma_wait3A_656 : memref<1x256xi32, #tpu.memory_space<hbm>> -> memref<256xi32, #tpu.memory_space<hbm>>
      %dma_wait3A_658 = tpu.memref_slice %arg3[%dma_wait3A_655, %add3A_649] : memref<2x1600000xi32, #tpu.memory_space<hbm>> -> memref<1x256xi32, #tpu.memory_space<hbm>>
      %dma_wait3A_659 = tpu.memref_squeeze %dma_wait3A_658 : memref<1x256xi32, #tpu.memory_space<hbm>> -> memref<256xi32, #tpu.memory_space<hbm>>
      tpu.wait_dma2 semaphore(%arg20 : memref<!tpu.dma_semaphore, #tpu.memory_space<semaphore_mem>>) src(%dma_wait3A_659 : memref<256xi32, #tpu.memory_space<hbm>>) dst(%arg9 : memref<256xi32, #tpu.memory_space<vmem>>)
      %gt3A_660 = arith.constant 0 : i32
      %gt3A_661 = arith.cmpi sgt, %add3A_605, %gt3A_660 : i32
      %convert_element_type3A_662 = arith.extui %gt3A_661 : i1 to i32
      %cond3A_663 = arith.constant 0 : i32
      %cond3A_664 = arith.cmpi ne, %convert_element_type3A_662, %cond3A_663 : i32
      scf.if %cond3A_664 {
        %dma_wait3A_684 = arith.constant 0 : i32
        %dma_wait3A_685 = arith.constant 0 : i32
        %dma_wait3A_686 = tpu.memref_slice %arg5[%dma_wait3A_684, %dma_wait3A_685] : memref<51200x32xf32, #tpu.memory_space<vmem_shared>> -> memref<51200x32xf32, #tpu.memory_space<vmem_shared>>
        tpu.wait_indirect_dma semaphore(%arg24 : memref<!tpu.dma_semaphore, #tpu.memory_space<semaphore_mem>>) src(%arg13 : memref<256x32xf32, #tpu.memory_space<vmem>>) dst(%dma_wait3A_686 : memref<51200x32xf32, #tpu.memory_space<vmem_shared>>)
      } else {
      }
      %dma_start3A_665 = arith.constant 0 : i32
      %dma_start3A_666 = arith.constant 0 : i32
      %dma_start3A_667 = tpu.memref_slice %arg2[%dma_start3A_665, %dma_start3A_666] : memref<100000x32xf32, #tpu.memory_space<hbm>> -> memref<100000x32xf32, #tpu.memory_space<hbm>>
      tpu.enqueue_indirect_dma source(%dma_start3A_667 : memref<100000x32xf32, #tpu.memory_space<hbm>>) target(%arg13 : memref<256x32xf32, #tpu.memory_space<vmem>>) offsets(%arg7 : memref<256xi32, #tpu.memory_space<vmem>>) semaphore(%arg22 : memref<!tpu.dma_semaphore, #tpu.memory_space<semaphore_mem>>)
      %scan3A_668 = arith.constant 0 : i32
      %scan3A_669 = arith.constant 16 : i32
      %scan3A_670 = arith.addi %scan3A_668, %scan3A_669 : i32
      %scan3A_671 = arith.constant 1 : i32
      scf.for %scan3A_684 = %scan3A_668 to %scan3A_670 step %scan3A_671  : i32 {
        %mul3A_685 = arith.constant 1 : i32
        %mul3A_686 = arith.muli %scan3A_684, %mul3A_685 : i32
        %add3A_687 = arith.constant 0 : i32
        %add3A_688 = arith.addi %add3A_687, %mul3A_686 : i32
        %mul3A_689 = arith.constant 16 : i32
        %mul3A_690 = arith.muli %add3A_688, %mul3A_689 : i32
        %get3A = arith.index_cast %mul3A_690 : i32 to index
        %get3A_691 = tpu.vector_load %arg9[%get3A] {strides = array<i32>} : memref<256xi32, #tpu.memory_space<vmem>>, vector<16xi32>,
        %sub3A = vector.broadcast %mul3A_0 : i32 to vector<16xi32>
        %sub3A_692 = arith.subi %get3A_691, %sub3A : vector<16xi32>
        %ge3A = arith.constant 0 : i32
        %ge3A_693 = vector.broadcast %ge3A : i32 to vector<16xi32>
        %ge3A_694 = arith.cmpi sge, %sub3A_692, %ge3A_693 : vector<16xi32>
        %lt3A_695 = arith.constant 50000 : i32
        %lt3A_696 = vector.broadcast %lt3A_695 : i32 to vector<16xi32>
        %lt3A_697 = arith.cmpi slt, %sub3A_692, %lt3A_696 : vector<16xi32>
        %and3A = arith.andi %ge3A_694, %lt3A_697 : vector<16xi1>
        %and3A_698 = arith.constant 1023 : i32
        %and3A_699 = vector.broadcast %and3A_698 : i32 to vector<16xi32>
        %and3A_700 = arith.andi %get3A_691, %and3A_699 : vector<16xi32>
        %add3A_701 = arith.constant 50000 : i32
        %add3A_702 = vector.broadcast %add3A_701 : i32 to vector<16xi32>
        %add3A_703 = arith.addi %add3A_702, %and3A_700 : vector<16xi32>
        %select_n3A = arith.select %and3A, %sub3A_692, %add3A_703 : vector<16xi1>, vector<16xi32>
        %mul3A_704 = arith.constant 16 : i32
        %mul3A_705 = arith.muli %add3A_688, %mul3A_704 : i32
        %swap3A = arith.index_cast %mul3A_705 : i32 to index
        %swap3A_706 = tpu.vector_load %arg11[%swap3A] {strides = array<i32>} : memref<256xi32, #tpu.memory_space<vmem>>, vector<16xi32>,
        tpu.vector_store %arg11[%swap3A], %select_n3A {strides = array<i32>} : memref<256xi32, #tpu.memory_space<vmem>>, vector<16xi32>,
      }
      %scan3A_672 = arith.constant 16 : i32
      %dma_wait3A_673 = arith.constant 0 : i32
      %dma_wait3A_674 = arith.constant 0 : i32
      %dma_wait3A_675 = tpu.memref_slice %arg2[%dma_wait3A_673, %dma_wait3A_674] : memref<100000x32xf32, #tpu.memory_space<hbm>> -> memref<100000x32xf32, #tpu.memory_space<hbm>>
      tpu.wait_indirect_dma semaphore(%arg22 : memref<!tpu.dma_semaphore, #tpu.memory_space<semaphore_mem>>) src(%dma_wait3A_675 : memref<100000x32xf32, #tpu.memory_space<hbm>>) dst(%arg13 : memref<256x32xf32, #tpu.memory_space<vmem>>)
      %dma_start3A_676 = arith.constant 0 : i32
      %dma_start3A_677 = arith.constant 0 : i32
      %dma_start3A_678 = tpu.memref_slice %arg5[%dma_start3A_676, %dma_start3A_677] : memref<51200x32xf32, #tpu.memory_space<vmem_shared>> -> memref<51200x32xf32, #tpu.memory_space<vmem_shared>>
      tpu.enqueue_indirect_dma source(%arg13 : memref<256x32xf32, #tpu.memory_space<vmem>>) target(%dma_start3A_678 : memref<51200x32xf32, #tpu.memory_space<vmem_shared>>) offsets(%arg11 : memref<256xi32, #tpu.memory_space<vmem>>) semaphore(%arg24 : memref<!tpu.dma_semaphore, #tpu.memory_space<semaphore_mem>>) {add = true}
      %lt3A_679 = arith.constant 194 : i32
      %lt3A_680 = arith.cmpi slt, %add3A_605, %lt3A_679 : i32
      %convert_element_type3A_681 = arith.extui %lt3A_680 : i1 to i32
      %cond3A_682 = arith.constant 0 : i32
      %cond3A_683 = arith.cmpi ne, %convert_element_type3A_681, %cond3A_682 : i32
      scf.if %cond3A_683 {
        %add3A_684 = arith.constant 2 : i32
        %add3A_685 = arith.addi %add3A_646, %add3A_684 : i32
        %mul3A_686 = arith.constant 256 : i32
        %mul3A_687 = arith.muli %add3A_685, %mul3A_686 : i32
        %add3A_688 = arith.addi %mul3A_516, %mul3A_687 : i32
        %dma_start3A_689 = arith.constant 0 : i32
        %dma_start3A_690 = tpu.memref_slice %arg3[%dma_start3A_689, %add3A_688] : memref<2x1600000xi32, #tpu.memory_space<hbm>> -> memref<1x256xi32, #tpu.memory_space<hbm>>
        %dma_start3A_691 = tpu.memref_squeeze %dma_start3A_690 : memref<1x256xi32, #tpu.memory_space<hbm>> -> memref<256xi32, #tpu.memory_space<hbm>>
        %dma_start3A_692 = tpu.memref_slice %arg3[%dma_start3A_689, %add3A_688] : memref<2x1600000xi32, #tpu.memory_space<hbm>> -> memref<1x256xi32, #tpu.memory_space<hbm>>
        %dma_start3A_693 = tpu.memref_squeeze %dma_start3A_692 : memref<1x256xi32, #tpu.memory_space<hbm>> -> memref<256xi32, #tpu.memory_space<hbm>>
        tpu.enqueue_dma source(%dma_start3A_693 : memref<256xi32, #tpu.memory_space<hbm>>) target(%arg7 : memref<256xi32, #tpu.memory_space<vmem>>) target_semaphore(%arg20 : memref<!tpu.dma_semaphore, #tpu.memory_space<semaphore_mem>>)
        %dma_start3A_694 = arith.constant 1 : i32
        %dma_start3A_695 = tpu.memref_slice %arg3[%dma_start3A_694, %add3A_688] : memref<2x1600000xi32, #tpu.memory_space<hbm>> -> memref<1x256xi32, #tpu.memory_space<hbm>>
        %dma_start3A_696 = tpu.memref_squeeze %dma_start3A_695 : memref<1x256xi32, #tpu.memory_space<hbm>> -> memref<256xi32, #tpu.memory_space<hbm>>
        %dma_start3A_697 = tpu.memref_slice %arg3[%dma_start3A_694, %add3A_688] : memref<2x1600000xi32, #tpu.memory_space<hbm>> -> memref<1x256xi32, #tpu.memory_space<hbm>>
        %dma_start3A_698 = tpu.memref_squeeze %dma_start3A_697 : memref<1x256xi32, #tpu.memory_space<hbm>> -> memref<256xi32, #tpu.memory_space<hbm>>
        tpu.enqueue_dma source(%dma_start3A_698 : memref<256xi32, #tpu.memory_space<hbm>>) target(%arg9 : memref<256xi32, #tpu.memory_space<vmem>>) target_semaphore(%arg20 : memref<!tpu.dma_semaphore, #tpu.memory_space<semaphore_mem>>)
      } else {
      }
    }
    %scan3A_549 = arith.constant 195 : i32
    %dma_wait3A_550 = arith.constant 0 : i32
    %dma_wait3A_551 = arith.constant 0 : i32
    %dma_wait3A_552 = tpu.memref_slice %arg5[%dma_wait3A_550, %dma_wait3A_551] : memref<51200x32xf32, #tpu.memory_space<vmem_shared>> -> memref<51200x32xf32, #tpu.memory_space<vmem_shared>>
    tpu.wait_indirect_dma semaphore(%arg23 : memref<!tpu.dma_semaphore, #tpu.memory_space<semaphore_mem>>) src(%arg12 : memref<256x32xf32, #tpu.memory_space<vmem>>) dst(%dma_wait3A_552 : memref<51200x32xf32, #tpu.memory_space<vmem_shared>>)
    %dma_wait3A_553 = arith.constant 0 : i32
    %dma_wait3A_554 = arith.constant 0 : i32
    %dma_wait3A_555 = tpu.memref_slice %arg5[%dma_wait3A_553, %dma_wait3A_554] : memref<51200x32xf32, #tpu.memory_space<vmem_shared>> -> memref<51200x32xf32, #tpu.memory_space<vmem_shared>>
    tpu.wait_indirect_dma semaphore(%arg24 : memref<!tpu.dma_semaphore, #tpu.memory_space<semaphore_mem>>) src(%arg13 : memref<256x32xf32, #tpu.memory_space<vmem>>) dst(%dma_wait3A_555 : memref<51200x32xf32, #tpu.memory_space<vmem_shared>>)
    %add3A_556 = arith.constant 99840 : i32
    %add3A_557 = arith.addi %mul3A_516, %add3A_556 : i32
    %dma_start3A_558 = arith.constant 0 : i32
    %dma_start3A_559 = tpu.memref_slice %arg3[%dma_start3A_558, %add3A_557] : memref<2x1600000xi32, #tpu.memory_space<hbm>> -> memref<1x160xi32, #tpu.memory_space<hbm>>
    %dma_start3A_560 = tpu.memref_squeeze %dma_start3A_559 : memref<1x160xi32, #tpu.memory_space<hbm>> -> memref<160xi32, #tpu.memory_space<hbm>>
    %dma_start3A_561 = tpu.memref_slice %arg3[%dma_start3A_558, %add3A_557] : memref<2x1600000xi32, #tpu.memory_space<hbm>> -> memref<1x160xi32, #tpu.memory_space<hbm>>
    %dma_start3A_562 = tpu.memref_squeeze %dma_start3A_561 : memref<1x160xi32, #tpu.memory_space<hbm>> -> memref<160xi32, #tpu.memory_space<hbm>>
    tpu.enqueue_dma source(%dma_start3A_562 : memref<160xi32, #tpu.memory_space<hbm>>) target(%arg14 : memref<160xi32, #tpu.memory_space<vmem>>) target_semaphore(%arg19 : memref<!tpu.dma_semaphore, #tpu.memory_space<semaphore_mem>>)
    %dma_start3A_563 = arith.constant 1 : i32
    %dma_start3A_564 = tpu.memref_slice %arg3[%dma_start3A_563, %add3A_557] : memref<2x1600000xi32, #tpu.memory_space<hbm>> -> memref<1x160xi32, #tpu.memory_space<hbm>>
    %dma_start3A_565 = tpu.memref_squeeze %dma_start3A_564 : memref<1x160xi32, #tpu.memory_space<hbm>> -> memref<160xi32, #tpu.memory_space<hbm>>
    %dma_start3A_566 = tpu.memref_slice %arg3[%dma_start3A_563, %add3A_557] : memref<2x1600000xi32, #tpu.memory_space<hbm>> -> memref<1x160xi32, #tpu.memory_space<hbm>>
    %dma_start3A_567 = tpu.memref_squeeze %dma_start3A_566 : memref<1x160xi32, #tpu.memory_space<hbm>> -> memref<160xi32, #tpu.memory_space<hbm>>
    tpu.enqueue_dma source(%dma_start3A_567 : memref<160xi32, #tpu.memory_space<hbm>>) target(%arg15 : memref<160xi32, #tpu.memory_space<vmem>>) target_semaphore(%arg19 : memref<!tpu.dma_semaphore, #tpu.memory_space<semaphore_mem>>)
    %dma_wait3A_568 = arith.constant 0 : i32
    %dma_wait3A_569 = tpu.memref_slice %arg3[%dma_wait3A_568, %add3A_557] : memref<2x1600000xi32, #tpu.memory_space<hbm>> -> memref<1x160xi32, #tpu.memory_space<hbm>>
    %dma_wait3A_570 = tpu.memref_squeeze %dma_wait3A_569 : memref<1x160xi32, #tpu.memory_space<hbm>> -> memref<160xi32, #tpu.memory_space<hbm>>
    %dma_wait3A_571 = tpu.memref_slice %arg3[%dma_wait3A_568, %add3A_557] : memref<2x1600000xi32, #tpu.memory_space<hbm>> -> memref<1x160xi32, #tpu.memory_space<hbm>>
    %dma_wait3A_572 = tpu.memref_squeeze %dma_wait3A_571 : memref<1x160xi32, #tpu.memory_space<hbm>> -> memref<160xi32, #tpu.memory_space<hbm>>
    tpu.wait_dma2 semaphore(%arg19 : memref<!tpu.dma_semaphore, #tpu.memory_space<semaphore_mem>>) src(%dma_wait3A_572 : memref<160xi32, #tpu.memory_space<hbm>>) dst(%arg14 : memref<160xi32, #tpu.memory_space<vmem>>)
    %dma_wait3A_573 = arith.constant 1 : i32
    %dma_wait3A_574 = tpu.memref_slice %arg3[%dma_wait3A_573, %add3A_557] : memref<2x1600000xi32, #tpu.memory_space<hbm>> -> memref<1x160xi32, #tpu.memory_space<hbm>>
    %dma_wait3A_575 = tpu.memref_squeeze %dma_wait3A_574 : memref<1x160xi32, #tpu.memory_space<hbm>> -> memref<160xi32, #tpu.memory_space<hbm>>
    %dma_wait3A_576 = tpu.memref_slice %arg3[%dma_wait3A_573, %add3A_557] : memref<2x1600000xi32, #tpu.memory_space<hbm>> -> memref<1x160xi32, #tpu.memory_space<hbm>>
    %dma_wait3A_577 = tpu.memref_squeeze %dma_wait3A_576 : memref<1x160xi32, #tpu.memory_space<hbm>> -> memref<160xi32, #tpu.memory_space<hbm>>
    tpu.wait_dma2 semaphore(%arg19 : memref<!tpu.dma_semaphore, #tpu.memory_space<semaphore_mem>>) src(%dma_wait3A_577 : memref<160xi32, #tpu.memory_space<hbm>>) dst(%arg15 : memref<160xi32, #tpu.memory_space<vmem>>)
    %dma_start3A_578 = arith.constant 0 : i32
    %dma_start3A_579 = arith.constant 0 : i32
    %dma_start3A_580 = tpu.memref_slice %arg2[%dma_start3A_578, %dma_start3A_579] : memref<100000x32xf32, #tpu.memory_space<hbm>> -> memref<100000x32xf32, #tpu.memory_space<hbm>>
    tpu.enqueue_indirect_dma source(%dma_start3A_580 : memref<100000x32xf32, #tpu.memory_space<hbm>>) target(%arg17 : memref<160x32xf32, #tpu.memory_space<vmem>>) offsets(%arg14 : memref<160xi32, #tpu.memory_space<vmem>>) semaphore(%arg21 : memref<!tpu.dma_semaphore, #tpu.memory_space<semaphore_mem>>)
    %scan3A_581 = arith.constant 0 : i32
    %scan3A_582 = arith.constant 10 : i32
    %scan3A_583 = arith.addi %scan3A_581, %scan3A_582 : i32
    %scan3A_584 = arith.constant 1 : i32
    scf.for %scan3A_601 = %scan3A_581 to %scan3A_583 step %scan3A_584  : i32 {
      %mul3A_602 = arith.constant 1 : i32
      %mul3A_603 = arith.muli %scan3A_601, %mul3A_602 : i32
      %add3A_604 = arith.constant 0 : i32
      %add3A_605 = arith.addi %add3A_604, %mul3A_603 : i32
      %mul3A_606 = arith.constant 16 : i32
      %mul3A_607 = arith.muli %add3A_605, %mul3A_606 : i32
      %get3A = arith.index_cast %mul3A_607 : i32 to index
      %get3A_608 = tpu.vector_load %arg15[%get3A] {strides = array<i32>} : memref<160xi32, #tpu.memory_space<vmem>>, vector<16xi32>,
      %sub3A = vector.broadcast %mul3A_0 : i32 to vector<16xi32>
      %sub3A_609 = arith.subi %get3A_608, %sub3A : vector<16xi32>
      %ge3A = arith.constant 0 : i32
      %ge3A_610 = vector.broadcast %ge3A : i32 to vector<16xi32>
      %ge3A_611 = arith.cmpi sge, %sub3A_609, %ge3A_610 : vector<16xi32>
      %lt3A = arith.constant 50000 : i32
      %lt3A_612 = vector.broadcast %lt3A : i32 to vector<16xi32>
      %lt3A_613 = arith.cmpi slt, %sub3A_609, %lt3A_612 : vector<16xi32>
      %and3A = arith.andi %ge3A_611, %lt3A_613 : vector<16xi1>
      %and3A_614 = arith.constant 1023 : i32
      %and3A_615 = vector.broadcast %and3A_614 : i32 to vector<16xi32>
      %and3A_616 = arith.andi %get3A_608, %and3A_615 : vector<16xi32>
      %add3A_617 = arith.constant 50000 : i32
      %add3A_618 = vector.broadcast %add3A_617 : i32 to vector<16xi32>
      %add3A_619 = arith.addi %add3A_618, %and3A_616 : vector<16xi32>
      %select_n3A = arith.select %and3A, %sub3A_609, %add3A_619 : vector<16xi1>, vector<16xi32>
      %mul3A_620 = arith.constant 16 : i32
      %mul3A_621 = arith.muli %add3A_605, %mul3A_620 : i32
      %swap3A = arith.index_cast %mul3A_621 : i32 to index
      %swap3A_622 = tpu.vector_load %arg16[%swap3A] {strides = array<i32>} : memref<160xi32, #tpu.memory_space<vmem>>, vector<16xi32>,
      tpu.vector_store %arg16[%swap3A], %select_n3A {strides = array<i32>} : memref<160xi32, #tpu.memory_space<vmem>>, vector<16xi32>,
    }
    %scan3A_585 = arith.constant 10 : i32
    %dma_wait3A_586 = arith.constant 0 : i32
    %dma_wait3A_587 = arith.constant 0 : i32
    %dma_wait3A_588 = tpu.memref_slice %arg2[%dma_wait3A_586, %dma_wait3A_587] : memref<100000x32xf32, #tpu.memory_space<hbm>> -> memref<100000x32xf32, #tpu.memory_space<hbm>>
    tpu.wait_indirect_dma semaphore(%arg21 : memref<!tpu.dma_semaphore, #tpu.memory_space<semaphore_mem>>) src(%dma_wait3A_588 : memref<100000x32xf32, #tpu.memory_space<hbm>>) dst(%arg17 : memref<160x32xf32, #tpu.memory_space<vmem>>)
    %dma_start3A_589 = arith.constant 0 : i32
    %dma_start3A_590 = arith.constant 0 : i32
    %dma_start3A_591 = tpu.memref_slice %arg5[%dma_start3A_589, %dma_start3A_590] : memref<51200x32xf32, #tpu.memory_space<vmem_shared>> -> memref<51200x32xf32, #tpu.memory_space<vmem_shared>>
    tpu.enqueue_indirect_dma source(%arg17 : memref<160x32xf32, #tpu.memory_space<vmem>>) target(%dma_start3A_591 : memref<51200x32xf32, #tpu.memory_space<vmem_shared>>) offsets(%arg16 : memref<160xi32, #tpu.memory_space<vmem>>) semaphore(%arg23 : memref<!tpu.dma_semaphore, #tpu.memory_space<semaphore_mem>>) {add = true}
    %dma_wait3A_592 = arith.constant 0 : i32
    %dma_wait3A_593 = arith.constant 0 : i32
    %dma_wait3A_594 = tpu.memref_slice %arg5[%dma_wait3A_592, %dma_wait3A_593] : memref<51200x32xf32, #tpu.memory_space<vmem_shared>> -> memref<51200x32xf32, #tpu.memory_space<vmem_shared>>
    tpu.wait_indirect_dma semaphore(%arg23 : memref<!tpu.dma_semaphore, #tpu.memory_space<semaphore_mem>>) src(%arg17 : memref<160x32xf32, #tpu.memory_space<vmem>>) dst(%dma_wait3A_594 : memref<51200x32xf32, #tpu.memory_space<vmem_shared>>)
    %barrier3A_595 = arith.constant 0 : index
    tpu.barrier barrier_id(%barrier3A_595)
    %mul3A_596 = arith.constant 3125 : i32
    %mul3A_597 = arith.muli %arg1, %mul3A_596 : i32
    %mul3A_598 = arith.constant 3125 : i32
    %mul3A_599 = arith.muli %arg1, %mul3A_598 : i32
    %add3A_600 = arith.addi %mul3A_0, %mul3A_599 : i32
    "tpu.region"() ({
      %run_scoped3A = tpu.sem_alloc : memref<!tpu.dma_semaphore, #tpu.memory_space<semaphore_mem>>
      %dma_start3A_601 = arith.constant 0 : i32
      %dma_start3A_602 = tpu.memref_slice %arg4[%add3A_600, %dma_start3A_601] : memref<100000x32xf32, #tpu.memory_space<hbm>> -> memref<3125x32xf32, #tpu.memory_space<hbm>>
      %dma_start3A_603 = arith.constant 0 : i32
      %dma_start3A_604 = tpu.memref_slice %arg5[%mul3A_597, %dma_start3A_603] : memref<51200x32xf32, #tpu.memory_space<vmem_shared>> -> memref<3125x32xf32, #tpu.memory_space<vmem_shared>>
      tpu.enqueue_dma source(%dma_start3A_604 : memref<3125x32xf32, #tpu.memory_space<vmem_shared>>) target(%dma_start3A_602 : memref<3125x32xf32, #tpu.memory_space<hbm>>) target_semaphore(%run_scoped3A : memref<!tpu.dma_semaphore, #tpu.memory_space<semaphore_mem>>)
      %dma_wait3A_605 = arith.constant 0 : i32
      %dma_wait3A_606 = tpu.memref_slice %arg4[%add3A_600, %dma_wait3A_605] : memref<100000x32xf32, #tpu.memory_space<hbm>> -> memref<3125x32xf32, #tpu.memory_space<hbm>>
      %dma_wait3A_607 = arith.constant 0 : i32
      %dma_wait3A_608 = tpu.memref_slice %arg5[%mul3A_597, %dma_wait3A_607] : memref<51200x32xf32, #tpu.memory_space<vmem_shared>> -> memref<3125x32xf32, #tpu.memory_space<vmem_shared>>
      tpu.wait_dma2 semaphore(%run_scoped3A : memref<!tpu.dma_semaphore, #tpu.memory_space<semaphore_mem>>) src(%dma_wait3A_608 : memref<3125x32xf32, #tpu.memory_space<vmem_shared>>) dst(%dma_wait3A_606 : memref<3125x32xf32, #tpu.memory_space<hbm>>)
      tpu.yield
    }) : () -> ()
    return
  }
}

module attributes {stable_mosaic.version = 14 : i64} {
  func.func @body(%arg0: i32, %arg1: memref<5000x32xf32, #tpu.memory_space<vmem>>, %arg2: memref<5000x1xf32, #tpu.memory_space<vmem>>, %arg3: memref<32x32xf32, #tpu.memory_space<vmem>>, %arg4: memref<5000x32xf32, #tpu.memory_space<vmem>>) attributes {dimension_semantics = [#tpu.dimension_semantics<arbitrary>], iteration_bounds = array<i64: 20>, scalar_prefetch = 0 : i64, scratch_operands = 0 : i64, tpu.core_type = #tpu.core_type<tc>, window_params = [{transform_indices = @transform_0, window_bounds = array<i64: 5000, 32>}, {transform_indices = @transform_1, window_bounds = array<i64: 5000, 1>}, {pipeline_mode = #tpu.pipeline_mode<synchronous>, transform_indices = @transform_2, window_bounds = array<i64: 32, 32>}, {transform_indices = @transform_3, window_bounds = array<i64: 5000, 32>}]} {
    %get3A = arith.constant 0 : index
    %get3A_0 = arith.constant 0 : index
    %get3A_1 = vector.load %arg2[%get3A, %get3A_0] : memref<5000x1xf32, #tpu.memory_space<vmem>>, vector<5000x1xf32>
    %max3A = arith.constant 1.000000e+00 : f32
    %max3A_2 = vector.broadcast %max3A : f32 to vector<5000x1xf32>
    %max3A_3 = arith.maximumf %get3A_1, %max3A_2 : vector<5000x1xf32>
    %rsqrt3A = math.rsqrt %max3A_3 : vector<5000x1xf32>
    %get3A_4 = arith.constant 0 : index
    %get3A_5 = arith.constant 0 : index
    %get3A_6 = vector.load %arg1[%get3A_4, %get3A_5] : memref<5000x32xf32, #tpu.memory_space<vmem>>, vector<5000x32xf32>
    %mul3A = vector.broadcast %rsqrt3A : vector<5000x1xf32> to vector<5000x32xf32>
    %mul3A_7 = arith.mulf %get3A_6, %mul3A : vector<5000x32xf32>
    %get3A_8 = arith.constant 0 : index
    %get3A_9 = arith.constant 0 : index
    %get3A_10 = vector.load %arg3[%get3A_8, %get3A_9] : memref<32x32xf32, #tpu.memory_space<vmem>>, vector<32x32xf32>
    %dot_general3A = arith.constant dense<0.000000e+00> : vector<5000x32xf32>
    %dot_general3A_11 = tpu.matmul %mul3A_7, %get3A_10, %dot_general3A {dimension_numbers = #tpu.dot_dimension_numbers<[1], [0], [0], [1], [0, 0, 1, 1], [], []>, precision = #tpu.contract_precision<fp32>, transpose_lhs_hint = false} : vector<5000x32xf32>, vector<32x32xf32>, vector<5000x32xf32> -> vector<5000x32xf32>
    %swap3A = arith.constant 0 : index
    %swap3A_12 = arith.constant 0 : index
    %swap3A_13 = vector.load %arg4[%swap3A, %swap3A_12] : memref<5000x32xf32, #tpu.memory_space<vmem>>, vector<5000x32xf32>
    tpu.vector_store %arg4[%swap3A, %swap3A_12], %dot_general3A_11 {strides = array<i32>} : memref<5000x32xf32, #tpu.memory_space<vmem>>, vector<5000x32xf32>,
    return
  }
  func.func @transform_0(%arg0: i32) -> (i32, i32) {
    %c0_i32 = arith.constant 0 : i32
    %c0_i32_0 = arith.constant 0 : i32
    return %arg0, %c0_i32 : i32, i32
  }
  func.func @transform_1(%arg0: i32) -> (i32, i32) {
    %c0_i32 = arith.constant 0 : i32
    %c0_i32_0 = arith.constant 0 : i32
    return %arg0, %c0_i32 : i32, i32
  }
  func.func @transform_2(%arg0: i32) -> (i32, i32) {
    %c0_i32 = arith.constant 0 : i32
    %c0_i32_0 = arith.constant 0 : i32
    %c0_i32_1 = arith.constant 0 : i32
    return %c0_i32, %c0_i32_0 : i32, i32
  }
  func.func @transform_3(%arg0: i32) -> (i32, i32) {
    %c0_i32 = arith.constant 0 : i32
    %c0_i32_0 = arith.constant 0 : i32
    return %arg0, %c0_i32 : i32, i32
  }
}

module attributes {stable_mosaic.version = 14 : i64} {
  func.func @body(%arg0: i32, %arg1: memref<5000x32xf32, #tpu.memory_space<vmem>>, %arg2: memref<5000x1xf32, #tpu.memory_space<vmem>>, %arg3: memref<1x32xf32, #tpu.memory_space<vmem>>, %arg4: memref<5000x32xf32, #tpu.memory_space<vmem>>) attributes {dimension_semantics = [#tpu.dimension_semantics<arbitrary>], iteration_bounds = array<i64: 20>, scalar_prefetch = 0 : i64, scratch_operands = 0 : i64, tpu.core_type = #tpu.core_type<tc>, window_params = [{transform_indices = @transform_0, window_bounds = array<i64: 5000, 32>}, {transform_indices = @transform_1, window_bounds = array<i64: 5000, 1>}, {pipeline_mode = #tpu.pipeline_mode<synchronous>, transform_indices = @transform_2, window_bounds = array<i64: 1, 32>}, {transform_indices = @transform_3, window_bounds = array<i64: 5000, 32>}]} {
    %get3A = arith.constant 0 : index
    %get3A_0 = arith.constant 0 : index
    %get3A_1 = vector.load %arg2[%get3A, %get3A_0] : memref<5000x1xf32, #tpu.memory_space<vmem>>, vector<5000x1xf32>
    %max3A = arith.constant 1.000000e+00 : f32
    %max3A_2 = vector.broadcast %max3A : f32 to vector<5000x1xf32>
    %max3A_3 = arith.maximumf %get3A_1, %max3A_2 : vector<5000x1xf32>
    %rsqrt3A = math.rsqrt %max3A_3 : vector<5000x1xf32>
    %get3A_4 = arith.constant 0 : index
    %get3A_5 = arith.constant 0 : index
    %get3A_6 = vector.load %arg1[%get3A_4, %get3A_5] : memref<5000x32xf32, #tpu.memory_space<vmem>>, vector<5000x32xf32>
    %mul3A = vector.broadcast %rsqrt3A : vector<5000x1xf32> to vector<5000x32xf32>
    %mul3A_7 = arith.mulf %get3A_6, %mul3A : vector<5000x32xf32>
    %get3A_8 = arith.constant 0 : index
    %get3A_9 = arith.constant 0 : index
    %get3A_10 = vector.load %arg3[%get3A_8, %get3A_9] : memref<1x32xf32, #tpu.memory_space<vmem>>, vector<1x32xf32>
    %add3A = vector.broadcast %get3A_10 : vector<1x32xf32> to vector<5000x32xf32>
    %add3A_11 = arith.addf %mul3A_7, %add3A : vector<5000x32xf32>
    %gt3A = arith.constant 0.000000e+00 : f32
    %gt3A_12 = vector.broadcast %gt3A : f32 to vector<5000x32xf32>
    %gt3A_13 = arith.cmpf ogt, %add3A_11, %gt3A_12 : vector<5000x32xf32>
    %min3A = arith.constant 0.000000e+00 : f32
    %min3A_14 = vector.broadcast %min3A : f32 to vector<5000x32xf32>
    %min3A_15 = arith.minimumf %add3A_11, %min3A_14 : vector<5000x32xf32>
    %exp3A = math.exp %min3A_15 : vector<5000x32xf32>
    %sub3A = arith.constant 1.000000e+00 : f32
    %sub3A_16 = vector.broadcast %sub3A : f32 to vector<5000x32xf32>
    %sub3A_17 = arith.subf %exp3A, %sub3A_16 : vector<5000x32xf32>
    %select_n3A = arith.select %gt3A_13, %add3A_11, %sub3A_17 : vector<5000x32xi1>, vector<5000x32xf32>
    %swap3A = arith.constant 0 : index
    %swap3A_18 = arith.constant 0 : index
    %swap3A_19 = vector.load %arg4[%swap3A, %swap3A_18] : memref<5000x32xf32, #tpu.memory_space<vmem>>, vector<5000x32xf32>
    tpu.vector_store %arg4[%swap3A, %swap3A_18], %select_n3A {strides = array<i32>} : memref<5000x32xf32, #tpu.memory_space<vmem>>, vector<5000x32xf32>,
    return
  }
  func.func @transform_0(%arg0: i32) -> (i32, i32) {
    %c0_i32 = arith.constant 0 : i32
    %c0_i32_0 = arith.constant 0 : i32
    return %arg0, %c0_i32 : i32, i32
  }
  func.func @transform_1(%arg0: i32) -> (i32, i32) {
    %c0_i32 = arith.constant 0 : i32
    %c0_i32_0 = arith.constant 0 : i32
    return %arg0, %c0_i32 : i32, i32
  }
  func.func @transform_2(%arg0: i32) -> (i32, i32) {
    %c0_i32 = arith.constant 0 : i32
    %c0_i32_0 = arith.constant 0 : i32
    %c0_i32_1 = arith.constant 0 : i32
    return %c0_i32, %c0_i32_0 : i32, i32
  }
  func.func @transform_3(%arg0: i32) -> (i32, i32) {
    %c0_i32 = arith.constant 0 : i32
    %c0_i32_0 = arith.constant 0 : i32
    return %arg0, %c0_i32 : i32, i32
  }
}

</mosaic_0001>

<sc_bundles>
// kernel: kernel.12.cloned.1.call-start
scs
__scs_entry_jumppad:
0x0: {  	(pc) =	sbr.rel $0x88, $3  }
0x1: {  	(tag) =	ssettag $0x0;
	lr =	simm.s32 $0x1  }
0x2: {  	[smem:$0x3F9B] =	sst lr;
	_ =	strace $0xD0000000  }
0x3: {  	_ = 	snop  }
0x4: {  	_ = 	snop  }
0x5: {  	_ = 	snop  }
0x6: {  	_ = 	snop  }
0x7: {  	_ = 	snop  }
__scs_overlays_trampoline_lowered:
0x8: {  	[smem:$0x3FAA] =	sst s0  }
0x9: {  	[smem:$0x3FAB] =	sst s1  }
0xa: {  	[smem:$0x3FAC] =	sst s2  }
0xb: {  	[smem:$0x3FAD] =	sst s3  }
0xc: {  	[smem:$0x3FAE] =	sst s4  }
0xd: {  	[smem:$0x3FAF] =	sst s5  }
0xe: {  	[smem:$0x3FB0] =	sst s6  }
0xf: {  	[smem:$0x3FB1] =	sst s7  }
0x10: {  	[smem:$0x3FB2] =	sst s8  }
0x11: {  	[smem:$0x3FB3] =	sst s9;
	s0 =	simm.s32 @!p0 $0x0  }
0x12: {  	s1 =	sld [smem:$0x3F99];
	s0 =	simm.s32 @p0 $0x1  }
0x13: {  	[smem:$0x3FB4] =	sst s0;
	s0 =	simm.s32 @!p1 $0x0  }
0x14: {  	s2 =	sld [smem:$0x3F98];
	s0 =	simm.s32 @p1 $0x1  }
0x15: {  	[smem:$0x3FB5] =	sst s0;
	s0 =	simm.s32 @!p2 $0x0  }
0x16: {  	s3 =	sld [smem:$0x3FDB];
	s0 =	simm.s32 @p2 $0x1  }
0x17: {  	s4 =	simm.s32 $0x1BF5;
	[smem:$0x3FB7] =	sst s0  }
0x18: {  	s0 =	sld [smem:$0x3F9A];
	_ =	swait.ge [sflag:s4], $0x0  }
0x19: {  	s7 =	sld [smem:$0x3F9B]  }
0x1a: {  	s8 =	sadd.s32 $0xFFFFE003, lr  }
0x1b: {  	s9 =	sadd.s32 $0xFFFFFEF7, lr;
	s5 =	simm.s32 $0xFFFFFFFF;
	p2 =	slt.u32 s8, $0xFFFFF086  }
0x1c: {  	p1 =	slt.u32 s9, $0xF7A;
	s5 =	simm.s32 @!p2 $0x0  }
0x1d: {  	s5 =	simm.s32 @p1 $0x1;
	p0 =	seq.s32 s7, s2  }
0x1e: {  	s7 =	smul.u32 @!p0 $0xF7A, s2;
	p2 =	seq.s32 @!p0 s5, $0x0  }
0x1f: {  	s9 =	smul.u32 $0xF7A, s1;
	s8 =	simm.s32 @!p0 $0x1BF5;
	p2 =	por !p2, p0  }
0x20: {  	[sflag:s8] =	ssyncset.s32 @!p0 $0xFFFFF086;
	s6 =	sadd.s32 @!p0 s3, s7;
	s7 =	simm.s32 @!p0 $0x108  }
0x21: {  	s3 =	sadd.s32 s3, s9;
	s6 =	sadd.s32 @!p0 $0x88, s6;
	s7 =	simm.s32 @p2 $0x1082  }
0x22: {  	[simem:s7], [sflag:s8] =	dma.local @!p0 [hbm:s6], $0xF7A  }
0x23: {  	s9 =	sor.u32 $0xD0000000, s2;
	s6 =	simm.s32 $0x108;
	_ =	swait.ge @!p0 [sflag:s8], $0x0  }
0x24: {  	s3 =	sadd.s32 $0x88, s3;
	s6 =	simm.s32 @!p1 $0x1082;
	[sflag:s4] =	ssyncset.s32 $0xFFFFF086  }
0x25: {  	[simem:s6], [sflag:s4] =	dma.local [hbm:s3], $0xF7A  }
0x26: {  	[smem:$0x3F9B] =	sst s1;
	(tag) =	ssettag s2;
	_ =	strace s9  }
0x27: {  	s1 =	sld [smem:$0x3FAB]  }
0x28: {  	s2 =	sld [smem:$0x3FAC]  }
0x29: {  	s4 =	sld [smem:$0x3FAE]  }
0x2a: {  	p0 =	seq.s32 s5, $0x0;
	s5 =	sld [smem:$0x3FAF]  }
0x2b: {  	s6 =	sld [smem:$0x3FB0]  }
0x2c: {  	s7 =	sld [smem:$0x3FB1]  }
0x2d: {  	s3 =	simm.s32 $0x108;
	s8 =	sld [smem:$0x3FB2]  }
0x2e: {  	s3 =	simm.s32 @!p0 $0x1082;
	s9 =	sld [smem:$0x3FB3]  }
0x2f: {  	lr =	sadd.s32 s0, s3;
	s0 =	sld [smem:$0x3FAA]  }
0x30: {  	s3 =	sld [smem:$0x3FAD]  }
0x31: {  	[smem:$0x3FB6] =	sst s10  }
0x32: {  	s10 =	sld [smem:$0x3FB4];
	_ =	sdelay $0x3  }
0x33: {  	p0 =	seq.s32 s10, $0x1;
	s10 =	sld [smem:$0x3FB6];
	_ =	sdelay $0x3  }
0x34: {  	[smem:$0x3FB6] =	sst s10  }
0x35: {  	s10 =	sld [smem:$0x3FB5];
	_ =	sdelay $0x3  }
0x36: {  	p1 =	seq.s32 s10, $0x1;
	s10 =	sld [smem:$0x3FB6];
	_ =	sdelay $0x3  }
0x37: {  	[smem:$0x3FB6] =	sst s10  }
0x38: {  	s10 =	sld [smem:$0x3FB7]  }
0x39: {  	_ = 	snop;
	(pc) =	sbr.ind lr, $3  }
0x3a: {  	_ = 	snop  }
0x3b: {  	_ = 	snop  }
0x3c: {  	p2 =	seq.s32 s10, $0x1;
	s10 =	sld [smem:$0x3FB6]  }
0x3d: {  	_ =	shalt  }
0x3e: {  	_ =	shalt  }
0x3f: {  	_ =	shalt  }
0x40: {  	_ =	shalt  }
0x41: {  	_ =	shalt  }
0x42: {  	_ =	shalt  }
0x43: {  	_ =	shalt  }
0x44: {  	_ =	shalt  }
0x45: {  	_ =	shalt  }
0x46: {  	_ =	shalt  }
0x47: {  	_ =	shalt  }
0x48: {  	_ =	shalt  }
0x49: {  	_ =	shalt  }
0x4a: {  	_ =	shalt  }
0x4b: {  	_ =	shalt  }
0x4c: {  	_ =	shalt  }
0x4d: {  	_ =	shalt  }
0x4e: {  	_ =	shalt  }
0x4f: {  	_ =	shalt  }
0x50: {  	_ =	shalt  }
0x51: {  	_ =	shalt  }
0x52: {  	_ =	shalt  }
0x53: {  	_ =	shalt  }
0x54: {  	_ =	shalt  }
0x55: {  	_ =	shalt  }
0x56: {  	_ =	shalt  }
0x57: {  	_ =	shalt  }
0x58: {  	_ =	shalt  }
0x59: {  	_ =	shalt  }
0x5a: {  	_ =	shalt  }
0x5b: {  	_ =	shalt  }
0x5c: {  	_ =	shalt  }
0x5d: {  	_ =	shalt  }
0x5e: {  	_ =	shalt  }
0x5f: {  	_ =	shalt  }
0x60: {  	_ =	shalt  }
0x61: {  	_ =	shalt  }
0x62: {  	_ =	shalt  }
0x63: {  	_ =	shalt  }
0x64: {  	_ =	shalt  }
0x65: {  	_ =	shalt  }
0x66: {  	_ =	shalt  }
0x67: {  	_ =	shalt  }
0x68: {  	_ =	shalt  }
0x69: {  	_ =	shalt  }
0x6a: {  	_ =	shalt  }
0x6b: {  	_ =	shalt  }
0x6c: {  	_ =	shalt  }
0x6d: {  	_ =	shalt  }
0x6e: {  	_ =	shalt  }
0x6f: {  	_ =	shalt  }
0x70: {  	_ =	shalt  }
0x71: {  	_ =	shalt  }
0x72: {  	_ =	shalt  }
0x73: {  	_ =	shalt  }
0x74: {  	_ =	shalt  }
0x75: {  	_ =	shalt  }
0x76: {  	_ =	shalt  }
0x77: {  	_ =	shalt  }
0x78: {  	_ =	shalt  }
0x79: {  	_ =	shalt  }
0x7a: {  	_ =	shalt  }
0x7b: {  	_ =	shalt  }
0x7c: {  	_ =	shalt  }
0x7d: {  	_ =	shalt  }
0x7e: {  	_ =	shalt  }
0x7f: {  	_ =	shalt  }
0x80: {  	_ =	shalt  }
0x81: {  	_ =	shalt  }
0x82: {  	_ =	shalt  }
0x83: {  	_ =	shalt  }
0x84: {  	_ =	shalt  }
0x85: {  	_ =	shalt  }
0x86: {  	_ =	shalt  }
0x87: {  	_ =	shalt  }
.Lfunc_end0:
.L_simem_size_0:
called_computation.1_lowered:
.L_overlay_start_0:
0x88: {  	s2 =	sld [smem:$0x3FD9]  }
0x89: {  	s3 =	sld [smem:$0x3FFE];
	_ =	sdelay $0x1  }
0x8a: {  	s1 =	srdreg.scid  }
0x8b: {  	s0 =	sand.u32 $0x1, s1  }
0x8c: {  	s14 =	sshll.u32 s0, $0xA;
	s2 =	sadd.s32 s3, s2  }
0x8d: {  	s2 =	sadd.s32 s2, s14  }
0x8e: {  	[smem:$0x3FC2] =	sst s2  }
0x8f: {  	_ = 	snop  }
0x90: {  	s2 =	sld [smem:$0x3FD0];
	_ =	sdelay $0x2  }
0x91: {  	s15 =	simm.s32 $0xB;
	s4 =	simm.s32 $0x10  }
0x92: {  	[smem:s4], [sflag:s15] =	dma.local [hbm:s2], $0x1  }
0x93: {  	_ =	swait.eq [sflag:s15], $0x1  }
0x94: {  	[sflag:s15] =	ssyncset.done $0x0  }
0x95: {  	[sflag:s15] =	ssyncadd.s32 $0xFFFFFFFF  }
0x96: {  	s16 =	sld [smem:$0x11];
	(tm) =	ssettm $0x1  }
0x97: {  	s17 =	sld [smem:$0x3FFB];
	_ =	sdelay $0x3  }
0x98: {  	_ =	strace s17  }
0x99: {  	s3 =	sld [smem:$0x3FFC];
	_ =	sdelay $0x3  }
0x9a: {  	_ =	strace s3  }
0x9b: {  	s3 =	sld [smem:$0x3FFD];
	_ =	sdelay $0x3  }
0x9c: {  	_ =	strace s3  }
0x9d: {  	_ =	strace $0x8FFFFFFF  }
0x9e: {  	s18 =	sld [smem:$0x3FDB];
	_ =	sdelay $0x1  }
0x9f: {  	s19 =	simm.s32 $_scs_section_size  }
0xa0: {  	s5 =	simm.s32 $_size__tile_overlayer_lowered;
	s6 =	simm.s32 $_tile_overlayer_lowered  }
0xa1: {  	s22 =	simm.s32 $0x1BFF;
	s21 =	sshll.u32 s6, $0x1;
	s3 =	sadd.s32 s19, s18  }
0xa2: {  	s7 =	simm.s32 $0x0;
	s20 =	sshll.u32 s5, $0x1;
	s5 =	sadd.s32 s21, s3  }
0xa3: {  	[timem:s7], [sflag:s22] =	dma.local [hbm:s5], s20  }
0xa4: {  	_ =	swait.ge [sflag:s22], s20  }
0xa5: {  	s4 =	ssub.s32 $0x0, s20;
	[sflag:s22] =	ssyncset.done $0x0  }
0xa6: {  	[sflag:s22] =	ssyncadd.s32 s4;
	_ =	sdelay $0x1  }
0xa7: {  	s23 =	simm.s32 $0x1B8B  }
0xa8: {  	_ =	swait.ge [sflag:s23], $0x1  }
0xa9: {  	[sflag:s23] =	ssyncset.done $0x0  }
0xaa: {  	s25 =	simm.s32 $0x1B8E;
	s24 =	sld [smem:$0x3FFE];
	[sflag:s23] =	ssyncadd.s32 $0xFFFFFFFF  }
0xab: {  	s26 =	simm.s32 $execute0_lowered;
	[smem:$0x3FD2] =	sst s25  }
0xac: {  	s5 =	sshll.u32 s26, $0x1;
	_ =	strace $0x80000049;
	[dreg:$0x1] =	wrdreg $0xFFFFFFFF  }
0xad: {  	s28 =	simm.s32 $_size_execute0_lowered;
	s3 =	sadd.s32 s3, s5;
	[dreg:$0x0] =	wrdreg $0x0  }
0xae: {  	s5 =	sshll.u32 s28, $0x1;
	[dreg:$0x2] =	wrdreg s3  }
0xaf: {  	[dreg:$0x3] =	wrdreg s5  }
0xb0: {  	[dreg:$0x4] =	wrdreg $0xC0  }
0xb1: {  	_ =	task [dreg:s7], $0x5FFFF  }
0xb2: {  	[dreg:$0x1] =	wrdreg $0xFFFFFFFF  }
0xb3: {  	[dreg:$0x0] =	wrdreg $0x60  }
0xb4: {  	[dreg:$0x2] =	wrdreg s16  }
0xb5: {  	[dreg:$0x3] =	wrdreg s24  }
0xb6: {  	[dreg:$0x4] =	wrdreg $0x0  }
0xb7: {  	[dreg:$0x5] =	wrdreg $0x9  }
0xb8: {  	_ =	task.clear_ibuf [dreg:s7], $0x6FFFF;
	_ =	strace $0x90000049  }
0xb9: {  	s29 =	simm.s32 $0x9;
	_ =	strace $0x8000004B  }
0xba: {  	_ =	swait.ge [sflag:s29], $0x1  }
0xbb: {  	[sflag:s29] =	ssyncadd.s32 $0xFFFFFFFF  }
0xbc: {  	_ =	strace $0x9000004B  }
0xbd: {  	_ =	sfence  }
0xbe: {  	s30 =	sld [smem:$0x0];
	_ =	sdelay $0x2  }
0xbf: {  	s31 =	sshll.u32 s1, $0xD;
	s1 =	sshrl.u32 s1, $0x2  }
0xc0: {  	s3 =	sand.u32 $0x4000, s31;
	s1 =	sadd.s32 s1, s30  }
0xc1: {  	s0 =	sor.u32 s3, s0;
	s1 =	sshll.u32 s1, $0x11  }
0xc2: {  	s0 =	sor.u32 s1, s0  }
0xc3: {  	s0 =	sadd.s32 $0x8F2B, s0  }
0xc4: {  	[sflag:s0] =	ssyncadd.remote.s32 $0x1  }
0xc5: {  	_ =	sfence.sel $0xFFFF  }
0xc6: {  	[dreg:$0x0] =	wrdreg $0xFFFFFFFF;
	(pc) =	sbr.abs _section_cstart, $3  }
0xc7: {  	[dreg:$0x1] =	wrdreg $0xFFFFFFFF  }
0xc8: {  	_ =	task.clear_ibuf [dreg:s7], $0x2FFFF;
	_ =	strace $0x9FFFFFFF  }
0xc9: {  	(tm) =	ssettm $0x7FFFFFFF  }
tec
execute0_lowered:
.L_overlay_start_1:
0x0: {  	(tag) =	ssettag $0x1  }
0x1: {  	s0 =	rddreg [dreg:$0x0]  }
0x2: {  	s1 =	rddreg [dreg:$0x1]  }
0x3: {  	s2 =	srdreg.scid;
	s9 =	stileid.u32  }
0x4: {  	s3 =	rddreg [dreg:$0x2];
	s6 =	smul.u32 $0xC35, s9  }
0x5: {  	s4 =	simm.s32 $0x0;
	s2 =	sand.u32 $0x1, s2;
	s7 =	smul.u32 $0x64000, s9  }
0x6: {  	[smem:$0x7FF] =	sst s4;
	s5 =	sadd.s32 $0x3A00, s1;
	s22 =	smul.u32 $0xC350, s2  }
0x7: {  	s26 =	smul.u32 $0x61A80, s9;
	_ =	strace $0x8000004A;
	s2 =	ssub.s32 $0x2, s2  }
0x8: {  	s7 =	sshrl.u32 s7, $0x2;
	s8 =	sshrl.u32 s2, $0x1;
	s6 =	sadd.s32 s6, s22  }
0x9: {  	s2 =	ssub.s32 s2, s8;
	s8 =	sshrl.u32 s26, $0x2;
	s6 =	sshll.u32 s6, $0x2  }
0xa: {  	s13 =	sadd.s32 s8, s3;
	s14 =	smax.u32 s2, $0x1;
	s1 =	sadd.s32 s6, s1  }
0xb: {  	s6 =	sadd.s32 s7, s3;
	[dreg:$0x11] =	wrdreg s14;
	s15 =	sshrl.u32 s13, $0x3  }
0xc: {  	s7 =	sadd.s32 $0xC80, s6;
	[dreg:$0x12] =	wrdreg s15  }
0xd: {  	s16 =	sadd.s32 $0x1900, s6;
	[dreg:$0x4] =	wrdreg s7  }
0xe: {  	s17 =	sadd.s32 $0x2580, s6;
	[dreg:$0x5] =	wrdreg s16  }
0xf: {  	s18 =	sadd.s32 $0x3200, s6;
	[dreg:$0x6] =	wrdreg s17  }
0x10: {  	s19 =	sadd.s32 $0x3E80, s6;
	[dreg:$0x7] =	wrdreg s18  }
0x11: {  	s20 =	sadd.s32 $0x4B00, s6;
	[dreg:$0x8] =	wrdreg s19  }
0x12: {  	s21 =	sadd.s32 $0x5780, s6;
	[dreg:$0x9] =	wrdreg s20  }
0x13: {  	s24 =	sadd.s32 $0x6400, s6;
	[dreg:$0xa] =	wrdreg s21  }
0x14: {  	s25 =	sadd.s32 $0x7080, s6;
	[dreg:$0xb] =	wrdreg s24  }
0x15: {  	s10 =	sadd.s32 $0x7D00, s6;
	[dreg:$0xc] =	wrdreg s25  }
0x16: {  	s11 =	sadd.s32 $0x8980, s6;
	[dreg:$0xd] =	wrdreg s10  }
0x17: {  	s1 =	sadd.s32 $0xCD600, s1;
	[dreg:$0xe] =	wrdreg s11  }
0x18: {  	s26 =	sadd.s32 $0xED80, s6;
	[dreg:$0x10] =	wrdreg s1  }
0x19: {  	s2 =	sadd.s32 $0xFA00, s6;
	[dreg:$0x19] =	wrdreg s26  }
0x1a: {  	s8 =	sadd.s32 $0x11300, s6;
	[dreg:$0x1a] =	wrdreg s2  }
0x1b: {  	s23 =	smul.u32 $0x186A0, s9;
	s9 =	sadd.s32 $0x11F80, s6;
	[dreg:$0x1c] =	wrdreg s8  }
0x1c: {  	s13 =	sadd.s32 $0x15180, s6;
	[dreg:$0x1d] =	wrdreg s9  }
0x1d: {  	s14 =	sadd.s32 $0x15E00, s6;
	[smem:$0x7F4] =	sst s13  }
0x1e: {  	s15 =	sadd.s32 $0x16A80, s6;
	[smem:$0x7F5] =	sst s14  }
0x1f: {  	s28 =	simm.s32 $0x7;
	s10 =	sadd.s32 $0x9600, s6;
	[smem:$0x7F6] =	sst s15  }
0x20: {  	s29 =	simm.s32 $0x19000;
	s16 =	sadd.s32 $0xA280, s6;
	[dreg:$0xf] =	wrdreg s10  }
0x21: {  	s12 =	sshrl.u32 s23, $0x3;
	s17 =	sadd.s32 $0xAF00, s6;
	[dreg:$0x13] =	wrdreg s16  }
0x22: {  	s20 =	sadd.s32 $0x200, s23;
	s18 =	sadd.s32 $0xBB80, s6;
	[dreg:$0x14] =	wrdreg s17  }
0x23: {  	s21 =	sadd.s32 $0x300, s23;
	s23 =	sadd.s32 $0xC800, s6;
	[dreg:$0x15] =	wrdreg s18  }
0x24: {  	s30 =	simm.s32 $0x19100;
	s24 =	sadd.s32 $0xD480, s6;
	[dreg:$0x16] =	wrdreg s23  }
0x25: {  	s31 =	simm.s32 $0x19300;
	s25 =	sadd.s32 $0xE100, s6;
	[dreg:$0x17] =	wrdreg s24  }
0x26: {  	v0 =	vmov s22;
	s22 =	simm.s32 $0x8;
	s7 =	sadd.s32 $0x10680, s6;
	[dreg:$0x18] =	wrdreg s25  }
0x27: {  	s19 =	sadd.s32 s5, s12;
	s11 =	sadd.s32 $0x13880, s6;
	[dreg:$0x1b] =	wrdreg s7  }
0x28: {  	s12 =	sadd.s32 $0x14500, s6;
	s1 =	simm.s32 $0x1;
	[dreg:$0x1f] =	wrdreg s11  }
0x29: {  	s2 =	simm.s32 $0x100;
	s10 =	sadd.s32 $0x12C00, s6;
	[smem:$0x7F3] =	sst s12  }
0x2a: {  	s8 =	simm.s32 $0x3;
	s16 =	sadd.s32 $0x17700, s6;
	[dreg:$0x1e] =	wrdreg s10  }
0x2b: {  	s9 =	simm.s32 $0x19400;
	s17 =	sadd.s32 $0x18380, s6;
	[smem:$0x7F7] =	sst s16  }
0x2c: {  	s13 =	simm.s32 $0x19500;
	s18 =	sadd.s32 $0x30D40, s19;
	[smem:$0x7F8] =	sst s17  }
0x2d: {  	s14 =	simm.s32 $0x5;
	s23 =	sadd.s32 $0x20, s19;
	[smem:$0x7F9] =	sst s18  }
.Ltmp0:
0x2e: {  	s24 =	sadd.s32 $0x30D60, s19;
	[smem:$0x7FA] =	sst s23;
	(pc) =	sbr.rel .LBB2_1-.Ltmp0, $4  }
0x2f: {  	s15 =	simm.s32 $0x6;
	s25 =	sadd.s32 $0x30C0, s19;
	[smem:$0x7FB] =	sst s24  }
0x30: {  	s26 =	sadd.s32 $0x33E00, s19;
	s7 =	simm.s32 $0x19600;
	[smem:$0x7FC] =	sst s25  }
0x31: {  	s11 =	simm.s32 $0x1B600;
	s12 =	simm.s32 $0x4;
	[smem:$0x7FD] =	sst s26  }
0x32: {  	v1 =	vimm.f32 $0.0e+00;
	s26 =	simm.s32 $0x1EBE0;
	s10 =	simm.s32 $0x2;
	s23 =	simm.s32 $0x0  }
.LBB2_10:
0x33: {  	_ =	swait.ge [sflag:s14], $0x2000  }
0x34: {  	[sflag:s14] =	ssyncset.done $0x0  }
0x35: {  	[sflag:s14] =	ssyncadd.s32 $0xFFFFE000  }
0x36: {  	_ =	swait.ge [sflag:s15], $0x2000  }
0x37: {  	s16 =	sld [smem:$0x7FC]  }
0x38: {  	[sflag:s15] =	ssyncset.done $0x0  }
0x39: {  	s17 =	simm.s32 $0x1D600;
	s25 =	sld [smem:$0x7FD];
	[sflag:s15] =	ssyncadd.s32 $0xFFFFE000  }
0x3a: {  	[tilespmem:s17], [sflag:$0x1] =	stream.linear.gather [hbm4b:s16+s4], $0xA0, $0x38;
	[tilespmem:$0x1F860] =	vst v63  }
0x3b: {  	s18 =	simm.s32 $0x1D6A0  }
0x3c: {  	[tilespmem:s18], [sflag:$0x1] =	stream.linear.gather [hbm4b:s25+s4], $0xA0, $0x38;
	[tilespmem:$0x1F860] =	vst v63  }
0x3d: {  	_ =	swait.ge [sflag:s1], $0xA0  }
0x3e: {  	[sflag:s1] =	ssyncset.done $0x0  }
0x3f: {  	[sflag:s1] =	ssyncadd.s32 $0xFFFFFF60  }
0x40: {  	_ =	swait.ge [sflag:s1], $0xA0  }
0x41: {  	[sflag:s1] =	ssyncset.done $0x0  }
0x42: {  	s24 =	simm.s32 $0x1D7E0;
	s18 =	simm.s32 $0xA0;
	[sflag:s1] =	ssyncadd.s32 $0xFFFFFF60  }
0x43: {  	[tilespmem:s24], [sflag:$0x3] =	stream.indirect.gather [hbm4b:s0+s18], $0x20, s17, s18, $0xb8;
	[tilespmem:$0x1F860] =	vst v63  }
0x44: {  	v2 =	vld [tilespmem:$0x1D6A0]  }
0x45: {  	v3 =	vld [tilespmem:$0x1D6B0]  }
0x46: {  	v4 =	vld [tilespmem:$0x1D6C0]  }
0x47: {  	v6 =	vld [tilespmem:$0x1D6D0]  }
0x48: {  	v7 =	vld [tilespmem:$0x1D6E0]  }
0x49: {  	v9 =	vld [tilespmem:$0x1D6F0]  }
0x4a: {  	v10 =	vld [tilespmem:$0x1D700]  }
0x4b: {  	v53 =	vld [tilespmem:$0x1D710]  }
0x4c: {  	v12 =	vld [tilespmem:$0x1D720];
	v5 =	vsub.s32 v2, v0  }
0x4d: {  	v57 =	vld [tilespmem:$0x1D730];
	v2 =	vand.u32 $0x3FF, v2;
	v50 =	vsub.s32 v3, v0;
	v3 =	vand.u32 $0x3FF, v3  }
0x4e: {  	v8 =	vsub.s32 v4, v0;
	v4 =	vand.u32 $0x3FF, v4;
	v51 =	vsub.s32 v6, v0  }
0x4f: {  	v6 =	vand.u32 $0x3FF, v6;
	v52 =	vsub.s32 v7, v0;
	v7 =	vand.u32 $0x3FF, v7  }
0x50: {  	v11 =	vsub.s32 v9, v0;
	v54 =	vand.u32 $0x3FF, v9;
	v55 =	vsub.s32 v10, v0  }
0x51: {  	v56 =	vand.u32 $0x3FF, v10;
	v59 =	vsub.s32 v53, v0;
	v60 =	vand.u32 $0x3FF, v53  }
0x52: {  	v61 =	vsub.s32 v12, v0;
	v62 =	vsub.s32 v57, v0;
	v63 =	vand.u32 $0x3FF, v57  }
0x53: {  	vm0 =	vlt.u32 v5, $0xC350;
	v2 =	vadd.s32 $0xC350, v2;
	vm7 =	vlt.u32 v50, $0xC350  }
0x54: {  	v3 =	vadd.s32 $0xC350, v3;
	vm8 =	vlt.u32 v8, $0xC350;
	v2 =	vsel vm0, v5, v2  }
0x55: {  	v4 =	vadd.s32 $0xC350, v4;
	vm9 =	vlt.u32 v51, $0xC350;
	v3 =	vsel vm7, v50, v3;
	[tilespmem:$0x1D740] =	vst v2  }
0x56: {  	v6 =	vadd.s32 $0xC350, v6;
	vm10 =	vlt.u32 v52, $0xC350;
	v4 =	vsel vm8, v8, v4;
	[tilespmem:$0x1D750] =	vst v3  }
0x57: {  	v7 =	vadd.s32 $0xC350, v7;
	vm11 =	vlt.u32 v11, $0xC350;
	v5 =	vsel vm9, v51, v6;
	[tilespmem:$0x1D760] =	vst v4  }
0x58: {  	vm12 =	vlt.u32 v55, $0xC350;
	v2 =	vsel vm10, v52, v7;
	v3 =	vadd.s32 $0xC350, v54;
	[tilespmem:$0x1D770] =	vst v5  }
0x59: {  	v58 =	vadd.s32 $0xC350, v56;
	vm13 =	vlt.u32 v59, $0xC350;
	v3 =	vsel vm11, v11, v3;
	[tilespmem:$0x1D780] =	vst v2  }
0x5a: {  	v4 =	vsel vm12, v55, v58;
	v2 =	vadd.s32 $0xC350, v60;
	[tilespmem:$0x1D790] =	vst v3;
	v3 =	vand.u32 $0x3FF, v12  }
0x5b: {  	vm14 =	vlt.u32 v61, $0xC350;
	[tilespmem:$0x1D7A0] =	vst v4;
	v2 =	vsel vm13, v59, v2;
	v3 =	vadd.s32 $0xC350, v3  }
0x5c: {  	vm15 =	vlt.u32 v62, $0xC350;
	[tilespmem:$0x1D7B0] =	vst v2;
	v2 =	vsel vm14, v61, v3;
	v3 =	vadd.s32 $0xC350, v63  }
0x5d: {  	[tilespmem:$0x1D7C0] =	vst v2;
	v2 =	vsel vm15, v62, v3  }
0x5e: {  	[tilespmem:$0x1D7D0] =	vst v2  }
0x5f: {  	_ =	swait.ge [sflag:s8], $0x1400  }
0x60: {  	[sflag:s8] =	ssyncset.done $0x0  }
0x61: {  	s25 =	simm.s32 $0x1D740;
	[sflag:s8] =	ssyncadd.s32 $0xFFFFEC00  }
0x62: {  	[spmem:s3] =	stream.indirect.scatter.add.f32 [tilespmem:s24], [sflag:$0x5], $0x20, s25, s18, $0xb8;
	[tilespmem:$0x1F860] =	vst v63  }
0x63: {  	_ =	swait.ge [sflag:s14], $0x1400  }
0x64: {  	[sflag:s14] =	ssyncset.done $0x0  }
0x65: {  	[sflag:s14] =	ssyncadd.s32 $0xFFFFEC00  }
0x66: {  	s17 =	stileid.u32;
	[bflag:$0x0] =	sbarrier.arrive $0xFFFF  }
0x67: {  	s16 =	sshll.u32 s17, $0x6;
	s18 =	rddreg [dreg:$0x10]  }
0x68: {  	s16 =	sor.u32 $0x1C08, s16;
	s24 =	rddreg [dreg:$0x12]  }
0x69: {  	[hbm:s18], [sflag:s16] =	dma.local [spmem:s24], $0x30D4  }
0x6a: {  	_ =	swait.ge [sflag:s22], $0x30D4  }
0x6b: {  	s23 =	sadd.s32 $0x1, s23;
	s25 =	rddreg [dreg:$0x11]  }
0x6c: {  	p0 =	sne.s32 s23, s25  }
.Ltmp1:
0x6d: {  	_ = 	snop;
	(pc) =	sbr.rel @!p0 .LBB2_11-.Ltmp1, $3  }
0x6e: {  	_ =	sdelay $0x1  }
0x6f: {  	[sflag:s22] =	ssyncset.done $0x0  }
0x70: {  	[sflag:s22] =	ssyncadd.s32 $0xFFFFCF2C  }
.LBB2_1:
0x71: {  	s16 =	simm.s32 $0x80;
	s17 =	simm.s32 $0x0  }
.LBB2_2:
0x72: {  	p0 =	sne.s32 s16, $0x3180;
	[tilespmem:s17+$0x1EBE0] =	vst v1;
	s24 =	smov.u32 s16;
	s16 =	sadd.s32 $0x80, s16  }
.Ltmp2:
0x73: {  	[tilespmem:s17+$0x1EBF0] =	vst v1;
	(pc) =	sbr.rel @p0 .LBB2_2-.Ltmp2, $2  }
0x74: {  	_ =	sdelay $0x2  }
0x75: {  	s17 =	sshra.s32 s24, $0x2  }
0x76: {  	[tilespmem:s17+$0x1EBE0] =	vst v1  }
0x77: {  	[tilespmem:s17+$0x1EBF0] =	vst v1;
	s16 =	rddreg [dreg:$0x4]  }
0x78: {  	[spmem:s6] =	stream.linear.scatter [tilespmem:s26], [sflag:$0x7], $0xC80, $0x38;
	[tilespmem:$0x1F860] =	vst v63  }
0x79: {  	s25 =	rddreg [dreg:$0x5]  }
0x7a: {  	[spmem:s16] =	stream.linear.scatter [tilespmem:s26], [sflag:$0x7], $0xC80, $0x38;
	[tilespmem:$0x1F860] =	vst v63  }
0x7b: {  	s17 =	rddreg [dreg:$0x6]  }
0x7c: {  	[spmem:s25] =	stream.linear.scatter [tilespmem:s26], [sflag:$0x7], $0xC80, $0x38;
	[tilespmem:$0x1F860] =	vst v63  }
0x7d: {  	s18 =	rddreg [dreg:$0x7]  }
0x7e: {  	[spmem:s17] =	stream.linear.scatter [tilespmem:s26], [sflag:$0x7], $0xC80, $0x38;
	[tilespmem:$0x1F860] =	vst v63  }
0x7f: {  	s24 =	rddreg [dreg:$0x8]  }
0x80: {  	[spmem:s18] =	stream.linear.scatter [tilespmem:s26], [sflag:$0x7], $0xC80, $0x38;
	[tilespmem:$0x1F860] =	vst v63  }
0x81: {  	s25 =	rddreg [dreg:$0x9]  }
0x82: {  	[spmem:s24] =	stream.linear.scatter [tilespmem:s26], [sflag:$0x7], $0xC80, $0x38;
	[tilespmem:$0x1F860] =	vst v63  }
0x83: {  	s17 =	rddreg [dreg:$0xa]  }
0x84: {  	[spmem:s25] =	stream.linear.scatter [tilespmem:s26], [sflag:$0x7], $0xC80, $0x38;
	[tilespmem:$0x1F860] =	vst v63  }
0x85: {  	s18 =	rddreg [dreg:$0xb]  }
0x86: {  	[spmem:s17] =	stream.linear.scatter [tilespmem:s26], [sflag:$0x7], $0xC80, $0x38;
	[tilespmem:$0x1F860] =	vst v63  }
0x87: {  	s24 =	rddreg [dreg:$0xc]  }
0x88: {  	[spmem:s18] =	stream.linear.scatter [tilespmem:s26], [sflag:$0x7], $0xC80, $0x38;
	[tilespmem:$0x1F860] =	vst v63  }
0x89: {  	s25 =	rddreg [dreg:$0xd]  }
0x8a: {  	[spmem:s24] =	stream.linear.scatter [tilespmem:s26], [sflag:$0x7], $0xC80, $0x38;
	[tilespmem:$0x1F860] =	vst v63  }
0x8b: {  	s17 =	rddreg [dreg:$0xe]  }
0x8c: {  	[spmem:s25] =	stream.linear.scatter [tilespmem:s26], [sflag:$0x7], $0xC80, $0x38;
	[tilespmem:$0x1F860] =	vst v63  }
0x8d: {  	s18 =	rddreg [dreg:$0xf]  }
0x8e: {  	[spmem:s17] =	stream.linear.scatter [tilespmem:s26], [sflag:$0x7], $0xC80, $0x38;
	[tilespmem:$0x1F860] =	vst v63  }
0x8f: {  	s24 =	rddreg [dreg:$0x13]  }
0x90: {  	[spmem:s18] =	stream.linear.scatter [tilespmem:s26], [sflag:$0x7], $0xC80, $0x38;
	[tilespmem:$0x1F860] =	vst v63  }
0x91: {  	s25 =	rddreg [dreg:$0x14]  }
0x92: {  	[spmem:s24] =	stream.linear.scatter [tilespmem:s26], [sflag:$0x7], $0xC80, $0x38;
	[tilespmem:$0x1F860] =	vst v63  }
0x93: {  	s17 =	rddreg [dreg:$0x15]  }
0x94: {  	[spmem:s25] =	stream.linear.scatter [tilespmem:s26], [sflag:$0x7], $0xC80, $0x38;
	[tilespmem:$0x1F860] =	vst v63  }
0x95: {  	s18 =	rddreg [dreg:$0x16]  }
0x96: {  	[spmem:s17] =	stream.linear.scatter [tilespmem:s26], [sflag:$0x7], $0xC80, $0x38;
	[tilespmem:$0x1F860] =	vst v63  }
0x97: {  	s24 =	rddreg [dreg:$0x17]  }
0x98: {  	[spmem:s18] =	stream.linear.scatter [tilespmem:s26], [sflag:$0x7], $0xC80, $0x38;
	[tilespmem:$0x1F860] =	vst v63  }
0x99: {  	s25 =	rddreg [dreg:$0x18]  }
0x9a: {  	[spmem:s24] =	stream.linear.scatter [tilespmem:s26], [sflag:$0x7], $0xC80, $0x38;
	[tilespmem:$0x1F860] =	vst v63  }
0x9b: {  	s17 =	rddreg [dreg:$0x19]  }
0x9c: {  	[spmem:s25] =	stream.linear.scatter [tilespmem:s26], [sflag:$0x7], $0xC80, $0x38;
	[tilespmem:$0x1F860] =	vst v63  }
0x9d: {  	s18 =	rddreg [dreg:$0x1a]  }
0x9e: {  	[spmem:s17] =	stream.linear.scatter [tilespmem:s26], [sflag:$0x7], $0xC80, $0x38;
	[tilespmem:$0x1F860] =	vst v63  }
0x9f: {  	s24 =	rddreg [dreg:$0x1b]  }
0xa0: {  	[spmem:s18] =	stream.linear.scatter [tilespmem:s26], [sflag:$0x7], $0xC80, $0x38;
	[tilespmem:$0x1F860] =	vst v63  }
0xa1: {  	s25 =	rddreg [dreg:$0x1c]  }
0xa2: {  	[spmem:s24] =	stream.linear.scatter [tilespmem:s26], [sflag:$0x7], $0xC80, $0x38;
	[tilespmem:$0x1F860] =	vst v63  }
0xa3: {  	s17 =	rddreg [dreg:$0x1d]  }
0xa4: {  	[spmem:s25] =	stream.linear.scatter [tilespmem:s26], [sflag:$0x7], $0xC80, $0x38;
	[tilespmem:$0x1F860] =	vst v63  }
0xa5: {  	s18 =	rddreg [dreg:$0x1e]  }
0xa6: {  	[spmem:s17] =	stream.linear.scatter [tilespmem:s26], [sflag:$0x7], $0xC80, $0x38;
	[tilespmem:$0x1F860] =	vst v63  }
0xa7: {  	s24 =	rddreg [dreg:$0x1f]  }
0xa8: {  	[spmem:s18] =	stream.linear.scatter [tilespmem:s26], [sflag:$0x7], $0xC80, $0x38;
	[tilespmem:$0x1F860] =	vst v63  }
0xa9: {  	s25 =	sld [smem:$0x7F3]  }
0xaa: {  	[spmem:s24] =	stream.linear.scatter [tilespmem:s26], [sflag:$0x7], $0xC80, $0x38;
	[tilespmem:$0x1F860] =	vst v63  }
0xab: {  	s17 =	sld [smem:$0x7F4]  }
0xac: {  	[spmem:s25] =	stream.linear.scatter [tilespmem:s26], [sflag:$0x7], $0xC80, $0x38;
	[tilespmem:$0x1F860] =	vst v63  }
0xad: {  	s18 =	sld [smem:$0x7F5]  }
0xae: {  	[spmem:s17] =	stream.linear.scatter [tilespmem:s26], [sflag:$0x7], $0xC80, $0x38;
	[tilespmem:$0x1F860] =	vst v63  }
0xaf: {  	s24 =	sld [smem:$0x7F6]  }
0xb0: {  	[spmem:s18] =	stream.linear.scatter [tilespmem:s26], [sflag:$0x7], $0xC80, $0x38;
	[tilespmem:$0x1F860] =	vst v63  }
0xb1: {  	s25 =	sld [smem:$0x7F7]  }
0xb2: {  	[spmem:s24] =	stream.linear.scatter [tilespmem:s26], [sflag:$0x7], $0xC80, $0x38;
	[tilespmem:$0x1F860] =	vst v63  }
0xb3: {  	s17 =	sld [smem:$0x7F8]  }
0xb4: {  	[spmem:s25] =	stream.linear.scatter [tilespmem:s26], [sflag:$0x7], $0xC80, $0x38;
	[tilespmem:$0x1F860] =	vst v63  }
0xb5: {  	_ = 	snop  }
0xb6: {  	[spmem:s17] =	stream.linear.scatter [tilespmem:s26], [sflag:$0x7], $0xC80, $0x38;
	[tilespmem:$0x1F860] =	vst v63  }
0xb7: {  	_ =	swait.ge [sflag:s28], $0xC80  }
0xb8: {  	[sflag:s28] =	ssyncset.done $0x0  }
0xb9: {  	[sflag:s28] =	ssyncadd.s32 $0xFFFFF380  }
0xba: {  	_ =	swait.ge [sflag:s28], $0xC80  }
0xbb: {  	[sflag:s28] =	ssyncset.done $0x0  }
0xbc: {  	[sflag:s28] =	ssyncadd.s32 $0xFFFFF380  }
0xbd: {  	_ =	swait.ge [sflag:s28], $0xC80  }
0xbe: {  	[sflag:s28] =	ssyncset.done $0x0  }
0xbf: {  	[sflag:s28] =	ssyncadd.s32 $0xFFFFF380  }
0xc0: {  	_ =	swait.ge [sflag:s28], $0xC80  }
0xc1: {  	[sflag:s28] =	ssyncset.done $0x0  }
0xc2: {  	[sflag:s28] =	ssyncadd.s32 $0xFFFFF380  }
0xc3: {  	_ =	swait.ge [sflag:s28], $0xC80  }
0xc4: {  	[sflag:s28] =	ssyncset.done $0x0  }
0xc5: {  	[sflag:s28] =	ssyncadd.s32 $0xFFFFF380  }
0xc6: {  	_ =	swait.ge [sflag:s28], $0xC80  }
0xc7: {  	[sflag:s28] =	ssyncset.done $0x0  }
0xc8: {  	[sflag:s28] =	ssyncadd.s32 $0xFFFFF380  }
0xc9: {  	_ =	swait.ge [sflag:s28], $0xC80  }
0xca: {  	[sflag:s28] =	ssyncset.done $0x0  }
0xcb: {  	[sflag:s28] =	ssyncadd.s32 $0xFFFFF380  }
0xcc: {  	_ =	swait.ge [sflag:s28], $0xC80  }
0xcd: {  	[sflag:s28] =	ssyncset.done $0x0  }
0xce: {  	[sflag:s28] =	ssyncadd.s32 $0xFFFFF380  }
0xcf: {  	_ =	swait.ge [sflag:s28], $0xC80  }
0xd0: {  	[sflag:s28] =	ssyncset.done $0x0  }
0xd1: {  	[sflag:s28] =	ssyncadd.s32 $0xFFFFF380  }
0xd2: {  	_ =	swait.ge [sflag:s28], $0xC80  }
0xd3: {  	[sflag:s28] =	ssyncset.done $0x0  }
0xd4: {  	[sflag:s28] =	ssyncadd.s32 $0xFFFFF380  }
0xd5: {  	_ =	swait.ge [sflag:s28], $0xC80  }
0xd6: {  	[sflag:s28] =	ssyncset.done $0x0  }
0xd7: {  	[sflag:s28] =	ssyncadd.s32 $0xFFFFF380  }
0xd8: {  	_ =	swait.ge [sflag:s28], $0xC80  }
0xd9: {  	[sflag:s28] =	ssyncset.done $0x0  }
0xda: {  	[sflag:s28] =	ssyncadd.s32 $0xFFFFF380  }
0xdb: {  	_ =	swait.ge [sflag:s28], $0xC80  }
0xdc: {  	[sflag:s28] =	ssyncset.done $0x0  }
0xdd: {  	[sflag:s28] =	ssyncadd.s32 $0xFFFFF380  }
0xde: {  	_ =	swait.ge [sflag:s28], $0xC80  }
0xdf: {  	[sflag:s28] =	ssyncset.done $0x0  }
0xe0: {  	[sflag:s28] =	ssyncadd.s32 $0xFFFFF380  }
0xe1: {  	_ =	swait.ge [sflag:s28], $0xC80  }
0xe2: {  	[sflag:s28] =	ssyncset.done $0x0  }
0xe3: {  	[sflag:s28] =	ssyncadd.s32 $0xFFFFF380  }
0xe4: {  	_ =	swait.ge [sflag:s28], $0xC80  }
0xe5: {  	[sflag:s28] =	ssyncset.done $0x0  }
0xe6: {  	[sflag:s28] =	ssyncadd.s32 $0xFFFFF380  }
0xe7: {  	_ =	swait.ge [sflag:s28], $0xC80  }
0xe8: {  	[sflag:s28] =	ssyncset.done $0x0  }
0xe9: {  	[sflag:s28] =	ssyncadd.s32 $0xFFFFF380  }
0xea: {  	_ =	swait.ge [sflag:s28], $0xC80  }
0xeb: {  	[sflag:s28] =	ssyncset.done $0x0  }
0xec: {  	[sflag:s28] =	ssyncadd.s32 $0xFFFFF380  }
0xed: {  	_ =	swait.ge [sflag:s28], $0xC80  }
0xee: {  	[sflag:s28] =	ssyncset.done $0x0  }
0xef: {  	[sflag:s28] =	ssyncadd.s32 $0xFFFFF380  }
0xf0: {  	_ =	swait.ge [sflag:s28], $0xC80  }
0xf1: {  	[sflag:s28] =	ssyncset.done $0x0  }
0xf2: {  	[sflag:s28] =	ssyncadd.s32 $0xFFFFF380  }
0xf3: {  	_ =	swait.ge [sflag:s28], $0xC80  }
0xf4: {  	[sflag:s28] =	ssyncset.done $0x0  }
0xf5: {  	[sflag:s28] =	ssyncadd.s32 $0xFFFFF380  }
0xf6: {  	_ =	swait.ge [sflag:s28], $0xC80  }
0xf7: {  	[sflag:s28] =	ssyncset.done $0x0  }
0xf8: {  	[sflag:s28] =	ssyncadd.s32 $0xFFFFF380  }
0xf9: {  	_ =	swait.ge [sflag:s28], $0xC80  }
0xfa: {  	[sflag:s28] =	ssyncset.done $0x0  }
0xfb: {  	[sflag:s28] =	ssyncadd.s32 $0xFFFFF380  }
0xfc: {  	_ =	swait.ge [sflag:s28], $0xC80  }
0xfd: {  	[sflag:s28] =	ssyncset.done $0x0  }
0xfe: {  	[sflag:s28] =	ssyncadd.s32 $0xFFFFF380  }
0xff: {  	_ =	swait.ge [sflag:s28], $0xC80  }
0x100: {  	[sflag:s28] =	ssyncset.done $0x0  }
0x101: {  	[sflag:s28] =	ssyncadd.s32 $0xFFFFF380  }
0x102: {  	_ =	swait.ge [sflag:s28], $0xC80  }
0x103: {  	[sflag:s28] =	ssyncset.done $0x0  }
0x104: {  	[sflag:s28] =	ssyncadd.s32 $0xFFFFF380  }
0x105: {  	_ =	swait.ge [sflag:s28], $0xC80  }
0x106: {  	[sflag:s28] =	ssyncset.done $0x0  }
0x107: {  	[sflag:s28] =	ssyncadd.s32 $0xFFFFF380  }
0x108: {  	_ =	swait.ge [sflag:s28], $0xC80  }
0x109: {  	[sflag:s28] =	ssyncset.done $0x0  }
0x10a: {  	[sflag:s28] =	ssyncadd.s32 $0xFFFFF380  }
0x10b: {  	_ =	swait.ge [sflag:s28], $0xC80  }
0x10c: {  	[sflag:s28] =	ssyncset.done $0x0  }
0x10d: {  	[sflag:s28] =	ssyncadd.s32 $0xFFFFF380  }
0x10e: {  	_ =	swait.ge [sflag:s28], $0xC80  }
0x10f: {  	[sflag:s28] =	ssyncset.done $0x0  }
0x110: {  	[sflag:s28] =	ssyncadd.s32 $0xFFFFF380  }
0x111: {  	_ =	swait.ge [sflag:s28], $0xC80  }
0x112: {  	[sflag:s28] =	ssyncset.done $0x0  }
0x113: {  	[sflag:s28] =	ssyncadd.s32 $0xFFFFF380  }
0x114: {  	_ =	swait.ge [sflag:s28], $0xC80  }
0x115: {  	[sflag:s28] =	ssyncset.done $0x0  }
0x116: {  	[sflag:s28] =	ssyncadd.s32 $0xFFFFF380  }
0x117: {  	[bflag:$0x0] =	sbarrier.arrive $0xFFFF  }
0x118: {  	s24 =	simm.s32 $0x0;
	s18 =	sld [smem:$0x7F9]  }
0x119: {  	[tilespmem:s29], [sflag:$0x1] =	stream.linear.gather [hbm4b:s19+s24], $0x100, $0x38;
	[tilespmem:$0x1F860] =	vst v63  }
0x11a: {  	s25 =	simm.s32 $0x19200  }
0x11b: {  	[tilespmem:s25], [sflag:$0x1] =	stream.linear.gather [hbm4b:s18+s24], $0x100, $0x38;
	[tilespmem:$0x1F860] =	vst v63  }
0x11c: {  	s18 =	sld [smem:$0x7FA];
	_ =	sdelay $0x1  }
0x11d: {  	s25 =	sld [smem:$0x7FB]  }
0x11e: {  	[tilespmem:s30], [sflag:$0x2] =	stream.linear.gather [hbm4b:s18+s24], $0x100, $0x38;
	[tilespmem:$0x1F860] =	vst v63  }
0x11f: {  	_ = 	snop  }
0x120: {  	[tilespmem:s31], [sflag:$0x2] =	stream.linear.gather [hbm4b:s25+s24], $0x100, $0x38;
	[tilespmem:$0x1F860] =	vst v63  }
.LBB2_4:
0x121: {  	_ =	swait.ge [sflag:s1], $0x100  }
0x122: {  	[sflag:s1] =	ssyncset.done $0x0  }
0x123: {  	[sflag:s1] =	ssyncadd.s32 $0xFFFFFF00  }
0x124: {  	_ =	swait.ge [sflag:s1], $0x100  }
0x125: {  	p0 =	seq.s32 s24, $0x0;
	[sflag:s1] =	ssyncset.done $0x0  }
0x126: {  	s16 =	simm.s32 @!p0 $0x5;
	[sflag:s1] =	ssyncadd.s32 $0xFFFFFF00  }
0x127: {  	_ =	swait.ge @!p0 [sflag:s16], $0x2000  }
0x128: {  	[sflag:s16] =	ssyncset.done @!p0 $0x0  }
0x129: {  	[sflag:s16] =	ssyncadd.s32 @!p0 $0xFFFFE000;
	s16 =	simm.s32 $0x0  }
0x12a: {  	[tilespmem:s7], [sflag:$0x3] =	stream.indirect.gather [hbm4b:s0+s2], $0x20, s29, s2, $0xb8;
	[tilespmem:$0x1F860] =	vst v63  }
0x12b: {  	s25 =	sshll.u32 s24, $0x9;
	s17 =	simm.s32 $0x40;
	v2 =	vld [tilespmem:s16+$0x19200]  }
.LBB2_5:
0x12c: {  	_ =	sdelay $0x1  }
0x12d: {  	p1 =	sne.s32 s17, $0x3C0  }
.Ltmp3:
0x12e: {  	_ = 	snop;
	(pc) =	sbr.rel @p1 .LBB2_5-.Ltmp3, $4  }
0x12f: {  	v3 =	vsub.s32 v2, v0;
	v4 =	vand.u32 $0x3FF, v2  }
0x130: {  	vm0 =	vlt.u32 v3, $0xC350;
	v4 =	vadd.s32 $0xC350, v4  }
0x131: {  	s18 =	sshra.s32 s17, $0x2;
	v3 =	vsel vm0, v3, v4  }
0x132: {  	s17 =	sadd.s32 $0x40, s17;
	v2 =	vld [tilespmem:s18+$0x19200];
	[tilespmem:s16+$0x19400] =	vst v3;
	s16 =	smov.u32 s18  }
0x133: {  	_ =	sdelay $0x3  }
0x134: {  	v3 =	vsub.s32 v2, v0;
	v2 =	vand.u32 $0x3FF, v2  }
0x135: {  	vm0 =	vlt.u32 v3, $0xC350;
	v2 =	vadd.s32 $0xC350, v2  }
0x136: {  	v2 =	vsel vm0, v3, v2  }
0x137: {  	[tilespmem:s16+$0x19400] =	vst v2  }
0x138: {  	p1 =	seq.s32 s24, $0xC2;
	_ =	swait.ge [sflag:s8], $0x2000  }
0x139: {  	s16 =	sadd.s32 @!p1 s25, s20;
	[sflag:s8] =	ssyncset.done $0x0  }
0x13a: {  	s16 =	sshrl.u32 @!p1 s16, $0x3;
	[sflag:s8] =	ssyncadd.s32 $0xFFFFE000  }
0x13b: {  	[spmem:s3] =	stream.indirect.scatter.add.f32 [tilespmem:s7], [sflag:$0x5], $0x20, s9, s2, $0xb8;
	[tilespmem:$0x1F860] =	vst v63  }
0x13c: {  	s17 =	simm.s32 @!p1 $0x0;
	s18 =	simm.s32 @!p1 $0x19000;
	s16 =	sadd.s32 @!p1 s5, s16  }
0x13d: {  	[tilespmem:s18], [sflag:$0x1] =	stream.linear.gather @!p1 [hbm4b:s16+s17], $0x100, $0x38;
	[tilespmem:$0x1F860] =	vst v63  }
0x13e: {  	s16 =	sadd.s32 @!p1 $0x30D40, s16;
	s18 =	simm.s32 @!p1 $0x19200  }
0x13f: {  	[tilespmem:s18], [sflag:$0x1] =	stream.linear.gather @!p1 [hbm4b:s16+s17], $0x100, $0x38;
	[tilespmem:$0x1F860] =	vst v63  }
0x140: {  	_ =	swait.ge [sflag:s10], $0x100  }
0x141: {  	[sflag:s10] =	ssyncset.done $0x0  }
0x142: {  	[sflag:s10] =	ssyncadd.s32 $0xFFFFFF00  }
0x143: {  	_ =	swait.ge [sflag:s10], $0x100  }
0x144: {  	[sflag:s10] =	ssyncset.done $0x0  }
0x145: {  	s16 =	simm.s32 @!p0 $0x6;
	[sflag:s10] =	ssyncadd.s32 $0xFFFFFF00  }
0x146: {  	_ =	swait.ge @!p0 [sflag:s16], $0x2000  }
0x147: {  	[sflag:s16] =	ssyncset.done @!p0 $0x0  }
0x148: {  	[sflag:s16] =	ssyncadd.s32 @!p0 $0xFFFFE000;
	s16 =	simm.s32 $0x0  }
0x149: {  	[tilespmem:s11], [sflag:$0x4] =	stream.indirect.gather [hbm4b:s0+s2], $0x20, s30, s2, $0xb8;
	[tilespmem:$0x1F860] =	vst v63  }
0x14a: {  	s17 =	simm.s32 $0x40;
	v2 =	vld [tilespmem:s16+$0x19300]  }
.LBB2_7:
0x14b: {  	_ =	sdelay $0x1  }
0x14c: {  	p0 =	sne.s32 s17, $0x3C0  }
.Ltmp4:
0x14d: {  	_ = 	snop;
	(pc) =	sbr.rel @p0 .LBB2_7-.Ltmp4, $4  }
0x14e: {  	v3 =	vsub.s32 v2, v0;
	v4 =	vand.u32 $0x3FF, v2  }
0x14f: {  	vm0 =	vlt.u32 v3, $0xC350;
	v4 =	vadd.s32 $0xC350, v4  }
0x150: {  	s18 =	sshra.s32 s17, $0x2;
	v3 =	vsel vm0, v3, v4  }
0x151: {  	s17 =	sadd.s32 $0x40, s17;
	v2 =	vld [tilespmem:s18+$0x19300];
	[tilespmem:s16+$0x19500] =	vst v3;
	s16 =	smov.u32 s18  }
0x152: {  	_ =	sdelay $0x3  }
0x153: {  	v3 =	vsub.s32 v2, v0;
	v2 =	vand.u32 $0x3FF, v2  }
0x154: {  	vm0 =	vlt.u32 v3, $0xC350;
	v2 =	vadd.s32 $0xC350, v2  }
0x155: {  	v2 =	vsel vm0, v3, v2  }
.Ltmp5:
0x156: {  	[tilespmem:s16+$0x19500] =	vst v2;
	(pc) =	sbr.rel @p1 .LBB2_10-.Ltmp5, $4  }
0x157: {  	_ =	swait.ge [sflag:s12], $0x2000  }
0x158: {  	[sflag:s12] =	ssyncset.done $0x0  }
0x159: {  	[sflag:s12] =	ssyncadd.s32 $0xFFFFE000  }
0x15a: {  	[spmem:s3] =	stream.indirect.scatter.add.f32 [tilespmem:s11], [sflag:$0x6], $0x20, s13, s2, $0xb8;
	[tilespmem:$0x1F860] =	vst v63  }
0x15b: {  	s16 =	sadd.s32 s25, s21  }
.Ltmp6:
0x15c: {  	s16 =	sshrl.u32 s16, $0x3;
	(pc) =	sbr.rel .LBB2_4-.Ltmp6, $4  }
0x15d: {  	s16 =	sadd.s32 s5, s16  }
0x15e: {  	[tilespmem:s30], [sflag:$0x2] =	stream.linear.gather [hbm4b:s16+s4], $0x100, $0x38;
	[tilespmem:$0x1F860] =	vst v63  }
0x15f: {  	s24 =	sadd.s32 $0x1, s24;
	s16 =	sadd.s32 $0x30D40, s16  }
0x160: {  	[tilespmem:s31], [sflag:$0x2] =	stream.linear.gather [hbm4b:s16+s4], $0x100, $0x38;
	[tilespmem:$0x1F860] =	vst v63  }
.LBB2_11:
0x161: {  	_ =	sfence.sel $0x180000  }
0x162: {  	[bflag:$0x0] =	sbarrier.arrive $0xFFFF  }
0x163: {  	_ =	strace $0x9000004A  }
0x164: {  	s0 =	stileid.u32;
	[bflag:$0x2] =	sbarrier.arrive $0xFFFF  }
0x165: {  	p0 =	sne.s32 s0, $0x0;
	s0 =	rddreg [dreg:$0x3]  }
0x166: {  	s0 =	sadd.s32 @!p0 $0x100000, s0  }
0x167: {  	[sflag:s0] =	ssyncadd.tile.s32 @!p0 $0x1;
	_ =	shalt  }
.Lfunc_end2:
_tile_overlayer_lowered:
.L_overlay_start_2:
0x168: {  	(tag) =	ssettag $0x2  }
0x169: {  	s0 =	rddreg [dreg:$0x0];
	s2 =	stileid.u32  }
0x16a: {  	s1 =	rddreg [dreg:$0x1];
	p0 =	sne.s32 s2, $0x0  }
0x16b: {  	s3 =	rddreg [dreg:$0x2];
	[bflag:$0x3] =	sbarrier.arrive $0xFFFF;
	s2 =	simm.s32 @!p0 $0x1C08  }
0x16c: {  	[timem:s3], [sflag:s2] =	dma.local @!p0 [hbm:s0], s1  }
0x16d: {  	s0 =	simm.s32 @!p0 $0x8  }
0x16e: {  	_ =	swait.ge @!p0 [sflag:s0], s1  }
0x16f: {  	s1 =	ssub.s32 @!p0 $0x0, s1;
	[sflag:s0] =	ssyncset.done @!p0 $0x0  }
0x170: {  	[sflag:s0] =	ssyncadd.s32 @!p0 s1  }
0x171: {  	[bflag:$0x3] =	sbarrier.arrive $0xFFFF  }
0x172: {  	_ =	shalt  }

// kernel: kernel.15.cloned.1.call-start
scs
__scs_entry_jumppad:
0x0: {  	(pc) =	sbr.rel $0x88, $3  }
0x1: {  	(tag) =	ssettag $0x0;
	lr =	simm.s32 $0x1  }
0x2: {  	[smem:$0x3F9B] =	sst lr;
	_ =	strace $0xD0000000  }
0x3: {  	_ = 	snop  }
0x4: {  	_ = 	snop  }
0x5: {  	_ = 	snop  }
0x6: {  	_ = 	snop  }
0x7: {  	_ = 	snop  }
__scs_overlays_trampoline_lowered:
0x8: {  	[smem:$0x3FAA] =	sst s0  }
0x9: {  	[smem:$0x3FAB] =	sst s1  }
0xa: {  	[smem:$0x3FAC] =	sst s2  }
0xb: {  	[smem:$0x3FAD] =	sst s3  }
0xc: {  	[smem:$0x3FAE] =	sst s4  }
0xd: {  	[smem:$0x3FAF] =	sst s5  }
0xe: {  	[smem:$0x3FB0] =	sst s6  }
0xf: {  	[smem:$0x3FB1] =	sst s7  }
0x10: {  	[smem:$0x3FB2] =	sst s8  }
0x11: {  	[smem:$0x3FB3] =	sst s9;
	s0 =	simm.s32 @!p0 $0x0  }
0x12: {  	s1 =	sld [smem:$0x3F99];
	s0 =	simm.s32 @p0 $0x1  }
0x13: {  	[smem:$0x3FB4] =	sst s0;
	s0 =	simm.s32 @!p1 $0x0  }
0x14: {  	s2 =	sld [smem:$0x3F98];
	s0 =	simm.s32 @p1 $0x1  }
0x15: {  	[smem:$0x3FB5] =	sst s0;
	s0 =	simm.s32 @!p2 $0x0  }
0x16: {  	s3 =	sld [smem:$0x3FDB];
	s0 =	simm.s32 @p2 $0x1  }
0x17: {  	s4 =	simm.s32 $0x1BF5;
	[smem:$0x3FB7] =	sst s0  }
0x18: {  	s0 =	sld [smem:$0x3F9A];
	_ =	swait.ge [sflag:s4], $0x0  }
0x19: {  	s7 =	sld [smem:$0x3F9B]  }
0x1a: {  	s8 =	sadd.s32 $0xFFFFE003, lr  }
0x1b: {  	s9 =	sadd.s32 $0xFFFFFEF7, lr;
	s5 =	simm.s32 $0xFFFFFFFF;
	p2 =	slt.u32 s8, $0xFFFFF086  }
0x1c: {  	p1 =	slt.u32 s9, $0xF7A;
	s5 =	simm.s32 @!p2 $0x0  }
0x1d: {  	s5 =	simm.s32 @p1 $0x1;
	p0 =	seq.s32 s7, s2  }
0x1e: {  	s7 =	smul.u32 @!p0 $0xF7A, s2;
	p2 =	seq.s32 @!p0 s5, $0x0  }
0x1f: {  	s9 =	smul.u32 $0xF7A, s1;
	s8 =	simm.s32 @!p0 $0x1BF5;
	p2 =	por !p2, p0  }
0x20: {  	[sflag:s8] =	ssyncset.s32 @!p0 $0xFFFFF086;
	s6 =	sadd.s32 @!p0 s3, s7;
	s7 =	simm.s32 @!p0 $0x108  }
0x21: {  	s3 =	sadd.s32 s3, s9;
	s6 =	sadd.s32 @!p0 $0x88, s6;
	s7 =	simm.s32 @p2 $0x1082  }
0x22: {  	[simem:s7], [sflag:s8] =	dma.local @!p0 [hbm:s6], $0xF7A  }
0x23: {  	s9 =	sor.u32 $0xD0000000, s2;
	s6 =	simm.s32 $0x108;
	_ =	swait.ge @!p0 [sflag:s8], $0x0  }
0x24: {  	s3 =	sadd.s32 $0x88, s3;
	s6 =	simm.s32 @!p1 $0x1082;
	[sflag:s4] =	ssyncset.s32 $0xFFFFF086  }
0x25: {  	[simem:s6], [sflag:s4] =	dma.local [hbm:s3], $0xF7A  }
0x26: {  	[smem:$0x3F9B] =	sst s1;
	(tag) =	ssettag s2;
	_ =	strace s9  }
0x27: {  	s1 =	sld [smem:$0x3FAB]  }
0x28: {  	s2 =	sld [smem:$0x3FAC]  }
0x29: {  	s4 =	sld [smem:$0x3FAE]  }
0x2a: {  	p0 =	seq.s32 s5, $0x0;
	s5 =	sld [smem:$0x3FAF]  }
0x2b: {  	s6 =	sld [smem:$0x3FB0]  }
0x2c: {  	s7 =	sld [smem:$0x3FB1]  }
0x2d: {  	s3 =	simm.s32 $0x108;
	s8 =	sld [smem:$0x3FB2]  }
0x2e: {  	s3 =	simm.s32 @!p0 $0x1082;
	s9 =	sld [smem:$0x3FB3]  }
0x2f: {  	lr =	sadd.s32 s0, s3;
	s0 =	sld [smem:$0x3FAA]  }
0x30: {  	s3 =	sld [smem:$0x3FAD]  }
0x31: {  	[smem:$0x3FB6] =	sst s10  }
0x32: {  	s10 =	sld [smem:$0x3FB4];
	_ =	sdelay $0x3  }
0x33: {  	p0 =	seq.s32 s10, $0x1;
	s10 =	sld [smem:$0x3FB6];
	_ =	sdelay $0x3  }
0x34: {  	[smem:$0x3FB6] =	sst s10  }
0x35: {  	s10 =	sld [smem:$0x3FB5];
	_ =	sdelay $0x3  }
0x36: {  	p1 =	seq.s32 s10, $0x1;
	s10 =	sld [smem:$0x3FB6];
	_ =	sdelay $0x3  }
0x37: {  	[smem:$0x3FB6] =	sst s10  }
0x38: {  	s10 =	sld [smem:$0x3FB7]  }
0x39: {  	_ = 	snop;
	(pc) =	sbr.ind lr, $3  }
0x3a: {  	_ = 	snop  }
0x3b: {  	_ = 	snop  }
0x3c: {  	p2 =	seq.s32 s10, $0x1;
	s10 =	sld [smem:$0x3FB6]  }
0x3d: {  	_ =	shalt  }
0x3e: {  	_ =	shalt  }
0x3f: {  	_ =	shalt  }
0x40: {  	_ =	shalt  }
0x41: {  	_ =	shalt  }
0x42: {  	_ =	shalt  }
0x43: {  	_ =	shalt  }
0x44: {  	_ =	shalt  }
0x45: {  	_ =	shalt  }
0x46: {  	_ =	shalt  }
0x47: {  	_ =	shalt  }
0x48: {  	_ =	shalt  }
0x49: {  	_ =	shalt  }
0x4a: {  	_ =	shalt  }
0x4b: {  	_ =	shalt  }
0x4c: {  	_ =	shalt  }
0x4d: {  	_ =	shalt  }
0x4e: {  	_ =	shalt  }
0x4f: {  	_ =	shalt  }
0x50: {  	_ =	shalt  }
0x51: {  	_ =	shalt  }
0x52: {  	_ =	shalt  }
0x53: {  	_ =	shalt  }
0x54: {  	_ =	shalt  }
0x55: {  	_ =	shalt  }
0x56: {  	_ =	shalt  }
0x57: {  	_ =	shalt  }
0x58: {  	_ =	shalt  }
0x59: {  	_ =	shalt  }
0x5a: {  	_ =	shalt  }
0x5b: {  	_ =	shalt  }
0x5c: {  	_ =	shalt  }
0x5d: {  	_ =	shalt  }
0x5e: {  	_ =	shalt  }
0x5f: {  	_ =	shalt  }
0x60: {  	_ =	shalt  }
0x61: {  	_ =	shalt  }
0x62: {  	_ =	shalt  }
0x63: {  	_ =	shalt  }
0x64: {  	_ =	shalt  }
0x65: {  	_ =	shalt  }
0x66: {  	_ =	shalt  }
0x67: {  	_ =	shalt  }
0x68: {  	_ =	shalt  }
0x69: {  	_ =	shalt  }
0x6a: {  	_ =	shalt  }
0x6b: {  	_ =	shalt  }
0x6c: {  	_ =	shalt  }
0x6d: {  	_ =	shalt  }
0x6e: {  	_ =	shalt  }
0x6f: {  	_ =	shalt  }
0x70: {  	_ =	shalt  }
0x71: {  	_ =	shalt  }
0x72: {  	_ =	shalt  }
0x73: {  	_ =	shalt  }
0x74: {  	_ =	shalt  }
0x75: {  	_ =	shalt  }
0x76: {  	_ =	shalt  }
0x77: {  	_ =	shalt  }
0x78: {  	_ =	shalt  }
0x79: {  	_ =	shalt  }
0x7a: {  	_ =	shalt  }
0x7b: {  	_ =	shalt  }
0x7c: {  	_ =	shalt  }
0x7d: {  	_ =	shalt  }
0x7e: {  	_ =	shalt  }
0x7f: {  	_ =	shalt  }
0x80: {  	_ =	shalt  }
0x81: {  	_ =	shalt  }
0x82: {  	_ =	shalt  }
0x83: {  	_ =	shalt  }
0x84: {  	_ =	shalt  }
0x85: {  	_ =	shalt  }
0x86: {  	_ =	shalt  }
0x87: {  	_ =	shalt  }
.Lfunc_end0:
.L_simem_size_0:
called_computation.2_lowered:
.L_overlay_start_0:
0x88: {  	s2 =	sld [smem:$0x3FD9]  }
0x89: {  	s3 =	sld [smem:$0x3FFE];
	_ =	sdelay $0x1  }
0x8a: {  	s1 =	srdreg.scid  }
0x8b: {  	s0 =	sand.u32 $0x1, s1  }
0x8c: {  	s15 =	sshll.u32 s0, $0xA;
	s2 =	sadd.s32 s3, s2  }
0x8d: {  	s2 =	sadd.s32 s2, s15  }
0x8e: {  	[smem:$0x3FC2] =	sst s2  }
0x8f: {  	_ = 	snop  }
0x90: {  	s2 =	sld [smem:$0x3FD0];
	_ =	sdelay $0x2  }
0x91: {  	s16 =	simm.s32 $0xB;
	s4 =	simm.s32 $0x10  }
0x92: {  	[smem:s4], [sflag:s16] =	dma.local [hbm:s2], $0x1  }
0x93: {  	_ =	swait.eq [sflag:s16], $0x1  }
0x94: {  	[sflag:s16] =	ssyncset.done $0x0  }
0x95: {  	[sflag:s16] =	ssyncadd.s32 $0xFFFFFFFF  }
0x96: {  	s17 =	sld [smem:$0x10];
	(tm) =	ssettm $0x1  }
0x97: {  	s18 =	sld [smem:$0x3FFB];
	_ =	sdelay $0x3  }
0x98: {  	_ =	strace s18  }
0x99: {  	s2 =	sld [smem:$0x3FFC];
	_ =	sdelay $0x3  }
0x9a: {  	_ =	strace s2  }
0x9b: {  	s2 =	sld [smem:$0x3FFD];
	_ =	sdelay $0x3  }
0x9c: {  	_ =	strace s2  }
0x9d: {  	_ =	strace $0x8FFFFFFF  }
0x9e: {  	s19 =	sld [smem:$0x3FDB];
	_ =	sdelay $0x1  }
0x9f: {  	s20 =	simm.s32 $_scs_section_size  }
0xa0: {  	s5 =	simm.s32 $_size__tile_overlayer_lowered;
	s6 =	simm.s32 $_tile_overlayer_lowered  }
0xa1: {  	s7 =	simm.s32 $0x1BFF;
	s21 =	sshll.u32 s6, $0x1;
	s4 =	sadd.s32 s20, s19  }
0xa2: {  	s22 =	simm.s32 $0x0;
	s5 =	sshll.u32 s5, $0x1;
	s6 =	sadd.s32 s21, s4  }
0xa3: {  	[timem:s22], [sflag:s7] =	dma.local [hbm:s6], s5  }
0xa4: {  	_ =	swait.ge [sflag:s7], s5  }
0xa5: {  	s5 =	ssub.s32 $0x0, s5;
	[sflag:s7] =	ssyncset.done $0x0  }
0xa6: {  	[sflag:s7] =	ssyncadd.s32 s5;
	_ =	sdelay $0x1  }
0xa7: {  	s23 =	simm.s32 $0x1B8B  }
0xa8: {  	_ =	swait.ge [sflag:s23], $0x1  }
0xa9: {  	[sflag:s23] =	ssyncset.done $0x0  }
0xaa: {  	[sflag:s23] =	ssyncadd.s32 $0xFFFFFFFF  }
0xab: {  	s5 =	sld [smem:$0x0]  }
0xac: {  	s6 =	sand.u32 $0xFFFFFFFE, s1  }
0xad: {  	p0 =	sne.s32 s1, s6  }
0xae: {  	s6 =	sshll.u32 @p0 s6, $0xE  }
0xaf: {  	s6 =	sadd.s32 @p0 $0x11B8D, s6;
	s7 =	sshll.u32 @p0 s5, $0x11  }
0xb0: {  	s6 =	sor.u32 @p0 s7, s6  }
0xb1: {  	[sflag:s6] =	ssyncadd.remote.s32 @p0 $0x1;
	_ =	sdelay $0x1  }
0xb2: {  	s6 =	simm.s32 @p0 $0x1B8D  }
0xb3: {  	_ =	swait.eq @p0 [sflag:s6], $0x1  }
0xb4: {  	[sflag:s6] =	ssyncadd.s32 @p0 $0xFFFFFFFF  }
0xb5: {  	s7 =	sshll.u32 @!p0 s1, $0xE  }
0xb6: {  	s7 =	sor.u32 @!p0 $0x4000, s7;
	s6 =	simm.s32 @!p0 $0x1B8D  }
0xb7: {  	s5 =	sshll.u32 @!p0 s5, $0x11;
	s7 =	sadd.s32 @!p0 $0x11B8D, s7;
	_ =	swait.eq @!p0 [sflag:s6], $0x1  }
0xb8: {  	s5 =	sor.u32 @!p0 s5, s7;
	[sflag:s6] =	ssyncadd.s32 @!p0 $0xFFFFFFFF  }
0xb9: {  	s25 =	simm.s32 $0x1B8E;
	s24 =	sld [smem:$0x3FFE];
	[sflag:s5] =	ssyncadd.remote.s32 @!p0 $0x1  }
0xba: {  	s26 =	simm.s32 $execute0_lowered;
	[smem:$0x3FD2] =	sst s25  }
0xbb: {  	s6 =	sshll.u32 s26, $0x1;
	_ =	strace $0x8000004C;
	[dreg:$0x1] =	wrdreg $0xFFFFFFFF  }
0xbc: {  	s28 =	simm.s32 $_size_execute0_lowered;
	s4 =	sadd.s32 s4, s6;
	[dreg:$0x0] =	wrdreg $0x0  }
0xbd: {  	s6 =	sshll.u32 s28, $0x1;
	[dreg:$0x2] =	wrdreg s4  }
0xbe: {  	[dreg:$0x3] =	wrdreg s6  }
0xbf: {  	[dreg:$0x4] =	wrdreg $0xC0  }
0xc0: {  	_ =	task [dreg:s22], $0x5FFFF  }
0xc1: {  	[dreg:$0x1] =	wrdreg $0xFFFFFFFF  }
0xc2: {  	[dreg:$0x0] =	wrdreg $0x60  }
0xc3: {  	[dreg:$0x2] =	wrdreg s17  }
0xc4: {  	[dreg:$0x3] =	wrdreg s24  }
0xc5: {  	[dreg:$0x4] =	wrdreg $0x0  }
0xc6: {  	[dreg:$0x5] =	wrdreg $0xA  }
0xc7: {  	_ =	task.clear_ibuf [dreg:s22], $0x6FFFF;
	_ =	strace $0x9000004C  }
0xc8: {  	s29 =	simm.s32 $0xA;
	_ =	strace $0x8000004E  }
0xc9: {  	_ =	swait.ge [sflag:s29], $0x1  }
0xca: {  	[sflag:s29] =	ssyncadd.s32 $0xFFFFFFFF  }
0xcb: {  	_ =	strace $0x9000004E  }
0xcc: {  	_ =	sfence  }
0xcd: {  	s30 =	sld [smem:$0x0];
	_ =	sdelay $0x2  }
0xce: {  	s31 =	sshll.u32 s1, $0xD;
	s1 =	sshrl.u32 s1, $0x2  }
0xcf: {  	s4 =	sand.u32 $0x4000, s31;
	s1 =	sadd.s32 s1, s30  }
0xd0: {  	s0 =	sor.u32 s4, s0;
	s1 =	sshll.u32 s1, $0x11  }
0xd1: {  	s0 =	sor.u32 s1, s0  }
0xd2: {  	s0 =	sadd.s32 $0x8F2B, s0  }
0xd3: {  	[sflag:s0] =	ssyncadd.remote.s32 $0x1  }
0xd4: {  	_ =	sfence.sel $0xFFFF  }
0xd5: {  	[dreg:$0x0] =	wrdreg $0xFFFFFFFF;
	(pc) =	sbr.abs _section_cstart, $3  }
0xd6: {  	[dreg:$0x1] =	wrdreg $0xFFFFFFFF  }
0xd7: {  	_ =	task.clear_ibuf [dreg:s22], $0x2FFFF;
	_ =	strace $0x9FFFFFFF  }
0xd8: {  	(tm) =	ssettm $0x7FFFFFFF  }
0xd9: {  	_ =	shalt  }
tec
execute0_lowered:
.L_overlay_start_1:
0x0: {  	(tag) =	ssettag $0x1  }
0x1: {  	s0 =	rddreg [dreg:$0x0]  }
0x2: {  	s1 =	rddreg [dreg:$0x1]  }
0x3: {  	s2 =	srdreg.scid;
	s9 =	stileid.u32  }
0x4: {  	s3 =	rddreg [dreg:$0x2];
	s6 =	smul.u32 $0xC35, s9  }
0x5: {  	s4 =	simm.s32 $0x0;
	s2 =	sand.u32 $0x1, s2;
	s7 =	smul.u32 $0x64000, s9  }
0x6: {  	[smem:$0x7FF] =	sst s4;
	s5 =	sadd.s32 $0x65600, s1;
	s22 =	smul.u32 $0xC350, s2  }
0x7: {  	s26 =	smul.u32 $0x61A80, s9;
	_ =	strace $0x8000004D;
	s2 =	ssub.s32 $0x2, s2  }
0x8: {  	s7 =	sshrl.u32 s7, $0x2;
	s8 =	sshrl.u32 s2, $0x1;
	s6 =	sadd.s32 s6, s22  }
0x9: {  	s2 =	ssub.s32 s2, s8;
	s8 =	sshrl.u32 s26, $0x2;
	s6 =	sshll.u32 s6, $0x2  }
0xa: {  	s13 =	sadd.s32 s8, s3;
	s14 =	smax.u32 s2, $0x1;
	s1 =	sadd.s32 s6, s1  }
0xb: {  	s6 =	sadd.s32 s7, s3;
	[dreg:$0x11] =	wrdreg s14;
	s15 =	sshrl.u32 s13, $0x3  }
0xc: {  	s7 =	sadd.s32 $0xC80, s6;
	[dreg:$0x12] =	wrdreg s15  }
0xd: {  	s16 =	sadd.s32 $0x1900, s6;
	[dreg:$0x4] =	wrdreg s7  }
0xe: {  	s17 =	sadd.s32 $0x2580, s6;
	[dreg:$0x5] =	wrdreg s16  }
0xf: {  	s18 =	sadd.s32 $0x3200, s6;
	[dreg:$0x6] =	wrdreg s17  }
0x10: {  	s19 =	sadd.s32 $0x3E80, s6;
	[dreg:$0x7] =	wrdreg s18  }
0x11: {  	s20 =	sadd.s32 $0x4B00, s6;
	[dreg:$0x8] =	wrdreg s19  }
0x12: {  	s21 =	sadd.s32 $0x5780, s6;
	[dreg:$0x9] =	wrdreg s20  }
0x13: {  	s24 =	sadd.s32 $0x6400, s6;
	[dreg:$0xa] =	wrdreg s21  }
0x14: {  	s25 =	sadd.s32 $0x7080, s6;
	[dreg:$0xb] =	wrdreg s24  }
0x15: {  	s10 =	sadd.s32 $0x7D00, s6;
	[dreg:$0xc] =	wrdreg s25  }
0x16: {  	s11 =	sadd.s32 $0x8980, s6;
	[dreg:$0xd] =	wrdreg s10  }
0x17: {  	s1 =	sadd.s32 $0x12F200, s1;
	[dreg:$0xe] =	wrdreg s11  }
0x18: {  	s26 =	sadd.s32 $0xED80, s6;
	[dreg:$0x10] =	wrdreg s1  }
0x19: {  	s2 =	sadd.s32 $0xFA00, s6;
	[dreg:$0x19] =	wrdreg s26  }
0x1a: {  	s8 =	sadd.s32 $0x11300, s6;
	[dreg:$0x1a] =	wrdreg s2  }
0x1b: {  	s23 =	smul.u32 $0x186A0, s9;
	s9 =	sadd.s32 $0x11F80, s6;
	[dreg:$0x1c] =	wrdreg s8  }
0x1c: {  	s13 =	sadd.s32 $0x15180, s6;
	[dreg:$0x1d] =	wrdreg s9  }
0x1d: {  	s14 =	sadd.s32 $0x15E00, s6;
	[smem:$0x7F4] =	sst s13  }
0x1e: {  	s15 =	sadd.s32 $0x16A80, s6;
	[smem:$0x7F5] =	sst s14  }
0x1f: {  	s28 =	simm.s32 $0x7;
	s10 =	sadd.s32 $0x9600, s6;
	[smem:$0x7F6] =	sst s15  }
0x20: {  	s29 =	simm.s32 $0x19000;
	s16 =	sadd.s32 $0xA280, s6;
	[dreg:$0xf] =	wrdreg s10  }
0x21: {  	s12 =	sshrl.u32 s23, $0x3;
	s17 =	sadd.s32 $0xAF00, s6;
	[dreg:$0x13] =	wrdreg s16  }
0x22: {  	s20 =	sadd.s32 $0x200, s23;
	s18 =	sadd.s32 $0xBB80, s6;
	[dreg:$0x14] =	wrdreg s17  }
0x23: {  	s21 =	sadd.s32 $0x300, s23;
	s23 =	sadd.s32 $0xC800, s6;
	[dreg:$0x15] =	wrdreg s18  }
0x24: {  	s30 =	simm.s32 $0x19100;
	s24 =	sadd.s32 $0xD480, s6;
	[dreg:$0x16] =	wrdreg s23  }
0x25: {  	s31 =	simm.s32 $0x19300;
	s25 =	sadd.s32 $0xE100, s6;
	[dreg:$0x17] =	wrdreg s24  }
0x26: {  	v0 =	vmov s22;
	s22 =	simm.s32 $0x8;
	s7 =	sadd.s32 $0x10680, s6;
	[dreg:$0x18] =	wrdreg s25  }
0x27: {  	s19 =	sadd.s32 s5, s12;
	s11 =	sadd.s32 $0x13880, s6;
	[dreg:$0x1b] =	wrdreg s7  }
0x28: {  	s12 =	sadd.s32 $0x14500, s6;
	s1 =	simm.s32 $0x1;
	[dreg:$0x1f] =	wrdreg s11  }
0x29: {  	s2 =	simm.s32 $0x100;
	s10 =	sadd.s32 $0x12C00, s6;
	[smem:$0x7F3] =	sst s12  }
0x2a: {  	s8 =	simm.s32 $0x3;
	s16 =	sadd.s32 $0x17700, s6;
	[dreg:$0x1e] =	wrdreg s10  }
0x2b: {  	s9 =	simm.s32 $0x19400;
	s17 =	sadd.s32 $0x18380, s6;
	[smem:$0x7F7] =	sst s16  }
0x2c: {  	s13 =	simm.s32 $0x19500;
	s18 =	sadd.s32 $0x30D40, s19;
	[smem:$0x7F8] =	sst s17  }
0x2d: {  	s14 =	simm.s32 $0x5;
	s23 =	sadd.s32 $0x20, s19;
	[smem:$0x7F9] =	sst s18  }
.Ltmp0:
0x2e: {  	s24 =	sadd.s32 $0x30D60, s19;
	[smem:$0x7FA] =	sst s23;
	(pc) =	sbr.rel .LBB2_1-.Ltmp0, $4  }
0x2f: {  	s15 =	simm.s32 $0x6;
	s25 =	sadd.s32 $0x30C0, s19;
	[smem:$0x7FB] =	sst s24  }
0x30: {  	s26 =	sadd.s32 $0x33E00, s19;
	s7 =	simm.s32 $0x19600;
	[smem:$0x7FC] =	sst s25  }
0x31: {  	s11 =	simm.s32 $0x1B600;
	s12 =	simm.s32 $0x4;
	[smem:$0x7FD] =	sst s26  }
0x32: {  	v1 =	vimm.f32 $0.0e+00;
	s26 =	simm.s32 $0x1EBE0;
	s10 =	simm.s32 $0x2;
	s23 =	simm.s32 $0x0  }
.LBB2_10:
0x33: {  	_ =	swait.ge [sflag:s14], $0x2000  }
0x34: {  	[sflag:s14] =	ssyncset.done $0x0  }
0x35: {  	[sflag:s14] =	ssyncadd.s32 $0xFFFFE000  }
0x36: {  	_ =	swait.ge [sflag:s15], $0x2000  }
0x37: {  	s16 =	sld [smem:$0x7FC]  }
0x38: {  	[sflag:s15] =	ssyncset.done $0x0  }
0x39: {  	s17 =	simm.s32 $0x1D600;
	s25 =	sld [smem:$0x7FD];
	[sflag:s15] =	ssyncadd.s32 $0xFFFFE000  }
0x3a: {  	[tilespmem:s17], [sflag:$0x1] =	stream.linear.gather [hbm4b:s16+s4], $0xA0, $0x38;
	[tilespmem:$0x1F860] =	vst v63  }
0x3b: {  	s18 =	simm.s32 $0x1D6A0  }
0x3c: {  	[tilespmem:s18], [sflag:$0x1] =	stream.linear.gather [hbm4b:s25+s4], $0xA0, $0x38;
	[tilespmem:$0x1F860] =	vst v63  }
0x3d: {  	_ =	swait.ge [sflag:s1], $0xA0  }
0x3e: {  	[sflag:s1] =	ssyncset.done $0x0  }
0x3f: {  	[sflag:s1] =	ssyncadd.s32 $0xFFFFFF60  }
0x40: {  	_ =	swait.ge [sflag:s1], $0xA0  }
0x41: {  	[sflag:s1] =	ssyncset.done $0x0  }
0x42: {  	s24 =	simm.s32 $0x1D7E0;
	s18 =	simm.s32 $0xA0;
	[sflag:s1] =	ssyncadd.s32 $0xFFFFFF60  }
0x43: {  	[tilespmem:s24], [sflag:$0x3] =	stream.indirect.gather [hbm4b:s0+s18], $0x20, s17, s18, $0xb8;
	[tilespmem:$0x1F860] =	vst v63  }
0x44: {  	v2 =	vld [tilespmem:$0x1D6A0]  }
0x45: {  	v3 =	vld [tilespmem:$0x1D6B0]  }
0x46: {  	v4 =	vld [tilespmem:$0x1D6C0]  }
0x47: {  	v6 =	vld [tilespmem:$0x1D6D0]  }
0x48: {  	v7 =	vld [tilespmem:$0x1D6E0]  }
0x49: {  	v9 =	vld [tilespmem:$0x1D6F0]  }
0x4a: {  	v10 =	vld [tilespmem:$0x1D700]  }
0x4b: {  	v53 =	vld [tilespmem:$0x1D710]  }
0x4c: {  	v12 =	vld [tilespmem:$0x1D720];
	v5 =	vsub.s32 v2, v0  }
0x4d: {  	v57 =	vld [tilespmem:$0x1D730];
	v2 =	vand.u32 $0x3FF, v2;
	v50 =	vsub.s32 v3, v0;
	v3 =	vand.u32 $0x3FF, v3  }
0x4e: {  	v8 =	vsub.s32 v4, v0;
	v4 =	vand.u32 $0x3FF, v4;
	v51 =	vsub.s32 v6, v0  }
0x4f: {  	v6 =	vand.u32 $0x3FF, v6;
	v52 =	vsub.s32 v7, v0;
	v7 =	vand.u32 $0x3FF, v7  }
0x50: {  	v11 =	vsub.s32 v9, v0;
	v54 =	vand.u32 $0x3FF, v9;
	v55 =	vsub.s32 v10, v0  }
0x51: {  	v56 =	vand.u32 $0x3FF, v10;
	v59 =	vsub.s32 v53, v0;
	v60 =	vand.u32 $0x3FF, v53  }
0x52: {  	v61 =	vsub.s32 v12, v0;
	v62 =	vsub.s32 v57, v0;
	v63 =	vand.u32 $0x3FF, v57  }
0x53: {  	vm0 =	vlt.u32 v5, $0xC350;
	v2 =	vadd.s32 $0xC350, v2;
	vm7 =	vlt.u32 v50, $0xC350  }
0x54: {  	v3 =	vadd.s32 $0xC350, v3;
	vm8 =	vlt.u32 v8, $0xC350;
	v2 =	vsel vm0, v5, v2  }
0x55: {  	v4 =	vadd.s32 $0xC350, v4;
	vm9 =	vlt.u32 v51, $0xC350;
	v3 =	vsel vm7, v50, v3;
	[tilespmem:$0x1D740] =	vst v2  }
0x56: {  	v6 =	vadd.s32 $0xC350, v6;
	vm10 =	vlt.u32 v52, $0xC350;
	v4 =	vsel vm8, v8, v4;
	[tilespmem:$0x1D750] =	vst v3  }
0x57: {  	v7 =	vadd.s32 $0xC350, v7;
	vm11 =	vlt.u32 v11, $0xC350;
	v5 =	vsel vm9, v51, v6;
	[tilespmem:$0x1D760] =	vst v4  }
0x58: {  	vm12 =	vlt.u32 v55, $0xC350;
	v2 =	vsel vm10, v52, v7;
	v3 =	vadd.s32 $0xC350, v54;
	[tilespmem:$0x1D770] =	vst v5  }
0x59: {  	v58 =	vadd.s32 $0xC350, v56;
	vm13 =	vlt.u32 v59, $0xC350;
	v3 =	vsel vm11, v11, v3;
	[tilespmem:$0x1D780] =	vst v2  }
0x5a: {  	v4 =	vsel vm12, v55, v58;
	v2 =	vadd.s32 $0xC350, v60;
	[tilespmem:$0x1D790] =	vst v3;
	v3 =	vand.u32 $0x3FF, v12  }
0x5b: {  	vm14 =	vlt.u32 v61, $0xC350;
	[tilespmem:$0x1D7A0] =	vst v4;
	v2 =	vsel vm13, v59, v2;
	v3 =	vadd.s32 $0xC350, v3  }
0x5c: {  	vm15 =	vlt.u32 v62, $0xC350;
	[tilespmem:$0x1D7B0] =	vst v2;
	v2 =	vsel vm14, v61, v3;
	v3 =	vadd.s32 $0xC350, v63  }
0x5d: {  	[tilespmem:$0x1D7C0] =	vst v2;
	v2 =	vsel vm15, v62, v3  }
0x5e: {  	[tilespmem:$0x1D7D0] =	vst v2  }
0x5f: {  	_ =	swait.ge [sflag:s8], $0x1400  }
0x60: {  	[sflag:s8] =	ssyncset.done $0x0  }
0x61: {  	s25 =	simm.s32 $0x1D740;
	[sflag:s8] =	ssyncadd.s32 $0xFFFFEC00  }
0x62: {  	[spmem:s3] =	stream.indirect.scatter.add.f32 [tilespmem:s24], [sflag:$0x5], $0x20, s25, s18, $0xb8;
	[tilespmem:$0x1F860] =	vst v63  }
0x63: {  	_ =	swait.ge [sflag:s14], $0x1400  }
0x64: {  	[sflag:s14] =	ssyncset.done $0x0  }
0x65: {  	[sflag:s14] =	ssyncadd.s32 $0xFFFFEC00  }
0x66: {  	s17 =	stileid.u32;
	[bflag:$0x0] =	sbarrier.arrive $0xFFFF  }
0x67: {  	s16 =	sshll.u32 s17, $0x6;
	s18 =	rddreg [dreg:$0x10]  }
0x68: {  	s16 =	sor.u32 $0x1C08, s16;
	s24 =	rddreg [dreg:$0x12]  }
0x69: {  	[hbm:s18], [sflag:s16] =	dma.local [spmem:s24], $0x30D4  }
0x6a: {  	_ =	swait.ge [sflag:s22], $0x30D4  }
0x6b: {  	s23 =	sadd.s32 $0x1, s23;
	s25 =	rddreg [dreg:$0x11]  }
0x6c: {  	p0 =	sne.s32 s23, s25  }
.Ltmp1:
0x6d: {  	_ = 	snop;
	(pc) =	sbr.rel @!p0 .LBB2_11-.Ltmp1, $3  }
0x6e: {  	_ =	sdelay $0x1  }
0x6f: {  	[sflag:s22] =	ssyncset.done $0x0  }
0x70: {  	[sflag:s22] =	ssyncadd.s32 $0xFFFFCF2C  }
.LBB2_1:
0x71: {  	s16 =	simm.s32 $0x80;
	s17 =	simm.s32 $0x0  }
.LBB2_2:
0x72: {  	p0 =	sne.s32 s16, $0x3180;
	[tilespmem:s17+$0x1EBE0] =	vst v1;
	s24 =	smov.u32 s16;
	s16 =	sadd.s32 $0x80, s16  }
.Ltmp2:
0x73: {  	[tilespmem:s17+$0x1EBF0] =	vst v1;
	(pc) =	sbr.rel @p0 .LBB2_2-.Ltmp2, $2  }
0x74: {  	_ =	sdelay $0x2  }
0x75: {  	s17 =	sshra.s32 s24, $0x2  }
0x76: {  	[tilespmem:s17+$0x1EBE0] =	vst v1  }
0x77: {  	[tilespmem:s17+$0x1EBF0] =	vst v1;
	s16 =	rddreg [dreg:$0x4]  }
0x78: {  	[spmem:s6] =	stream.linear.scatter [tilespmem:s26], [sflag:$0x7], $0xC80, $0x38;
	[tilespmem:$0x1F860] =	vst v63  }
0x79: {  	s25 =	rddreg [dreg:$0x5]  }
0x7a: {  	[spmem:s16] =	stream.linear.scatter [tilespmem:s26], [sflag:$0x7], $0xC80, $0x38;
	[tilespmem:$0x1F860] =	vst v63  }
0x7b: {  	s17 =	rddreg [dreg:$0x6]  }
0x7c: {  	[spmem:s25] =	stream.linear.scatter [tilespmem:s26], [sflag:$0x7], $0xC80, $0x38;
	[tilespmem:$0x1F860] =	vst v63  }
0x7d: {  	s18 =	rddreg [dreg:$0x7]  }
0x7e: {  	[spmem:s17] =	stream.linear.scatter [tilespmem:s26], [sflag:$0x7], $0xC80, $0x38;
	[tilespmem:$0x1F860] =	vst v63  }
0x7f: {  	s24 =	rddreg [dreg:$0x8]  }
0x80: {  	[spmem:s18] =	stream.linear.scatter [tilespmem:s26], [sflag:$0x7], $0xC80, $0x38;
	[tilespmem:$0x1F860] =	vst v63  }
0x81: {  	s25 =	rddreg [dreg:$0x9]  }
0x82: {  	[spmem:s24] =	stream.linear.scatter [tilespmem:s26], [sflag:$0x7], $0xC80, $0x38;
	[tilespmem:$0x1F860] =	vst v63  }
0x83: {  	s17 =	rddreg [dreg:$0xa]  }
0x84: {  	[spmem:s25] =	stream.linear.scatter [tilespmem:s26], [sflag:$0x7], $0xC80, $0x38;
	[tilespmem:$0x1F860] =	vst v63  }
0x85: {  	s18 =	rddreg [dreg:$0xb]  }
0x86: {  	[spmem:s17] =	stream.linear.scatter [tilespmem:s26], [sflag:$0x7], $0xC80, $0x38;
	[tilespmem:$0x1F860] =	vst v63  }
0x87: {  	s24 =	rddreg [dreg:$0xc]  }
0x88: {  	[spmem:s18] =	stream.linear.scatter [tilespmem:s26], [sflag:$0x7], $0xC80, $0x38;
	[tilespmem:$0x1F860] =	vst v63  }
0x89: {  	s25 =	rddreg [dreg:$0xd]  }
0x8a: {  	[spmem:s24] =	stream.linear.scatter [tilespmem:s26], [sflag:$0x7], $0xC80, $0x38;
	[tilespmem:$0x1F860] =	vst v63  }
0x8b: {  	s17 =	rddreg [dreg:$0xe]  }
0x8c: {  	[spmem:s25] =	stream.linear.scatter [tilespmem:s26], [sflag:$0x7], $0xC80, $0x38;
	[tilespmem:$0x1F860] =	vst v63  }
0x8d: {  	s18 =	rddreg [dreg:$0xf]  }
0x8e: {  	[spmem:s17] =	stream.linear.scatter [tilespmem:s26], [sflag:$0x7], $0xC80, $0x38;
	[tilespmem:$0x1F860] =	vst v63  }
0x8f: {  	s24 =	rddreg [dreg:$0x13]  }
0x90: {  	[spmem:s18] =	stream.linear.scatter [tilespmem:s26], [sflag:$0x7], $0xC80, $0x38;
	[tilespmem:$0x1F860] =	vst v63  }
0x91: {  	s25 =	rddreg [dreg:$0x14]  }
0x92: {  	[spmem:s24] =	stream.linear.scatter [tilespmem:s26], [sflag:$0x7], $0xC80, $0x38;
	[tilespmem:$0x1F860] =	vst v63  }
0x93: {  	s17 =	rddreg [dreg:$0x15]  }
0x94: {  	[spmem:s25] =	stream.linear.scatter [tilespmem:s26], [sflag:$0x7], $0xC80, $0x38;
	[tilespmem:$0x1F860] =	vst v63  }
0x95: {  	s18 =	rddreg [dreg:$0x16]  }
0x96: {  	[spmem:s17] =	stream.linear.scatter [tilespmem:s26], [sflag:$0x7], $0xC80, $0x38;
	[tilespmem:$0x1F860] =	vst v63  }
0x97: {  	s24 =	rddreg [dreg:$0x17]  }
0x98: {  	[spmem:s18] =	stream.linear.scatter [tilespmem:s26], [sflag:$0x7], $0xC80, $0x38;
	[tilespmem:$0x1F860] =	vst v63  }
0x99: {  	s25 =	rddreg [dreg:$0x18]  }
0x9a: {  	[spmem:s24] =	stream.linear.scatter [tilespmem:s26], [sflag:$0x7], $0xC80, $0x38;
	[tilespmem:$0x1F860] =	vst v63  }
0x9b: {  	s17 =	rddreg [dreg:$0x19]  }
0x9c: {  	[spmem:s25] =	stream.linear.scatter [tilespmem:s26], [sflag:$0x7], $0xC80, $0x38;
	[tilespmem:$0x1F860] =	vst v63  }
0x9d: {  	s18 =	rddreg [dreg:$0x1a]  }
0x9e: {  	[spmem:s17] =	stream.linear.scatter [tilespmem:s26], [sflag:$0x7], $0xC80, $0x38;
	[tilespmem:$0x1F860] =	vst v63  }
0x9f: {  	s24 =	rddreg [dreg:$0x1b]  }
0xa0: {  	[spmem:s18] =	stream.linear.scatter [tilespmem:s26], [sflag:$0x7], $0xC80, $0x38;
	[tilespmem:$0x1F860] =	vst v63  }
0xa1: {  	s25 =	rddreg [dreg:$0x1c]  }
0xa2: {  	[spmem:s24] =	stream.linear.scatter [tilespmem:s26], [sflag:$0x7], $0xC80, $0x38;
	[tilespmem:$0x1F860] =	vst v63  }
0xa3: {  	s17 =	rddreg [dreg:$0x1d]  }
0xa4: {  	[spmem:s25] =	stream.linear.scatter [tilespmem:s26], [sflag:$0x7], $0xC80, $0x38;
	[tilespmem:$0x1F860] =	vst v63  }
0xa5: {  	s18 =	rddreg [dreg:$0x1e]  }
0xa6: {  	[spmem:s17] =	stream.linear.scatter [tilespmem:s26], [sflag:$0x7], $0xC80, $0x38;
	[tilespmem:$0x1F860] =	vst v63  }
0xa7: {  	s24 =	rddreg [dreg:$0x1f]  }
0xa8: {  	[spmem:s18] =	stream.linear.scatter [tilespmem:s26], [sflag:$0x7], $0xC80, $0x38;
	[tilespmem:$0x1F860] =	vst v63  }
0xa9: {  	s25 =	sld [smem:$0x7F3]  }
0xaa: {  	[spmem:s24] =	stream.linear.scatter [tilespmem:s26], [sflag:$0x7], $0xC80, $0x38;
	[tilespmem:$0x1F860] =	vst v63  }
0xab: {  	s17 =	sld [smem:$0x7F4]  }
0xac: {  	[spmem:s25] =	stream.linear.scatter [tilespmem:s26], [sflag:$0x7], $0xC80, $0x38;
	[tilespmem:$0x1F860] =	vst v63  }
0xad: {  	s18 =	sld [smem:$0x7F5]  }
0xae: {  	[spmem:s17] =	stream.linear.scatter [tilespmem:s26], [sflag:$0x7], $0xC80, $0x38;
	[tilespmem:$0x1F860] =	vst v63  }
0xaf: {  	s24 =	sld [smem:$0x7F6]  }
0xb0: {  	[spmem:s18] =	stream.linear.scatter [tilespmem:s26], [sflag:$0x7], $0xC80, $0x38;
	[tilespmem:$0x1F860] =	vst v63  }
0xb1: {  	s25 =	sld [smem:$0x7F7]  }
0xb2: {  	[spmem:s24] =	stream.linear.scatter [tilespmem:s26], [sflag:$0x7], $0xC80, $0x38;
	[tilespmem:$0x1F860] =	vst v63  }
0xb3: {  	s17 =	sld [smem:$0x7F8]  }
0xb4: {  	[spmem:s25] =	stream.linear.scatter [tilespmem:s26], [sflag:$0x7], $0xC80, $0x38;
	[tilespmem:$0x1F860] =	vst v63  }
0xb5: {  	_ = 	snop  }
0xb6: {  	[spmem:s17] =	stream.linear.scatter [tilespmem:s26], [sflag:$0x7], $0xC80, $0x38;
	[tilespmem:$0x1F860] =	vst v63  }
0xb7: {  	_ =	swait.ge [sflag:s28], $0xC80  }
0xb8: {  	[sflag:s28] =	ssyncset.done $0x0  }
0xb9: {  	[sflag:s28] =	ssyncadd.s32 $0xFFFFF380  }
0xba: {  	_ =	swait.ge [sflag:s28], $0xC80  }
0xbb: {  	[sflag:s28] =	ssyncset.done $0x0  }
0xbc: {  	[sflag:s28] =	ssyncadd.s32 $0xFFFFF380  }
0xbd: {  	_ =	swait.ge [sflag:s28], $0xC80  }
0xbe: {  	[sflag:s28] =	ssyncset.done $0x0  }
0xbf: {  	[sflag:s28] =	ssyncadd.s32 $0xFFFFF380  }
0xc0: {  	_ =	swait.ge [sflag:s28], $0xC80  }
0xc1: {  	[sflag:s28] =	ssyncset.done $0x0  }
0xc2: {  	[sflag:s28] =	ssyncadd.s32 $0xFFFFF380  }
0xc3: {  	_ =	swait.ge [sflag:s28], $0xC80  }
0xc4: {  	[sflag:s28] =	ssyncset.done $0x0  }
0xc5: {  	[sflag:s28] =	ssyncadd.s32 $0xFFFFF380  }
0xc6: {  	_ =	swait.ge [sflag:s28], $0xC80  }
0xc7: {  	[sflag:s28] =	ssyncset.done $0x0  }
0xc8: {  	[sflag:s28] =	ssyncadd.s32 $0xFFFFF380  }
0xc9: {  	_ =	swait.ge [sflag:s28], $0xC80  }
0xca: {  	[sflag:s28] =	ssyncset.done $0x0  }
0xcb: {  	[sflag:s28] =	ssyncadd.s32 $0xFFFFF380  }
0xcc: {  	_ =	swait.ge [sflag:s28], $0xC80  }
0xcd: {  	[sflag:s28] =	ssyncset.done $0x0  }
0xce: {  	[sflag:s28] =	ssyncadd.s32 $0xFFFFF380  }
0xcf: {  	_ =	swait.ge [sflag:s28], $0xC80  }
0xd0: {  	[sflag:s28] =	ssyncset.done $0x0  }
0xd1: {  	[sflag:s28] =	ssyncadd.s32 $0xFFFFF380  }
0xd2: {  	_ =	swait.ge [sflag:s28], $0xC80  }
0xd3: {  	[sflag:s28] =	ssyncset.done $0x0  }
0xd4: {  	[sflag:s28] =	ssyncadd.s32 $0xFFFFF380  }
0xd5: {  	_ =	swait.ge [sflag:s28], $0xC80  }
0xd6: {  	[sflag:s28] =	ssyncset.done $0x0  }
0xd7: {  	[sflag:s28] =	ssyncadd.s32 $0xFFFFF380  }
0xd8: {  	_ =	swait.ge [sflag:s28], $0xC80  }
0xd9: {  	[sflag:s28] =	ssyncset.done $0x0  }
0xda: {  	[sflag:s28] =	ssyncadd.s32 $0xFFFFF380  }
0xdb: {  	_ =	swait.ge [sflag:s28], $0xC80  }
0xdc: {  	[sflag:s28] =	ssyncset.done $0x0  }
0xdd: {  	[sflag:s28] =	ssyncadd.s32 $0xFFFFF380  }
0xde: {  	_ =	swait.ge [sflag:s28], $0xC80  }
0xdf: {  	[sflag:s28] =	ssyncset.done $0x0  }
0xe0: {  	[sflag:s28] =	ssyncadd.s32 $0xFFFFF380  }
0xe1: {  	_ =	swait.ge [sflag:s28], $0xC80  }
0xe2: {  	[sflag:s28] =	ssyncset.done $0x0  }
0xe3: {  	[sflag:s28] =	ssyncadd.s32 $0xFFFFF380  }
0xe4: {  	_ =	swait.ge [sflag:s28], $0xC80  }
0xe5: {  	[sflag:s28] =	ssyncset.done $0x0  }
0xe6: {  	[sflag:s28] =	ssyncadd.s32 $0xFFFFF380  }
0xe7: {  	_ =	swait.ge [sflag:s28], $0xC80  }
0xe8: {  	[sflag:s28] =	ssyncset.done $0x0  }
0xe9: {  	[sflag:s28] =	ssyncadd.s32 $0xFFFFF380  }
0xea: {  	_ =	swait.ge [sflag:s28], $0xC80  }
0xeb: {  	[sflag:s28] =	ssyncset.done $0x0  }
0xec: {  	[sflag:s28] =	ssyncadd.s32 $0xFFFFF380  }
0xed: {  	_ =	swait.ge [sflag:s28], $0xC80  }
0xee: {  	[sflag:s28] =	ssyncset.done $0x0  }
0xef: {  	[sflag:s28] =	ssyncadd.s32 $0xFFFFF380  }
0xf0: {  	_ =	swait.ge [sflag:s28], $0xC80  }
0xf1: {  	[sflag:s28] =	ssyncset.done $0x0  }
0xf2: {  	[sflag:s28] =	ssyncadd.s32 $0xFFFFF380  }
0xf3: {  	_ =	swait.ge [sflag:s28], $0xC80  }
0xf4: {  	[sflag:s28] =	ssyncset.done $0x0  }
0xf5: {  	[sflag:s28] =	ssyncadd.s32 $0xFFFFF380  }
0xf6: {  	_ =	swait.ge [sflag:s28], $0xC80  }
0xf7: {  	[sflag:s28] =	ssyncset.done $0x0  }
0xf8: {  	[sflag:s28] =	ssyncadd.s32 $0xFFFFF380  }
0xf9: {  	_ =	swait.ge [sflag:s28], $0xC80  }
0xfa: {  	[sflag:s28] =	ssyncset.done $0x0  }
0xfb: {  	[sflag:s28] =	ssyncadd.s32 $0xFFFFF380  }
0xfc: {  	_ =	swait.ge [sflag:s28], $0xC80  }
0xfd: {  	[sflag:s28] =	ssyncset.done $0x0  }
0xfe: {  	[sflag:s28] =	ssyncadd.s32 $0xFFFFF380  }
0xff: {  	_ =	swait.ge [sflag:s28], $0xC80  }
0x100: {  	[sflag:s28] =	ssyncset.done $0x0  }
0x101: {  	[sflag:s28] =	ssyncadd.s32 $0xFFFFF380  }
0x102: {  	_ =	swait.ge [sflag:s28], $0xC80  }
0x103: {  	[sflag:s28] =	ssyncset.done $0x0  }
0x104: {  	[sflag:s28] =	ssyncadd.s32 $0xFFFFF380  }
0x105: {  	_ =	swait.ge [sflag:s28], $0xC80  }
0x106: {  	[sflag:s28] =	ssyncset.done $0x0  }
0x107: {  	[sflag:s28] =	ssyncadd.s32 $0xFFFFF380  }
0x108: {  	_ =	swait.ge [sflag:s28], $0xC80  }
0x109: {  	[sflag:s28] =	ssyncset.done $0x0  }
0x10a: {  	[sflag:s28] =	ssyncadd.s32 $0xFFFFF380  }
0x10b: {  	_ =	swait.ge [sflag:s28], $0xC80  }
0x10c: {  	[sflag:s28] =	ssyncset.done $0x0  }
0x10d: {  	[sflag:s28] =	ssyncadd.s32 $0xFFFFF380  }
0x10e: {  	_ =	swait.ge [sflag:s28], $0xC80  }
0x10f: {  	[sflag:s28] =	ssyncset.done $0x0  }
0x110: {  	[sflag:s28] =	ssyncadd.s32 $0xFFFFF380  }
0x111: {  	_ =	swait.ge [sflag:s28], $0xC80  }
0x112: {  	[sflag:s28] =	ssyncset.done $0x0  }
0x113: {  	[sflag:s28] =	ssyncadd.s32 $0xFFFFF380  }
0x114: {  	_ =	swait.ge [sflag:s28], $0xC80  }
0x115: {  	[sflag:s28] =	ssyncset.done $0x0  }
0x116: {  	[sflag:s28] =	ssyncadd.s32 $0xFFFFF380  }
0x117: {  	[bflag:$0x0] =	sbarrier.arrive $0xFFFF  }
0x118: {  	s24 =	simm.s32 $0x0;
	s18 =	sld [smem:$0x7F9]  }
0x119: {  	[tilespmem:s29], [sflag:$0x1] =	stream.linear.gather [hbm4b:s19+s24], $0x100, $0x38;
	[tilespmem:$0x1F860] =	vst v63  }
0x11a: {  	s25 =	simm.s32 $0x19200  }
0x11b: {  	[tilespmem:s25], [sflag:$0x1] =	stream.linear.gather [hbm4b:s18+s24], $0x100, $0x38;
	[tilespmem:$0x1F860] =	vst v63  }
0x11c: {  	s18 =	sld [smem:$0x7FA];
	_ =	sdelay $0x1  }
0x11d: {  	s25 =	sld [smem:$0x7FB]  }
0x11e: {  	[tilespmem:s30], [sflag:$0x2] =	stream.linear.gather [hbm4b:s18+s24], $0x100, $0x38;
	[tilespmem:$0x1F860] =	vst v63  }
0x11f: {  	_ = 	snop  }
0x120: {  	[tilespmem:s31], [sflag:$0x2] =	stream.linear.gather [hbm4b:s25+s24], $0x100, $0x38;
	[tilespmem:$0x1F860] =	vst v63  }
.LBB2_4:
0x121: {  	_ =	swait.ge [sflag:s1], $0x100  }
0x122: {  	[sflag:s1] =	ssyncset.done $0x0  }
0x123: {  	[sflag:s1] =	ssyncadd.s32 $0xFFFFFF00  }
0x124: {  	_ =	swait.ge [sflag:s1], $0x100  }
0x125: {  	p0 =	seq.s32 s24, $0x0;
	[sflag:s1] =	ssyncset.done $0x0  }
0x126: {  	s16 =	simm.s32 @!p0 $0x5;
	[sflag:s1] =	ssyncadd.s32 $0xFFFFFF00  }
0x127: {  	_ =	swait.ge @!p0 [sflag:s16], $0x2000  }
0x128: {  	[sflag:s16] =	ssyncset.done @!p0 $0x0  }
0x129: {  	[sflag:s16] =	ssyncadd.s32 @!p0 $0xFFFFE000;
	s16 =	simm.s32 $0x0  }
0x12a: {  	[tilespmem:s7], [sflag:$0x3] =	stream.indirect.gather [hbm4b:s0+s2], $0x20, s29, s2, $0xb8;
	[tilespmem:$0x1F860] =	vst v63  }
0x12b: {  	s25 =	sshll.u32 s24, $0x9;
	s17 =	simm.s32 $0x40;
	v2 =	vld [tilespmem:s16+$0x19200]  }
.LBB2_5:
0x12c: {  	_ =	sdelay $0x1  }
0x12d: {  	p1 =	sne.s32 s17, $0x3C0  }
.Ltmp3:
0x12e: {  	_ = 	snop;
	(pc) =	sbr.rel @p1 .LBB2_5-.Ltmp3, $4  }
0x12f: {  	v3 =	vsub.s32 v2, v0;
	v4 =	vand.u32 $0x3FF, v2  }
0x130: {  	vm0 =	vlt.u32 v3, $0xC350;
	v4 =	vadd.s32 $0xC350, v4  }
0x131: {  	s18 =	sshra.s32 s17, $0x2;
	v3 =	vsel vm0, v3, v4  }
0x132: {  	s17 =	sadd.s32 $0x40, s17;
	v2 =	vld [tilespmem:s18+$0x19200];
	[tilespmem:s16+$0x19400] =	vst v3;
	s16 =	smov.u32 s18  }
0x133: {  	_ =	sdelay $0x3  }
0x134: {  	v3 =	vsub.s32 v2, v0;
	v2 =	vand.u32 $0x3FF, v2  }
0x135: {  	vm0 =	vlt.u32 v3, $0xC350;
	v2 =	vadd.s32 $0xC350, v2  }
0x136: {  	v2 =	vsel vm0, v3, v2  }
0x137: {  	[tilespmem:s16+$0x19400] =	vst v2  }
0x138: {  	p1 =	seq.s32 s24, $0xC2;
	_ =	swait.ge [sflag:s8], $0x2000  }
0x139: {  	s16 =	sadd.s32 @!p1 s25, s20;
	[sflag:s8] =	ssyncset.done $0x0  }
0x13a: {  	s16 =	sshrl.u32 @!p1 s16, $0x3;
	[sflag:s8] =	ssyncadd.s32 $0xFFFFE000  }
0x13b: {  	[spmem:s3] =	stream.indirect.scatter.add.f32 [tilespmem:s7], [sflag:$0x5], $0x20, s9, s2, $0xb8;
	[tilespmem:$0x1F860] =	vst v63  }
0x13c: {  	s17 =	simm.s32 @!p1 $0x0;
	s18 =	simm.s32 @!p1 $0x19000;
	s16 =	sadd.s32 @!p1 s5, s16  }
0x13d: {  	[tilespmem:s18], [sflag:$0x1] =	stream.linear.gather @!p1 [hbm4b:s16+s17], $0x100, $0x38;
	[tilespmem:$0x1F860] =	vst v63  }
0x13e: {  	s16 =	sadd.s32 @!p1 $0x30D40, s16;
	s18 =	simm.s32 @!p1 $0x19200  }
0x13f: {  	[tilespmem:s18], [sflag:$0x1] =	stream.linear.gather @!p1 [hbm4b:s16+s17], $0x100, $0x38;
	[tilespmem:$0x1F860] =	vst v63  }
0x140: {  	_ =	swait.ge [sflag:s10], $0x100  }
0x141: {  	[sflag:s10] =	ssyncset.done $0x0  }
0x142: {  	[sflag:s10] =	ssyncadd.s32 $0xFFFFFF00  }
0x143: {  	_ =	swait.ge [sflag:s10], $0x100  }
0x144: {  	[sflag:s10] =	ssyncset.done $0x0  }
0x145: {  	s16 =	simm.s32 @!p0 $0x6;
	[sflag:s10] =	ssyncadd.s32 $0xFFFFFF00  }
0x146: {  	_ =	swait.ge @!p0 [sflag:s16], $0x2000  }
0x147: {  	[sflag:s16] =	ssyncset.done @!p0 $0x0  }
0x148: {  	[sflag:s16] =	ssyncadd.s32 @!p0 $0xFFFFE000;
	s16 =	simm.s32 $0x0  }
0x149: {  	[tilespmem:s11], [sflag:$0x4] =	stream.indirect.gather [hbm4b:s0+s2], $0x20, s30, s2, $0xb8;
	[tilespmem:$0x1F860] =	vst v63  }
0x14a: {  	s17 =	simm.s32 $0x40;
	v2 =	vld [tilespmem:s16+$0x19300]  }
.LBB2_7:
0x14b: {  	_ =	sdelay $0x1  }
0x14c: {  	p0 =	sne.s32 s17, $0x3C0  }
.Ltmp4:
0x14d: {  	_ = 	snop;
	(pc) =	sbr.rel @p0 .LBB2_7-.Ltmp4, $4  }
0x14e: {  	v3 =	vsub.s32 v2, v0;
	v4 =	vand.u32 $0x3FF, v2  }
0x14f: {  	vm0 =	vlt.u32 v3, $0xC350;
	v4 =	vadd.s32 $0xC350, v4  }
0x150: {  	s18 =	sshra.s32 s17, $0x2;
	v3 =	vsel vm0, v3, v4  }
0x151: {  	s17 =	sadd.s32 $0x40, s17;
	v2 =	vld [tilespmem:s18+$0x19300];
	[tilespmem:s16+$0x19500] =	vst v3;
	s16 =	smov.u32 s18  }
0x152: {  	_ =	sdelay $0x3  }
0x153: {  	v3 =	vsub.s32 v2, v0;
	v2 =	vand.u32 $0x3FF, v2  }
0x154: {  	vm0 =	vlt.u32 v3, $0xC350;
	v2 =	vadd.s32 $0xC350, v2  }
0x155: {  	v2 =	vsel vm0, v3, v2  }
.Ltmp5:
0x156: {  	[tilespmem:s16+$0x19500] =	vst v2;
	(pc) =	sbr.rel @p1 .LBB2_10-.Ltmp5, $4  }
0x157: {  	_ =	swait.ge [sflag:s12], $0x2000  }
0x158: {  	[sflag:s12] =	ssyncset.done $0x0  }
0x159: {  	[sflag:s12] =	ssyncadd.s32 $0xFFFFE000  }
0x15a: {  	[spmem:s3] =	stream.indirect.scatter.add.f32 [tilespmem:s11], [sflag:$0x6], $0x20, s13, s2, $0xb8;
	[tilespmem:$0x1F860] =	vst v63  }
0x15b: {  	s16 =	sadd.s32 s25, s21  }
.Ltmp6:
0x15c: {  	s16 =	sshrl.u32 s16, $0x3;
	(pc) =	sbr.rel .LBB2_4-.Ltmp6, $4  }
0x15d: {  	s16 =	sadd.s32 s5, s16  }
0x15e: {  	[tilespmem:s30], [sflag:$0x2] =	stream.linear.gather [hbm4b:s16+s4], $0x100, $0x38;
	[tilespmem:$0x1F860] =	vst v63  }
0x15f: {  	s24 =	sadd.s32 $0x1, s24;
	s16 =	sadd.s32 $0x30D40, s16  }
0x160: {  	[tilespmem:s31], [sflag:$0x2] =	stream.linear.gather [hbm4b:s16+s4], $0x100, $0x38;
	[tilespmem:$0x1F860] =	vst v63  }
.LBB2_11:
0x161: {  	_ =	sfence.sel $0x180000  }
0x162: {  	[bflag:$0x0] =	sbarrier.arrive $0xFFFF  }
0x163: {  	_ =	strace $0x9000004D  }
0x164: {  	s0 =	stileid.u32;
	[bflag:$0x2] =	sbarrier.arrive $0xFFFF  }
0x165: {  	p0 =	sne.s32 s0, $0x0;
	s0 =	rddreg [dreg:$0x3]  }
0x166: {  	s0 =	sadd.s32 @!p0 $0x100000, s0  }
0x167: {  	[sflag:s0] =	ssyncadd.tile.s32 @!p0 $0x1;
	_ =	shalt  }
.Lfunc_end2:
_tile_overlayer_lowered:
.L_overlay_start_2:
0x168: {  	(tag) =	ssettag $0x2  }
0x169: {  	s0 =	rddreg [dreg:$0x0];
	s2 =	stileid.u32  }
0x16a: {  	s1 =	rddreg [dreg:$0x1];
	p0 =	sne.s32 s2, $0x0  }
0x16b: {  	s3 =	rddreg [dreg:$0x2];
	[bflag:$0x3] =	sbarrier.arrive $0xFFFF;
	s2 =	simm.s32 @!p0 $0x1C08  }
0x16c: {  	[timem:s3], [sflag:s2] =	dma.local @!p0 [hbm:s0], s1  }
0x16d: {  	s0 =	simm.s32 @!p0 $0x8  }
0x16e: {  	_ =	swait.ge @!p0 [sflag:s0], s1  }
0x16f: {  	s1 =	ssub.s32 @!p0 $0x0, s1;
	[sflag:s0] =	ssyncset.done @!p0 $0x0  }
0x170: {  	[sflag:s0] =	ssyncadd.s32 @!p0 s1  }
0x171: {  	[bflag:$0x3] =	sbarrier.arrive $0xFFFF  }
0x172: {  	_ =	shalt  }

// kernel: kernel.9.cloned.1.call-start
scs
__scs_entry_jumppad:
0x0: {  	(pc) =	sbr.rel $0x88, $3  }
0x1: {  	(tag) =	ssettag $0x0;
	lr =	simm.s32 $0x1  }
0x2: {  	[smem:$0x3F9B] =	sst lr;
	_ =	strace $0xD0000000  }
0x3: {  	_ = 	snop  }
0x4: {  	_ = 	snop  }
0x5: {  	_ = 	snop  }
0x6: {  	_ = 	snop  }
0x7: {  	_ = 	snop  }
__scs_overlays_trampoline_lowered:
0x8: {  	[smem:$0x3FAA] =	sst s0  }
0x9: {  	[smem:$0x3FAB] =	sst s1  }
0xa: {  	[smem:$0x3FAC] =	sst s2  }
0xb: {  	[smem:$0x3FAD] =	sst s3  }
0xc: {  	[smem:$0x3FAE] =	sst s4  }
0xd: {  	[smem:$0x3FAF] =	sst s5  }
0xe: {  	[smem:$0x3FB0] =	sst s6  }
0xf: {  	[smem:$0x3FB1] =	sst s7  }
0x10: {  	[smem:$0x3FB2] =	sst s8  }
0x11: {  	[smem:$0x3FB3] =	sst s9;
	s0 =	simm.s32 @!p0 $0x0  }
0x12: {  	s1 =	sld [smem:$0x3F99];
	s0 =	simm.s32 @p0 $0x1  }
0x13: {  	[smem:$0x3FB4] =	sst s0;
	s0 =	simm.s32 @!p1 $0x0  }
0x14: {  	s2 =	sld [smem:$0x3F98];
	s0 =	simm.s32 @p1 $0x1  }
0x15: {  	[smem:$0x3FB5] =	sst s0;
	s0 =	simm.s32 @!p2 $0x0  }
0x16: {  	s3 =	sld [smem:$0x3FDB];
	s0 =	simm.s32 @p2 $0x1  }
0x17: {  	s4 =	simm.s32 $0x1BF5;
	[smem:$0x3FB7] =	sst s0  }
0x18: {  	s0 =	sld [smem:$0x3F9A];
	_ =	swait.ge [sflag:s4], $0x0  }
0x19: {  	s7 =	sld [smem:$0x3F9B]  }
0x1a: {  	s8 =	sadd.s32 $0xFFFFE003, lr  }
0x1b: {  	s9 =	sadd.s32 $0xFFFFFEF7, lr;
	s5 =	simm.s32 $0xFFFFFFFF;
	p2 =	slt.u32 s8, $0xFFFFF086  }
0x1c: {  	p1 =	slt.u32 s9, $0xF7A;
	s5 =	simm.s32 @!p2 $0x0  }
0x1d: {  	s5 =	simm.s32 @p1 $0x1;
	p0 =	seq.s32 s7, s2  }
0x1e: {  	s7 =	smul.u32 @!p0 $0xF7A, s2;
	p2 =	seq.s32 @!p0 s5, $0x0  }
0x1f: {  	s9 =	smul.u32 $0xF7A, s1;
	s8 =	simm.s32 @!p0 $0x1BF5;
	p2 =	por !p2, p0  }
0x20: {  	[sflag:s8] =	ssyncset.s32 @!p0 $0xFFFFF086;
	s6 =	sadd.s32 @!p0 s3, s7;
	s7 =	simm.s32 @!p0 $0x108  }
0x21: {  	s3 =	sadd.s32 s3, s9;
	s6 =	sadd.s32 @!p0 $0x88, s6;
	s7 =	simm.s32 @p2 $0x1082  }
0x22: {  	[simem:s7], [sflag:s8] =	dma.local @!p0 [hbm:s6], $0xF7A  }
0x23: {  	s9 =	sor.u32 $0xD0000000, s2;
	s6 =	simm.s32 $0x108;
	_ =	swait.ge @!p0 [sflag:s8], $0x0  }
0x24: {  	s3 =	sadd.s32 $0x88, s3;
	s6 =	simm.s32 @!p1 $0x1082;
	[sflag:s4] =	ssyncset.s32 $0xFFFFF086  }
0x25: {  	[simem:s6], [sflag:s4] =	dma.local [hbm:s3], $0xF7A  }
0x26: {  	[smem:$0x3F9B] =	sst s1;
	(tag) =	ssettag s2;
	_ =	strace s9  }
0x27: {  	s1 =	sld [smem:$0x3FAB]  }
0x28: {  	s2 =	sld [smem:$0x3FAC]  }
0x29: {  	s4 =	sld [smem:$0x3FAE]  }
0x2a: {  	p0 =	seq.s32 s5, $0x0;
	s5 =	sld [smem:$0x3FAF]  }
0x2b: {  	s6 =	sld [smem:$0x3FB0]  }
0x2c: {  	s7 =	sld [smem:$0x3FB1]  }
0x2d: {  	s3 =	simm.s32 $0x108;
	s8 =	sld [smem:$0x3FB2]  }
0x2e: {  	s3 =	simm.s32 @!p0 $0x1082;
	s9 =	sld [smem:$0x3FB3]  }
0x2f: {  	lr =	sadd.s32 s0, s3;
	s0 =	sld [smem:$0x3FAA]  }
0x30: {  	s3 =	sld [smem:$0x3FAD]  }
0x31: {  	[smem:$0x3FB6] =	sst s10  }
0x32: {  	s10 =	sld [smem:$0x3FB4];
	_ =	sdelay $0x3  }
0x33: {  	p0 =	seq.s32 s10, $0x1;
	s10 =	sld [smem:$0x3FB6];
	_ =	sdelay $0x3  }
0x34: {  	[smem:$0x3FB6] =	sst s10  }
0x35: {  	s10 =	sld [smem:$0x3FB5];
	_ =	sdelay $0x3  }
0x36: {  	p1 =	seq.s32 s10, $0x1;
	s10 =	sld [smem:$0x3FB6];
	_ =	sdelay $0x3  }
0x37: {  	[smem:$0x3FB6] =	sst s10  }
0x38: {  	s10 =	sld [smem:$0x3FB7]  }
0x39: {  	_ = 	snop;
	(pc) =	sbr.ind lr, $3  }
0x3a: {  	_ = 	snop  }
0x3b: {  	_ = 	snop  }
0x3c: {  	p2 =	seq.s32 s10, $0x1;
	s10 =	sld [smem:$0x3FB6]  }
0x3d: {  	_ =	shalt  }
0x3e: {  	_ =	shalt  }
0x3f: {  	_ =	shalt  }
0x40: {  	_ =	shalt  }
0x41: {  	_ =	shalt  }
0x42: {  	_ =	shalt  }
0x43: {  	_ =	shalt  }
0x44: {  	_ =	shalt  }
0x45: {  	_ =	shalt  }
0x46: {  	_ =	shalt  }
0x47: {  	_ =	shalt  }
0x48: {  	_ =	shalt  }
0x49: {  	_ =	shalt  }
0x4a: {  	_ =	shalt  }
0x4b: {  	_ =	shalt  }
0x4c: {  	_ =	shalt  }
0x4d: {  	_ =	shalt  }
0x4e: {  	_ =	shalt  }
0x4f: {  	_ =	shalt  }
0x50: {  	_ =	shalt  }
0x51: {  	_ =	shalt  }
0x52: {  	_ =	shalt  }
0x53: {  	_ =	shalt  }
0x54: {  	_ =	shalt  }
0x55: {  	_ =	shalt  }
0x56: {  	_ =	shalt  }
0x57: {  	_ =	shalt  }
0x58: {  	_ =	shalt  }
0x59: {  	_ =	shalt  }
0x5a: {  	_ =	shalt  }
0x5b: {  	_ =	shalt  }
0x5c: {  	_ =	shalt  }
0x5d: {  	_ =	shalt  }
0x5e: {  	_ =	shalt  }
0x5f: {  	_ =	shalt  }
0x60: {  	_ =	shalt  }
0x61: {  	_ =	shalt  }
0x62: {  	_ =	shalt  }
0x63: {  	_ =	shalt  }
0x64: {  	_ =	shalt  }
0x65: {  	_ =	shalt  }
0x66: {  	_ =	shalt  }
0x67: {  	_ =	shalt  }
0x68: {  	_ =	shalt  }
0x69: {  	_ =	shalt  }
0x6a: {  	_ =	shalt  }
0x6b: {  	_ =	shalt  }
0x6c: {  	_ =	shalt  }
0x6d: {  	_ =	shalt  }
0x6e: {  	_ =	shalt  }
0x6f: {  	_ =	shalt  }
0x70: {  	_ =	shalt  }
0x71: {  	_ =	shalt  }
0x72: {  	_ =	shalt  }
0x73: {  	_ =	shalt  }
0x74: {  	_ =	shalt  }
0x75: {  	_ =	shalt  }
0x76: {  	_ =	shalt  }
0x77: {  	_ =	shalt  }
0x78: {  	_ =	shalt  }
0x79: {  	_ =	shalt  }
0x7a: {  	_ =	shalt  }
0x7b: {  	_ =	shalt  }
0x7c: {  	_ =	shalt  }
0x7d: {  	_ =	shalt  }
0x7e: {  	_ =	shalt  }
0x7f: {  	_ =	shalt  }
0x80: {  	_ =	shalt  }
0x81: {  	_ =	shalt  }
0x82: {  	_ =	shalt  }
0x83: {  	_ =	shalt  }
0x84: {  	_ =	shalt  }
0x85: {  	_ =	shalt  }
0x86: {  	_ =	shalt  }
0x87: {  	_ =	shalt  }
.Lfunc_end0:
.L_simem_size_0:
called_computation_lowered:
.L_overlay_start_0:
0x88: {  	s2 =	sld [smem:$0x3FD9]  }
0x89: {  	s3 =	sld [smem:$0x3FFE];
	_ =	sdelay $0x1  }
0x8a: {  	s1 =	srdreg.scid  }
0x8b: {  	s0 =	sand.u32 $0x1, s1  }
0x8c: {  	s14 =	sshll.u32 s0, $0xA;
	s2 =	sadd.s32 s3, s2  }
0x8d: {  	s2 =	sadd.s32 s2, s14  }
0x8e: {  	[smem:$0x3FC2] =	sst s2  }
0x8f: {  	_ = 	snop  }
0x90: {  	s2 =	sld [smem:$0x3FD0];
	_ =	sdelay $0x2  }
0x91: {  	s15 =	simm.s32 $0xB;
	s4 =	simm.s32 $0x10  }
0x92: {  	[smem:s4], [sflag:s15] =	dma.local [hbm:s2], $0x1  }
0x93: {  	_ =	swait.eq [sflag:s15], $0x1  }
0x94: {  	[sflag:s15] =	ssyncset.done $0x0  }
0x95: {  	s16 =	sld [smem:$0x10];
	[sflag:s15] =	ssyncadd.s32 $0xFFFFFFFF  }
0x96: {  	s17 =	sld [smem:$0x11];
	(tm) =	ssettm $0x1  }
0x97: {  	s18 =	sld [smem:$0x3FFB];
	_ =	sdelay $0x3  }
0x98: {  	_ =	strace s18  }
0x99: {  	s4 =	sld [smem:$0x3FFC];
	_ =	sdelay $0x3  }
0x9a: {  	_ =	strace s4  }
0x9b: {  	s4 =	sld [smem:$0x3FFD];
	_ =	sdelay $0x3  }
0x9c: {  	_ =	strace s4  }
0x9d: {  	_ =	strace $0x8FFFFFFF  }
0x9e: {  	s19 =	sld [smem:$0x3FDB];
	_ =	sdelay $0x1  }
0x9f: {  	s5 =	simm.s32 $_scs_section_size  }
0xa0: {  	s6 =	simm.s32 $_size__tile_overlayer_lowered;
	s7 =	simm.s32 $_tile_overlayer_lowered  }
0xa1: {  	s22 =	simm.s32 $0x1BFF;
	s21 =	sshll.u32 s7, $0x1;
	s4 =	sadd.s32 s5, s19  }
0xa2: {  	s8 =	simm.s32 $0x0;
	s20 =	sshll.u32 s6, $0x1;
	s6 =	sadd.s32 s21, s4  }
0xa3: {  	[timem:s8], [sflag:s22] =	dma.local [hbm:s6], s20  }
0xa4: {  	_ =	swait.ge [sflag:s22], s20  }
0xa5: {  	s5 =	ssub.s32 $0x0, s20;
	[sflag:s22] =	ssyncset.done $0x0  }
0xa6: {  	[sflag:s22] =	ssyncadd.s32 s5;
	_ =	sdelay $0x1  }
0xa7: {  	s23 =	simm.s32 $0x1B8B  }
0xa8: {  	_ =	swait.ge [sflag:s23], $0x1  }
0xa9: {  	[sflag:s23] =	ssyncset.done $0x0  }
0xaa: {  	s25 =	simm.s32 $0x1B8E;
	s24 =	sld [smem:$0x3FFE];
	[sflag:s23] =	ssyncadd.s32 $0xFFFFFFFF  }
0xab: {  	s26 =	simm.s32 $execute0_lowered;
	[smem:$0x3FD2] =	sst s25  }
0xac: {  	s6 =	sshll.u32 s26, $0x1;
	_ =	strace $0x80000046;
	[dreg:$0x1] =	wrdreg $0xFFFFFFFF  }
0xad: {  	s28 =	simm.s32 $_size_execute0_lowered;
	s4 =	sadd.s32 s4, s6;
	[dreg:$0x0] =	wrdreg $0x0  }
0xae: {  	s6 =	sshll.u32 s28, $0x1;
	[dreg:$0x2] =	wrdreg s4  }
0xaf: {  	[dreg:$0x3] =	wrdreg s6  }
0xb0: {  	[dreg:$0x4] =	wrdreg $0xC0  }
0xb1: {  	_ =	task [dreg:s8], $0x5FFFF  }
0xb2: {  	[dreg:$0x1] =	wrdreg $0xFFFFFFFF  }
0xb3: {  	[dreg:$0x0] =	wrdreg $0x60  }
0xb4: {  	[dreg:$0x2] =	wrdreg s24  }
0xb5: {  	[dreg:$0x3] =	wrdreg s16  }
0xb6: {  	[dreg:$0x4] =	wrdreg s17  }
0xb7: {  	[dreg:$0x5] =	wrdreg $0x0  }
0xb8: {  	[dreg:$0x6] =	wrdreg $0x9  }
0xb9: {  	_ =	task.clear_ibuf [dreg:s8], $0x7FFFF;
	_ =	strace $0x90000046  }
0xba: {  	s29 =	simm.s32 $0x9;
	_ =	strace $0x80000048  }
0xbb: {  	_ =	swait.ge [sflag:s29], $0x1  }
0xbc: {  	[sflag:s29] =	ssyncadd.s32 $0xFFFFFFFF  }
0xbd: {  	_ =	strace $0x90000048  }
0xbe: {  	_ =	sfence  }
0xbf: {  	s30 =	sld [smem:$0x0];
	_ =	sdelay $0x2  }
0xc0: {  	s31 =	sshll.u32 s1, $0xD;
	s1 =	sshrl.u32 s1, $0x2  }
0xc1: {  	s3 =	sand.u32 $0x4000, s31;
	s1 =	sadd.s32 s1, s30  }
0xc2: {  	s0 =	sor.u32 s3, s0;
	s1 =	sshll.u32 s1, $0x11  }
0xc3: {  	s0 =	sor.u32 s1, s0  }
0xc4: {  	s0 =	sadd.s32 $0x8F2B, s0  }
0xc5: {  	[sflag:s0] =	ssyncadd.remote.s32 $0x1  }
0xc6: {  	_ =	sfence.sel $0xFFFF  }
0xc7: {  	[dreg:$0x0] =	wrdreg $0xFFFFFFFF;
	(pc) =	sbr.abs _section_cstart, $3  }
0xc8: {  	[dreg:$0x1] =	wrdreg $0xFFFFFFFF  }
0xc9: {  	_ =	task.clear_ibuf [dreg:s8], $0x2FFFF;
	_ =	strace $0x9FFFFFFF  }
0xca: {  	(tm) =	ssettm $0x7FFFFFFF  }
0xcb: {  	_ =	shalt  }
tec
execute0_lowered:
.L_overlay_start_1:
0x0: {  	(tag) =	ssettag $0x1  }
0x1: {  	s4 =	rddreg [dreg:$0x0]  }
0x2: {  	s5 =	rddreg [dreg:$0x1]  }
0x3: {  	s12 =	rddreg [dreg:$0x2];
	s0 =	srdreg.scid  }
0x4: {  	s2 =	rddreg [dreg:$0x3];
	s1 =	stileid.u32;
	s3 =	simm.s32 $0x0  }
0x5: {  	s15 =	simm.s32 $0x3;
	s16 =	simm.s32 $0x3200;
	s17 =	simm.s32 $0x1C200  }
0x6: {  	s18 =	simm.s32 $0x1D200;
	s19 =	simm.s32 $0x1;
	s20 =	simm.s32 $0x2  }
0x7: {  	s21 =	simm.s32 $0x1900;
	s6 =	sand.u32 $0x1, s0;
	s0 =	rddreg [dreg:$0x4]  }
0x8: {  	s22 =	simm.s32 $0x0;
	s7 =	sshrl.u32 s1, $0x3;
	[smem:$0x7FF] =	sst s3  }
0x9: {  	s26 =	sand.u32 $0x7, s1;
	s4 =	sadd.s32 $0xC7200, s4;
	s9 =	smul.u32 $0x1900, s7  }
0xa: {  	s8 =	sshll.u32 s6, $0x1;
	s6 =	ssub.s32 $0x2, s6;
	s11 =	smul.u32 $0x30D40, s26  }
0xb: {  	s14 =	smul.u32 $0x320, s26;
	s7 =	sor.u32 s7, s8;
	s13 =	sshrl.u32 s6, $0x1  }
0xc: {  	_ =	strace $0x80000047;
	s10 =	smul.u32 $0x186A00, s7;
	s13 =	ssub.s32 s6, s13  }
0xd: {  	s28 =	sshrl.u32 s9, $0x3;
	s8 =	sadd.s32 s14, s9;
	s30 =	smul.u32 $0x1900, s7  }
0xe: {  	s5 =	sadd.s32 s5, s28;
	s31 =	sshll.u32 s8, $0x4;
	s13 =	smax.u32 s13, $0x1  }
0xf: {  	s10 =	sadd.s32 s11, s10;
	s7 =	sadd.s32 s31, s2;
	s11 =	sadd.s32 s14, s30  }
0x10: {  	s29 =	sshrl.u32 s10, $0x3;
	s9 =	sadd.s32 $0x2000, s10;
	s14 =	sshll.u32 s11, $0x1  }
0x11: {  	s10 =	sadd.s32 $0x3000, s10;
	s6 =	sadd.s32 s4, s29;
	s12 =	sadd.s32 s12, s14  }
0x12: {  	v0 =	vimm.f32 $0.0e+00;
	v1 =	vimm.f32 $1.000000000e+00;
	s14 =	simm.s32 $0x1E200;
	s8 =	sadd.s32 $0x200, s6;
	s11 =	sadd.s32 $0x6000, s6  }
.LBB2_1:
0x13: {  	[tilespmem:s14], [sflag:$0x3] =	stream.linear.gather [hbm4b:s5+s3], $0x1900, $0x38;
	[tilespmem:$0x1FB00] =	vst v63  }
0x14: {  	_ =	swait.ge [sflag:s15], $0x1900  }
0x15: {  	[sflag:s15] =	ssyncset.done $0x0  }
0x16: {  	s23 =	simm.s32 $0x40;
	s24 =	simm.s32 $0x0;
	[sflag:s15] =	ssyncadd.s32 $0xFFFFE700  }
.LBB2_2:
0x17: {  	p0 =	sne.s32 s23, $0x63FC0;
	[tilespmem:s24+$0x3200] =	vst v0;
	s24 =	smov.u32 s23;
	s23 =	sadd.s32 $0x40, s23  }
.Ltmp0:
0x18: {  	(pc) =	sbr.rel @p0 .LBB2_2-.Ltmp0, $2  }
0x19: {  	_ =	sdelay $0x2  }
0x1a: {  	s24 =	sshra.s32 s24, $0x2  }
0x1b: {  	[tilespmem:s24+$0x3200] =	vst v0  }
0x1c: {  	[spmem:s7] =	stream.linear.scatter [tilespmem:s16], [sflag:$0x3], $0x3200, $0x38;
	[tilespmem:$0x1FB00] =	vst v63  }
0x1d: {  	_ =	swait.ge [sflag:s15], $0x3200  }
0x1e: {  	[sflag:s15] =	ssyncset.done $0x0  }
0x1f: {  	[sflag:s15] =	ssyncadd.s32 $0xFFFFCE00  }
0x20: {  	s23 =	simm.s32 $0x0;
	[bflag:$0x0] =	sbarrier.arrive $0xFFFF  }
0x21: {  	[tilespmem:s17], [sflag:$0x1] =	stream.linear.gather [hbm4b:s6+s23], $0x1000, $0x38;
	[tilespmem:$0x1FB00] =	vst v63  }
0x22: {  	_ = 	snop  }
0x23: {  	[tilespmem:s18], [sflag:$0x2] =	stream.linear.gather [hbm4b:s8+s23], $0x1000, $0x38;
	[tilespmem:$0x1FB00] =	vst v63  }
.LBB2_4:
0x24: {  	_ =	swait.ge [sflag:s19], $0x1000  }
0x25: {  	[sflag:s19] =	ssyncset.done $0x0  }
0x26: {  	s25 =	simm.s32 $0x0;
	s24 =	simm.s32 $0x40;
	[sflag:s19] =	ssyncadd.s32 $0xFFFFF000  }
.LBB2_5:
0x27: {  	p0 =	sne.s32 s24, $0x3FC0;
	v2 =	vld [tilespmem:s25+$0x1C200];
	_ =	sdelay $0x3  }
.Ltmp1:
0x28: {  	(pc) =	sbr.rel @p0 .LBB2_5-.Ltmp1, $2  }
0x29: {  	_ =	sdelay $0x2  }
0x2a: {  	s25 =	sshra.s32 s24, $0x2;
	s24 =	sadd.s32 $0x40, s24;
	[tilespmem:v2+s16+$0x0] =	vst.idx.add.f32.msk $0xffff, v1  }
0x2b: {  	v2 =	vld [tilespmem:s25+$0x1C200];
	_ =	sdelay $0x4  }
0x2c: {  	s24 =	sshll.u32 s23, $0xD;
	p0 =	seq.s32 s23, $0x17  }
0x2d: {  	s25 =	sadd.s32 @!p0 s24, s9  }
0x2e: {  	s25 =	sshrl.u32 @!p0 s25, $0x3  }
0x2f: {  	s26 =	simm.s32 @!p0 $0x0;
	s28 =	simm.s32 @!p0 $0x1C200;
	s25 =	sadd.s32 @!p0 s4, s25;
	[tilespmem:v2+s16+$0x0] =	vst.idx.add.f32.msk $0xffff, v1  }
0x30: {  	[tilespmem:s28], [sflag:$0x1] =	stream.linear.gather @!p0 [hbm4b:s25+s26], $0x1000, $0x38;
	[tilespmem:$0x1FB00] =	vst v63  }
0x31: {  	_ =	swait.ge [sflag:s20], $0x1000  }
0x32: {  	[sflag:s20] =	ssyncset.done $0x0  }
0x33: {  	s26 =	simm.s32 $0x0;
	s25 =	simm.s32 $0x40;
	[sflag:s20] =	ssyncadd.s32 $0xFFFFF000  }
.LBB2_7:
0x34: {  	p1 =	sne.s32 s25, $0x3FC0;
	v2 =	vld [tilespmem:s26+$0x1D200];
	_ =	sdelay $0x3  }
.Ltmp2:
0x35: {  	(pc) =	sbr.rel @p1 .LBB2_7-.Ltmp2, $2  }
0x36: {  	_ =	sdelay $0x2  }
0x37: {  	s26 =	sshra.s32 s25, $0x2;
	s25 =	sadd.s32 $0x40, s25;
	[tilespmem:v2+s16+$0x0] =	vst.idx.add.f32.msk $0xffff, v1  }
0x38: {  	v2 =	vld [tilespmem:s26+$0x1D200];
	_ =	sdelay $0x3  }
.Ltmp3:
0x39: {  	_ = 	snop;
	(pc) =	sbr.rel @p0 .LBB2_10-.Ltmp3, $2  }
0x3a: {  	_ =	sdelay $0x2  }
0x3b: {  	[tilespmem:v2+s16+$0x0] =	vst.idx.add.f32.msk $0xffff, v1  }
.Ltmp4:
0x3c: {  	(pc) =	sbr.rel .LBB2_4-.Ltmp4, $4  }
0x3d: {  	s24 =	sadd.s32 s24, s10  }
0x3e: {  	s24 =	sshrl.u32 s24, $0x3  }
0x3f: {  	s23 =	sadd.s32 $0x1, s23;
	s24 =	sadd.s32 s4, s24  }
0x40: {  	[tilespmem:s18], [sflag:$0x2] =	stream.linear.gather [hbm4b:s24+s3], $0x1000, $0x38;
	[tilespmem:$0x1FB00] =	vst v63  }
.LBB2_10:
0x41: {  	s23 =	simm.s32 $0x0  }
0x42: {  	[tilespmem:s17], [sflag:$0x1] =	stream.linear.gather [hbm4b:s11+s23], $0xD40, $0x38;
	[tilespmem:$0x1FB00] =	vst v63  }
0x43: {  	_ =	swait.ge [sflag:s19], $0xD40  }
0x44: {  	[sflag:s19] =	ssyncset.done $0x0  }
0x45: {  	s24 =	simm.s32 $0x0;
	s23 =	simm.s32 $0x40;
	[sflag:s19] =	ssyncadd.s32 $0xFFFFF2C0  }
.LBB2_11:
0x46: {  	p0 =	sne.s32 s23, $0x34C0;
	v2 =	vld [tilespmem:s24+$0x1C200];
	_ =	sdelay $0x3  }
.Ltmp5:
0x47: {  	(pc) =	sbr.rel @p0 .LBB2_11-.Ltmp5, $2  }
0x48: {  	_ =	sdelay $0x2  }
0x49: {  	s24 =	sshra.s32 s23, $0x2;
	s23 =	sadd.s32 $0x40, s23;
	[tilespmem:v2+s16+$0x0] =	vst.idx.add.f32.msk $0xffff, v1  }
0x4a: {  	v2 =	vld [tilespmem:s24+$0x1C200];
	_ =	sdelay $0x7  }
0x4b: {  	[tilespmem:v2+s16+$0x0] =	vst.idx.add.f32.msk $0xffff, v1  }
0x4c: {  	[spmem:s2] =	stream.indirect.scatter.add.f32 [tilespmem:s16], [sflag:$0x3], $0x10, s14, s21, $0xb8;
	[tilespmem:$0x1FB00] =	vst v63  }
0x4d: {  	_ =	swait.ge [sflag:s15], $0x19000  }
0x4e: {  	s23 =	sshll.u32 s1, $0x6;
	s22 =	sadd.s32 $0x1, s22;
	[sflag:s15] =	ssyncset.done $0x0  }
0x4f: {  	s31 =	sshrl.u32 s7, $0x3;
	p0 =	sne.s32 s22, s13;
	[sflag:s15] =	ssyncadd.s32 $0xFFFE7000  }
.Ltmp6:
0x50: {  	s23 =	sor.u32 $0x1C03, s23;
	[bflag:$0x0] =	sbarrier.arrive $0xFFFF;
	(pc) =	sbr.rel @p0 .LBB2_1-.Ltmp6, $4  }
0x51: {  	[hbm:s12], [sflag:s23] =	dma.local [spmem:s31], $0x640  }
0x52: {  	_ =	swait.ge [sflag:s15], $0x640  }
0x53: {  	[sflag:s15] =	ssyncset.done $0x0  }
0x54: {  	[sflag:s15] =	ssyncadd.s32 $0xFFFFF9C0  }
0x55: {  	_ =	sfence.sel $0x180000  }
0x56: {  	[bflag:$0x0] =	sbarrier.arrive $0xFFFF  }
0x57: {  	p0 =	sne.s32 s1, $0x0;
	_ =	strace $0x90000047  }
0x58: {  	s0 =	sadd.s32 @!p0 $0x100000, s0;
	[bflag:$0x2] =	sbarrier.arrive $0xFFFF  }
0x59: {  	[sflag:s0] =	ssyncadd.tile.s32 @!p0 $0x1;
	_ =	shalt  }
.Lfunc_end2:
_tile_overlayer_lowered:
.L_overlay_start_2:
0x5a: {  	(tag) =	ssettag $0x2  }
0x5b: {  	s0 =	rddreg [dreg:$0x0];
	s2 =	stileid.u32  }
0x5c: {  	s1 =	rddreg [dreg:$0x1];
	p0 =	sne.s32 s2, $0x0  }
0x5d: {  	s3 =	rddreg [dreg:$0x2];
	[bflag:$0x3] =	sbarrier.arrive $0xFFFF;
	s2 =	simm.s32 @!p0 $0x1C03  }
0x5e: {  	[timem:s3], [sflag:s2] =	dma.local @!p0 [hbm:s0], s1  }
0x5f: {  	s0 =	simm.s32 @!p0 $0x3  }
0x60: {  	_ =	swait.ge @!p0 [sflag:s0], s1  }
0x61: {  	s1 =	ssub.s32 @!p0 $0x0, s1;
	[sflag:s0] =	ssyncset.done @!p0 $0x0  }
0x62: {  	[sflag:s0] =	ssyncadd.s32 @!p0 s1  }
0x63: {  	[bflag:$0x3] =	sbarrier.arrive $0xFFFF  }
0x64: {  	_ =	shalt  }

</sc_bundles>
